<compile_context>
chip_gen: v7x
topology: tpu7x:2x2x1
jax: 0.10.2.dev20260603
libtpu: 0.0.44.dev20260713+nightly
codegen_flags: <defaults>
</compile_context>

<pallas_src>
import functools

import jax
import jax.numpy as jnp
from jax import lax
from jax.experimental import pallas as pl
from jax.experimental.pallas import tpu as pltpu
from jax.experimental.pallas import tpu_sc as plsc

_B = 16384
_D = 64
_L = 16

_info = plsc.get_sparse_core_info()
_NC, _NS = _info.num_cores, _info.num_subcores
_NW = _NC * _NS
_BPW = _B // _NW
_GROUPS = _BPW // _L


def _fetch_group(ent, rel, hidx, ridx, tidx, hblk, rblk, tblk, sem, g, par):
    hvec = hidx[pl.ds(g * _L, _L)] >> 3
    rvec = ridx[pl.ds(g * _L, _L)] >> 3
    tvec = tidx[pl.ds(g * _L, _L)] >> 3
    for j in range(_L):
        pltpu.async_copy(ent.at[hvec[j]], hblk.at[par, j], sem)
        pltpu.async_copy(rel.at[rvec[j]], rblk.at[par, j], sem)
        pltpu.async_copy(ent.at[tvec[j]], tblk.at[par, j], sem)


def _drain_group(ent, hblk, rblk, tblk, sem, par):
    for buf in (hblk, rblk, tblk):
        pltpu.make_async_copy(ent.at[pl.ds(0, _L)], buf.at[par], sem).wait()


def _sc_body(heads_hbm, rels_hbm, tails_hbm, ent, rel, out_hbm,
             hidx, ridx, tidx, hblk, rblk, tblk, outv, sem):
    wid = lax.axis_index("s") * _NC + lax.axis_index("c")
    base = wid * _BPW

    pltpu.sync_copy(heads_hbm.at[pl.ds(base, _BPW)], hidx)
    pltpu.sync_copy(rels_hbm.at[pl.ds(base, _BPW)], ridx)
    pltpu.sync_copy(tails_hbm.at[pl.ds(base, _BPW)], tidx)

    _fetch_group(ent, rel, hidx, ridx, tidx, hblk, rblk, tblk, sem, 0, 0)

    lane = lax.iota(jnp.int32, _L)
    perms = [lane ^ d for d in (1, 2, 4, 8)]
    masks = [(lane & d) != 0 for d in (1, 2, 4, 8)]

    dnums = lax.GatherDimensionNumbers(
        offset_dims=(), collapsed_slice_dims=(0,), start_index_map=(0,))

    def vperm(x, idx):
        return lax.gather(x, idx[:, None], dnums, (1,),
                          mode=lax.GatherScatterMode.PROMISE_IN_BOUNDS)

    def merge(a, b, lvl):
        pa = vperm(a, perms[lvl])
        pb = vperm(b, perms[lvl])
        return jnp.where(masks[lvl], b + pb, a + pa)

    def group_body(g, carry):
        par = lax.rem(g, 2)

        @pl.when(g + 1 < _GROUPS)
        def _():
            _fetch_group(ent, rel, hidx, ridx, tidx, hblk, rblk, tblk,
                         sem, g + 1, 1 - par)

        _drain_group(ent, hblk, rblk, tblk, sem, par)

        hsub = hidx[pl.ds(g * _L, _L)] & 7
        rsub = ridx[pl.ds(g * _L, _L)] & 7
        tsub = tidx[pl.ds(g * _L, _L)] & 7

        ps = []
        for j in range(_L):
            hr = hsub[j]
            rr = rsub[j]
            tr = tsub[j]
            acc = None
            for c in range(_D // _L):
                sl = pl.ds(c * _L, _L)
                df = (hblk[par, j, hr, sl] + rblk[par, j, rr, sl]
                      - tblk[par, j, tr, sl])
                sq = df * df
                acc = sq if acc is None else acc + sq
            ps.append(acc)
        for lvl in range(4):
            ps = [merge(ps[2 * j], ps[2 * j + 1], lvl)
                  for j in range(len(ps) // 2)]
        acc = ps[0]

        a = jnp.maximum(acc, jnp.float32(1e-30))
        i = lax.bitcast_convert_type(a, jnp.int32)
        i = jnp.int32(0x5F3759DF) - lax.shift_right_logical(
            i, jnp.ones((_L,), jnp.int32))
        y = lax.bitcast_convert_type(i, jnp.float32)
        half_a = jnp.float32(0.5) * a
        for _ in range(3):
            y = y * (jnp.float32(1.5) - half_a * y * y)
        outv[pl.ds(g * _L, _L)] = a * y
        return carry

    lax.fori_loop(0, _GROUPS, group_body, jnp.int32(0))
    pltpu.sync_copy(outv, out_hbm.at[pl.ds(base, _BPW)])


@functools.partial(
    pl.kernel,
    mesh=plsc.VectorSubcoreMesh(core_axis_name="c", subcore_axis_name="s"),
    out_type=jax.ShapeDtypeStruct((_B,), jnp.float32),
    compiler_params=pltpu.CompilerParams(use_tc_tiling_on_sc=True),
    scratch_types=[
        pltpu.VMEM((_BPW,), jnp.int32),
        pltpu.VMEM((_BPW,), jnp.int32),
        pltpu.VMEM((_BPW,), jnp.int32),
        pltpu.VMEM((2, _L, 8, _D), jnp.float32),
        pltpu.VMEM((2, _L, 8, _D), jnp.float32),
        pltpu.VMEM((2, _L, 8, _D), jnp.float32),
        pltpu.VMEM((_BPW,), jnp.float32),
        pltpu.SemaphoreType.DMA,
    ],
)
def _transe_sc(heads_hbm, rels_hbm, tails_hbm, ent, rel, out_hbm,
               hidx, ridx, tidx, hblk, rblk, tblk, outv, sem):
    _sc_body(heads_hbm, rels_hbm, tails_hbm, ent, rel, out_hbm,
             hidx, ridx, tidx, hblk, rblk, tblk, outv, sem)


def kernel(heads, relations, tails, entity_emb, relation_emb):
    h32 = heads.astype(jnp.int32)
    r32 = relations.astype(jnp.int32)
    t32 = tails.astype(jnp.int32)
    ent3 = entity_emb.reshape(125000, 8, _D)
    rel3 = relation_emb.reshape(125, 8, _D)
    return _transe_sc(h32, r32, t32, ent3, rel3)

# --- scband reference (transcript-rebuilt; emitter-appended) ---
"""Pipeline reference for scband-trans-e-25254407700897 (READ-ONLY COPY).

The authoritative reference and input builder live on the scoring server;
editing this copy changes nothing except your own understanding.
"""

import jax, jax.numpy as jnp
import numpy as np

NUM_ENTITIES = 1000000
NUM_RELATIONS = 1000
EMBED_DIM = 64
BATCH = 16384

def setup_inputs(seed: int = 0) -> dict:
    key = jax.random.key(seed)
    k1, k2, k3, k4, k5 = jax.random.split(key, 5)
    # Xavier uniform for entity embeddings, then L2-normalize rows (as in __init__)
    limit_e = float(np.sqrt(6.0 / (NUM_ENTITIES + EMBED_DIM)))
    entity_emb = jax.random.uniform(k1, (NUM_ENTITIES, EMBED_DIM), dtype=jnp.float32, minval=-limit_e, maxval=limit_e)
    entity_emb = entity_emb / jnp.linalg.norm(entity_emb, axis=1, keepdims=True)
    limit_r = float(np.sqrt(6.0 / (NUM_RELATIONS + EMBED_DIM)))
    relation_emb = jax.random.uniform(k2, (NUM_RELATIONS, EMBED_DIM), dtype=jnp.float32, minval=-limit_r, maxval=limit_r)
    heads = jax.random.randint(k3, (BATCH,), 0, NUM_ENTITIES, dtype=jnp.int32).astype(jnp.int64)
    relations = jax.random.randint(k4, (BATCH,), 0, NUM_RELATIONS, dtype=jnp.int32).astype(jnp.int64)
    tails = jax.random.randint(k5, (BATCH,), 0, NUM_ENTITIES, dtype=jnp.int32).astype(jnp.int64)
    return {"heads": heads, "relations": relations, "tails": tails,
            "entity_emb": entity_emb, "relation_emb": relation_emb}

def reference(heads, relations, tails, entity_emb, relation_emb):
    h = jnp.take(entity_emb, heads, axis=0)
    r = jnp.take(relation_emb, relations, axis=0)
    t = jnp.take(entity_emb, tails, axis=0)
    score = jnp.linalg.norm(h + r - t, ord=2, axis=1)
    return score

if __name__ == "__main__":
    import jax
    _d = setup_inputs()
    print(jax.jit(kernel)(*tuple(_d.values())))

</pallas_src>

<mosaic_0001>
#map = affine_map<(d0, d1) -> (0)>
#map1 = affine_map<(d0, d1) -> (0, 0, 0)>
module attributes {stable_mosaic.version = 14 : i64} {
  func.func @_transe_sc(%arg0: i32, %arg1: i32, %arg2: memref<16384xi32, #tpu.memory_space<hbm>>, %arg3: memref<16384xi32, #tpu.memory_space<hbm>>, %arg4: memref<16384xi32, #tpu.memory_space<hbm>>, %arg5: memref<125000x8x64xf32, #tpu.memory_space<hbm>>, %arg6: memref<125x8x64xf32, #tpu.memory_space<hbm>>, %arg7: memref<16384xf32, #tpu.memory_space<hbm>>, %arg8: memref<512xi32, #tpu.memory_space<vmem>>, %arg9: memref<512xi32, #tpu.memory_space<vmem>>, %arg10: memref<512xi32, #tpu.memory_space<vmem>>, %arg11: memref<2x16x8x64xf32, #tpu.memory_space<vmem>>, %arg12: memref<2x16x8x64xf32, #tpu.memory_space<vmem>>, %arg13: memref<2x16x8x64xf32, #tpu.memory_space<vmem>>, %arg14: memref<512xf32, #tpu.memory_space<vmem>>, %arg15: memref<!tpu.dma_semaphore, #tpu.memory_space<semaphore_mem>>) attributes {dimension_semantics = [#tpu.dimension_semantics<core_parallel>, #tpu.dimension_semantics<subcore_parallel>], iteration_bounds = array<i64: 2, 16>, scalar_prefetch = 0 : i64, scratch_operands = 8 : i64, tpu.core_type = #tpu.core_type<sc_vector_subcore>, window_params = [{transform_indices = #map}, {transform_indices = #map}, {transform_indices = #map}, {transform_indices = #map1}, {transform_indices = #map1}, {transform_indices = #map}]} {
    %mul3A = arith.constant 2 : i32
    %mul3A_0 = arith.muli %arg1, %mul3A : i32
    %add3A = arith.addi %mul3A_0, %arg0 : i32
    %mul3A_1 = arith.constant 512 : i32
    %mul3A_2 = arith.muli %add3A, %mul3A_1 : i32
    "tpu.region"() ({
      %run_scoped3A = tpu.sem_alloc : memref<!tpu.dma_semaphore, #tpu.memory_space<semaphore_mem>>
      %dma_start3A_1014 = tpu.memref_slice %arg2[%mul3A_2] : memref<16384xi32, #tpu.memory_space<hbm>> -> memref<512xi32, #tpu.memory_space<hbm>>
      %dma_start3A_1015 = tpu.memref_slice %arg2[%mul3A_2] : memref<16384xi32, #tpu.memory_space<hbm>> -> memref<512xi32, #tpu.memory_space<hbm>>
      tpu.enqueue_dma source(%dma_start3A_1015 : memref<512xi32, #tpu.memory_space<hbm>>) target(%arg8 : memref<512xi32, #tpu.memory_space<vmem>>) target_semaphore(%run_scoped3A : memref<!tpu.dma_semaphore, #tpu.memory_space<semaphore_mem>>)
      %dma_wait3A = tpu.memref_slice %arg2[%mul3A_2] : memref<16384xi32, #tpu.memory_space<hbm>> -> memref<512xi32, #tpu.memory_space<hbm>>
      %dma_wait3A_1016 = tpu.memref_slice %arg2[%mul3A_2] : memref<16384xi32, #tpu.memory_space<hbm>> -> memref<512xi32, #tpu.memory_space<hbm>>
      tpu.wait_dma2 semaphore(%run_scoped3A : memref<!tpu.dma_semaphore, #tpu.memory_space<semaphore_mem>>) src(%dma_wait3A_1016 : memref<512xi32, #tpu.memory_space<hbm>>) dst(%arg8 : memref<512xi32, #tpu.memory_space<vmem>>)
      tpu.yield
    }) : () -> ()
    "tpu.region"() ({
      %run_scoped3A = tpu.sem_alloc : memref<!tpu.dma_semaphore, #tpu.memory_space<semaphore_mem>>
      %dma_start3A_1014 = tpu.memref_slice %arg3[%mul3A_2] : memref<16384xi32, #tpu.memory_space<hbm>> -> memref<512xi32, #tpu.memory_space<hbm>>
      %dma_start3A_1015 = tpu.memref_slice %arg3[%mul3A_2] : memref<16384xi32, #tpu.memory_space<hbm>> -> memref<512xi32, #tpu.memory_space<hbm>>
      tpu.enqueue_dma source(%dma_start3A_1015 : memref<512xi32, #tpu.memory_space<hbm>>) target(%arg9 : memref<512xi32, #tpu.memory_space<vmem>>) target_semaphore(%run_scoped3A : memref<!tpu.dma_semaphore, #tpu.memory_space<semaphore_mem>>)
      %dma_wait3A = tpu.memref_slice %arg3[%mul3A_2] : memref<16384xi32, #tpu.memory_space<hbm>> -> memref<512xi32, #tpu.memory_space<hbm>>
      %dma_wait3A_1016 = tpu.memref_slice %arg3[%mul3A_2] : memref<16384xi32, #tpu.memory_space<hbm>> -> memref<512xi32, #tpu.memory_space<hbm>>
      tpu.wait_dma2 semaphore(%run_scoped3A : memref<!tpu.dma_semaphore, #tpu.memory_space<semaphore_mem>>) src(%dma_wait3A_1016 : memref<512xi32, #tpu.memory_space<hbm>>) dst(%arg9 : memref<512xi32, #tpu.memory_space<vmem>>)
      tpu.yield
    }) : () -> ()
    "tpu.region"() ({
      %run_scoped3A = tpu.sem_alloc : memref<!tpu.dma_semaphore, #tpu.memory_space<semaphore_mem>>
      %dma_start3A_1014 = tpu.memref_slice %arg4[%mul3A_2] : memref<16384xi32, #tpu.memory_space<hbm>> -> memref<512xi32, #tpu.memory_space<hbm>>
      %dma_start3A_1015 = tpu.memref_slice %arg4[%mul3A_2] : memref<16384xi32, #tpu.memory_space<hbm>> -> memref<512xi32, #tpu.memory_space<hbm>>
      tpu.enqueue_dma source(%dma_start3A_1015 : memref<512xi32, #tpu.memory_space<hbm>>) target(%arg10 : memref<512xi32, #tpu.memory_space<vmem>>) target_semaphore(%run_scoped3A : memref<!tpu.dma_semaphore, #tpu.memory_space<semaphore_mem>>)
      %dma_wait3A = tpu.memref_slice %arg4[%mul3A_2] : memref<16384xi32, #tpu.memory_space<hbm>> -> memref<512xi32, #tpu.memory_space<hbm>>
      %dma_wait3A_1016 = tpu.memref_slice %arg4[%mul3A_2] : memref<16384xi32, #tpu.memory_space<hbm>> -> memref<512xi32, #tpu.memory_space<hbm>>
      tpu.wait_dma2 semaphore(%run_scoped3A : memref<!tpu.dma_semaphore, #tpu.memory_space<semaphore_mem>>) src(%dma_wait3A_1016 : memref<512xi32, #tpu.memory_space<hbm>>) dst(%arg10 : memref<512xi32, #tpu.memory_space<vmem>>)
      tpu.yield
    }) : () -> ()
    %get3A = arith.constant 0 : index
    %get3A_3 = tpu.vector_load %arg8[%get3A] {strides = array<i32>} : memref<512xi32, #tpu.memory_space<vmem>>, vector<16xi32>,
    %get3A_4 = vector.shape_cast %get3A_3 : vector<16xi32> to vector<16xi32>
    %shift_right_arithmetic3A = arith.constant 3 : i32
    %shift_right_arithmetic3A_5 = vector.broadcast %shift_right_arithmetic3A : i32 to vector<16xi32>
    %shift_right_arithmetic3A_6 = arith.shrsi %get3A_4, %shift_right_arithmetic3A_5 : vector<16xi32>
    %get3A_7 = arith.constant 0 : index
    %get3A_8 = tpu.vector_load %arg9[%get3A_7] {strides = array<i32>} : memref<512xi32, #tpu.memory_space<vmem>>, vector<16xi32>,
    %get3A_9 = vector.shape_cast %get3A_8 : vector<16xi32> to vector<16xi32>
    %shift_right_arithmetic3A_10 = arith.constant 3 : i32
    %shift_right_arithmetic3A_11 = vector.broadcast %shift_right_arithmetic3A_10 : i32 to vector<16xi32>
    %shift_right_arithmetic3A_12 = arith.shrsi %get3A_9, %shift_right_arithmetic3A_11 : vector<16xi32>
    %get3A_13 = arith.constant 0 : index
    %get3A_14 = tpu.vector_load %arg10[%get3A_13] {strides = array<i32>} : memref<512xi32, #tpu.memory_space<vmem>>, vector<16xi32>,
    %get3A_15 = vector.shape_cast %get3A_14 : vector<16xi32> to vector<16xi32>
    %shift_right_arithmetic3A_16 = arith.constant 3 : i32
    %shift_right_arithmetic3A_17 = vector.broadcast %shift_right_arithmetic3A_16 : i32 to vector<16xi32>
    %shift_right_arithmetic3A_18 = arith.shrsi %get3A_15, %shift_right_arithmetic3A_17 : vector<16xi32>
    %slice3A = vector.extract_strided_slice %shift_right_arithmetic3A_6 {offsets = [0], sizes = [1], strides = [1]} : vector<16xi32> to vector<1xi32>
    %squeeze3A = vector.extract %slice3A[0] : i32 from vector<1xi32>
    %dma_start3A = arith.constant 0 : i32
    %dma_start3A_19 = arith.constant 0 : i32
    %dma_start3A_20 = arith.constant 0 : i32
    %dma_start3A_21 = arith.constant 0 : i32
    %dma_start3A_22 = tpu.memref_slice %arg11[%dma_start3A, %dma_start3A_19, %dma_start3A_20, %dma_start3A_21] : memref<2x16x8x64xf32, #tpu.memory_space<vmem>> -> memref<1x1x8x64xf32, #tpu.memory_space<vmem>>
    %dma_start3A_23 = tpu.memref_squeeze %dma_start3A_22 : memref<1x1x8x64xf32, #tpu.memory_space<vmem>> -> memref<8x64xf32, #tpu.memory_space<vmem>>
    %dma_start3A_24 = arith.constant 0 : i32
    %dma_start3A_25 = arith.constant 0 : i32
    %dma_start3A_26 = tpu.memref_slice %arg5[%squeeze3A, %dma_start3A_24, %dma_start3A_25] : memref<125000x8x64xf32, #tpu.memory_space<hbm>> -> memref<1x8x64xf32, #tpu.memory_space<hbm>>
    %dma_start3A_27 = tpu.memref_squeeze %dma_start3A_26 : memref<1x8x64xf32, #tpu.memory_space<hbm>> -> memref<8x64xf32, #tpu.memory_space<hbm>>
    %dma_start3A_28 = arith.constant 0 : i32
    %dma_start3A_29 = arith.constant 0 : i32
    %dma_start3A_30 = tpu.memref_slice %arg11[%dma_start3A, %dma_start3A_19, %dma_start3A_28, %dma_start3A_29] : memref<2x16x8x64xf32, #tpu.memory_space<vmem>> -> memref<1x1x8x64xf32, #tpu.memory_space<vmem>>
    %dma_start3A_31 = tpu.memref_squeeze %dma_start3A_30 : memref<1x1x8x64xf32, #tpu.memory_space<vmem>> -> memref<8x64xf32, #tpu.memory_space<vmem>>
    %dma_start3A_32 = arith.constant 0 : i32
    %dma_start3A_33 = arith.constant 0 : i32
    %dma_start3A_34 = tpu.memref_slice %arg5[%squeeze3A, %dma_start3A_32, %dma_start3A_33] : memref<125000x8x64xf32, #tpu.memory_space<hbm>> -> memref<1x8x64xf32, #tpu.memory_space<hbm>>
    %dma_start3A_35 = tpu.memref_squeeze %dma_start3A_34 : memref<1x8x64xf32, #tpu.memory_space<hbm>> -> memref<8x64xf32, #tpu.memory_space<hbm>>
    tpu.enqueue_dma source(%dma_start3A_35 : memref<8x64xf32, #tpu.memory_space<hbm>>) target(%dma_start3A_31 : memref<8x64xf32, #tpu.memory_space<vmem>>) target_semaphore(%arg15 : memref<!tpu.dma_semaphore, #tpu.memory_space<semaphore_mem>>)
    %slice3A_36 = vector.extract_strided_slice %shift_right_arithmetic3A_12 {offsets = [0], sizes = [1], strides = [1]} : vector<16xi32> to vector<1xi32>
    %squeeze3A_37 = vector.extract %slice3A_36[0] : i32 from vector<1xi32>
    %dma_start3A_38 = arith.constant 0 : i32
    %dma_start3A_39 = arith.constant 0 : i32
    %dma_start3A_40 = arith.constant 0 : i32
    %dma_start3A_41 = arith.constant 0 : i32
    %dma_start3A_42 = tpu.memref_slice %arg12[%dma_start3A_38, %dma_start3A_39, %dma_start3A_40, %dma_start3A_41] : memref<2x16x8x64xf32, #tpu.memory_space<vmem>> -> memref<1x1x8x64xf32, #tpu.memory_space<vmem>>
    %dma_start3A_43 = tpu.memref_squeeze %dma_start3A_42 : memref<1x1x8x64xf32, #tpu.memory_space<vmem>> -> memref<8x64xf32, #tpu.memory_space<vmem>>
    %dma_start3A_44 = arith.constant 0 : i32
    %dma_start3A_45 = arith.constant 0 : i32
    %dma_start3A_46 = tpu.memref_slice %arg6[%squeeze3A_37, %dma_start3A_44, %dma_start3A_45] : memref<125x8x64xf32, #tpu.memory_space<hbm>> -> memref<1x8x64xf32, #tpu.memory_space<hbm>>
    %dma_start3A_47 = tpu.memref_squeeze %dma_start3A_46 : memref<1x8x64xf32, #tpu.memory_space<hbm>> -> memref<8x64xf32, #tpu.memory_space<hbm>>
    %dma_start3A_48 = arith.constant 0 : i32
    %dma_start3A_49 = arith.constant 0 : i32
    %dma_start3A_50 = tpu.memref_slice %arg12[%dma_start3A_38, %dma_start3A_39, %dma_start3A_48, %dma_start3A_49] : memref<2x16x8x64xf32, #tpu.memory_space<vmem>> -> memref<1x1x8x64xf32, #tpu.memory_space<vmem>>
    %dma_start3A_51 = tpu.memref_squeeze %dma_start3A_50 : memref<1x1x8x64xf32, #tpu.memory_space<vmem>> -> memref<8x64xf32, #tpu.memory_space<vmem>>
    %dma_start3A_52 = arith.constant 0 : i32
    %dma_start3A_53 = arith.constant 0 : i32
    %dma_start3A_54 = tpu.memref_slice %arg6[%squeeze3A_37, %dma_start3A_52, %dma_start3A_53] : memref<125x8x64xf32, #tpu.memory_space<hbm>> -> memref<1x8x64xf32, #tpu.memory_space<hbm>>
    %dma_start3A_55 = tpu.memref_squeeze %dma_start3A_54 : memref<1x8x64xf32, #tpu.memory_space<hbm>> -> memref<8x64xf32, #tpu.memory_space<hbm>>
    tpu.enqueue_dma source(%dma_start3A_55 : memref<8x64xf32, #tpu.memory_space<hbm>>) target(%dma_start3A_51 : memref<8x64xf32, #tpu.memory_space<vmem>>) target_semaphore(%arg15 : memref<!tpu.dma_semaphore, #tpu.memory_space<semaphore_mem>>)
    %slice3A_56 = vector.extract_strided_slice %shift_right_arithmetic3A_18 {offsets = [0], sizes = [1], strides = [1]} : vector<16xi32> to vector<1xi32>
    %squeeze3A_57 = vector.extract %slice3A_56[0] : i32 from vector<1xi32>
    %dma_start3A_58 = arith.constant 0 : i32
    %dma_start3A_59 = arith.constant 0 : i32
    %dma_start3A_60 = arith.constant 0 : i32
    %dma_start3A_61 = arith.constant 0 : i32
    %dma_start3A_62 = tpu.memref_slice %arg13[%dma_start3A_58, %dma_start3A_59, %dma_start3A_60, %dma_start3A_61] : memref<2x16x8x64xf32, #tpu.memory_space<vmem>> -> memref<1x1x8x64xf32, #tpu.memory_space<vmem>>
    %dma_start3A_63 = tpu.memref_squeeze %dma_start3A_62 : memref<1x1x8x64xf32, #tpu.memory_space<vmem>> -> memref<8x64xf32, #tpu.memory_space<vmem>>
    %dma_start3A_64 = arith.constant 0 : i32
    %dma_start3A_65 = arith.constant 0 : i32
    %dma_start3A_66 = tpu.memref_slice %arg5[%squeeze3A_57, %dma_start3A_64, %dma_start3A_65] : memref<125000x8x64xf32, #tpu.memory_space<hbm>> -> memref<1x8x64xf32, #tpu.memory_space<hbm>>
    %dma_start3A_67 = tpu.memref_squeeze %dma_start3A_66 : memref<1x8x64xf32, #tpu.memory_space<hbm>> -> memref<8x64xf32, #tpu.memory_space<hbm>>
    %dma_start3A_68 = arith.constant 0 : i32
    %dma_start3A_69 = arith.constant 0 : i32
    %dma_start3A_70 = tpu.memref_slice %arg13[%dma_start3A_58, %dma_start3A_59, %dma_start3A_68, %dma_start3A_69] : memref<2x16x8x64xf32, #tpu.memory_space<vmem>> -> memref<1x1x8x64xf32, #tpu.memory_space<vmem>>
    %dma_start3A_71 = tpu.memref_squeeze %dma_start3A_70 : memref<1x1x8x64xf32, #tpu.memory_space<vmem>> -> memref<8x64xf32, #tpu.memory_space<vmem>>
    %dma_start3A_72 = arith.constant 0 : i32
    %dma_start3A_73 = arith.constant 0 : i32
    %dma_start3A_74 = tpu.memref_slice %arg5[%squeeze3A_57, %dma_start3A_72, %dma_start3A_73] : memref<125000x8x64xf32, #tpu.memory_space<hbm>> -> memref<1x8x64xf32, #tpu.memory_space<hbm>>
    %dma_start3A_75 = tpu.memref_squeeze %dma_start3A_74 : memref<1x8x64xf32, #tpu.memory_space<hbm>> -> memref<8x64xf32, #tpu.memory_space<hbm>>
    tpu.enqueue_dma source(%dma_start3A_75 : memref<8x64xf32, #tpu.memory_space<hbm>>) target(%dma_start3A_71 : memref<8x64xf32, #tpu.memory_space<vmem>>) target_semaphore(%arg15 : memref<!tpu.dma_semaphore, #tpu.memory_space<semaphore_mem>>)
    %slice3A_76 = vector.extract_strided_slice %shift_right_arithmetic3A_6 {offsets = [1], sizes = [1], strides = [1]} : vector<16xi32> to vector<1xi32>
    %squeeze3A_77 = vector.extract %slice3A_76[0] : i32 from vector<1xi32>
    %dma_start3A_78 = arith.constant 0 : i32
    %dma_start3A_79 = arith.constant 1 : i32
    %dma_start3A_80 = arith.constant 0 : i32
    %dma_start3A_81 = arith.constant 0 : i32
    %dma_start3A_82 = tpu.memref_slice %arg11[%dma_start3A_78, %dma_start3A_79, %dma_start3A_80, %dma_start3A_81] : memref<2x16x8x64xf32, #tpu.memory_space<vmem>> -> memref<1x1x8x64xf32, #tpu.memory_space<vmem>>
    %dma_start3A_83 = tpu.memref_squeeze %dma_start3A_82 : memref<1x1x8x64xf32, #tpu.memory_space<vmem>> -> memref<8x64xf32, #tpu.memory_space<vmem>>
    %dma_start3A_84 = arith.constant 0 : i32
    %dma_start3A_85 = arith.constant 0 : i32
    %dma_start3A_86 = tpu.memref_slice %arg5[%squeeze3A_77, %dma_start3A_84, %dma_start3A_85] : memref<125000x8x64xf32, #tpu.memory_space<hbm>> -> memref<1x8x64xf32, #tpu.memory_space<hbm>>
    %dma_start3A_87 = tpu.memref_squeeze %dma_start3A_86 : memref<1x8x64xf32, #tpu.memory_space<hbm>> -> memref<8x64xf32, #tpu.memory_space<hbm>>
    %dma_start3A_88 = arith.constant 0 : i32
    %dma_start3A_89 = arith.constant 0 : i32
    %dma_start3A_90 = tpu.memref_slice %arg11[%dma_start3A_78, %dma_start3A_79, %dma_start3A_88, %dma_start3A_89] : memref<2x16x8x64xf32, #tpu.memory_space<vmem>> -> memref<1x1x8x64xf32, #tpu.memory_space<vmem>>
    %dma_start3A_91 = tpu.memref_squeeze %dma_start3A_90 : memref<1x1x8x64xf32, #tpu.memory_space<vmem>> -> memref<8x64xf32, #tpu.memory_space<vmem>>
    %dma_start3A_92 = arith.constant 0 : i32
    %dma_start3A_93 = arith.constant 0 : i32
    %dma_start3A_94 = tpu.memref_slice %arg5[%squeeze3A_77, %dma_start3A_92, %dma_start3A_93] : memref<125000x8x64xf32, #tpu.memory_space<hbm>> -> memref<1x8x64xf32, #tpu.memory_space<hbm>>
    %dma_start3A_95 = tpu.memref_squeeze %dma_start3A_94 : memref<1x8x64xf32, #tpu.memory_space<hbm>> -> memref<8x64xf32, #tpu.memory_space<hbm>>
    tpu.enqueue_dma source(%dma_start3A_95 : memref<8x64xf32, #tpu.memory_space<hbm>>) target(%dma_start3A_91 : memref<8x64xf32, #tpu.memory_space<vmem>>) target_semaphore(%arg15 : memref<!tpu.dma_semaphore, #tpu.memory_space<semaphore_mem>>)
    %slice3A_96 = vector.extract_strided_slice %shift_right_arithmetic3A_12 {offsets = [1], sizes = [1], strides = [1]} : vector<16xi32> to vector<1xi32>
    %squeeze3A_97 = vector.extract %slice3A_96[0] : i32 from vector<1xi32>
    %dma_start3A_98 = arith.constant 0 : i32
    %dma_start3A_99 = arith.constant 1 : i32
    %dma_start3A_100 = arith.constant 0 : i32
    %dma_start3A_101 = arith.constant 0 : i32
    %dma_start3A_102 = tpu.memref_slice %arg12[%dma_start3A_98, %dma_start3A_99, %dma_start3A_100, %dma_start3A_101] : memref<2x16x8x64xf32, #tpu.memory_space<vmem>> -> memref<1x1x8x64xf32, #tpu.memory_space<vmem>>
    %dma_start3A_103 = tpu.memref_squeeze %dma_start3A_102 : memref<1x1x8x64xf32, #tpu.memory_space<vmem>> -> memref<8x64xf32, #tpu.memory_space<vmem>>
    %dma_start3A_104 = arith.constant 0 : i32
    %dma_start3A_105 = arith.constant 0 : i32
    %dma_start3A_106 = tpu.memref_slice %arg6[%squeeze3A_97, %dma_start3A_104, %dma_start3A_105] : memref<125x8x64xf32, #tpu.memory_space<hbm>> -> memref<1x8x64xf32, #tpu.memory_space<hbm>>
    %dma_start3A_107 = tpu.memref_squeeze %dma_start3A_106 : memref<1x8x64xf32, #tpu.memory_space<hbm>> -> memref<8x64xf32, #tpu.memory_space<hbm>>
    %dma_start3A_108 = arith.constant 0 : i32
    %dma_start3A_109 = arith.constant 0 : i32
    %dma_start3A_110 = tpu.memref_slice %arg12[%dma_start3A_98, %dma_start3A_99, %dma_start3A_108, %dma_start3A_109] : memref<2x16x8x64xf32, #tpu.memory_space<vmem>> -> memref<1x1x8x64xf32, #tpu.memory_space<vmem>>
    %dma_start3A_111 = tpu.memref_squeeze %dma_start3A_110 : memref<1x1x8x64xf32, #tpu.memory_space<vmem>> -> memref<8x64xf32, #tpu.memory_space<vmem>>
    %dma_start3A_112 = arith.constant 0 : i32
    %dma_start3A_113 = arith.constant 0 : i32
    %dma_start3A_114 = tpu.memref_slice %arg6[%squeeze3A_97, %dma_start3A_112, %dma_start3A_113] : memref<125x8x64xf32, #tpu.memory_space<hbm>> -> memref<1x8x64xf32, #tpu.memory_space<hbm>>
    %dma_start3A_115 = tpu.memref_squeeze %dma_start3A_114 : memref<1x8x64xf32, #tpu.memory_space<hbm>> -> memref<8x64xf32, #tpu.memory_space<hbm>>
    tpu.enqueue_dma source(%dma_start3A_115 : memref<8x64xf32, #tpu.memory_space<hbm>>) target(%dma_start3A_111 : memref<8x64xf32, #tpu.memory_space<vmem>>) target_semaphore(%arg15 : memref<!tpu.dma_semaphore, #tpu.memory_space<semaphore_mem>>)
    %slice3A_116 = vector.extract_strided_slice %shift_right_arithmetic3A_18 {offsets = [1], sizes = [1], strides = [1]} : vector<16xi32> to vector<1xi32>
    %squeeze3A_117 = vector.extract %slice3A_116[0] : i32 from vector<1xi32>
    %dma_start3A_118 = arith.constant 0 : i32
    %dma_start3A_119 = arith.constant 1 : i32
    %dma_start3A_120 = arith.constant 0 : i32
    %dma_start3A_121 = arith.constant 0 : i32
    %dma_start3A_122 = tpu.memref_slice %arg13[%dma_start3A_118, %dma_start3A_119, %dma_start3A_120, %dma_start3A_121] : memref<2x16x8x64xf32, #tpu.memory_space<vmem>> -> memref<1x1x8x64xf32, #tpu.memory_space<vmem>>
    %dma_start3A_123 = tpu.memref_squeeze %dma_start3A_122 : memref<1x1x8x64xf32, #tpu.memory_space<vmem>> -> memref<8x64xf32, #tpu.memory_space<vmem>>
    %dma_start3A_124 = arith.constant 0 : i32
    %dma_start3A_125 = arith.constant 0 : i32
    %dma_start3A_126 = tpu.memref_slice %arg5[%squeeze3A_117, %dma_start3A_124, %dma_start3A_125] : memref<125000x8x64xf32, #tpu.memory_space<hbm>> -> memref<1x8x64xf32, #tpu.memory_space<hbm>>
    %dma_start3A_127 = tpu.memref_squeeze %dma_start3A_126 : memref<1x8x64xf32, #tpu.memory_space<hbm>> -> memref<8x64xf32, #tpu.memory_space<hbm>>
    %dma_start3A_128 = arith.constant 0 : i32
    %dma_start3A_129 = arith.constant 0 : i32
    %dma_start3A_130 = tpu.memref_slice %arg13[%dma_start3A_118, %dma_start3A_119, %dma_start3A_128, %dma_start3A_129] : memref<2x16x8x64xf32, #tpu.memory_space<vmem>> -> memref<1x1x8x64xf32, #tpu.memory_space<vmem>>
    %dma_start3A_131 = tpu.memref_squeeze %dma_start3A_130 : memref<1x1x8x64xf32, #tpu.memory_space<vmem>> -> memref<8x64xf32, #tpu.memory_space<vmem>>
    %dma_start3A_132 = arith.constant 0 : i32
    %dma_start3A_133 = arith.constant 0 : i32
    %dma_start3A_134 = tpu.memref_slice %arg5[%squeeze3A_117, %dma_start3A_132, %dma_start3A_133] : memref<125000x8x64xf32, #tpu.memory_space<hbm>> -> memref<1x8x64xf32, #tpu.memory_space<hbm>>
    %dma_start3A_135 = tpu.memref_squeeze %dma_start3A_134 : memref<1x8x64xf32, #tpu.memory_space<hbm>> -> memref<8x64xf32, #tpu.memory_space<hbm>>
    tpu.enqueue_dma source(%dma_start3A_135 : memref<8x64xf32, #tpu.memory_space<hbm>>) target(%dma_start3A_131 : memref<8x64xf32, #tpu.memory_space<vmem>>) target_semaphore(%arg15 : memref<!tpu.dma_semaphore, #tpu.memory_space<semaphore_mem>>)
    %slice3A_136 = vector.extract_strided_slice %shift_right_arithmetic3A_6 {offsets = [2], sizes = [1], strides = [1]} : vector<16xi32> to vector<1xi32>
    %squeeze3A_137 = vector.extract %slice3A_136[0] : i32 from vector<1xi32>
    %dma_start3A_138 = arith.constant 0 : i32
    %dma_start3A_139 = arith.constant 2 : i32
    %dma_start3A_140 = arith.constant 0 : i32
    %dma_start3A_141 = arith.constant 0 : i32
    %dma_start3A_142 = tpu.memref_slice %arg11[%dma_start3A_138, %dma_start3A_139, %dma_start3A_140, %dma_start3A_141] : memref<2x16x8x64xf32, #tpu.memory_space<vmem>> -> memref<1x1x8x64xf32, #tpu.memory_space<vmem>>
    %dma_start3A_143 = tpu.memref_squeeze %dma_start3A_142 : memref<1x1x8x64xf32, #tpu.memory_space<vmem>> -> memref<8x64xf32, #tpu.memory_space<vmem>>
    %dma_start3A_144 = arith.constant 0 : i32
    %dma_start3A_145 = arith.constant 0 : i32
    %dma_start3A_146 = tpu.memref_slice %arg5[%squeeze3A_137, %dma_start3A_144, %dma_start3A_145] : memref<125000x8x64xf32, #tpu.memory_space<hbm>> -> memref<1x8x64xf32, #tpu.memory_space<hbm>>
    %dma_start3A_147 = tpu.memref_squeeze %dma_start3A_146 : memref<1x8x64xf32, #tpu.memory_space<hbm>> -> memref<8x64xf32, #tpu.memory_space<hbm>>
    %dma_start3A_148 = arith.constant 0 : i32
    %dma_start3A_149 = arith.constant 0 : i32
    %dma_start3A_150 = tpu.memref_slice %arg11[%dma_start3A_138, %dma_start3A_139, %dma_start3A_148, %dma_start3A_149] : memref<2x16x8x64xf32, #tpu.memory_space<vmem>> -> memref<1x1x8x64xf32, #tpu.memory_space<vmem>>
    %dma_start3A_151 = tpu.memref_squeeze %dma_start3A_150 : memref<1x1x8x64xf32, #tpu.memory_space<vmem>> -> memref<8x64xf32, #tpu.memory_space<vmem>>
    %dma_start3A_152 = arith.constant 0 : i32
    %dma_start3A_153 = arith.constant 0 : i32
    %dma_start3A_154 = tpu.memref_slice %arg5[%squeeze3A_137, %dma_start3A_152, %dma_start3A_153] : memref<125000x8x64xf32, #tpu.memory_space<hbm>> -> memref<1x8x64xf32, #tpu.memory_space<hbm>>
    %dma_start3A_155 = tpu.memref_squeeze %dma_start3A_154 : memref<1x8x64xf32, #tpu.memory_space<hbm>> -> memref<8x64xf32, #tpu.memory_space<hbm>>
    tpu.enqueue_dma source(%dma_start3A_155 : memref<8x64xf32, #tpu.memory_space<hbm>>) target(%dma_start3A_151 : memref<8x64xf32, #tpu.memory_space<vmem>>) target_semaphore(%arg15 : memref<!tpu.dma_semaphore, #tpu.memory_space<semaphore_mem>>)
    %slice3A_156 = vector.extract_strided_slice %shift_right_arithmetic3A_12 {offsets = [2], sizes = [1], strides = [1]} : vector<16xi32> to vector<1xi32>
    %squeeze3A_157 = vector.extract %slice3A_156[0] : i32 from vector<1xi32>
    %dma_start3A_158 = arith.constant 0 : i32
    %dma_start3A_159 = arith.constant 2 : i32
    %dma_start3A_160 = arith.constant 0 : i32
    %dma_start3A_161 = arith.constant 0 : i32
    %dma_start3A_162 = tpu.memref_slice %arg12[%dma_start3A_158, %dma_start3A_159, %dma_start3A_160, %dma_start3A_161] : memref<2x16x8x64xf32, #tpu.memory_space<vmem>> -> memref<1x1x8x64xf32, #tpu.memory_space<vmem>>
    %dma_start3A_163 = tpu.memref_squeeze %dma_start3A_162 : memref<1x1x8x64xf32, #tpu.memory_space<vmem>> -> memref<8x64xf32, #tpu.memory_space<vmem>>
    %dma_start3A_164 = arith.constant 0 : i32
    %dma_start3A_165 = arith.constant 0 : i32
    %dma_start3A_166 = tpu.memref_slice %arg6[%squeeze3A_157, %dma_start3A_164, %dma_start3A_165] : memref<125x8x64xf32, #tpu.memory_space<hbm>> -> memref<1x8x64xf32, #tpu.memory_space<hbm>>
    %dma_start3A_167 = tpu.memref_squeeze %dma_start3A_166 : memref<1x8x64xf32, #tpu.memory_space<hbm>> -> memref<8x64xf32, #tpu.memory_space<hbm>>
    %dma_start3A_168 = arith.constant 0 : i32
    %dma_start3A_169 = arith.constant 0 : i32
    %dma_start3A_170 = tpu.memref_slice %arg12[%dma_start3A_158, %dma_start3A_159, %dma_start3A_168, %dma_start3A_169] : memref<2x16x8x64xf32, #tpu.memory_space<vmem>> -> memref<1x1x8x64xf32, #tpu.memory_space<vmem>>
    %dma_start3A_171 = tpu.memref_squeeze %dma_start3A_170 : memref<1x1x8x64xf32, #tpu.memory_space<vmem>> -> memref<8x64xf32, #tpu.memory_space<vmem>>
    %dma_start3A_172 = arith.constant 0 : i32
    %dma_start3A_173 = arith.constant 0 : i32
    %dma_start3A_174 = tpu.memref_slice %arg6[%squeeze3A_157, %dma_start3A_172, %dma_start3A_173] : memref<125x8x64xf32, #tpu.memory_space<hbm>> -> memref<1x8x64xf32, #tpu.memory_space<hbm>>
    %dma_start3A_175 = tpu.memref_squeeze %dma_start3A_174 : memref<1x8x64xf32, #tpu.memory_space<hbm>> -> memref<8x64xf32, #tpu.memory_space<hbm>>
    tpu.enqueue_dma source(%dma_start3A_175 : memref<8x64xf32, #tpu.memory_space<hbm>>) target(%dma_start3A_171 : memref<8x64xf32, #tpu.memory_space<vmem>>) target_semaphore(%arg15 : memref<!tpu.dma_semaphore, #tpu.memory_space<semaphore_mem>>)
    %slice3A_176 = vector.extract_strided_slice %shift_right_arithmetic3A_18 {offsets = [2], sizes = [1], strides = [1]} : vector<16xi32> to vector<1xi32>
    %squeeze3A_177 = vector.extract %slice3A_176[0] : i32 from vector<1xi32>
    %dma_start3A_178 = arith.constant 0 : i32
    %dma_start3A_179 = arith.constant 2 : i32
    %dma_start3A_180 = arith.constant 0 : i32
    %dma_start3A_181 = arith.constant 0 : i32
    %dma_start3A_182 = tpu.memref_slice %arg13[%dma_start3A_178, %dma_start3A_179, %dma_start3A_180, %dma_start3A_181] : memref<2x16x8x64xf32, #tpu.memory_space<vmem>> -> memref<1x1x8x64xf32, #tpu.memory_space<vmem>>
    %dma_start3A_183 = tpu.memref_squeeze %dma_start3A_182 : memref<1x1x8x64xf32, #tpu.memory_space<vmem>> -> memref<8x64xf32, #tpu.memory_space<vmem>>
    %dma_start3A_184 = arith.constant 0 : i32
    %dma_start3A_185 = arith.constant 0 : i32
    %dma_start3A_186 = tpu.memref_slice %arg5[%squeeze3A_177, %dma_start3A_184, %dma_start3A_185] : memref<125000x8x64xf32, #tpu.memory_space<hbm>> -> memref<1x8x64xf32, #tpu.memory_space<hbm>>
    %dma_start3A_187 = tpu.memref_squeeze %dma_start3A_186 : memref<1x8x64xf32, #tpu.memory_space<hbm>> -> memref<8x64xf32, #tpu.memory_space<hbm>>
    %dma_start3A_188 = arith.constant 0 : i32
    %dma_start3A_189 = arith.constant 0 : i32
    %dma_start3A_190 = tpu.memref_slice %arg13[%dma_start3A_178, %dma_start3A_179, %dma_start3A_188, %dma_start3A_189] : memref<2x16x8x64xf32, #tpu.memory_space<vmem>> -> memref<1x1x8x64xf32, #tpu.memory_space<vmem>>
    %dma_start3A_191 = tpu.memref_squeeze %dma_start3A_190 : memref<1x1x8x64xf32, #tpu.memory_space<vmem>> -> memref<8x64xf32, #tpu.memory_space<vmem>>
    %dma_start3A_192 = arith.constant 0 : i32
    %dma_start3A_193 = arith.constant 0 : i32
    %dma_start3A_194 = tpu.memref_slice %arg5[%squeeze3A_177, %dma_start3A_192, %dma_start3A_193] : memref<125000x8x64xf32, #tpu.memory_space<hbm>> -> memref<1x8x64xf32, #tpu.memory_space<hbm>>
    %dma_start3A_195 = tpu.memref_squeeze %dma_start3A_194 : memref<1x8x64xf32, #tpu.memory_space<hbm>> -> memref<8x64xf32, #tpu.memory_space<hbm>>
    tpu.enqueue_dma source(%dma_start3A_195 : memref<8x64xf32, #tpu.memory_space<hbm>>) target(%dma_start3A_191 : memref<8x64xf32, #tpu.memory_space<vmem>>) target_semaphore(%arg15 : memref<!tpu.dma_semaphore, #tpu.memory_space<semaphore_mem>>)
    %slice3A_196 = vector.extract_strided_slice %shift_right_arithmetic3A_6 {offsets = [3], sizes = [1], strides = [1]} : vector<16xi32> to vector<1xi32>
    %squeeze3A_197 = vector.extract %slice3A_196[0] : i32 from vector<1xi32>
    %dma_start3A_198 = arith.constant 0 : i32
    %dma_start3A_199 = arith.constant 3 : i32
    %dma_start3A_200 = arith.constant 0 : i32
    %dma_start3A_201 = arith.constant 0 : i32
    %dma_start3A_202 = tpu.memref_slice %arg11[%dma_start3A_198, %dma_start3A_199, %dma_start3A_200, %dma_start3A_201] : memref<2x16x8x64xf32, #tpu.memory_space<vmem>> -> memref<1x1x8x64xf32, #tpu.memory_space<vmem>>
    %dma_start3A_203 = tpu.memref_squeeze %dma_start3A_202 : memref<1x1x8x64xf32, #tpu.memory_space<vmem>> -> memref<8x64xf32, #tpu.memory_space<vmem>>
    %dma_start3A_204 = arith.constant 0 : i32
    %dma_start3A_205 = arith.constant 0 : i32
    %dma_start3A_206 = tpu.memref_slice %arg5[%squeeze3A_197, %dma_start3A_204, %dma_start3A_205] : memref<125000x8x64xf32, #tpu.memory_space<hbm>> -> memref<1x8x64xf32, #tpu.memory_space<hbm>>
    %dma_start3A_207 = tpu.memref_squeeze %dma_start3A_206 : memref<1x8x64xf32, #tpu.memory_space<hbm>> -> memref<8x64xf32, #tpu.memory_space<hbm>>
    %dma_start3A_208 = arith.constant 0 : i32
    %dma_start3A_209 = arith.constant 0 : i32
    %dma_start3A_210 = tpu.memref_slice %arg11[%dma_start3A_198, %dma_start3A_199, %dma_start3A_208, %dma_start3A_209] : memref<2x16x8x64xf32, #tpu.memory_space<vmem>> -> memref<1x1x8x64xf32, #tpu.memory_space<vmem>>
    %dma_start3A_211 = tpu.memref_squeeze %dma_start3A_210 : memref<1x1x8x64xf32, #tpu.memory_space<vmem>> -> memref<8x64xf32, #tpu.memory_space<vmem>>
    %dma_start3A_212 = arith.constant 0 : i32
    %dma_start3A_213 = arith.constant 0 : i32
    %dma_start3A_214 = tpu.memref_slice %arg5[%squeeze3A_197, %dma_start3A_212, %dma_start3A_213] : memref<125000x8x64xf32, #tpu.memory_space<hbm>> -> memref<1x8x64xf32, #tpu.memory_space<hbm>>
    %dma_start3A_215 = tpu.memref_squeeze %dma_start3A_214 : memref<1x8x64xf32, #tpu.memory_space<hbm>> -> memref<8x64xf32, #tpu.memory_space<hbm>>
    tpu.enqueue_dma source(%dma_start3A_215 : memref<8x64xf32, #tpu.memory_space<hbm>>) target(%dma_start3A_211 : memref<8x64xf32, #tpu.memory_space<vmem>>) target_semaphore(%arg15 : memref<!tpu.dma_semaphore, #tpu.memory_space<semaphore_mem>>)
    %slice3A_216 = vector.extract_strided_slice %shift_right_arithmetic3A_12 {offsets = [3], sizes = [1], strides = [1]} : vector<16xi32> to vector<1xi32>
    %squeeze3A_217 = vector.extract %slice3A_216[0] : i32 from vector<1xi32>
    %dma_start3A_218 = arith.constant 0 : i32
    %dma_start3A_219 = arith.constant 3 : i32
    %dma_start3A_220 = arith.constant 0 : i32
    %dma_start3A_221 = arith.constant 0 : i32
    %dma_start3A_222 = tpu.memref_slice %arg12[%dma_start3A_218, %dma_start3A_219, %dma_start3A_220, %dma_start3A_221] : memref<2x16x8x64xf32, #tpu.memory_space<vmem>> -> memref<1x1x8x64xf32, #tpu.memory_space<vmem>>
    %dma_start3A_223 = tpu.memref_squeeze %dma_start3A_222 : memref<1x1x8x64xf32, #tpu.memory_space<vmem>> -> memref<8x64xf32, #tpu.memory_space<vmem>>
    %dma_start3A_224 = arith.constant 0 : i32
    %dma_start3A_225 = arith.constant 0 : i32
    %dma_start3A_226 = tpu.memref_slice %arg6[%squeeze3A_217, %dma_start3A_224, %dma_start3A_225] : memref<125x8x64xf32, #tpu.memory_space<hbm>> -> memref<1x8x64xf32, #tpu.memory_space<hbm>>
    %dma_start3A_227 = tpu.memref_squeeze %dma_start3A_226 : memref<1x8x64xf32, #tpu.memory_space<hbm>> -> memref<8x64xf32, #tpu.memory_space<hbm>>
    %dma_start3A_228 = arith.constant 0 : i32
    %dma_start3A_229 = arith.constant 0 : i32
    %dma_start3A_230 = tpu.memref_slice %arg12[%dma_start3A_218, %dma_start3A_219, %dma_start3A_228, %dma_start3A_229] : memref<2x16x8x64xf32, #tpu.memory_space<vmem>> -> memref<1x1x8x64xf32, #tpu.memory_space<vmem>>
    %dma_start3A_231 = tpu.memref_squeeze %dma_start3A_230 : memref<1x1x8x64xf32, #tpu.memory_space<vmem>> -> memref<8x64xf32, #tpu.memory_space<vmem>>
    %dma_start3A_232 = arith.constant 0 : i32
    %dma_start3A_233 = arith.constant 0 : i32
    %dma_start3A_234 = tpu.memref_slice %arg6[%squeeze3A_217, %dma_start3A_232, %dma_start3A_233] : memref<125x8x64xf32, #tpu.memory_space<hbm>> -> memref<1x8x64xf32, #tpu.memory_space<hbm>>
    %dma_start3A_235 = tpu.memref_squeeze %dma_start3A_234 : memref<1x8x64xf32, #tpu.memory_space<hbm>> -> memref<8x64xf32, #tpu.memory_space<hbm>>
    tpu.enqueue_dma source(%dma_start3A_235 : memref<8x64xf32, #tpu.memory_space<hbm>>) target(%dma_start3A_231 : memref<8x64xf32, #tpu.memory_space<vmem>>) target_semaphore(%arg15 : memref<!tpu.dma_semaphore, #tpu.memory_space<semaphore_mem>>)
    %slice3A_236 = vector.extract_strided_slice %shift_right_arithmetic3A_18 {offsets = [3], sizes = [1], strides = [1]} : vector<16xi32> to vector<1xi32>
    %squeeze3A_237 = vector.extract %slice3A_236[0] : i32 from vector<1xi32>
    %dma_start3A_238 = arith.constant 0 : i32
    %dma_start3A_239 = arith.constant 3 : i32
    %dma_start3A_240 = arith.constant 0 : i32
    %dma_start3A_241 = arith.constant 0 : i32
    %dma_start3A_242 = tpu.memref_slice %arg13[%dma_start3A_238, %dma_start3A_239, %dma_start3A_240, %dma_start3A_241] : memref<2x16x8x64xf32, #tpu.memory_space<vmem>> -> memref<1x1x8x64xf32, #tpu.memory_space<vmem>>
    %dma_start3A_243 = tpu.memref_squeeze %dma_start3A_242 : memref<1x1x8x64xf32, #tpu.memory_space<vmem>> -> memref<8x64xf32, #tpu.memory_space<vmem>>
    %dma_start3A_244 = arith.constant 0 : i32
    %dma_start3A_245 = arith.constant 0 : i32
    %dma_start3A_246 = tpu.memref_slice %arg5[%squeeze3A_237, %dma_start3A_244, %dma_start3A_245] : memref<125000x8x64xf32, #tpu.memory_space<hbm>> -> memref<1x8x64xf32, #tpu.memory_space<hbm>>
    %dma_start3A_247 = tpu.memref_squeeze %dma_start3A_246 : memref<1x8x64xf32, #tpu.memory_space<hbm>> -> memref<8x64xf32, #tpu.memory_space<hbm>>
    %dma_start3A_248 = arith.constant 0 : i32
    %dma_start3A_249 = arith.constant 0 : i32
    %dma_start3A_250 = tpu.memref_slice %arg13[%dma_start3A_238, %dma_start3A_239, %dma_start3A_248, %dma_start3A_249] : memref<2x16x8x64xf32, #tpu.memory_space<vmem>> -> memref<1x1x8x64xf32, #tpu.memory_space<vmem>>
    %dma_start3A_251 = tpu.memref_squeeze %dma_start3A_250 : memref<1x1x8x64xf32, #tpu.memory_space<vmem>> -> memref<8x64xf32, #tpu.memory_space<vmem>>
    %dma_start3A_252 = arith.constant 0 : i32
    %dma_start3A_253 = arith.constant 0 : i32
    %dma_start3A_254 = tpu.memref_slice %arg5[%squeeze3A_237, %dma_start3A_252, %dma_start3A_253] : memref<125000x8x64xf32, #tpu.memory_space<hbm>> -> memref<1x8x64xf32, #tpu.memory_space<hbm>>
    %dma_start3A_255 = tpu.memref_squeeze %dma_start3A_254 : memref<1x8x64xf32, #tpu.memory_space<hbm>> -> memref<8x64xf32, #tpu.memory_space<hbm>>
    tpu.enqueue_dma source(%dma_start3A_255 : memref<8x64xf32, #tpu.memory_space<hbm>>) target(%dma_start3A_251 : memref<8x64xf32, #tpu.memory_space<vmem>>) target_semaphore(%arg15 : memref<!tpu.dma_semaphore, #tpu.memory_space<semaphore_mem>>)
    %slice3A_256 = vector.extract_strided_slice %shift_right_arithmetic3A_6 {offsets = [4], sizes = [1], strides = [1]} : vector<16xi32> to vector<1xi32>
    %squeeze3A_257 = vector.extract %slice3A_256[0] : i32 from vector<1xi32>
    %dma_start3A_258 = arith.constant 0 : i32
    %dma_start3A_259 = arith.constant 4 : i32
    %dma_start3A_260 = arith.constant 0 : i32
    %dma_start3A_261 = arith.constant 0 : i32
    %dma_start3A_262 = tpu.memref_slice %arg11[%dma_start3A_258, %dma_start3A_259, %dma_start3A_260, %dma_start3A_261] : memref<2x16x8x64xf32, #tpu.memory_space<vmem>> -> memref<1x1x8x64xf32, #tpu.memory_space<vmem>>
    %dma_start3A_263 = tpu.memref_squeeze %dma_start3A_262 : memref<1x1x8x64xf32, #tpu.memory_space<vmem>> -> memref<8x64xf32, #tpu.memory_space<vmem>>
    %dma_start3A_264 = arith.constant 0 : i32
    %dma_start3A_265 = arith.constant 0 : i32
    %dma_start3A_266 = tpu.memref_slice %arg5[%squeeze3A_257, %dma_start3A_264, %dma_start3A_265] : memref<125000x8x64xf32, #tpu.memory_space<hbm>> -> memref<1x8x64xf32, #tpu.memory_space<hbm>>
    %dma_start3A_267 = tpu.memref_squeeze %dma_start3A_266 : memref<1x8x64xf32, #tpu.memory_space<hbm>> -> memref<8x64xf32, #tpu.memory_space<hbm>>
    %dma_start3A_268 = arith.constant 0 : i32
    %dma_start3A_269 = arith.constant 0 : i32
    %dma_start3A_270 = tpu.memref_slice %arg11[%dma_start3A_258, %dma_start3A_259, %dma_start3A_268, %dma_start3A_269] : memref<2x16x8x64xf32, #tpu.memory_space<vmem>> -> memref<1x1x8x64xf32, #tpu.memory_space<vmem>>
    %dma_start3A_271 = tpu.memref_squeeze %dma_start3A_270 : memref<1x1x8x64xf32, #tpu.memory_space<vmem>> -> memref<8x64xf32, #tpu.memory_space<vmem>>
    %dma_start3A_272 = arith.constant 0 : i32
    %dma_start3A_273 = arith.constant 0 : i32
    %dma_start3A_274 = tpu.memref_slice %arg5[%squeeze3A_257, %dma_start3A_272, %dma_start3A_273] : memref<125000x8x64xf32, #tpu.memory_space<hbm>> -> memref<1x8x64xf32, #tpu.memory_space<hbm>>
    %dma_start3A_275 = tpu.memref_squeeze %dma_start3A_274 : memref<1x8x64xf32, #tpu.memory_space<hbm>> -> memref<8x64xf32, #tpu.memory_space<hbm>>
    tpu.enqueue_dma source(%dma_start3A_275 : memref<8x64xf32, #tpu.memory_space<hbm>>) target(%dma_start3A_271 : memref<8x64xf32, #tpu.memory_space<vmem>>) target_semaphore(%arg15 : memref<!tpu.dma_semaphore, #tpu.memory_space<semaphore_mem>>)
    %slice3A_276 = vector.extract_strided_slice %shift_right_arithmetic3A_12 {offsets = [4], sizes = [1], strides = [1]} : vector<16xi32> to vector<1xi32>
    %squeeze3A_277 = vector.extract %slice3A_276[0] : i32 from vector<1xi32>
    %dma_start3A_278 = arith.constant 0 : i32
    %dma_start3A_279 = arith.constant 4 : i32
    %dma_start3A_280 = arith.constant 0 : i32
    %dma_start3A_281 = arith.constant 0 : i32
    %dma_start3A_282 = tpu.memref_slice %arg12[%dma_start3A_278, %dma_start3A_279, %dma_start3A_280, %dma_start3A_281] : memref<2x16x8x64xf32, #tpu.memory_space<vmem>> -> memref<1x1x8x64xf32, #tpu.memory_space<vmem>>
    %dma_start3A_283 = tpu.memref_squeeze %dma_start3A_282 : memref<1x1x8x64xf32, #tpu.memory_space<vmem>> -> memref<8x64xf32, #tpu.memory_space<vmem>>
    %dma_start3A_284 = arith.constant 0 : i32
    %dma_start3A_285 = arith.constant 0 : i32
    %dma_start3A_286 = tpu.memref_slice %arg6[%squeeze3A_277, %dma_start3A_284, %dma_start3A_285] : memref<125x8x64xf32, #tpu.memory_space<hbm>> -> memref<1x8x64xf32, #tpu.memory_space<hbm>>
    %dma_start3A_287 = tpu.memref_squeeze %dma_start3A_286 : memref<1x8x64xf32, #tpu.memory_space<hbm>> -> memref<8x64xf32, #tpu.memory_space<hbm>>
    %dma_start3A_288 = arith.constant 0 : i32
    %dma_start3A_289 = arith.constant 0 : i32
    %dma_start3A_290 = tpu.memref_slice %arg12[%dma_start3A_278, %dma_start3A_279, %dma_start3A_288, %dma_start3A_289] : memref<2x16x8x64xf32, #tpu.memory_space<vmem>> -> memref<1x1x8x64xf32, #tpu.memory_space<vmem>>
    %dma_start3A_291 = tpu.memref_squeeze %dma_start3A_290 : memref<1x1x8x64xf32, #tpu.memory_space<vmem>> -> memref<8x64xf32, #tpu.memory_space<vmem>>
    %dma_start3A_292 = arith.constant 0 : i32
    %dma_start3A_293 = arith.constant 0 : i32
    %dma_start3A_294 = tpu.memref_slice %arg6[%squeeze3A_277, %dma_start3A_292, %dma_start3A_293] : memref<125x8x64xf32, #tpu.memory_space<hbm>> -> memref<1x8x64xf32, #tpu.memory_space<hbm>>
    %dma_start3A_295 = tpu.memref_squeeze %dma_start3A_294 : memref<1x8x64xf32, #tpu.memory_space<hbm>> -> memref<8x64xf32, #tpu.memory_space<hbm>>
    tpu.enqueue_dma source(%dma_start3A_295 : memref<8x64xf32, #tpu.memory_space<hbm>>) target(%dma_start3A_291 : memref<8x64xf32, #tpu.memory_space<vmem>>) target_semaphore(%arg15 : memref<!tpu.dma_semaphore, #tpu.memory_space<semaphore_mem>>)
    %slice3A_296 = vector.extract_strided_slice %shift_right_arithmetic3A_18 {offsets = [4], sizes = [1], strides = [1]} : vector<16xi32> to vector<1xi32>
    %squeeze3A_297 = vector.extract %slice3A_296[0] : i32 from vector<1xi32>
    %dma_start3A_298 = arith.constant 0 : i32
    %dma_start3A_299 = arith.constant 4 : i32
    %dma_start3A_300 = arith.constant 0 : i32
    %dma_start3A_301 = arith.constant 0 : i32
    %dma_start3A_302 = tpu.memref_slice %arg13[%dma_start3A_298, %dma_start3A_299, %dma_start3A_300, %dma_start3A_301] : memref<2x16x8x64xf32, #tpu.memory_space<vmem>> -> memref<1x1x8x64xf32, #tpu.memory_space<vmem>>
    %dma_start3A_303 = tpu.memref_squeeze %dma_start3A_302 : memref<1x1x8x64xf32, #tpu.memory_space<vmem>> -> memref<8x64xf32, #tpu.memory_space<vmem>>
    %dma_start3A_304 = arith.constant 0 : i32
    %dma_start3A_305 = arith.constant 0 : i32
    %dma_start3A_306 = tpu.memref_slice %arg5[%squeeze3A_297, %dma_start3A_304, %dma_start3A_305] : memref<125000x8x64xf32, #tpu.memory_space<hbm>> -> memref<1x8x64xf32, #tpu.memory_space<hbm>>
    %dma_start3A_307 = tpu.memref_squeeze %dma_start3A_306 : memref<1x8x64xf32, #tpu.memory_space<hbm>> -> memref<8x64xf32, #tpu.memory_space<hbm>>
    %dma_start3A_308 = arith.constant 0 : i32
    %dma_start3A_309 = arith.constant 0 : i32
    %dma_start3A_310 = tpu.memref_slice %arg13[%dma_start3A_298, %dma_start3A_299, %dma_start3A_308, %dma_start3A_309] : memref<2x16x8x64xf32, #tpu.memory_space<vmem>> -> memref<1x1x8x64xf32, #tpu.memory_space<vmem>>
    %dma_start3A_311 = tpu.memref_squeeze %dma_start3A_310 : memref<1x1x8x64xf32, #tpu.memory_space<vmem>> -> memref<8x64xf32, #tpu.memory_space<vmem>>
    %dma_start3A_312 = arith.constant 0 : i32
    %dma_start3A_313 = arith.constant 0 : i32
    %dma_start3A_314 = tpu.memref_slice %arg5[%squeeze3A_297, %dma_start3A_312, %dma_start3A_313] : memref<125000x8x64xf32, #tpu.memory_space<hbm>> -> memref<1x8x64xf32, #tpu.memory_space<hbm>>
    %dma_start3A_315 = tpu.memref_squeeze %dma_start3A_314 : memref<1x8x64xf32, #tpu.memory_space<hbm>> -> memref<8x64xf32, #tpu.memory_space<hbm>>
    tpu.enqueue_dma source(%dma_start3A_315 : memref<8x64xf32, #tpu.memory_space<hbm>>) target(%dma_start3A_311 : memref<8x64xf32, #tpu.memory_space<vmem>>) target_semaphore(%arg15 : memref<!tpu.dma_semaphore, #tpu.memory_space<semaphore_mem>>)
    %slice3A_316 = vector.extract_strided_slice %shift_right_arithmetic3A_6 {offsets = [5], sizes = [1], strides = [1]} : vector<16xi32> to vector<1xi32>
    %squeeze3A_317 = vector.extract %slice3A_316[0] : i32 from vector<1xi32>
    %dma_start3A_318 = arith.constant 0 : i32
    %dma_start3A_319 = arith.constant 5 : i32
    %dma_start3A_320 = arith.constant 0 : i32
    %dma_start3A_321 = arith.constant 0 : i32
    %dma_start3A_322 = tpu.memref_slice %arg11[%dma_start3A_318, %dma_start3A_319, %dma_start3A_320, %dma_start3A_321] : memref<2x16x8x64xf32, #tpu.memory_space<vmem>> -> memref<1x1x8x64xf32, #tpu.memory_space<vmem>>
    %dma_start3A_323 = tpu.memref_squeeze %dma_start3A_322 : memref<1x1x8x64xf32, #tpu.memory_space<vmem>> -> memref<8x64xf32, #tpu.memory_space<vmem>>
    %dma_start3A_324 = arith.constant 0 : i32
    %dma_start3A_325 = arith.constant 0 : i32
    %dma_start3A_326 = tpu.memref_slice %arg5[%squeeze3A_317, %dma_start3A_324, %dma_start3A_325] : memref<125000x8x64xf32, #tpu.memory_space<hbm>> -> memref<1x8x64xf32, #tpu.memory_space<hbm>>
    %dma_start3A_327 = tpu.memref_squeeze %dma_start3A_326 : memref<1x8x64xf32, #tpu.memory_space<hbm>> -> memref<8x64xf32, #tpu.memory_space<hbm>>
    %dma_start3A_328 = arith.constant 0 : i32
    %dma_start3A_329 = arith.constant 0 : i32
    %dma_start3A_330 = tpu.memref_slice %arg11[%dma_start3A_318, %dma_start3A_319, %dma_start3A_328, %dma_start3A_329] : memref<2x16x8x64xf32, #tpu.memory_space<vmem>> -> memref<1x1x8x64xf32, #tpu.memory_space<vmem>>
    %dma_start3A_331 = tpu.memref_squeeze %dma_start3A_330 : memref<1x1x8x64xf32, #tpu.memory_space<vmem>> -> memref<8x64xf32, #tpu.memory_space<vmem>>
    %dma_start3A_332 = arith.constant 0 : i32
    %dma_start3A_333 = arith.constant 0 : i32
    %dma_start3A_334 = tpu.memref_slice %arg5[%squeeze3A_317, %dma_start3A_332, %dma_start3A_333] : memref<125000x8x64xf32, #tpu.memory_space<hbm>> -> memref<1x8x64xf32, #tpu.memory_space<hbm>>
    %dma_start3A_335 = tpu.memref_squeeze %dma_start3A_334 : memref<1x8x64xf32, #tpu.memory_space<hbm>> -> memref<8x64xf32, #tpu.memory_space<hbm>>
    tpu.enqueue_dma source(%dma_start3A_335 : memref<8x64xf32, #tpu.memory_space<hbm>>) target(%dma_start3A_331 : memref<8x64xf32, #tpu.memory_space<vmem>>) target_semaphore(%arg15 : memref<!tpu.dma_semaphore, #tpu.memory_space<semaphore_mem>>)
    %slice3A_336 = vector.extract_strided_slice %shift_right_arithmetic3A_12 {offsets = [5], sizes = [1], strides = [1]} : vector<16xi32> to vector<1xi32>
    %squeeze3A_337 = vector.extract %slice3A_336[0] : i32 from vector<1xi32>
    %dma_start3A_338 = arith.constant 0 : i32
    %dma_start3A_339 = arith.constant 5 : i32
    %dma_start3A_340 = arith.constant 0 : i32
    %dma_start3A_341 = arith.constant 0 : i32
    %dma_start3A_342 = tpu.memref_slice %arg12[%dma_start3A_338, %dma_start3A_339, %dma_start3A_340, %dma_start3A_341] : memref<2x16x8x64xf32, #tpu.memory_space<vmem>> -> memref<1x1x8x64xf32, #tpu.memory_space<vmem>>
    %dma_start3A_343 = tpu.memref_squeeze %dma_start3A_342 : memref<1x1x8x64xf32, #tpu.memory_space<vmem>> -> memref<8x64xf32, #tpu.memory_space<vmem>>
    %dma_start3A_344 = arith.constant 0 : i32
    %dma_start3A_345 = arith.constant 0 : i32
    %dma_start3A_346 = tpu.memref_slice %arg6[%squeeze3A_337, %dma_start3A_344, %dma_start3A_345] : memref<125x8x64xf32, #tpu.memory_space<hbm>> -> memref<1x8x64xf32, #tpu.memory_space<hbm>>
    %dma_start3A_347 = tpu.memref_squeeze %dma_start3A_346 : memref<1x8x64xf32, #tpu.memory_space<hbm>> -> memref<8x64xf32, #tpu.memory_space<hbm>>
    %dma_start3A_348 = arith.constant 0 : i32
    %dma_start3A_349 = arith.constant 0 : i32
    %dma_start3A_350 = tpu.memref_slice %arg12[%dma_start3A_338, %dma_start3A_339, %dma_start3A_348, %dma_start3A_349] : memref<2x16x8x64xf32, #tpu.memory_space<vmem>> -> memref<1x1x8x64xf32, #tpu.memory_space<vmem>>
    %dma_start3A_351 = tpu.memref_squeeze %dma_start3A_350 : memref<1x1x8x64xf32, #tpu.memory_space<vmem>> -> memref<8x64xf32, #tpu.memory_space<vmem>>
    %dma_start3A_352 = arith.constant 0 : i32
    %dma_start3A_353 = arith.constant 0 : i32
    %dma_start3A_354 = tpu.memref_slice %arg6[%squeeze3A_337, %dma_start3A_352, %dma_start3A_353] : memref<125x8x64xf32, #tpu.memory_space<hbm>> -> memref<1x8x64xf32, #tpu.memory_space<hbm>>
    %dma_start3A_355 = tpu.memref_squeeze %dma_start3A_354 : memref<1x8x64xf32, #tpu.memory_space<hbm>> -> memref<8x64xf32, #tpu.memory_space<hbm>>
    tpu.enqueue_dma source(%dma_start3A_355 : memref<8x64xf32, #tpu.memory_space<hbm>>) target(%dma_start3A_351 : memref<8x64xf32, #tpu.memory_space<vmem>>) target_semaphore(%arg15 : memref<!tpu.dma_semaphore, #tpu.memory_space<semaphore_mem>>)
    %slice3A_356 = vector.extract_strided_slice %shift_right_arithmetic3A_18 {offsets = [5], sizes = [1], strides = [1]} : vector<16xi32> to vector<1xi32>
    %squeeze3A_357 = vector.extract %slice3A_356[0] : i32 from vector<1xi32>
    %dma_start3A_358 = arith.constant 0 : i32
    %dma_start3A_359 = arith.constant 5 : i32
    %dma_start3A_360 = arith.constant 0 : i32
    %dma_start3A_361 = arith.constant 0 : i32
    %dma_start3A_362 = tpu.memref_slice %arg13[%dma_start3A_358, %dma_start3A_359, %dma_start3A_360, %dma_start3A_361] : memref<2x16x8x64xf32, #tpu.memory_space<vmem>> -> memref<1x1x8x64xf32, #tpu.memory_space<vmem>>
    %dma_start3A_363 = tpu.memref_squeeze %dma_start3A_362 : memref<1x1x8x64xf32, #tpu.memory_space<vmem>> -> memref<8x64xf32, #tpu.memory_space<vmem>>
    %dma_start3A_364 = arith.constant 0 : i32
    %dma_start3A_365 = arith.constant 0 : i32
    %dma_start3A_366 = tpu.memref_slice %arg5[%squeeze3A_357, %dma_start3A_364, %dma_start3A_365] : memref<125000x8x64xf32, #tpu.memory_space<hbm>> -> memref<1x8x64xf32, #tpu.memory_space<hbm>>
    %dma_start3A_367 = tpu.memref_squeeze %dma_start3A_366 : memref<1x8x64xf32, #tpu.memory_space<hbm>> -> memref<8x64xf32, #tpu.memory_space<hbm>>
    %dma_start3A_368 = arith.constant 0 : i32
    %dma_start3A_369 = arith.constant 0 : i32
    %dma_start3A_370 = tpu.memref_slice %arg13[%dma_start3A_358, %dma_start3A_359, %dma_start3A_368, %dma_start3A_369] : memref<2x16x8x64xf32, #tpu.memory_space<vmem>> -> memref<1x1x8x64xf32, #tpu.memory_space<vmem>>
    %dma_start3A_371 = tpu.memref_squeeze %dma_start3A_370 : memref<1x1x8x64xf32, #tpu.memory_space<vmem>> -> memref<8x64xf32, #tpu.memory_space<vmem>>
    %dma_start3A_372 = arith.constant 0 : i32
    %dma_start3A_373 = arith.constant 0 : i32
    %dma_start3A_374 = tpu.memref_slice %arg5[%squeeze3A_357, %dma_start3A_372, %dma_start3A_373] : memref<125000x8x64xf32, #tpu.memory_space<hbm>> -> memref<1x8x64xf32, #tpu.memory_space<hbm>>
    %dma_start3A_375 = tpu.memref_squeeze %dma_start3A_374 : memref<1x8x64xf32, #tpu.memory_space<hbm>> -> memref<8x64xf32, #tpu.memory_space<hbm>>
    tpu.enqueue_dma source(%dma_start3A_375 : memref<8x64xf32, #tpu.memory_space<hbm>>) target(%dma_start3A_371 : memref<8x64xf32, #tpu.memory_space<vmem>>) target_semaphore(%arg15 : memref<!tpu.dma_semaphore, #tpu.memory_space<semaphore_mem>>)
    %slice3A_376 = vector.extract_strided_slice %shift_right_arithmetic3A_6 {offsets = [6], sizes = [1], strides = [1]} : vector<16xi32> to vector<1xi32>
    %squeeze3A_377 = vector.extract %slice3A_376[0] : i32 from vector<1xi32>
    %dma_start3A_378 = arith.constant 0 : i32
    %dma_start3A_379 = arith.constant 6 : i32
    %dma_start3A_380 = arith.constant 0 : i32
    %dma_start3A_381 = arith.constant 0 : i32
    %dma_start3A_382 = tpu.memref_slice %arg11[%dma_start3A_378, %dma_start3A_379, %dma_start3A_380, %dma_start3A_381] : memref<2x16x8x64xf32, #tpu.memory_space<vmem>> -> memref<1x1x8x64xf32, #tpu.memory_space<vmem>>
    %dma_start3A_383 = tpu.memref_squeeze %dma_start3A_382 : memref<1x1x8x64xf32, #tpu.memory_space<vmem>> -> memref<8x64xf32, #tpu.memory_space<vmem>>
    %dma_start3A_384 = arith.constant 0 : i32
    %dma_start3A_385 = arith.constant 0 : i32
    %dma_start3A_386 = tpu.memref_slice %arg5[%squeeze3A_377, %dma_start3A_384, %dma_start3A_385] : memref<125000x8x64xf32, #tpu.memory_space<hbm>> -> memref<1x8x64xf32, #tpu.memory_space<hbm>>
    %dma_start3A_387 = tpu.memref_squeeze %dma_start3A_386 : memref<1x8x64xf32, #tpu.memory_space<hbm>> -> memref<8x64xf32, #tpu.memory_space<hbm>>
    %dma_start3A_388 = arith.constant 0 : i32
    %dma_start3A_389 = arith.constant 0 : i32
    %dma_start3A_390 = tpu.memref_slice %arg11[%dma_start3A_378, %dma_start3A_379, %dma_start3A_388, %dma_start3A_389] : memref<2x16x8x64xf32, #tpu.memory_space<vmem>> -> memref<1x1x8x64xf32, #tpu.memory_space<vmem>>
    %dma_start3A_391 = tpu.memref_squeeze %dma_start3A_390 : memref<1x1x8x64xf32, #tpu.memory_space<vmem>> -> memref<8x64xf32, #tpu.memory_space<vmem>>
    %dma_start3A_392 = arith.constant 0 : i32
    %dma_start3A_393 = arith.constant 0 : i32
    %dma_start3A_394 = tpu.memref_slice %arg5[%squeeze3A_377, %dma_start3A_392, %dma_start3A_393] : memref<125000x8x64xf32, #tpu.memory_space<hbm>> -> memref<1x8x64xf32, #tpu.memory_space<hbm>>
    %dma_start3A_395 = tpu.memref_squeeze %dma_start3A_394 : memref<1x8x64xf32, #tpu.memory_space<hbm>> -> memref<8x64xf32, #tpu.memory_space<hbm>>
    tpu.enqueue_dma source(%dma_start3A_395 : memref<8x64xf32, #tpu.memory_space<hbm>>) target(%dma_start3A_391 : memref<8x64xf32, #tpu.memory_space<vmem>>) target_semaphore(%arg15 : memref<!tpu.dma_semaphore, #tpu.memory_space<semaphore_mem>>)
    %slice3A_396 = vector.extract_strided_slice %shift_right_arithmetic3A_12 {offsets = [6], sizes = [1], strides = [1]} : vector<16xi32> to vector<1xi32>
    %squeeze3A_397 = vector.extract %slice3A_396[0] : i32 from vector<1xi32>
    %dma_start3A_398 = arith.constant 0 : i32
    %dma_start3A_399 = arith.constant 6 : i32
    %dma_start3A_400 = arith.constant 0 : i32
    %dma_start3A_401 = arith.constant 0 : i32
    %dma_start3A_402 = tpu.memref_slice %arg12[%dma_start3A_398, %dma_start3A_399, %dma_start3A_400, %dma_start3A_401] : memref<2x16x8x64xf32, #tpu.memory_space<vmem>> -> memref<1x1x8x64xf32, #tpu.memory_space<vmem>>
    %dma_start3A_403 = tpu.memref_squeeze %dma_start3A_402 : memref<1x1x8x64xf32, #tpu.memory_space<vmem>> -> memref<8x64xf32, #tpu.memory_space<vmem>>
    %dma_start3A_404 = arith.constant 0 : i32
    %dma_start3A_405 = arith.constant 0 : i32
    %dma_start3A_406 = tpu.memref_slice %arg6[%squeeze3A_397, %dma_start3A_404, %dma_start3A_405] : memref<125x8x64xf32, #tpu.memory_space<hbm>> -> memref<1x8x64xf32, #tpu.memory_space<hbm>>
    %dma_start3A_407 = tpu.memref_squeeze %dma_start3A_406 : memref<1x8x64xf32, #tpu.memory_space<hbm>> -> memref<8x64xf32, #tpu.memory_space<hbm>>
    %dma_start3A_408 = arith.constant 0 : i32
    %dma_start3A_409 = arith.constant 0 : i32
    %dma_start3A_410 = tpu.memref_slice %arg12[%dma_start3A_398, %dma_start3A_399, %dma_start3A_408, %dma_start3A_409] : memref<2x16x8x64xf32, #tpu.memory_space<vmem>> -> memref<1x1x8x64xf32, #tpu.memory_space<vmem>>
    %dma_start3A_411 = tpu.memref_squeeze %dma_start3A_410 : memref<1x1x8x64xf32, #tpu.memory_space<vmem>> -> memref<8x64xf32, #tpu.memory_space<vmem>>
    %dma_start3A_412 = arith.constant 0 : i32
    %dma_start3A_413 = arith.constant 0 : i32
    %dma_start3A_414 = tpu.memref_slice %arg6[%squeeze3A_397, %dma_start3A_412, %dma_start3A_413] : memref<125x8x64xf32, #tpu.memory_space<hbm>> -> memref<1x8x64xf32, #tpu.memory_space<hbm>>
    %dma_start3A_415 = tpu.memref_squeeze %dma_start3A_414 : memref<1x8x64xf32, #tpu.memory_space<hbm>> -> memref<8x64xf32, #tpu.memory_space<hbm>>
    tpu.enqueue_dma source(%dma_start3A_415 : memref<8x64xf32, #tpu.memory_space<hbm>>) target(%dma_start3A_411 : memref<8x64xf32, #tpu.memory_space<vmem>>) target_semaphore(%arg15 : memref<!tpu.dma_semaphore, #tpu.memory_space<semaphore_mem>>)
    %slice3A_416 = vector.extract_strided_slice %shift_right_arithmetic3A_18 {offsets = [6], sizes = [1], strides = [1]} : vector<16xi32> to vector<1xi32>
    %squeeze3A_417 = vector.extract %slice3A_416[0] : i32 from vector<1xi32>
    %dma_start3A_418 = arith.constant 0 : i32
    %dma_start3A_419 = arith.constant 6 : i32
    %dma_start3A_420 = arith.constant 0 : i32
    %dma_start3A_421 = arith.constant 0 : i32
    %dma_start3A_422 = tpu.memref_slice %arg13[%dma_start3A_418, %dma_start3A_419, %dma_start3A_420, %dma_start3A_421] : memref<2x16x8x64xf32, #tpu.memory_space<vmem>> -> memref<1x1x8x64xf32, #tpu.memory_space<vmem>>
    %dma_start3A_423 = tpu.memref_squeeze %dma_start3A_422 : memref<1x1x8x64xf32, #tpu.memory_space<vmem>> -> memref<8x64xf32, #tpu.memory_space<vmem>>
    %dma_start3A_424 = arith.constant 0 : i32
    %dma_start3A_425 = arith.constant 0 : i32
    %dma_start3A_426 = tpu.memref_slice %arg5[%squeeze3A_417, %dma_start3A_424, %dma_start3A_425] : memref<125000x8x64xf32, #tpu.memory_space<hbm>> -> memref<1x8x64xf32, #tpu.memory_space<hbm>>
    %dma_start3A_427 = tpu.memref_squeeze %dma_start3A_426 : memref<1x8x64xf32, #tpu.memory_space<hbm>> -> memref<8x64xf32, #tpu.memory_space<hbm>>
    %dma_start3A_428 = arith.constant 0 : i32
    %dma_start3A_429 = arith.constant 0 : i32
    %dma_start3A_430 = tpu.memref_slice %arg13[%dma_start3A_418, %dma_start3A_419, %dma_start3A_428, %dma_start3A_429] : memref<2x16x8x64xf32, #tpu.memory_space<vmem>> -> memref<1x1x8x64xf32, #tpu.memory_space<vmem>>
    %dma_start3A_431 = tpu.memref_squeeze %dma_start3A_430 : memref<1x1x8x64xf32, #tpu.memory_space<vmem>> -> memref<8x64xf32, #tpu.memory_space<vmem>>
    %dma_start3A_432 = arith.constant 0 : i32
    %dma_start3A_433 = arith.constant 0 : i32
    %dma_start3A_434 = tpu.memref_slice %arg5[%squeeze3A_417, %dma_start3A_432, %dma_start3A_433] : memref<125000x8x64xf32, #tpu.memory_space<hbm>> -> memref<1x8x64xf32, #tpu.memory_space<hbm>>
    %dma_start3A_435 = tpu.memref_squeeze %dma_start3A_434 : memref<1x8x64xf32, #tpu.memory_space<hbm>> -> memref<8x64xf32, #tpu.memory_space<hbm>>
    tpu.enqueue_dma source(%dma_start3A_435 : memref<8x64xf32, #tpu.memory_space<hbm>>) target(%dma_start3A_431 : memref<8x64xf32, #tpu.memory_space<vmem>>) target_semaphore(%arg15 : memref<!tpu.dma_semaphore, #tpu.memory_space<semaphore_mem>>)
    %slice3A_436 = vector.extract_strided_slice %shift_right_arithmetic3A_6 {offsets = [7], sizes = [1], strides = [1]} : vector<16xi32> to vector<1xi32>
    %squeeze3A_437 = vector.extract %slice3A_436[0] : i32 from vector<1xi32>
    %dma_start3A_438 = arith.constant 0 : i32
    %dma_start3A_439 = arith.constant 7 : i32
    %dma_start3A_440 = arith.constant 0 : i32
    %dma_start3A_441 = arith.constant 0 : i32
    %dma_start3A_442 = tpu.memref_slice %arg11[%dma_start3A_438, %dma_start3A_439, %dma_start3A_440, %dma_start3A_441] : memref<2x16x8x64xf32, #tpu.memory_space<vmem>> -> memref<1x1x8x64xf32, #tpu.memory_space<vmem>>
    %dma_start3A_443 = tpu.memref_squeeze %dma_start3A_442 : memref<1x1x8x64xf32, #tpu.memory_space<vmem>> -> memref<8x64xf32, #tpu.memory_space<vmem>>
    %dma_start3A_444 = arith.constant 0 : i32
    %dma_start3A_445 = arith.constant 0 : i32
    %dma_start3A_446 = tpu.memref_slice %arg5[%squeeze3A_437, %dma_start3A_444, %dma_start3A_445] : memref<125000x8x64xf32, #tpu.memory_space<hbm>> -> memref<1x8x64xf32, #tpu.memory_space<hbm>>
    %dma_start3A_447 = tpu.memref_squeeze %dma_start3A_446 : memref<1x8x64xf32, #tpu.memory_space<hbm>> -> memref<8x64xf32, #tpu.memory_space<hbm>>
    %dma_start3A_448 = arith.constant 0 : i32
    %dma_start3A_449 = arith.constant 0 : i32
    %dma_start3A_450 = tpu.memref_slice %arg11[%dma_start3A_438, %dma_start3A_439, %dma_start3A_448, %dma_start3A_449] : memref<2x16x8x64xf32, #tpu.memory_space<vmem>> -> memref<1x1x8x64xf32, #tpu.memory_space<vmem>>
    %dma_start3A_451 = tpu.memref_squeeze %dma_start3A_450 : memref<1x1x8x64xf32, #tpu.memory_space<vmem>> -> memref<8x64xf32, #tpu.memory_space<vmem>>
    %dma_start3A_452 = arith.constant 0 : i32
    %dma_start3A_453 = arith.constant 0 : i32
    %dma_start3A_454 = tpu.memref_slice %arg5[%squeeze3A_437, %dma_start3A_452, %dma_start3A_453] : memref<125000x8x64xf32, #tpu.memory_space<hbm>> -> memref<1x8x64xf32, #tpu.memory_space<hbm>>
    %dma_start3A_455 = tpu.memref_squeeze %dma_start3A_454 : memref<1x8x64xf32, #tpu.memory_space<hbm>> -> memref<8x64xf32, #tpu.memory_space<hbm>>
    tpu.enqueue_dma source(%dma_start3A_455 : memref<8x64xf32, #tpu.memory_space<hbm>>) target(%dma_start3A_451 : memref<8x64xf32, #tpu.memory_space<vmem>>) target_semaphore(%arg15 : memref<!tpu.dma_semaphore, #tpu.memory_space<semaphore_mem>>)
    %slice3A_456 = vector.extract_strided_slice %shift_right_arithmetic3A_12 {offsets = [7], sizes = [1], strides = [1]} : vector<16xi32> to vector<1xi32>
    %squeeze3A_457 = vector.extract %slice3A_456[0] : i32 from vector<1xi32>
    %dma_start3A_458 = arith.constant 0 : i32
    %dma_start3A_459 = arith.constant 7 : i32
    %dma_start3A_460 = arith.constant 0 : i32
    %dma_start3A_461 = arith.constant 0 : i32
    %dma_start3A_462 = tpu.memref_slice %arg12[%dma_start3A_458, %dma_start3A_459, %dma_start3A_460, %dma_start3A_461] : memref<2x16x8x64xf32, #tpu.memory_space<vmem>> -> memref<1x1x8x64xf32, #tpu.memory_space<vmem>>
    %dma_start3A_463 = tpu.memref_squeeze %dma_start3A_462 : memref<1x1x8x64xf32, #tpu.memory_space<vmem>> -> memref<8x64xf32, #tpu.memory_space<vmem>>
    %dma_start3A_464 = arith.constant 0 : i32
    %dma_start3A_465 = arith.constant 0 : i32
    %dma_start3A_466 = tpu.memref_slice %arg6[%squeeze3A_457, %dma_start3A_464, %dma_start3A_465] : memref<125x8x64xf32, #tpu.memory_space<hbm>> -> memref<1x8x64xf32, #tpu.memory_space<hbm>>
    %dma_start3A_467 = tpu.memref_squeeze %dma_start3A_466 : memref<1x8x64xf32, #tpu.memory_space<hbm>> -> memref<8x64xf32, #tpu.memory_space<hbm>>
    %dma_start3A_468 = arith.constant 0 : i32
    %dma_start3A_469 = arith.constant 0 : i32
    %dma_start3A_470 = tpu.memref_slice %arg12[%dma_start3A_458, %dma_start3A_459, %dma_start3A_468, %dma_start3A_469] : memref<2x16x8x64xf32, #tpu.memory_space<vmem>> -> memref<1x1x8x64xf32, #tpu.memory_space<vmem>>
    %dma_start3A_471 = tpu.memref_squeeze %dma_start3A_470 : memref<1x1x8x64xf32, #tpu.memory_space<vmem>> -> memref<8x64xf32, #tpu.memory_space<vmem>>
    %dma_start3A_472 = arith.constant 0 : i32
    %dma_start3A_473 = arith.constant 0 : i32
    %dma_start3A_474 = tpu.memref_slice %arg6[%squeeze3A_457, %dma_start3A_472, %dma_start3A_473] : memref<125x8x64xf32, #tpu.memory_space<hbm>> -> memref<1x8x64xf32, #tpu.memory_space<hbm>>
    %dma_start3A_475 = tpu.memref_squeeze %dma_start3A_474 : memref<1x8x64xf32, #tpu.memory_space<hbm>> -> memref<8x64xf32, #tpu.memory_space<hbm>>
    tpu.enqueue_dma source(%dma_start3A_475 : memref<8x64xf32, #tpu.memory_space<hbm>>) target(%dma_start3A_471 : memref<8x64xf32, #tpu.memory_space<vmem>>) target_semaphore(%arg15 : memref<!tpu.dma_semaphore, #tpu.memory_space<semaphore_mem>>)
    %slice3A_476 = vector.extract_strided_slice %shift_right_arithmetic3A_18 {offsets = [7], sizes = [1], strides = [1]} : vector<16xi32> to vector<1xi32>
    %squeeze3A_477 = vector.extract %slice3A_476[0] : i32 from vector<1xi32>
    %dma_start3A_478 = arith.constant 0 : i32
    %dma_start3A_479 = arith.constant 7 : i32
    %dma_start3A_480 = arith.constant 0 : i32
    %dma_start3A_481 = arith.constant 0 : i32
    %dma_start3A_482 = tpu.memref_slice %arg13[%dma_start3A_478, %dma_start3A_479, %dma_start3A_480, %dma_start3A_481] : memref<2x16x8x64xf32, #tpu.memory_space<vmem>> -> memref<1x1x8x64xf32, #tpu.memory_space<vmem>>
    %dma_start3A_483 = tpu.memref_squeeze %dma_start3A_482 : memref<1x1x8x64xf32, #tpu.memory_space<vmem>> -> memref<8x64xf32, #tpu.memory_space<vmem>>
    %dma_start3A_484 = arith.constant 0 : i32
    %dma_start3A_485 = arith.constant 0 : i32
    %dma_start3A_486 = tpu.memref_slice %arg5[%squeeze3A_477, %dma_start3A_484, %dma_start3A_485] : memref<125000x8x64xf32, #tpu.memory_space<hbm>> -> memref<1x8x64xf32, #tpu.memory_space<hbm>>
    %dma_start3A_487 = tpu.memref_squeeze %dma_start3A_486 : memref<1x8x64xf32, #tpu.memory_space<hbm>> -> memref<8x64xf32, #tpu.memory_space<hbm>>
    %dma_start3A_488 = arith.constant 0 : i32
    %dma_start3A_489 = arith.constant 0 : i32
    %dma_start3A_490 = tpu.memref_slice %arg13[%dma_start3A_478, %dma_start3A_479, %dma_start3A_488, %dma_start3A_489] : memref<2x16x8x64xf32, #tpu.memory_space<vmem>> -> memref<1x1x8x64xf32, #tpu.memory_space<vmem>>
    %dma_start3A_491 = tpu.memref_squeeze %dma_start3A_490 : memref<1x1x8x64xf32, #tpu.memory_space<vmem>> -> memref<8x64xf32, #tpu.memory_space<vmem>>
    %dma_start3A_492 = arith.constant 0 : i32
    %dma_start3A_493 = arith.constant 0 : i32
    %dma_start3A_494 = tpu.memref_slice %arg5[%squeeze3A_477, %dma_start3A_492, %dma_start3A_493] : memref<125000x8x64xf32, #tpu.memory_space<hbm>> -> memref<1x8x64xf32, #tpu.memory_space<hbm>>
    %dma_start3A_495 = tpu.memref_squeeze %dma_start3A_494 : memref<1x8x64xf32, #tpu.memory_space<hbm>> -> memref<8x64xf32, #tpu.memory_space<hbm>>
    tpu.enqueue_dma source(%dma_start3A_495 : memref<8x64xf32, #tpu.memory_space<hbm>>) target(%dma_start3A_491 : memref<8x64xf32, #tpu.memory_space<vmem>>) target_semaphore(%arg15 : memref<!tpu.dma_semaphore, #tpu.memory_space<semaphore_mem>>)
    %slice3A_496 = vector.extract_strided_slice %shift_right_arithmetic3A_6 {offsets = [8], sizes = [1], strides = [1]} : vector<16xi32> to vector<1xi32>
    %squeeze3A_497 = vector.extract %slice3A_496[0] : i32 from vector<1xi32>
    %dma_start3A_498 = arith.constant 0 : i32
    %dma_start3A_499 = arith.constant 8 : i32
    %dma_start3A_500 = arith.constant 0 : i32
    %dma_start3A_501 = arith.constant 0 : i32
    %dma_start3A_502 = tpu.memref_slice %arg11[%dma_start3A_498, %dma_start3A_499, %dma_start3A_500, %dma_start3A_501] : memref<2x16x8x64xf32, #tpu.memory_space<vmem>> -> memref<1x1x8x64xf32, #tpu.memory_space<vmem>>
    %dma_start3A_503 = tpu.memref_squeeze %dma_start3A_502 : memref<1x1x8x64xf32, #tpu.memory_space<vmem>> -> memref<8x64xf32, #tpu.memory_space<vmem>>
    %dma_start3A_504 = arith.constant 0 : i32
    %dma_start3A_505 = arith.constant 0 : i32
    %dma_start3A_506 = tpu.memref_slice %arg5[%squeeze3A_497, %dma_start3A_504, %dma_start3A_505] : memref<125000x8x64xf32, #tpu.memory_space<hbm>> -> memref<1x8x64xf32, #tpu.memory_space<hbm>>
    %dma_start3A_507 = tpu.memref_squeeze %dma_start3A_506 : memref<1x8x64xf32, #tpu.memory_space<hbm>> -> memref<8x64xf32, #tpu.memory_space<hbm>>
    %dma_start3A_508 = arith.constant 0 : i32
    %dma_start3A_509 = arith.constant 0 : i32
    %dma_start3A_510 = tpu.memref_slice %arg11[%dma_start3A_498, %dma_start3A_499, %dma_start3A_508, %dma_start3A_509] : memref<2x16x8x64xf32, #tpu.memory_space<vmem>> -> memref<1x1x8x64xf32, #tpu.memory_space<vmem>>
    %dma_start3A_511 = tpu.memref_squeeze %dma_start3A_510 : memref<1x1x8x64xf32, #tpu.memory_space<vmem>> -> memref<8x64xf32, #tpu.memory_space<vmem>>
    %dma_start3A_512 = arith.constant 0 : i32
    %dma_start3A_513 = arith.constant 0 : i32
    %dma_start3A_514 = tpu.memref_slice %arg5[%squeeze3A_497, %dma_start3A_512, %dma_start3A_513] : memref<125000x8x64xf32, #tpu.memory_space<hbm>> -> memref<1x8x64xf32, #tpu.memory_space<hbm>>
    %dma_start3A_515 = tpu.memref_squeeze %dma_start3A_514 : memref<1x8x64xf32, #tpu.memory_space<hbm>> -> memref<8x64xf32, #tpu.memory_space<hbm>>
    tpu.enqueue_dma source(%dma_start3A_515 : memref<8x64xf32, #tpu.memory_space<hbm>>) target(%dma_start3A_511 : memref<8x64xf32, #tpu.memory_space<vmem>>) target_semaphore(%arg15 : memref<!tpu.dma_semaphore, #tpu.memory_space<semaphore_mem>>)
    %slice3A_516 = vector.extract_strided_slice %shift_right_arithmetic3A_12 {offsets = [8], sizes = [1], strides = [1]} : vector<16xi32> to vector<1xi32>
    %squeeze3A_517 = vector.extract %slice3A_516[0] : i32 from vector<1xi32>
    %dma_start3A_518 = arith.constant 0 : i32
    %dma_start3A_519 = arith.constant 8 : i32
    %dma_start3A_520 = arith.constant 0 : i32
    %dma_start3A_521 = arith.constant 0 : i32
    %dma_start3A_522 = tpu.memref_slice %arg12[%dma_start3A_518, %dma_start3A_519, %dma_start3A_520, %dma_start3A_521] : memref<2x16x8x64xf32, #tpu.memory_space<vmem>> -> memref<1x1x8x64xf32, #tpu.memory_space<vmem>>
    %dma_start3A_523 = tpu.memref_squeeze %dma_start3A_522 : memref<1x1x8x64xf32, #tpu.memory_space<vmem>> -> memref<8x64xf32, #tpu.memory_space<vmem>>
    %dma_start3A_524 = arith.constant 0 : i32
    %dma_start3A_525 = arith.constant 0 : i32
    %dma_start3A_526 = tpu.memref_slice %arg6[%squeeze3A_517, %dma_start3A_524, %dma_start3A_525] : memref<125x8x64xf32, #tpu.memory_space<hbm>> -> memref<1x8x64xf32, #tpu.memory_space<hbm>>
    %dma_start3A_527 = tpu.memref_squeeze %dma_start3A_526 : memref<1x8x64xf32, #tpu.memory_space<hbm>> -> memref<8x64xf32, #tpu.memory_space<hbm>>
    %dma_start3A_528 = arith.constant 0 : i32
    %dma_start3A_529 = arith.constant 0 : i32
    %dma_start3A_530 = tpu.memref_slice %arg12[%dma_start3A_518, %dma_start3A_519, %dma_start3A_528, %dma_start3A_529] : memref<2x16x8x64xf32, #tpu.memory_space<vmem>> -> memref<1x1x8x64xf32, #tpu.memory_space<vmem>>
    %dma_start3A_531 = tpu.memref_squeeze %dma_start3A_530 : memref<1x1x8x64xf32, #tpu.memory_space<vmem>> -> memref<8x64xf32, #tpu.memory_space<vmem>>
    %dma_start3A_532 = arith.constant 0 : i32
    %dma_start3A_533 = arith.constant 0 : i32
    %dma_start3A_534 = tpu.memref_slice %arg6[%squeeze3A_517, %dma_start3A_532, %dma_start3A_533] : memref<125x8x64xf32, #tpu.memory_space<hbm>> -> memref<1x8x64xf32, #tpu.memory_space<hbm>>
    %dma_start3A_535 = tpu.memref_squeeze %dma_start3A_534 : memref<1x8x64xf32, #tpu.memory_space<hbm>> -> memref<8x64xf32, #tpu.memory_space<hbm>>
    tpu.enqueue_dma source(%dma_start3A_535 : memref<8x64xf32, #tpu.memory_space<hbm>>) target(%dma_start3A_531 : memref<8x64xf32, #tpu.memory_space<vmem>>) target_semaphore(%arg15 : memref<!tpu.dma_semaphore, #tpu.memory_space<semaphore_mem>>)
    %slice3A_536 = vector.extract_strided_slice %shift_right_arithmetic3A_18 {offsets = [8], sizes = [1], strides = [1]} : vector<16xi32> to vector<1xi32>
    %squeeze3A_537 = vector.extract %slice3A_536[0] : i32 from vector<1xi32>
    %dma_start3A_538 = arith.constant 0 : i32
    %dma_start3A_539 = arith.constant 8 : i32
    %dma_start3A_540 = arith.constant 0 : i32
    %dma_start3A_541 = arith.constant 0 : i32
    %dma_start3A_542 = tpu.memref_slice %arg13[%dma_start3A_538, %dma_start3A_539, %dma_start3A_540, %dma_start3A_541] : memref<2x16x8x64xf32, #tpu.memory_space<vmem>> -> memref<1x1x8x64xf32, #tpu.memory_space<vmem>>
    %dma_start3A_543 = tpu.memref_squeeze %dma_start3A_542 : memref<1x1x8x64xf32, #tpu.memory_space<vmem>> -> memref<8x64xf32, #tpu.memory_space<vmem>>
    %dma_start3A_544 = arith.constant 0 : i32
    %dma_start3A_545 = arith.constant 0 : i32
    %dma_start3A_546 = tpu.memref_slice %arg5[%squeeze3A_537, %dma_start3A_544, %dma_start3A_545] : memref<125000x8x64xf32, #tpu.memory_space<hbm>> -> memref<1x8x64xf32, #tpu.memory_space<hbm>>
    %dma_start3A_547 = tpu.memref_squeeze %dma_start3A_546 : memref<1x8x64xf32, #tpu.memory_space<hbm>> -> memref<8x64xf32, #tpu.memory_space<hbm>>
    %dma_start3A_548 = arith.constant 0 : i32
    %dma_start3A_549 = arith.constant 0 : i32
    %dma_start3A_550 = tpu.memref_slice %arg13[%dma_start3A_538, %dma_start3A_539, %dma_start3A_548, %dma_start3A_549] : memref<2x16x8x64xf32, #tpu.memory_space<vmem>> -> memref<1x1x8x64xf32, #tpu.memory_space<vmem>>
    %dma_start3A_551 = tpu.memref_squeeze %dma_start3A_550 : memref<1x1x8x64xf32, #tpu.memory_space<vmem>> -> memref<8x64xf32, #tpu.memory_space<vmem>>
    %dma_start3A_552 = arith.constant 0 : i32
    %dma_start3A_553 = arith.constant 0 : i32
    %dma_start3A_554 = tpu.memref_slice %arg5[%squeeze3A_537, %dma_start3A_552, %dma_start3A_553] : memref<125000x8x64xf32, #tpu.memory_space<hbm>> -> memref<1x8x64xf32, #tpu.memory_space<hbm>>
    %dma_start3A_555 = tpu.memref_squeeze %dma_start3A_554 : memref<1x8x64xf32, #tpu.memory_space<hbm>> -> memref<8x64xf32, #tpu.memory_space<hbm>>
    tpu.enqueue_dma source(%dma_start3A_555 : memref<8x64xf32, #tpu.memory_space<hbm>>) target(%dma_start3A_551 : memref<8x64xf32, #tpu.memory_space<vmem>>) target_semaphore(%arg15 : memref<!tpu.dma_semaphore, #tpu.memory_space<semaphore_mem>>)
    %slice3A_556 = vector.extract_strided_slice %shift_right_arithmetic3A_6 {offsets = [9], sizes = [1], strides = [1]} : vector<16xi32> to vector<1xi32>
    %squeeze3A_557 = vector.extract %slice3A_556[0] : i32 from vector<1xi32>
    %dma_start3A_558 = arith.constant 0 : i32
    %dma_start3A_559 = arith.constant 9 : i32
    %dma_start3A_560 = arith.constant 0 : i32
    %dma_start3A_561 = arith.constant 0 : i32
    %dma_start3A_562 = tpu.memref_slice %arg11[%dma_start3A_558, %dma_start3A_559, %dma_start3A_560, %dma_start3A_561] : memref<2x16x8x64xf32, #tpu.memory_space<vmem>> -> memref<1x1x8x64xf32, #tpu.memory_space<vmem>>
    %dma_start3A_563 = tpu.memref_squeeze %dma_start3A_562 : memref<1x1x8x64xf32, #tpu.memory_space<vmem>> -> memref<8x64xf32, #tpu.memory_space<vmem>>
    %dma_start3A_564 = arith.constant 0 : i32
    %dma_start3A_565 = arith.constant 0 : i32
    %dma_start3A_566 = tpu.memref_slice %arg5[%squeeze3A_557, %dma_start3A_564, %dma_start3A_565] : memref<125000x8x64xf32, #tpu.memory_space<hbm>> -> memref<1x8x64xf32, #tpu.memory_space<hbm>>
    %dma_start3A_567 = tpu.memref_squeeze %dma_start3A_566 : memref<1x8x64xf32, #tpu.memory_space<hbm>> -> memref<8x64xf32, #tpu.memory_space<hbm>>
    %dma_start3A_568 = arith.constant 0 : i32
    %dma_start3A_569 = arith.constant 0 : i32
    %dma_start3A_570 = tpu.memref_slice %arg11[%dma_start3A_558, %dma_start3A_559, %dma_start3A_568, %dma_start3A_569] : memref<2x16x8x64xf32, #tpu.memory_space<vmem>> -> memref<1x1x8x64xf32, #tpu.memory_space<vmem>>
    %dma_start3A_571 = tpu.memref_squeeze %dma_start3A_570 : memref<1x1x8x64xf32, #tpu.memory_space<vmem>> -> memref<8x64xf32, #tpu.memory_space<vmem>>
    %dma_start3A_572 = arith.constant 0 : i32
    %dma_start3A_573 = arith.constant 0 : i32
    %dma_start3A_574 = tpu.memref_slice %arg5[%squeeze3A_557, %dma_start3A_572, %dma_start3A_573] : memref<125000x8x64xf32, #tpu.memory_space<hbm>> -> memref<1x8x64xf32, #tpu.memory_space<hbm>>
    %dma_start3A_575 = tpu.memref_squeeze %dma_start3A_574 : memref<1x8x64xf32, #tpu.memory_space<hbm>> -> memref<8x64xf32, #tpu.memory_space<hbm>>
    tpu.enqueue_dma source(%dma_start3A_575 : memref<8x64xf32, #tpu.memory_space<hbm>>) target(%dma_start3A_571 : memref<8x64xf32, #tpu.memory_space<vmem>>) target_semaphore(%arg15 : memref<!tpu.dma_semaphore, #tpu.memory_space<semaphore_mem>>)
    %slice3A_576 = vector.extract_strided_slice %shift_right_arithmetic3A_12 {offsets = [9], sizes = [1], strides = [1]} : vector<16xi32> to vector<1xi32>
    %squeeze3A_577 = vector.extract %slice3A_576[0] : i32 from vector<1xi32>
    %dma_start3A_578 = arith.constant 0 : i32
    %dma_start3A_579 = arith.constant 9 : i32
    %dma_start3A_580 = arith.constant 0 : i32
    %dma_start3A_581 = arith.constant 0 : i32
    %dma_start3A_582 = tpu.memref_slice %arg12[%dma_start3A_578, %dma_start3A_579, %dma_start3A_580, %dma_start3A_581] : memref<2x16x8x64xf32, #tpu.memory_space<vmem>> -> memref<1x1x8x64xf32, #tpu.memory_space<vmem>>
    %dma_start3A_583 = tpu.memref_squeeze %dma_start3A_582 : memref<1x1x8x64xf32, #tpu.memory_space<vmem>> -> memref<8x64xf32, #tpu.memory_space<vmem>>
    %dma_start3A_584 = arith.constant 0 : i32
    %dma_start3A_585 = arith.constant 0 : i32
    %dma_start3A_586 = tpu.memref_slice %arg6[%squeeze3A_577, %dma_start3A_584, %dma_start3A_585] : memref<125x8x64xf32, #tpu.memory_space<hbm>> -> memref<1x8x64xf32, #tpu.memory_space<hbm>>
    %dma_start3A_587 = tpu.memref_squeeze %dma_start3A_586 : memref<1x8x64xf32, #tpu.memory_space<hbm>> -> memref<8x64xf32, #tpu.memory_space<hbm>>
    %dma_start3A_588 = arith.constant 0 : i32
    %dma_start3A_589 = arith.constant 0 : i32
    %dma_start3A_590 = tpu.memref_slice %arg12[%dma_start3A_578, %dma_start3A_579, %dma_start3A_588, %dma_start3A_589] : memref<2x16x8x64xf32, #tpu.memory_space<vmem>> -> memref<1x1x8x64xf32, #tpu.memory_space<vmem>>
    %dma_start3A_591 = tpu.memref_squeeze %dma_start3A_590 : memref<1x1x8x64xf32, #tpu.memory_space<vmem>> -> memref<8x64xf32, #tpu.memory_space<vmem>>
    %dma_start3A_592 = arith.constant 0 : i32
    %dma_start3A_593 = arith.constant 0 : i32
    %dma_start3A_594 = tpu.memref_slice %arg6[%squeeze3A_577, %dma_start3A_592, %dma_start3A_593] : memref<125x8x64xf32, #tpu.memory_space<hbm>> -> memref<1x8x64xf32, #tpu.memory_space<hbm>>
    %dma_start3A_595 = tpu.memref_squeeze %dma_start3A_594 : memref<1x8x64xf32, #tpu.memory_space<hbm>> -> memref<8x64xf32, #tpu.memory_space<hbm>>
    tpu.enqueue_dma source(%dma_start3A_595 : memref<8x64xf32, #tpu.memory_space<hbm>>) target(%dma_start3A_591 : memref<8x64xf32, #tpu.memory_space<vmem>>) target_semaphore(%arg15 : memref<!tpu.dma_semaphore, #tpu.memory_space<semaphore_mem>>)
    %slice3A_596 = vector.extract_strided_slice %shift_right_arithmetic3A_18 {offsets = [9], sizes = [1], strides = [1]} : vector<16xi32> to vector<1xi32>
    %squeeze3A_597 = vector.extract %slice3A_596[0] : i32 from vector<1xi32>
    %dma_start3A_598 = arith.constant 0 : i32
    %dma_start3A_599 = arith.constant 9 : i32
    %dma_start3A_600 = arith.constant 0 : i32
    %dma_start3A_601 = arith.constant 0 : i32
    %dma_start3A_602 = tpu.memref_slice %arg13[%dma_start3A_598, %dma_start3A_599, %dma_start3A_600, %dma_start3A_601] : memref<2x16x8x64xf32, #tpu.memory_space<vmem>> -> memref<1x1x8x64xf32, #tpu.memory_space<vmem>>
    %dma_start3A_603 = tpu.memref_squeeze %dma_start3A_602 : memref<1x1x8x64xf32, #tpu.memory_space<vmem>> -> memref<8x64xf32, #tpu.memory_space<vmem>>
    %dma_start3A_604 = arith.constant 0 : i32
    %dma_start3A_605 = arith.constant 0 : i32
    %dma_start3A_606 = tpu.memref_slice %arg5[%squeeze3A_597, %dma_start3A_604, %dma_start3A_605] : memref<125000x8x64xf32, #tpu.memory_space<hbm>> -> memref<1x8x64xf32, #tpu.memory_space<hbm>>
    %dma_start3A_607 = tpu.memref_squeeze %dma_start3A_606 : memref<1x8x64xf32, #tpu.memory_space<hbm>> -> memref<8x64xf32, #tpu.memory_space<hbm>>
    %dma_start3A_608 = arith.constant 0 : i32
    %dma_start3A_609 = arith.constant 0 : i32
    %dma_start3A_610 = tpu.memref_slice %arg13[%dma_start3A_598, %dma_start3A_599, %dma_start3A_608, %dma_start3A_609] : memref<2x16x8x64xf32, #tpu.memory_space<vmem>> -> memref<1x1x8x64xf32, #tpu.memory_space<vmem>>
    %dma_start3A_611 = tpu.memref_squeeze %dma_start3A_610 : memref<1x1x8x64xf32, #tpu.memory_space<vmem>> -> memref<8x64xf32, #tpu.memory_space<vmem>>
    %dma_start3A_612 = arith.constant 0 : i32
    %dma_start3A_613 = arith.constant 0 : i32
    %dma_start3A_614 = tpu.memref_slice %arg5[%squeeze3A_597, %dma_start3A_612, %dma_start3A_613] : memref<125000x8x64xf32, #tpu.memory_space<hbm>> -> memref<1x8x64xf32, #tpu.memory_space<hbm>>
    %dma_start3A_615 = tpu.memref_squeeze %dma_start3A_614 : memref<1x8x64xf32, #tpu.memory_space<hbm>> -> memref<8x64xf32, #tpu.memory_space<hbm>>
    tpu.enqueue_dma source(%dma_start3A_615 : memref<8x64xf32, #tpu.memory_space<hbm>>) target(%dma_start3A_611 : memref<8x64xf32, #tpu.memory_space<vmem>>) target_semaphore(%arg15 : memref<!tpu.dma_semaphore, #tpu.memory_space<semaphore_mem>>)
    %slice3A_616 = vector.extract_strided_slice %shift_right_arithmetic3A_6 {offsets = [10], sizes = [1], strides = [1]} : vector<16xi32> to vector<1xi32>
    %squeeze3A_617 = vector.extract %slice3A_616[0] : i32 from vector<1xi32>
    %dma_start3A_618 = arith.constant 0 : i32
    %dma_start3A_619 = arith.constant 10 : i32
    %dma_start3A_620 = arith.constant 0 : i32
    %dma_start3A_621 = arith.constant 0 : i32
    %dma_start3A_622 = tpu.memref_slice %arg11[%dma_start3A_618, %dma_start3A_619, %dma_start3A_620, %dma_start3A_621] : memref<2x16x8x64xf32, #tpu.memory_space<vmem>> -> memref<1x1x8x64xf32, #tpu.memory_space<vmem>>
    %dma_start3A_623 = tpu.memref_squeeze %dma_start3A_622 : memref<1x1x8x64xf32, #tpu.memory_space<vmem>> -> memref<8x64xf32, #tpu.memory_space<vmem>>
    %dma_start3A_624 = arith.constant 0 : i32
    %dma_start3A_625 = arith.constant 0 : i32
    %dma_start3A_626 = tpu.memref_slice %arg5[%squeeze3A_617, %dma_start3A_624, %dma_start3A_625] : memref<125000x8x64xf32, #tpu.memory_space<hbm>> -> memref<1x8x64xf32, #tpu.memory_space<hbm>>
    %dma_start3A_627 = tpu.memref_squeeze %dma_start3A_626 : memref<1x8x64xf32, #tpu.memory_space<hbm>> -> memref<8x64xf32, #tpu.memory_space<hbm>>
    %dma_start3A_628 = arith.constant 0 : i32
    %dma_start3A_629 = arith.constant 0 : i32
    %dma_start3A_630 = tpu.memref_slice %arg11[%dma_start3A_618, %dma_start3A_619, %dma_start3A_628, %dma_start3A_629] : memref<2x16x8x64xf32, #tpu.memory_space<vmem>> -> memref<1x1x8x64xf32, #tpu.memory_space<vmem>>
    %dma_start3A_631 = tpu.memref_squeeze %dma_start3A_630 : memref<1x1x8x64xf32, #tpu.memory_space<vmem>> -> memref<8x64xf32, #tpu.memory_space<vmem>>
    %dma_start3A_632 = arith.constant 0 : i32
    %dma_start3A_633 = arith.constant 0 : i32
    %dma_start3A_634 = tpu.memref_slice %arg5[%squeeze3A_617, %dma_start3A_632, %dma_start3A_633] : memref<125000x8x64xf32, #tpu.memory_space<hbm>> -> memref<1x8x64xf32, #tpu.memory_space<hbm>>
    %dma_start3A_635 = tpu.memref_squeeze %dma_start3A_634 : memref<1x8x64xf32, #tpu.memory_space<hbm>> -> memref<8x64xf32, #tpu.memory_space<hbm>>
    tpu.enqueue_dma source(%dma_start3A_635 : memref<8x64xf32, #tpu.memory_space<hbm>>) target(%dma_start3A_631 : memref<8x64xf32, #tpu.memory_space<vmem>>) target_semaphore(%arg15 : memref<!tpu.dma_semaphore, #tpu.memory_space<semaphore_mem>>)
    %slice3A_636 = vector.extract_strided_slice %shift_right_arithmetic3A_12 {offsets = [10], sizes = [1], strides = [1]} : vector<16xi32> to vector<1xi32>
    %squeeze3A_637 = vector.extract %slice3A_636[0] : i32 from vector<1xi32>
    %dma_start3A_638 = arith.constant 0 : i32
    %dma_start3A_639 = arith.constant 10 : i32
    %dma_start3A_640 = arith.constant 0 : i32
    %dma_start3A_641 = arith.constant 0 : i32
    %dma_start3A_642 = tpu.memref_slice %arg12[%dma_start3A_638, %dma_start3A_639, %dma_start3A_640, %dma_start3A_641] : memref<2x16x8x64xf32, #tpu.memory_space<vmem>> -> memref<1x1x8x64xf32, #tpu.memory_space<vmem>>
    %dma_start3A_643 = tpu.memref_squeeze %dma_start3A_642 : memref<1x1x8x64xf32, #tpu.memory_space<vmem>> -> memref<8x64xf32, #tpu.memory_space<vmem>>
    %dma_start3A_644 = arith.constant 0 : i32
    %dma_start3A_645 = arith.constant 0 : i32
    %dma_start3A_646 = tpu.memref_slice %arg6[%squeeze3A_637, %dma_start3A_644, %dma_start3A_645] : memref<125x8x64xf32, #tpu.memory_space<hbm>> -> memref<1x8x64xf32, #tpu.memory_space<hbm>>
    %dma_start3A_647 = tpu.memref_squeeze %dma_start3A_646 : memref<1x8x64xf32, #tpu.memory_space<hbm>> -> memref<8x64xf32, #tpu.memory_space<hbm>>
    %dma_start3A_648 = arith.constant 0 : i32
    %dma_start3A_649 = arith.constant 0 : i32
    %dma_start3A_650 = tpu.memref_slice %arg12[%dma_start3A_638, %dma_start3A_639, %dma_start3A_648, %dma_start3A_649] : memref<2x16x8x64xf32, #tpu.memory_space<vmem>> -> memref<1x1x8x64xf32, #tpu.memory_space<vmem>>
    %dma_start3A_651 = tpu.memref_squeeze %dma_start3A_650 : memref<1x1x8x64xf32, #tpu.memory_space<vmem>> -> memref<8x64xf32, #tpu.memory_space<vmem>>
    %dma_start3A_652 = arith.constant 0 : i32
    %dma_start3A_653 = arith.constant 0 : i32
    %dma_start3A_654 = tpu.memref_slice %arg6[%squeeze3A_637, %dma_start3A_652, %dma_start3A_653] : memref<125x8x64xf32, #tpu.memory_space<hbm>> -> memref<1x8x64xf32, #tpu.memory_space<hbm>>
    %dma_start3A_655 = tpu.memref_squeeze %dma_start3A_654 : memref<1x8x64xf32, #tpu.memory_space<hbm>> -> memref<8x64xf32, #tpu.memory_space<hbm>>
    tpu.enqueue_dma source(%dma_start3A_655 : memref<8x64xf32, #tpu.memory_space<hbm>>) target(%dma_start3A_651 : memref<8x64xf32, #tpu.memory_space<vmem>>) target_semaphore(%arg15 : memref<!tpu.dma_semaphore, #tpu.memory_space<semaphore_mem>>)
    %slice3A_656 = vector.extract_strided_slice %shift_right_arithmetic3A_18 {offsets = [10], sizes = [1], strides = [1]} : vector<16xi32> to vector<1xi32>
    %squeeze3A_657 = vector.extract %slice3A_656[0] : i32 from vector<1xi32>
    %dma_start3A_658 = arith.constant 0 : i32
    %dma_start3A_659 = arith.constant 10 : i32
    %dma_start3A_660 = arith.constant 0 : i32
    %dma_start3A_661 = arith.constant 0 : i32
    %dma_start3A_662 = tpu.memref_slice %arg13[%dma_start3A_658, %dma_start3A_659, %dma_start3A_660, %dma_start3A_661] : memref<2x16x8x64xf32, #tpu.memory_space<vmem>> -> memref<1x1x8x64xf32, #tpu.memory_space<vmem>>
    %dma_start3A_663 = tpu.memref_squeeze %dma_start3A_662 : memref<1x1x8x64xf32, #tpu.memory_space<vmem>> -> memref<8x64xf32, #tpu.memory_space<vmem>>
    %dma_start3A_664 = arith.constant 0 : i32
    %dma_start3A_665 = arith.constant 0 : i32
    %dma_start3A_666 = tpu.memref_slice %arg5[%squeeze3A_657, %dma_start3A_664, %dma_start3A_665] : memref<125000x8x64xf32, #tpu.memory_space<hbm>> -> memref<1x8x64xf32, #tpu.memory_space<hbm>>
    %dma_start3A_667 = tpu.memref_squeeze %dma_start3A_666 : memref<1x8x64xf32, #tpu.memory_space<hbm>> -> memref<8x64xf32, #tpu.memory_space<hbm>>
    %dma_start3A_668 = arith.constant 0 : i32
    %dma_start3A_669 = arith.constant 0 : i32
    %dma_start3A_670 = tpu.memref_slice %arg13[%dma_start3A_658, %dma_start3A_659, %dma_start3A_668, %dma_start3A_669] : memref<2x16x8x64xf32, #tpu.memory_space<vmem>> -> memref<1x1x8x64xf32, #tpu.memory_space<vmem>>
    %dma_start3A_671 = tpu.memref_squeeze %dma_start3A_670 : memref<1x1x8x64xf32, #tpu.memory_space<vmem>> -> memref<8x64xf32, #tpu.memory_space<vmem>>
    %dma_start3A_672 = arith.constant 0 : i32
    %dma_start3A_673 = arith.constant 0 : i32
    %dma_start3A_674 = tpu.memref_slice %arg5[%squeeze3A_657, %dma_start3A_672, %dma_start3A_673] : memref<125000x8x64xf32, #tpu.memory_space<hbm>> -> memref<1x8x64xf32, #tpu.memory_space<hbm>>
    %dma_start3A_675 = tpu.memref_squeeze %dma_start3A_674 : memref<1x8x64xf32, #tpu.memory_space<hbm>> -> memref<8x64xf32, #tpu.memory_space<hbm>>
    tpu.enqueue_dma source(%dma_start3A_675 : memref<8x64xf32, #tpu.memory_space<hbm>>) target(%dma_start3A_671 : memref<8x64xf32, #tpu.memory_space<vmem>>) target_semaphore(%arg15 : memref<!tpu.dma_semaphore, #tpu.memory_space<semaphore_mem>>)
    %slice3A_676 = vector.extract_strided_slice %shift_right_arithmetic3A_6 {offsets = [11], sizes = [1], strides = [1]} : vector<16xi32> to vector<1xi32>
    %squeeze3A_677 = vector.extract %slice3A_676[0] : i32 from vector<1xi32>
    %dma_start3A_678 = arith.constant 0 : i32
    %dma_start3A_679 = arith.constant 11 : i32
    %dma_start3A_680 = arith.constant 0 : i32
    %dma_start3A_681 = arith.constant 0 : i32
    %dma_start3A_682 = tpu.memref_slice %arg11[%dma_start3A_678, %dma_start3A_679, %dma_start3A_680, %dma_start3A_681] : memref<2x16x8x64xf32, #tpu.memory_space<vmem>> -> memref<1x1x8x64xf32, #tpu.memory_space<vmem>>
    %dma_start3A_683 = tpu.memref_squeeze %dma_start3A_682 : memref<1x1x8x64xf32, #tpu.memory_space<vmem>> -> memref<8x64xf32, #tpu.memory_space<vmem>>
    %dma_start3A_684 = arith.constant 0 : i32
    %dma_start3A_685 = arith.constant 0 : i32
    %dma_start3A_686 = tpu.memref_slice %arg5[%squeeze3A_677, %dma_start3A_684, %dma_start3A_685] : memref<125000x8x64xf32, #tpu.memory_space<hbm>> -> memref<1x8x64xf32, #tpu.memory_space<hbm>>
    %dma_start3A_687 = tpu.memref_squeeze %dma_start3A_686 : memref<1x8x64xf32, #tpu.memory_space<hbm>> -> memref<8x64xf32, #tpu.memory_space<hbm>>
    %dma_start3A_688 = arith.constant 0 : i32
    %dma_start3A_689 = arith.constant 0 : i32
    %dma_start3A_690 = tpu.memref_slice %arg11[%dma_start3A_678, %dma_start3A_679, %dma_start3A_688, %dma_start3A_689] : memref<2x16x8x64xf32, #tpu.memory_space<vmem>> -> memref<1x1x8x64xf32, #tpu.memory_space<vmem>>
    %dma_start3A_691 = tpu.memref_squeeze %dma_start3A_690 : memref<1x1x8x64xf32, #tpu.memory_space<vmem>> -> memref<8x64xf32, #tpu.memory_space<vmem>>
    %dma_start3A_692 = arith.constant 0 : i32
    %dma_start3A_693 = arith.constant 0 : i32
    %dma_start3A_694 = tpu.memref_slice %arg5[%squeeze3A_677, %dma_start3A_692, %dma_start3A_693] : memref<125000x8x64xf32, #tpu.memory_space<hbm>> -> memref<1x8x64xf32, #tpu.memory_space<hbm>>
    %dma_start3A_695 = tpu.memref_squeeze %dma_start3A_694 : memref<1x8x64xf32, #tpu.memory_space<hbm>> -> memref<8x64xf32, #tpu.memory_space<hbm>>
    tpu.enqueue_dma source(%dma_start3A_695 : memref<8x64xf32, #tpu.memory_space<hbm>>) target(%dma_start3A_691 : memref<8x64xf32, #tpu.memory_space<vmem>>) target_semaphore(%arg15 : memref<!tpu.dma_semaphore, #tpu.memory_space<semaphore_mem>>)
    %slice3A_696 = vector.extract_strided_slice %shift_right_arithmetic3A_12 {offsets = [11], sizes = [1], strides = [1]} : vector<16xi32> to vector<1xi32>
    %squeeze3A_697 = vector.extract %slice3A_696[0] : i32 from vector<1xi32>
    %dma_start3A_698 = arith.constant 0 : i32
    %dma_start3A_699 = arith.constant 11 : i32
    %dma_start3A_700 = arith.constant 0 : i32
    %dma_start3A_701 = arith.constant 0 : i32
    %dma_start3A_702 = tpu.memref_slice %arg12[%dma_start3A_698, %dma_start3A_699, %dma_start3A_700, %dma_start3A_701] : memref<2x16x8x64xf32, #tpu.memory_space<vmem>> -> memref<1x1x8x64xf32, #tpu.memory_space<vmem>>
    %dma_start3A_703 = tpu.memref_squeeze %dma_start3A_702 : memref<1x1x8x64xf32, #tpu.memory_space<vmem>> -> memref<8x64xf32, #tpu.memory_space<vmem>>
    %dma_start3A_704 = arith.constant 0 : i32
    %dma_start3A_705 = arith.constant 0 : i32
    %dma_start3A_706 = tpu.memref_slice %arg6[%squeeze3A_697, %dma_start3A_704, %dma_start3A_705] : memref<125x8x64xf32, #tpu.memory_space<hbm>> -> memref<1x8x64xf32, #tpu.memory_space<hbm>>
    %dma_start3A_707 = tpu.memref_squeeze %dma_start3A_706 : memref<1x8x64xf32, #tpu.memory_space<hbm>> -> memref<8x64xf32, #tpu.memory_space<hbm>>
    %dma_start3A_708 = arith.constant 0 : i32
    %dma_start3A_709 = arith.constant 0 : i32
    %dma_start3A_710 = tpu.memref_slice %arg12[%dma_start3A_698, %dma_start3A_699, %dma_start3A_708, %dma_start3A_709] : memref<2x16x8x64xf32, #tpu.memory_space<vmem>> -> memref<1x1x8x64xf32, #tpu.memory_space<vmem>>
    %dma_start3A_711 = tpu.memref_squeeze %dma_start3A_710 : memref<1x1x8x64xf32, #tpu.memory_space<vmem>> -> memref<8x64xf32, #tpu.memory_space<vmem>>
    %dma_start3A_712 = arith.constant 0 : i32
    %dma_start3A_713 = arith.constant 0 : i32
    %dma_start3A_714 = tpu.memref_slice %arg6[%squeeze3A_697, %dma_start3A_712, %dma_start3A_713] : memref<125x8x64xf32, #tpu.memory_space<hbm>> -> memref<1x8x64xf32, #tpu.memory_space<hbm>>
    %dma_start3A_715 = tpu.memref_squeeze %dma_start3A_714 : memref<1x8x64xf32, #tpu.memory_space<hbm>> -> memref<8x64xf32, #tpu.memory_space<hbm>>
    tpu.enqueue_dma source(%dma_start3A_715 : memref<8x64xf32, #tpu.memory_space<hbm>>) target(%dma_start3A_711 : memref<8x64xf32, #tpu.memory_space<vmem>>) target_semaphore(%arg15 : memref<!tpu.dma_semaphore, #tpu.memory_space<semaphore_mem>>)
    %slice3A_716 = vector.extract_strided_slice %shift_right_arithmetic3A_18 {offsets = [11], sizes = [1], strides = [1]} : vector<16xi32> to vector<1xi32>
    %squeeze3A_717 = vector.extract %slice3A_716[0] : i32 from vector<1xi32>
    %dma_start3A_718 = arith.constant 0 : i32
    %dma_start3A_719 = arith.constant 11 : i32
    %dma_start3A_720 = arith.constant 0 : i32
    %dma_start3A_721 = arith.constant 0 : i32
    %dma_start3A_722 = tpu.memref_slice %arg13[%dma_start3A_718, %dma_start3A_719, %dma_start3A_720, %dma_start3A_721] : memref<2x16x8x64xf32, #tpu.memory_space<vmem>> -> memref<1x1x8x64xf32, #tpu.memory_space<vmem>>
    %dma_start3A_723 = tpu.memref_squeeze %dma_start3A_722 : memref<1x1x8x64xf32, #tpu.memory_space<vmem>> -> memref<8x64xf32, #tpu.memory_space<vmem>>
    %dma_start3A_724 = arith.constant 0 : i32
    %dma_start3A_725 = arith.constant 0 : i32
    %dma_start3A_726 = tpu.memref_slice %arg5[%squeeze3A_717, %dma_start3A_724, %dma_start3A_725] : memref<125000x8x64xf32, #tpu.memory_space<hbm>> -> memref<1x8x64xf32, #tpu.memory_space<hbm>>
    %dma_start3A_727 = tpu.memref_squeeze %dma_start3A_726 : memref<1x8x64xf32, #tpu.memory_space<hbm>> -> memref<8x64xf32, #tpu.memory_space<hbm>>
    %dma_start3A_728 = arith.constant 0 : i32
    %dma_start3A_729 = arith.constant 0 : i32
    %dma_start3A_730 = tpu.memref_slice %arg13[%dma_start3A_718, %dma_start3A_719, %dma_start3A_728, %dma_start3A_729] : memref<2x16x8x64xf32, #tpu.memory_space<vmem>> -> memref<1x1x8x64xf32, #tpu.memory_space<vmem>>
    %dma_start3A_731 = tpu.memref_squeeze %dma_start3A_730 : memref<1x1x8x64xf32, #tpu.memory_space<vmem>> -> memref<8x64xf32, #tpu.memory_space<vmem>>
    %dma_start3A_732 = arith.constant 0 : i32
    %dma_start3A_733 = arith.constant 0 : i32
    %dma_start3A_734 = tpu.memref_slice %arg5[%squeeze3A_717, %dma_start3A_732, %dma_start3A_733] : memref<125000x8x64xf32, #tpu.memory_space<hbm>> -> memref<1x8x64xf32, #tpu.memory_space<hbm>>
    %dma_start3A_735 = tpu.memref_squeeze %dma_start3A_734 : memref<1x8x64xf32, #tpu.memory_space<hbm>> -> memref<8x64xf32, #tpu.memory_space<hbm>>
    tpu.enqueue_dma source(%dma_start3A_735 : memref<8x64xf32, #tpu.memory_space<hbm>>) target(%dma_start3A_731 : memref<8x64xf32, #tpu.memory_space<vmem>>) target_semaphore(%arg15 : memref<!tpu.dma_semaphore, #tpu.memory_space<semaphore_mem>>)
    %slice3A_736 = vector.extract_strided_slice %shift_right_arithmetic3A_6 {offsets = [12], sizes = [1], strides = [1]} : vector<16xi32> to vector<1xi32>
    %squeeze3A_737 = vector.extract %slice3A_736[0] : i32 from vector<1xi32>
    %dma_start3A_738 = arith.constant 0 : i32
    %dma_start3A_739 = arith.constant 12 : i32
    %dma_start3A_740 = arith.constant 0 : i32
    %dma_start3A_741 = arith.constant 0 : i32
    %dma_start3A_742 = tpu.memref_slice %arg11[%dma_start3A_738, %dma_start3A_739, %dma_start3A_740, %dma_start3A_741] : memref<2x16x8x64xf32, #tpu.memory_space<vmem>> -> memref<1x1x8x64xf32, #tpu.memory_space<vmem>>
    %dma_start3A_743 = tpu.memref_squeeze %dma_start3A_742 : memref<1x1x8x64xf32, #tpu.memory_space<vmem>> -> memref<8x64xf32, #tpu.memory_space<vmem>>
    %dma_start3A_744 = arith.constant 0 : i32
    %dma_start3A_745 = arith.constant 0 : i32
    %dma_start3A_746 = tpu.memref_slice %arg5[%squeeze3A_737, %dma_start3A_744, %dma_start3A_745] : memref<125000x8x64xf32, #tpu.memory_space<hbm>> -> memref<1x8x64xf32, #tpu.memory_space<hbm>>
    %dma_start3A_747 = tpu.memref_squeeze %dma_start3A_746 : memref<1x8x64xf32, #tpu.memory_space<hbm>> -> memref<8x64xf32, #tpu.memory_space<hbm>>
    %dma_start3A_748 = arith.constant 0 : i32
    %dma_start3A_749 = arith.constant 0 : i32
    %dma_start3A_750 = tpu.memref_slice %arg11[%dma_start3A_738, %dma_start3A_739, %dma_start3A_748, %dma_start3A_749] : memref<2x16x8x64xf32, #tpu.memory_space<vmem>> -> memref<1x1x8x64xf32, #tpu.memory_space<vmem>>
    %dma_start3A_751 = tpu.memref_squeeze %dma_start3A_750 : memref<1x1x8x64xf32, #tpu.memory_space<vmem>> -> memref<8x64xf32, #tpu.memory_space<vmem>>
    %dma_start3A_752 = arith.constant 0 : i32
    %dma_start3A_753 = arith.constant 0 : i32
    %dma_start3A_754 = tpu.memref_slice %arg5[%squeeze3A_737, %dma_start3A_752, %dma_start3A_753] : memref<125000x8x64xf32, #tpu.memory_space<hbm>> -> memref<1x8x64xf32, #tpu.memory_space<hbm>>
    %dma_start3A_755 = tpu.memref_squeeze %dma_start3A_754 : memref<1x8x64xf32, #tpu.memory_space<hbm>> -> memref<8x64xf32, #tpu.memory_space<hbm>>
    tpu.enqueue_dma source(%dma_start3A_755 : memref<8x64xf32, #tpu.memory_space<hbm>>) target(%dma_start3A_751 : memref<8x64xf32, #tpu.memory_space<vmem>>) target_semaphore(%arg15 : memref<!tpu.dma_semaphore, #tpu.memory_space<semaphore_mem>>)
    %slice3A_756 = vector.extract_strided_slice %shift_right_arithmetic3A_12 {offsets = [12], sizes = [1], strides = [1]} : vector<16xi32> to vector<1xi32>
    %squeeze3A_757 = vector.extract %slice3A_756[0] : i32 from vector<1xi32>
    %dma_start3A_758 = arith.constant 0 : i32
    %dma_start3A_759 = arith.constant 12 : i32
    %dma_start3A_760 = arith.constant 0 : i32
    %dma_start3A_761 = arith.constant 0 : i32
    %dma_start3A_762 = tpu.memref_slice %arg12[%dma_start3A_758, %dma_start3A_759, %dma_start3A_760, %dma_start3A_761] : memref<2x16x8x64xf32, #tpu.memory_space<vmem>> -> memref<1x1x8x64xf32, #tpu.memory_space<vmem>>
    %dma_start3A_763 = tpu.memref_squeeze %dma_start3A_762 : memref<1x1x8x64xf32, #tpu.memory_space<vmem>> -> memref<8x64xf32, #tpu.memory_space<vmem>>
    %dma_start3A_764 = arith.constant 0 : i32
    %dma_start3A_765 = arith.constant 0 : i32
    %dma_start3A_766 = tpu.memref_slice %arg6[%squeeze3A_757, %dma_start3A_764, %dma_start3A_765] : memref<125x8x64xf32, #tpu.memory_space<hbm>> -> memref<1x8x64xf32, #tpu.memory_space<hbm>>
    %dma_start3A_767 = tpu.memref_squeeze %dma_start3A_766 : memref<1x8x64xf32, #tpu.memory_space<hbm>> -> memref<8x64xf32, #tpu.memory_space<hbm>>
    %dma_start3A_768 = arith.constant 0 : i32
    %dma_start3A_769 = arith.constant 0 : i32
    %dma_start3A_770 = tpu.memref_slice %arg12[%dma_start3A_758, %dma_start3A_759, %dma_start3A_768, %dma_start3A_769] : memref<2x16x8x64xf32, #tpu.memory_space<vmem>> -> memref<1x1x8x64xf32, #tpu.memory_space<vmem>>
    %dma_start3A_771 = tpu.memref_squeeze %dma_start3A_770 : memref<1x1x8x64xf32, #tpu.memory_space<vmem>> -> memref<8x64xf32, #tpu.memory_space<vmem>>
    %dma_start3A_772 = arith.constant 0 : i32
    %dma_start3A_773 = arith.constant 0 : i32
    %dma_start3A_774 = tpu.memref_slice %arg6[%squeeze3A_757, %dma_start3A_772, %dma_start3A_773] : memref<125x8x64xf32, #tpu.memory_space<hbm>> -> memref<1x8x64xf32, #tpu.memory_space<hbm>>
    %dma_start3A_775 = tpu.memref_squeeze %dma_start3A_774 : memref<1x8x64xf32, #tpu.memory_space<hbm>> -> memref<8x64xf32, #tpu.memory_space<hbm>>
    tpu.enqueue_dma source(%dma_start3A_775 : memref<8x64xf32, #tpu.memory_space<hbm>>) target(%dma_start3A_771 : memref<8x64xf32, #tpu.memory_space<vmem>>) target_semaphore(%arg15 : memref<!tpu.dma_semaphore, #tpu.memory_space<semaphore_mem>>)
    %slice3A_776 = vector.extract_strided_slice %shift_right_arithmetic3A_18 {offsets = [12], sizes = [1], strides = [1]} : vector<16xi32> to vector<1xi32>
    %squeeze3A_777 = vector.extract %slice3A_776[0] : i32 from vector<1xi32>
    %dma_start3A_778 = arith.constant 0 : i32
    %dma_start3A_779 = arith.constant 12 : i32
    %dma_start3A_780 = arith.constant 0 : i32
    %dma_start3A_781 = arith.constant 0 : i32
    %dma_start3A_782 = tpu.memref_slice %arg13[%dma_start3A_778, %dma_start3A_779, %dma_start3A_780, %dma_start3A_781] : memref<2x16x8x64xf32, #tpu.memory_space<vmem>> -> memref<1x1x8x64xf32, #tpu.memory_space<vmem>>
    %dma_start3A_783 = tpu.memref_squeeze %dma_start3A_782 : memref<1x1x8x64xf32, #tpu.memory_space<vmem>> -> memref<8x64xf32, #tpu.memory_space<vmem>>
    %dma_start3A_784 = arith.constant 0 : i32
    %dma_start3A_785 = arith.constant 0 : i32
    %dma_start3A_786 = tpu.memref_slice %arg5[%squeeze3A_777, %dma_start3A_784, %dma_start3A_785] : memref<125000x8x64xf32, #tpu.memory_space<hbm>> -> memref<1x8x64xf32, #tpu.memory_space<hbm>>
    %dma_start3A_787 = tpu.memref_squeeze %dma_start3A_786 : memref<1x8x64xf32, #tpu.memory_space<hbm>> -> memref<8x64xf32, #tpu.memory_space<hbm>>
    %dma_start3A_788 = arith.constant 0 : i32
    %dma_start3A_789 = arith.constant 0 : i32
    %dma_start3A_790 = tpu.memref_slice %arg13[%dma_start3A_778, %dma_start3A_779, %dma_start3A_788, %dma_start3A_789] : memref<2x16x8x64xf32, #tpu.memory_space<vmem>> -> memref<1x1x8x64xf32, #tpu.memory_space<vmem>>
    %dma_start3A_791 = tpu.memref_squeeze %dma_start3A_790 : memref<1x1x8x64xf32, #tpu.memory_space<vmem>> -> memref<8x64xf32, #tpu.memory_space<vmem>>
    %dma_start3A_792 = arith.constant 0 : i32
    %dma_start3A_793 = arith.constant 0 : i32
    %dma_start3A_794 = tpu.memref_slice %arg5[%squeeze3A_777, %dma_start3A_792, %dma_start3A_793] : memref<125000x8x64xf32, #tpu.memory_space<hbm>> -> memref<1x8x64xf32, #tpu.memory_space<hbm>>
    %dma_start3A_795 = tpu.memref_squeeze %dma_start3A_794 : memref<1x8x64xf32, #tpu.memory_space<hbm>> -> memref<8x64xf32, #tpu.memory_space<hbm>>
    tpu.enqueue_dma source(%dma_start3A_795 : memref<8x64xf32, #tpu.memory_space<hbm>>) target(%dma_start3A_791 : memref<8x64xf32, #tpu.memory_space<vmem>>) target_semaphore(%arg15 : memref<!tpu.dma_semaphore, #tpu.memory_space<semaphore_mem>>)
    %slice3A_796 = vector.extract_strided_slice %shift_right_arithmetic3A_6 {offsets = [13], sizes = [1], strides = [1]} : vector<16xi32> to vector<1xi32>
    %squeeze3A_797 = vector.extract %slice3A_796[0] : i32 from vector<1xi32>
    %dma_start3A_798 = arith.constant 0 : i32
    %dma_start3A_799 = arith.constant 13 : i32
    %dma_start3A_800 = arith.constant 0 : i32
    %dma_start3A_801 = arith.constant 0 : i32
    %dma_start3A_802 = tpu.memref_slice %arg11[%dma_start3A_798, %dma_start3A_799, %dma_start3A_800, %dma_start3A_801] : memref<2x16x8x64xf32, #tpu.memory_space<vmem>> -> memref<1x1x8x64xf32, #tpu.memory_space<vmem>>
    %dma_start3A_803 = tpu.memref_squeeze %dma_start3A_802 : memref<1x1x8x64xf32, #tpu.memory_space<vmem>> -> memref<8x64xf32, #tpu.memory_space<vmem>>
    %dma_start3A_804 = arith.constant 0 : i32
    %dma_start3A_805 = arith.constant 0 : i32
    %dma_start3A_806 = tpu.memref_slice %arg5[%squeeze3A_797, %dma_start3A_804, %dma_start3A_805] : memref<125000x8x64xf32, #tpu.memory_space<hbm>> -> memref<1x8x64xf32, #tpu.memory_space<hbm>>
    %dma_start3A_807 = tpu.memref_squeeze %dma_start3A_806 : memref<1x8x64xf32, #tpu.memory_space<hbm>> -> memref<8x64xf32, #tpu.memory_space<hbm>>
    %dma_start3A_808 = arith.constant 0 : i32
    %dma_start3A_809 = arith.constant 0 : i32
    %dma_start3A_810 = tpu.memref_slice %arg11[%dma_start3A_798, %dma_start3A_799, %dma_start3A_808, %dma_start3A_809] : memref<2x16x8x64xf32, #tpu.memory_space<vmem>> -> memref<1x1x8x64xf32, #tpu.memory_space<vmem>>
    %dma_start3A_811 = tpu.memref_squeeze %dma_start3A_810 : memref<1x1x8x64xf32, #tpu.memory_space<vmem>> -> memref<8x64xf32, #tpu.memory_space<vmem>>
    %dma_start3A_812 = arith.constant 0 : i32
    %dma_start3A_813 = arith.constant 0 : i32
    %dma_start3A_814 = tpu.memref_slice %arg5[%squeeze3A_797, %dma_start3A_812, %dma_start3A_813] : memref<125000x8x64xf32, #tpu.memory_space<hbm>> -> memref<1x8x64xf32, #tpu.memory_space<hbm>>
    %dma_start3A_815 = tpu.memref_squeeze %dma_start3A_814 : memref<1x8x64xf32, #tpu.memory_space<hbm>> -> memref<8x64xf32, #tpu.memory_space<hbm>>
    tpu.enqueue_dma source(%dma_start3A_815 : memref<8x64xf32, #tpu.memory_space<hbm>>) target(%dma_start3A_811 : memref<8x64xf32, #tpu.memory_space<vmem>>) target_semaphore(%arg15 : memref<!tpu.dma_semaphore, #tpu.memory_space<semaphore_mem>>)
    %slice3A_816 = vector.extract_strided_slice %shift_right_arithmetic3A_12 {offsets = [13], sizes = [1], strides = [1]} : vector<16xi32> to vector<1xi32>
    %squeeze3A_817 = vector.extract %slice3A_816[0] : i32 from vector<1xi32>
    %dma_start3A_818 = arith.constant 0 : i32
    %dma_start3A_819 = arith.constant 13 : i32
    %dma_start3A_820 = arith.constant 0 : i32
    %dma_start3A_821 = arith.constant 0 : i32
    %dma_start3A_822 = tpu.memref_slice %arg12[%dma_start3A_818, %dma_start3A_819, %dma_start3A_820, %dma_start3A_821] : memref<2x16x8x64xf32, #tpu.memory_space<vmem>> -> memref<1x1x8x64xf32, #tpu.memory_space<vmem>>
    %dma_start3A_823 = tpu.memref_squeeze %dma_start3A_822 : memref<1x1x8x64xf32, #tpu.memory_space<vmem>> -> memref<8x64xf32, #tpu.memory_space<vmem>>
    %dma_start3A_824 = arith.constant 0 : i32
    %dma_start3A_825 = arith.constant 0 : i32
    %dma_start3A_826 = tpu.memref_slice %arg6[%squeeze3A_817, %dma_start3A_824, %dma_start3A_825] : memref<125x8x64xf32, #tpu.memory_space<hbm>> -> memref<1x8x64xf32, #tpu.memory_space<hbm>>
    %dma_start3A_827 = tpu.memref_squeeze %dma_start3A_826 : memref<1x8x64xf32, #tpu.memory_space<hbm>> -> memref<8x64xf32, #tpu.memory_space<hbm>>
    %dma_start3A_828 = arith.constant 0 : i32
    %dma_start3A_829 = arith.constant 0 : i32
    %dma_start3A_830 = tpu.memref_slice %arg12[%dma_start3A_818, %dma_start3A_819, %dma_start3A_828, %dma_start3A_829] : memref<2x16x8x64xf32, #tpu.memory_space<vmem>> -> memref<1x1x8x64xf32, #tpu.memory_space<vmem>>
    %dma_start3A_831 = tpu.memref_squeeze %dma_start3A_830 : memref<1x1x8x64xf32, #tpu.memory_space<vmem>> -> memref<8x64xf32, #tpu.memory_space<vmem>>
    %dma_start3A_832 = arith.constant 0 : i32
    %dma_start3A_833 = arith.constant 0 : i32
    %dma_start3A_834 = tpu.memref_slice %arg6[%squeeze3A_817, %dma_start3A_832, %dma_start3A_833] : memref<125x8x64xf32, #tpu.memory_space<hbm>> -> memref<1x8x64xf32, #tpu.memory_space<hbm>>
    %dma_start3A_835 = tpu.memref_squeeze %dma_start3A_834 : memref<1x8x64xf32, #tpu.memory_space<hbm>> -> memref<8x64xf32, #tpu.memory_space<hbm>>
    tpu.enqueue_dma source(%dma_start3A_835 : memref<8x64xf32, #tpu.memory_space<hbm>>) target(%dma_start3A_831 : memref<8x64xf32, #tpu.memory_space<vmem>>) target_semaphore(%arg15 : memref<!tpu.dma_semaphore, #tpu.memory_space<semaphore_mem>>)
    %slice3A_836 = vector.extract_strided_slice %shift_right_arithmetic3A_18 {offsets = [13], sizes = [1], strides = [1]} : vector<16xi32> to vector<1xi32>
    %squeeze3A_837 = vector.extract %slice3A_836[0] : i32 from vector<1xi32>
    %dma_start3A_838 = arith.constant 0 : i32
    %dma_start3A_839 = arith.constant 13 : i32
    %dma_start3A_840 = arith.constant 0 : i32
    %dma_start3A_841 = arith.constant 0 : i32
    %dma_start3A_842 = tpu.memref_slice %arg13[%dma_start3A_838, %dma_start3A_839, %dma_start3A_840, %dma_start3A_841] : memref<2x16x8x64xf32, #tpu.memory_space<vmem>> -> memref<1x1x8x64xf32, #tpu.memory_space<vmem>>
    %dma_start3A_843 = tpu.memref_squeeze %dma_start3A_842 : memref<1x1x8x64xf32, #tpu.memory_space<vmem>> -> memref<8x64xf32, #tpu.memory_space<vmem>>
    %dma_start3A_844 = arith.constant 0 : i32
    %dma_start3A_845 = arith.constant 0 : i32
    %dma_start3A_846 = tpu.memref_slice %arg5[%squeeze3A_837, %dma_start3A_844, %dma_start3A_845] : memref<125000x8x64xf32, #tpu.memory_space<hbm>> -> memref<1x8x64xf32, #tpu.memory_space<hbm>>
    %dma_start3A_847 = tpu.memref_squeeze %dma_start3A_846 : memref<1x8x64xf32, #tpu.memory_space<hbm>> -> memref<8x64xf32, #tpu.memory_space<hbm>>
    %dma_start3A_848 = arith.constant 0 : i32
    %dma_start3A_849 = arith.constant 0 : i32
    %dma_start3A_850 = tpu.memref_slice %arg13[%dma_start3A_838, %dma_start3A_839, %dma_start3A_848, %dma_start3A_849] : memref<2x16x8x64xf32, #tpu.memory_space<vmem>> -> memref<1x1x8x64xf32, #tpu.memory_space<vmem>>
    %dma_start3A_851 = tpu.memref_squeeze %dma_start3A_850 : memref<1x1x8x64xf32, #tpu.memory_space<vmem>> -> memref<8x64xf32, #tpu.memory_space<vmem>>
    %dma_start3A_852 = arith.constant 0 : i32
    %dma_start3A_853 = arith.constant 0 : i32
    %dma_start3A_854 = tpu.memref_slice %arg5[%squeeze3A_837, %dma_start3A_852, %dma_start3A_853] : memref<125000x8x64xf32, #tpu.memory_space<hbm>> -> memref<1x8x64xf32, #tpu.memory_space<hbm>>
    %dma_start3A_855 = tpu.memref_squeeze %dma_start3A_854 : memref<1x8x64xf32, #tpu.memory_space<hbm>> -> memref<8x64xf32, #tpu.memory_space<hbm>>
    tpu.enqueue_dma source(%dma_start3A_855 : memref<8x64xf32, #tpu.memory_space<hbm>>) target(%dma_start3A_851 : memref<8x64xf32, #tpu.memory_space<vmem>>) target_semaphore(%arg15 : memref<!tpu.dma_semaphore, #tpu.memory_space<semaphore_mem>>)
    %slice3A_856 = vector.extract_strided_slice %shift_right_arithmetic3A_6 {offsets = [14], sizes = [1], strides = [1]} : vector<16xi32> to vector<1xi32>
    %squeeze3A_857 = vector.extract %slice3A_856[0] : i32 from vector<1xi32>
    %dma_start3A_858 = arith.constant 0 : i32
    %dma_start3A_859 = arith.constant 14 : i32
    %dma_start3A_860 = arith.constant 0 : i32
    %dma_start3A_861 = arith.constant 0 : i32
    %dma_start3A_862 = tpu.memref_slice %arg11[%dma_start3A_858, %dma_start3A_859, %dma_start3A_860, %dma_start3A_861] : memref<2x16x8x64xf32, #tpu.memory_space<vmem>> -> memref<1x1x8x64xf32, #tpu.memory_space<vmem>>
    %dma_start3A_863 = tpu.memref_squeeze %dma_start3A_862 : memref<1x1x8x64xf32, #tpu.memory_space<vmem>> -> memref<8x64xf32, #tpu.memory_space<vmem>>
    %dma_start3A_864 = arith.constant 0 : i32
    %dma_start3A_865 = arith.constant 0 : i32
    %dma_start3A_866 = tpu.memref_slice %arg5[%squeeze3A_857, %dma_start3A_864, %dma_start3A_865] : memref<125000x8x64xf32, #tpu.memory_space<hbm>> -> memref<1x8x64xf32, #tpu.memory_space<hbm>>
    %dma_start3A_867 = tpu.memref_squeeze %dma_start3A_866 : memref<1x8x64xf32, #tpu.memory_space<hbm>> -> memref<8x64xf32, #tpu.memory_space<hbm>>
    %dma_start3A_868 = arith.constant 0 : i32
    %dma_start3A_869 = arith.constant 0 : i32
    %dma_start3A_870 = tpu.memref_slice %arg11[%dma_start3A_858, %dma_start3A_859, %dma_start3A_868, %dma_start3A_869] : memref<2x16x8x64xf32, #tpu.memory_space<vmem>> -> memref<1x1x8x64xf32, #tpu.memory_space<vmem>>
    %dma_start3A_871 = tpu.memref_squeeze %dma_start3A_870 : memref<1x1x8x64xf32, #tpu.memory_space<vmem>> -> memref<8x64xf32, #tpu.memory_space<vmem>>
    %dma_start3A_872 = arith.constant 0 : i32
    %dma_start3A_873 = arith.constant 0 : i32
    %dma_start3A_874 = tpu.memref_slice %arg5[%squeeze3A_857, %dma_start3A_872, %dma_start3A_873] : memref<125000x8x64xf32, #tpu.memory_space<hbm>> -> memref<1x8x64xf32, #tpu.memory_space<hbm>>
    %dma_start3A_875 = tpu.memref_squeeze %dma_start3A_874 : memref<1x8x64xf32, #tpu.memory_space<hbm>> -> memref<8x64xf32, #tpu.memory_space<hbm>>
    tpu.enqueue_dma source(%dma_start3A_875 : memref<8x64xf32, #tpu.memory_space<hbm>>) target(%dma_start3A_871 : memref<8x64xf32, #tpu.memory_space<vmem>>) target_semaphore(%arg15 : memref<!tpu.dma_semaphore, #tpu.memory_space<semaphore_mem>>)
    %slice3A_876 = vector.extract_strided_slice %shift_right_arithmetic3A_12 {offsets = [14], sizes = [1], strides = [1]} : vector<16xi32> to vector<1xi32>
    %squeeze3A_877 = vector.extract %slice3A_876[0] : i32 from vector<1xi32>
    %dma_start3A_878 = arith.constant 0 : i32
    %dma_start3A_879 = arith.constant 14 : i32
    %dma_start3A_880 = arith.constant 0 : i32
    %dma_start3A_881 = arith.constant 0 : i32
    %dma_start3A_882 = tpu.memref_slice %arg12[%dma_start3A_878, %dma_start3A_879, %dma_start3A_880, %dma_start3A_881] : memref<2x16x8x64xf32, #tpu.memory_space<vmem>> -> memref<1x1x8x64xf32, #tpu.memory_space<vmem>>
    %dma_start3A_883 = tpu.memref_squeeze %dma_start3A_882 : memref<1x1x8x64xf32, #tpu.memory_space<vmem>> -> memref<8x64xf32, #tpu.memory_space<vmem>>
    %dma_start3A_884 = arith.constant 0 : i32
    %dma_start3A_885 = arith.constant 0 : i32
    %dma_start3A_886 = tpu.memref_slice %arg6[%squeeze3A_877, %dma_start3A_884, %dma_start3A_885] : memref<125x8x64xf32, #tpu.memory_space<hbm>> -> memref<1x8x64xf32, #tpu.memory_space<hbm>>
    %dma_start3A_887 = tpu.memref_squeeze %dma_start3A_886 : memref<1x8x64xf32, #tpu.memory_space<hbm>> -> memref<8x64xf32, #tpu.memory_space<hbm>>
    %dma_start3A_888 = arith.constant 0 : i32
    %dma_start3A_889 = arith.constant 0 : i32
    %dma_start3A_890 = tpu.memref_slice %arg12[%dma_start3A_878, %dma_start3A_879, %dma_start3A_888, %dma_start3A_889] : memref<2x16x8x64xf32, #tpu.memory_space<vmem>> -> memref<1x1x8x64xf32, #tpu.memory_space<vmem>>
    %dma_start3A_891 = tpu.memref_squeeze %dma_start3A_890 : memref<1x1x8x64xf32, #tpu.memory_space<vmem>> -> memref<8x64xf32, #tpu.memory_space<vmem>>
    %dma_start3A_892 = arith.constant 0 : i32
    %dma_start3A_893 = arith.constant 0 : i32
    %dma_start3A_894 = tpu.memref_slice %arg6[%squeeze3A_877, %dma_start3A_892, %dma_start3A_893] : memref<125x8x64xf32, #tpu.memory_space<hbm>> -> memref<1x8x64xf32, #tpu.memory_space<hbm>>
    %dma_start3A_895 = tpu.memref_squeeze %dma_start3A_894 : memref<1x8x64xf32, #tpu.memory_space<hbm>> -> memref<8x64xf32, #tpu.memory_space<hbm>>
    tpu.enqueue_dma source(%dma_start3A_895 : memref<8x64xf32, #tpu.memory_space<hbm>>) target(%dma_start3A_891 : memref<8x64xf32, #tpu.memory_space<vmem>>) target_semaphore(%arg15 : memref<!tpu.dma_semaphore, #tpu.memory_space<semaphore_mem>>)
    %slice3A_896 = vector.extract_strided_slice %shift_right_arithmetic3A_18 {offsets = [14], sizes = [1], strides = [1]} : vector<16xi32> to vector<1xi32>
    %squeeze3A_897 = vector.extract %slice3A_896[0] : i32 from vector<1xi32>
    %dma_start3A_898 = arith.constant 0 : i32
    %dma_start3A_899 = arith.constant 14 : i32
    %dma_start3A_900 = arith.constant 0 : i32
    %dma_start3A_901 = arith.constant 0 : i32
    %dma_start3A_902 = tpu.memref_slice %arg13[%dma_start3A_898, %dma_start3A_899, %dma_start3A_900, %dma_start3A_901] : memref<2x16x8x64xf32, #tpu.memory_space<vmem>> -> memref<1x1x8x64xf32, #tpu.memory_space<vmem>>
    %dma_start3A_903 = tpu.memref_squeeze %dma_start3A_902 : memref<1x1x8x64xf32, #tpu.memory_space<vmem>> -> memref<8x64xf32, #tpu.memory_space<vmem>>
    %dma_start3A_904 = arith.constant 0 : i32
    %dma_start3A_905 = arith.constant 0 : i32
    %dma_start3A_906 = tpu.memref_slice %arg5[%squeeze3A_897, %dma_start3A_904, %dma_start3A_905] : memref<125000x8x64xf32, #tpu.memory_space<hbm>> -> memref<1x8x64xf32, #tpu.memory_space<hbm>>
    %dma_start3A_907 = tpu.memref_squeeze %dma_start3A_906 : memref<1x8x64xf32, #tpu.memory_space<hbm>> -> memref<8x64xf32, #tpu.memory_space<hbm>>
    %dma_start3A_908 = arith.constant 0 : i32
    %dma_start3A_909 = arith.constant 0 : i32
    %dma_start3A_910 = tpu.memref_slice %arg13[%dma_start3A_898, %dma_start3A_899, %dma_start3A_908, %dma_start3A_909] : memref<2x16x8x64xf32, #tpu.memory_space<vmem>> -> memref<1x1x8x64xf32, #tpu.memory_space<vmem>>
    %dma_start3A_911 = tpu.memref_squeeze %dma_start3A_910 : memref<1x1x8x64xf32, #tpu.memory_space<vmem>> -> memref<8x64xf32, #tpu.memory_space<vmem>>
    %dma_start3A_912 = arith.constant 0 : i32
    %dma_start3A_913 = arith.constant 0 : i32
    %dma_start3A_914 = tpu.memref_slice %arg5[%squeeze3A_897, %dma_start3A_912, %dma_start3A_913] : memref<125000x8x64xf32, #tpu.memory_space<hbm>> -> memref<1x8x64xf32, #tpu.memory_space<hbm>>
    %dma_start3A_915 = tpu.memref_squeeze %dma_start3A_914 : memref<1x8x64xf32, #tpu.memory_space<hbm>> -> memref<8x64xf32, #tpu.memory_space<hbm>>
    tpu.enqueue_dma source(%dma_start3A_915 : memref<8x64xf32, #tpu.memory_space<hbm>>) target(%dma_start3A_911 : memref<8x64xf32, #tpu.memory_space<vmem>>) target_semaphore(%arg15 : memref<!tpu.dma_semaphore, #tpu.memory_space<semaphore_mem>>)
    %slice3A_916 = vector.extract_strided_slice %shift_right_arithmetic3A_6 {offsets = [15], sizes = [1], strides = [1]} : vector<16xi32> to vector<1xi32>
    %squeeze3A_917 = vector.extract %slice3A_916[0] : i32 from vector<1xi32>
    %dma_start3A_918 = arith.constant 0 : i32
    %dma_start3A_919 = arith.constant 15 : i32
    %dma_start3A_920 = arith.constant 0 : i32
    %dma_start3A_921 = arith.constant 0 : i32
    %dma_start3A_922 = tpu.memref_slice %arg11[%dma_start3A_918, %dma_start3A_919, %dma_start3A_920, %dma_start3A_921] : memref<2x16x8x64xf32, #tpu.memory_space<vmem>> -> memref<1x1x8x64xf32, #tpu.memory_space<vmem>>
    %dma_start3A_923 = tpu.memref_squeeze %dma_start3A_922 : memref<1x1x8x64xf32, #tpu.memory_space<vmem>> -> memref<8x64xf32, #tpu.memory_space<vmem>>
    %dma_start3A_924 = arith.constant 0 : i32
    %dma_start3A_925 = arith.constant 0 : i32
    %dma_start3A_926 = tpu.memref_slice %arg5[%squeeze3A_917, %dma_start3A_924, %dma_start3A_925] : memref<125000x8x64xf32, #tpu.memory_space<hbm>> -> memref<1x8x64xf32, #tpu.memory_space<hbm>>
    %dma_start3A_927 = tpu.memref_squeeze %dma_start3A_926 : memref<1x8x64xf32, #tpu.memory_space<hbm>> -> memref<8x64xf32, #tpu.memory_space<hbm>>
    %dma_start3A_928 = arith.constant 0 : i32
    %dma_start3A_929 = arith.constant 0 : i32
    %dma_start3A_930 = tpu.memref_slice %arg11[%dma_start3A_918, %dma_start3A_919, %dma_start3A_928, %dma_start3A_929] : memref<2x16x8x64xf32, #tpu.memory_space<vmem>> -> memref<1x1x8x64xf32, #tpu.memory_space<vmem>>
    %dma_start3A_931 = tpu.memref_squeeze %dma_start3A_930 : memref<1x1x8x64xf32, #tpu.memory_space<vmem>> -> memref<8x64xf32, #tpu.memory_space<vmem>>
    %dma_start3A_932 = arith.constant 0 : i32
    %dma_start3A_933 = arith.constant 0 : i32
    %dma_start3A_934 = tpu.memref_slice %arg5[%squeeze3A_917, %dma_start3A_932, %dma_start3A_933] : memref<125000x8x64xf32, #tpu.memory_space<hbm>> -> memref<1x8x64xf32, #tpu.memory_space<hbm>>
    %dma_start3A_935 = tpu.memref_squeeze %dma_start3A_934 : memref<1x8x64xf32, #tpu.memory_space<hbm>> -> memref<8x64xf32, #tpu.memory_space<hbm>>
    tpu.enqueue_dma source(%dma_start3A_935 : memref<8x64xf32, #tpu.memory_space<hbm>>) target(%dma_start3A_931 : memref<8x64xf32, #tpu.memory_space<vmem>>) target_semaphore(%arg15 : memref<!tpu.dma_semaphore, #tpu.memory_space<semaphore_mem>>)
    %slice3A_936 = vector.extract_strided_slice %shift_right_arithmetic3A_12 {offsets = [15], sizes = [1], strides = [1]} : vector<16xi32> to vector<1xi32>
    %squeeze3A_937 = vector.extract %slice3A_936[0] : i32 from vector<1xi32>
    %dma_start3A_938 = arith.constant 0 : i32
    %dma_start3A_939 = arith.constant 15 : i32
    %dma_start3A_940 = arith.constant 0 : i32
    %dma_start3A_941 = arith.constant 0 : i32
    %dma_start3A_942 = tpu.memref_slice %arg12[%dma_start3A_938, %dma_start3A_939, %dma_start3A_940, %dma_start3A_941] : memref<2x16x8x64xf32, #tpu.memory_space<vmem>> -> memref<1x1x8x64xf32, #tpu.memory_space<vmem>>
    %dma_start3A_943 = tpu.memref_squeeze %dma_start3A_942 : memref<1x1x8x64xf32, #tpu.memory_space<vmem>> -> memref<8x64xf32, #tpu.memory_space<vmem>>
    %dma_start3A_944 = arith.constant 0 : i32
    %dma_start3A_945 = arith.constant 0 : i32
    %dma_start3A_946 = tpu.memref_slice %arg6[%squeeze3A_937, %dma_start3A_944, %dma_start3A_945] : memref<125x8x64xf32, #tpu.memory_space<hbm>> -> memref<1x8x64xf32, #tpu.memory_space<hbm>>
    %dma_start3A_947 = tpu.memref_squeeze %dma_start3A_946 : memref<1x8x64xf32, #tpu.memory_space<hbm>> -> memref<8x64xf32, #tpu.memory_space<hbm>>
    %dma_start3A_948 = arith.constant 0 : i32
    %dma_start3A_949 = arith.constant 0 : i32
    %dma_start3A_950 = tpu.memref_slice %arg12[%dma_start3A_938, %dma_start3A_939, %dma_start3A_948, %dma_start3A_949] : memref<2x16x8x64xf32, #tpu.memory_space<vmem>> -> memref<1x1x8x64xf32, #tpu.memory_space<vmem>>
    %dma_start3A_951 = tpu.memref_squeeze %dma_start3A_950 : memref<1x1x8x64xf32, #tpu.memory_space<vmem>> -> memref<8x64xf32, #tpu.memory_space<vmem>>
    %dma_start3A_952 = arith.constant 0 : i32
    %dma_start3A_953 = arith.constant 0 : i32
    %dma_start3A_954 = tpu.memref_slice %arg6[%squeeze3A_937, %dma_start3A_952, %dma_start3A_953] : memref<125x8x64xf32, #tpu.memory_space<hbm>> -> memref<1x8x64xf32, #tpu.memory_space<hbm>>
    %dma_start3A_955 = tpu.memref_squeeze %dma_start3A_954 : memref<1x8x64xf32, #tpu.memory_space<hbm>> -> memref<8x64xf32, #tpu.memory_space<hbm>>
    tpu.enqueue_dma source(%dma_start3A_955 : memref<8x64xf32, #tpu.memory_space<hbm>>) target(%dma_start3A_951 : memref<8x64xf32, #tpu.memory_space<vmem>>) target_semaphore(%arg15 : memref<!tpu.dma_semaphore, #tpu.memory_space<semaphore_mem>>)
    %slice3A_956 = vector.extract_strided_slice %shift_right_arithmetic3A_18 {offsets = [15], sizes = [1], strides = [1]} : vector<16xi32> to vector<1xi32>
    %squeeze3A_957 = vector.extract %slice3A_956[0] : i32 from vector<1xi32>
    %dma_start3A_958 = arith.constant 0 : i32
    %dma_start3A_959 = arith.constant 15 : i32
    %dma_start3A_960 = arith.constant 0 : i32
    %dma_start3A_961 = arith.constant 0 : i32
    %dma_start3A_962 = tpu.memref_slice %arg13[%dma_start3A_958, %dma_start3A_959, %dma_start3A_960, %dma_start3A_961] : memref<2x16x8x64xf32, #tpu.memory_space<vmem>> -> memref<1x1x8x64xf32, #tpu.memory_space<vmem>>
    %dma_start3A_963 = tpu.memref_squeeze %dma_start3A_962 : memref<1x1x8x64xf32, #tpu.memory_space<vmem>> -> memref<8x64xf32, #tpu.memory_space<vmem>>
    %dma_start3A_964 = arith.constant 0 : i32
    %dma_start3A_965 = arith.constant 0 : i32
    %dma_start3A_966 = tpu.memref_slice %arg5[%squeeze3A_957, %dma_start3A_964, %dma_start3A_965] : memref<125000x8x64xf32, #tpu.memory_space<hbm>> -> memref<1x8x64xf32, #tpu.memory_space<hbm>>
    %dma_start3A_967 = tpu.memref_squeeze %dma_start3A_966 : memref<1x8x64xf32, #tpu.memory_space<hbm>> -> memref<8x64xf32, #tpu.memory_space<hbm>>
    %dma_start3A_968 = arith.constant 0 : i32
    %dma_start3A_969 = arith.constant 0 : i32
    %dma_start3A_970 = tpu.memref_slice %arg13[%dma_start3A_958, %dma_start3A_959, %dma_start3A_968, %dma_start3A_969] : memref<2x16x8x64xf32, #tpu.memory_space<vmem>> -> memref<1x1x8x64xf32, #tpu.memory_space<vmem>>
    %dma_start3A_971 = tpu.memref_squeeze %dma_start3A_970 : memref<1x1x8x64xf32, #tpu.memory_space<vmem>> -> memref<8x64xf32, #tpu.memory_space<vmem>>
    %dma_start3A_972 = arith.constant 0 : i32
    %dma_start3A_973 = arith.constant 0 : i32
    %dma_start3A_974 = tpu.memref_slice %arg5[%squeeze3A_957, %dma_start3A_972, %dma_start3A_973] : memref<125000x8x64xf32, #tpu.memory_space<hbm>> -> memref<1x8x64xf32, #tpu.memory_space<hbm>>
    %dma_start3A_975 = tpu.memref_squeeze %dma_start3A_974 : memref<1x8x64xf32, #tpu.memory_space<hbm>> -> memref<8x64xf32, #tpu.memory_space<hbm>>
    tpu.enqueue_dma source(%dma_start3A_975 : memref<8x64xf32, #tpu.memory_space<hbm>>) target(%dma_start3A_971 : memref<8x64xf32, #tpu.memory_space<vmem>>) target_semaphore(%arg15 : memref<!tpu.dma_semaphore, #tpu.memory_space<semaphore_mem>>)
    %iota3A = tpu.iota {dimensions = array<i32: 0>} : vector<16xi32>
    %xor3A = arith.constant 1 : i32
    %xor3A_976 = vector.broadcast %xor3A : i32 to vector<16xi32>
    %xor3A_977 = arith.xori %iota3A, %xor3A_976 : vector<16xi32>
    %xor3A_978 = arith.constant 2 : i32
    %xor3A_979 = vector.broadcast %xor3A_978 : i32 to vector<16xi32>
    %xor3A_980 = arith.xori %iota3A, %xor3A_979 : vector<16xi32>
    %xor3A_981 = arith.constant 4 : i32
    %xor3A_982 = vector.broadcast %xor3A_981 : i32 to vector<16xi32>
    %xor3A_983 = arith.xori %iota3A, %xor3A_982 : vector<16xi32>
    %xor3A_984 = arith.constant 8 : i32
    %xor3A_985 = vector.broadcast %xor3A_984 : i32 to vector<16xi32>
    %xor3A_986 = arith.xori %iota3A, %xor3A_985 : vector<16xi32>
    %and3A = arith.constant 1 : i32
    %and3A_987 = vector.broadcast %and3A : i32 to vector<16xi32>
    %and3A_988 = arith.andi %iota3A, %and3A_987 : vector<16xi32>
    %ne3A = arith.constant 0 : i32
    %ne3A_989 = vector.broadcast %ne3A : i32 to vector<16xi32>
    %ne3A_990 = arith.cmpi ne, %and3A_988, %ne3A_989 : vector<16xi32>
    %and3A_991 = arith.constant 2 : i32
    %and3A_992 = vector.broadcast %and3A_991 : i32 to vector<16xi32>
    %and3A_993 = arith.andi %iota3A, %and3A_992 : vector<16xi32>
    %ne3A_994 = arith.constant 0 : i32
    %ne3A_995 = vector.broadcast %ne3A_994 : i32 to vector<16xi32>
    %ne3A_996 = arith.cmpi ne, %and3A_993, %ne3A_995 : vector<16xi32>
    %and3A_997 = arith.constant 4 : i32
    %and3A_998 = vector.broadcast %and3A_997 : i32 to vector<16xi32>
    %and3A_999 = arith.andi %iota3A, %and3A_998 : vector<16xi32>
    %ne3A_1000 = arith.constant 0 : i32
    %ne3A_1001 = vector.broadcast %ne3A_1000 : i32 to vector<16xi32>
    %ne3A_1002 = arith.cmpi ne, %and3A_999, %ne3A_1001 : vector<16xi32>
    %and3A_1003 = arith.constant 8 : i32
    %and3A_1004 = vector.broadcast %and3A_1003 : i32 to vector<16xi32>
    %and3A_1005 = arith.andi %iota3A, %and3A_1004 : vector<16xi32>
    %ne3A_1006 = arith.constant 0 : i32
    %ne3A_1007 = vector.broadcast %ne3A_1006 : i32 to vector<16xi32>
    %ne3A_1008 = arith.cmpi ne, %and3A_1005, %ne3A_1007 : vector<16xi32>
    %scan3A = arith.constant 0 : i32
    %scan3A_1009 = arith.constant 0 : i32
    %scan3A_1010 = arith.constant 32 : i32
    %scan3A_1011 = arith.addi %scan3A_1009, %scan3A_1010 : i32
    %scan3A_1012 = arith.constant 1 : i32
    scf.for %scan3A_1014 = %scan3A_1009 to %scan3A_1011 step %scan3A_1012  : i32 {
      %rem3A = arith.constant 2 : i32
      %rem3A_1015 = arith.remsi %scan3A_1014, %rem3A : i32
      %add3A_1016 = arith.constant 1 : i32
      %add3A_1017 = arith.addi %scan3A_1014, %add3A_1016 : i32
      %lt3A = arith.constant 32 : i32
      %lt3A_1018 = arith.cmpi slt, %add3A_1017, %lt3A : i32
      %convert_element_type3A = arith.extui %lt3A_1018 : i1 to i32
      %cond3A = arith.constant 0 : i32
      %cond3A_1019 = arith.cmpi ne, %convert_element_type3A, %cond3A : i32
      scf.if %cond3A_1019 {
        %add3A_2943 = arith.constant 1 : i32
        %add3A_2944 = arith.addi %scan3A_1014, %add3A_2943 : i32
        %sub3A_2945 = arith.constant 1 : i32
        %sub3A_2946 = arith.subi %sub3A_2945, %rem3A_1015 : i32
        %mul3A_2947 = arith.constant 16 : i32
        %mul3A_2948 = arith.muli %add3A_2944, %mul3A_2947 : i32
        %get3A_2949 = arith.index_cast %mul3A_2948 : i32 to index
        %get3A_2950 = tpu.vector_load %arg8[%get3A_2949] {strides = array<i32>} : memref<512xi32, #tpu.memory_space<vmem>>, vector<16xi32>,
        %get3A_2951 = vector.shape_cast %get3A_2950 : vector<16xi32> to vector<16xi32>
        %shift_right_arithmetic3A_2952 = arith.constant 3 : i32
        %shift_right_arithmetic3A_2953 = vector.broadcast %shift_right_arithmetic3A_2952 : i32 to vector<16xi32>
        %shift_right_arithmetic3A_2954 = arith.shrsi %get3A_2951, %shift_right_arithmetic3A_2953 : vector<16xi32>
        %mul3A_2955 = arith.constant 16 : i32
        %mul3A_2956 = arith.muli %add3A_2944, %mul3A_2955 : i32
        %get3A_2957 = arith.index_cast %mul3A_2956 : i32 to index
        %get3A_2958 = tpu.vector_load %arg9[%get3A_2957] {strides = array<i32>} : memref<512xi32, #tpu.memory_space<vmem>>, vector<16xi32>,
        %get3A_2959 = vector.shape_cast %get3A_2958 : vector<16xi32> to vector<16xi32>
        %shift_right_arithmetic3A_2960 = arith.constant 3 : i32
        %shift_right_arithmetic3A_2961 = vector.broadcast %shift_right_arithmetic3A_2960 : i32 to vector<16xi32>
        %shift_right_arithmetic3A_2962 = arith.shrsi %get3A_2959, %shift_right_arithmetic3A_2961 : vector<16xi32>
        %mul3A_2963 = arith.constant 16 : i32
        %mul3A_2964 = arith.muli %add3A_2944, %mul3A_2963 : i32
        %get3A_2965 = arith.index_cast %mul3A_2964 : i32 to index
        %get3A_2966 = tpu.vector_load %arg10[%get3A_2965] {strides = array<i32>} : memref<512xi32, #tpu.memory_space<vmem>>, vector<16xi32>,
        %get3A_2967 = vector.shape_cast %get3A_2966 : vector<16xi32> to vector<16xi32>
        %shift_right_arithmetic3A_2968 = arith.constant 3 : i32
        %shift_right_arithmetic3A_2969 = vector.broadcast %shift_right_arithmetic3A_2968 : i32 to vector<16xi32>
        %shift_right_arithmetic3A_2970 = arith.shrsi %get3A_2967, %shift_right_arithmetic3A_2969 : vector<16xi32>
        %slice3A_2971 = vector.extract_strided_slice %shift_right_arithmetic3A_2954 {offsets = [0], sizes = [1], strides = [1]} : vector<16xi32> to vector<1xi32>
        %squeeze3A_2972 = vector.extract %slice3A_2971[0] : i32 from vector<1xi32>
        %dma_start3A_2973 = arith.constant 0 : i32
        %dma_start3A_2974 = arith.constant 0 : i32
        %dma_start3A_2975 = arith.constant 0 : i32
        %dma_start3A_2976 = tpu.memref_slice %arg11[%sub3A_2946, %dma_start3A_2973, %dma_start3A_2974, %dma_start3A_2975] : memref<2x16x8x64xf32, #tpu.memory_space<vmem>> -> memref<1x1x8x64xf32, #tpu.memory_space<vmem>>
        %dma_start3A_2977 = tpu.memref_squeeze %dma_start3A_2976 : memref<1x1x8x64xf32, #tpu.memory_space<vmem>> -> memref<8x64xf32, #tpu.memory_space<vmem>>
        %dma_start3A_2978 = arith.constant 0 : i32
        %dma_start3A_2979 = arith.constant 0 : i32
        %dma_start3A_2980 = tpu.memref_slice %arg5[%squeeze3A_2972, %dma_start3A_2978, %dma_start3A_2979] : memref<125000x8x64xf32, #tpu.memory_space<hbm>> -> memref<1x8x64xf32, #tpu.memory_space<hbm>>
        %dma_start3A_2981 = tpu.memref_squeeze %dma_start3A_2980 : memref<1x8x64xf32, #tpu.memory_space<hbm>> -> memref<8x64xf32, #tpu.memory_space<hbm>>
        %dma_start3A_2982 = arith.constant 0 : i32
        %dma_start3A_2983 = arith.constant 0 : i32
        %dma_start3A_2984 = tpu.memref_slice %arg11[%sub3A_2946, %dma_start3A_2973, %dma_start3A_2982, %dma_start3A_2983] : memref<2x16x8x64xf32, #tpu.memory_space<vmem>> -> memref<1x1x8x64xf32, #tpu.memory_space<vmem>>
        %dma_start3A_2985 = tpu.memref_squeeze %dma_start3A_2984 : memref<1x1x8x64xf32, #tpu.memory_space<vmem>> -> memref<8x64xf32, #tpu.memory_space<vmem>>
        %dma_start3A_2986 = arith.constant 0 : i32
        %dma_start3A_2987 = arith.constant 0 : i32
        %dma_start3A_2988 = tpu.memref_slice %arg5[%squeeze3A_2972, %dma_start3A_2986, %dma_start3A_2987] : memref<125000x8x64xf32, #tpu.memory_space<hbm>> -> memref<1x8x64xf32, #tpu.memory_space<hbm>>
        %dma_start3A_2989 = tpu.memref_squeeze %dma_start3A_2988 : memref<1x8x64xf32, #tpu.memory_space<hbm>> -> memref<8x64xf32, #tpu.memory_space<hbm>>
        tpu.enqueue_dma source(%dma_start3A_2989 : memref<8x64xf32, #tpu.memory_space<hbm>>) target(%dma_start3A_2985 : memref<8x64xf32, #tpu.memory_space<vmem>>) target_semaphore(%arg15 : memref<!tpu.dma_semaphore, #tpu.memory_space<semaphore_mem>>)
        %slice3A_2990 = vector.extract_strided_slice %shift_right_arithmetic3A_2962 {offsets = [0], sizes = [1], strides = [1]} : vector<16xi32> to vector<1xi32>
        %squeeze3A_2991 = vector.extract %slice3A_2990[0] : i32 from vector<1xi32>
        %dma_start3A_2992 = arith.constant 0 : i32
        %dma_start3A_2993 = arith.constant 0 : i32
        %dma_start3A_2994 = arith.constant 0 : i32
        %dma_start3A_2995 = tpu.memref_slice %arg12[%sub3A_2946, %dma_start3A_2992, %dma_start3A_2993, %dma_start3A_2994] : memref<2x16x8x64xf32, #tpu.memory_space<vmem>> -> memref<1x1x8x64xf32, #tpu.memory_space<vmem>>
        %dma_start3A_2996 = tpu.memref_squeeze %dma_start3A_2995 : memref<1x1x8x64xf32, #tpu.memory_space<vmem>> -> memref<8x64xf32, #tpu.memory_space<vmem>>
        %dma_start3A_2997 = arith.constant 0 : i32
        %dma_start3A_2998 = arith.constant 0 : i32
        %dma_start3A_2999 = tpu.memref_slice %arg6[%squeeze3A_2991, %dma_start3A_2997, %dma_start3A_2998] : memref<125x8x64xf32, #tpu.memory_space<hbm>> -> memref<1x8x64xf32, #tpu.memory_space<hbm>>
        %dma_start3A_3000 = tpu.memref_squeeze %dma_start3A_2999 : memref<1x8x64xf32, #tpu.memory_space<hbm>> -> memref<8x64xf32, #tpu.memory_space<hbm>>
        %dma_start3A_3001 = arith.constant 0 : i32
        %dma_start3A_3002 = arith.constant 0 : i32
        %dma_start3A_3003 = tpu.memref_slice %arg12[%sub3A_2946, %dma_start3A_2992, %dma_start3A_3001, %dma_start3A_3002] : memref<2x16x8x64xf32, #tpu.memory_space<vmem>> -> memref<1x1x8x64xf32, #tpu.memory_space<vmem>>
        %dma_start3A_3004 = tpu.memref_squeeze %dma_start3A_3003 : memref<1x1x8x64xf32, #tpu.memory_space<vmem>> -> memref<8x64xf32, #tpu.memory_space<vmem>>
        %dma_start3A_3005 = arith.constant 0 : i32
        %dma_start3A_3006 = arith.constant 0 : i32
        %dma_start3A_3007 = tpu.memref_slice %arg6[%squeeze3A_2991, %dma_start3A_3005, %dma_start3A_3006] : memref<125x8x64xf32, #tpu.memory_space<hbm>> -> memref<1x8x64xf32, #tpu.memory_space<hbm>>
        %dma_start3A_3008 = tpu.memref_squeeze %dma_start3A_3007 : memref<1x8x64xf32, #tpu.memory_space<hbm>> -> memref<8x64xf32, #tpu.memory_space<hbm>>
        tpu.enqueue_dma source(%dma_start3A_3008 : memref<8x64xf32, #tpu.memory_space<hbm>>) target(%dma_start3A_3004 : memref<8x64xf32, #tpu.memory_space<vmem>>) target_semaphore(%arg15 : memref<!tpu.dma_semaphore, #tpu.memory_space<semaphore_mem>>)
        %slice3A_3009 = vector.extract_strided_slice %shift_right_arithmetic3A_2970 {offsets = [0], sizes = [1], strides = [1]} : vector<16xi32> to vector<1xi32>
        %squeeze3A_3010 = vector.extract %slice3A_3009[0] : i32 from vector<1xi32>
        %dma_start3A_3011 = arith.constant 0 : i32
        %dma_start3A_3012 = arith.constant 0 : i32
        %dma_start3A_3013 = arith.constant 0 : i32
        %dma_start3A_3014 = tpu.memref_slice %arg13[%sub3A_2946, %dma_start3A_3011, %dma_start3A_3012, %dma_start3A_3013] : memref<2x16x8x64xf32, #tpu.memory_space<vmem>> -> memref<1x1x8x64xf32, #tpu.memory_space<vmem>>
        %dma_start3A_3015 = tpu.memref_squeeze %dma_start3A_3014 : memref<1x1x8x64xf32, #tpu.memory_space<vmem>> -> memref<8x64xf32, #tpu.memory_space<vmem>>
        %dma_start3A_3016 = arith.constant 0 : i32
        %dma_start3A_3017 = arith.constant 0 : i32
        %dma_start3A_3018 = tpu.memref_slice %arg5[%squeeze3A_3010, %dma_start3A_3016, %dma_start3A_3017] : memref<125000x8x64xf32, #tpu.memory_space<hbm>> -> memref<1x8x64xf32, #tpu.memory_space<hbm>>
        %dma_start3A_3019 = tpu.memref_squeeze %dma_start3A_3018 : memref<1x8x64xf32, #tpu.memory_space<hbm>> -> memref<8x64xf32, #tpu.memory_space<hbm>>
        %dma_start3A_3020 = arith.constant 0 : i32
        %dma_start3A_3021 = arith.constant 0 : i32
        %dma_start3A_3022 = tpu.memref_slice %arg13[%sub3A_2946, %dma_start3A_3011, %dma_start3A_3020, %dma_start3A_3021] : memref<2x16x8x64xf32, #tpu.memory_space<vmem>> -> memref<1x1x8x64xf32, #tpu.memory_space<vmem>>
        %dma_start3A_3023 = tpu.memref_squeeze %dma_start3A_3022 : memref<1x1x8x64xf32, #tpu.memory_space<vmem>> -> memref<8x64xf32, #tpu.memory_space<vmem>>
        %dma_start3A_3024 = arith.constant 0 : i32
        %dma_start3A_3025 = arith.constant 0 : i32
        %dma_start3A_3026 = tpu.memref_slice %arg5[%squeeze3A_3010, %dma_start3A_3024, %dma_start3A_3025] : memref<125000x8x64xf32, #tpu.memory_space<hbm>> -> memref<1x8x64xf32, #tpu.memory_space<hbm>>
        %dma_start3A_3027 = tpu.memref_squeeze %dma_start3A_3026 : memref<1x8x64xf32, #tpu.memory_space<hbm>> -> memref<8x64xf32, #tpu.memory_space<hbm>>
        tpu.enqueue_dma source(%dma_start3A_3027 : memref<8x64xf32, #tpu.memory_space<hbm>>) target(%dma_start3A_3023 : memref<8x64xf32, #tpu.memory_space<vmem>>) target_semaphore(%arg15 : memref<!tpu.dma_semaphore, #tpu.memory_space<semaphore_mem>>)
        %slice3A_3028 = vector.extract_strided_slice %shift_right_arithmetic3A_2954 {offsets = [1], sizes = [1], strides = [1]} : vector<16xi32> to vector<1xi32>
        %squeeze3A_3029 = vector.extract %slice3A_3028[0] : i32 from vector<1xi32>
        %dma_start3A_3030 = arith.constant 1 : i32
        %dma_start3A_3031 = arith.constant 0 : i32
        %dma_start3A_3032 = arith.constant 0 : i32
        %dma_start3A_3033 = tpu.memref_slice %arg11[%sub3A_2946, %dma_start3A_3030, %dma_start3A_3031, %dma_start3A_3032] : memref<2x16x8x64xf32, #tpu.memory_space<vmem>> -> memref<1x1x8x64xf32, #tpu.memory_space<vmem>>
        %dma_start3A_3034 = tpu.memref_squeeze %dma_start3A_3033 : memref<1x1x8x64xf32, #tpu.memory_space<vmem>> -> memref<8x64xf32, #tpu.memory_space<vmem>>
        %dma_start3A_3035 = arith.constant 0 : i32
        %dma_start3A_3036 = arith.constant 0 : i32
        %dma_start3A_3037 = tpu.memref_slice %arg5[%squeeze3A_3029, %dma_start3A_3035, %dma_start3A_3036] : memref<125000x8x64xf32, #tpu.memory_space<hbm>> -> memref<1x8x64xf32, #tpu.memory_space<hbm>>
        %dma_start3A_3038 = tpu.memref_squeeze %dma_start3A_3037 : memref<1x8x64xf32, #tpu.memory_space<hbm>> -> memref<8x64xf32, #tpu.memory_space<hbm>>
        %dma_start3A_3039 = arith.constant 0 : i32
        %dma_start3A_3040 = arith.constant 0 : i32
        %dma_start3A_3041 = tpu.memref_slice %arg11[%sub3A_2946, %dma_start3A_3030, %dma_start3A_3039, %dma_start3A_3040] : memref<2x16x8x64xf32, #tpu.memory_space<vmem>> -> memref<1x1x8x64xf32, #tpu.memory_space<vmem>>
        %dma_start3A_3042 = tpu.memref_squeeze %dma_start3A_3041 : memref<1x1x8x64xf32, #tpu.memory_space<vmem>> -> memref<8x64xf32, #tpu.memory_space<vmem>>
        %dma_start3A_3043 = arith.constant 0 : i32
        %dma_start3A_3044 = arith.constant 0 : i32
        %dma_start3A_3045 = tpu.memref_slice %arg5[%squeeze3A_3029, %dma_start3A_3043, %dma_start3A_3044] : memref<125000x8x64xf32, #tpu.memory_space<hbm>> -> memref<1x8x64xf32, #tpu.memory_space<hbm>>
        %dma_start3A_3046 = tpu.memref_squeeze %dma_start3A_3045 : memref<1x8x64xf32, #tpu.memory_space<hbm>> -> memref<8x64xf32, #tpu.memory_space<hbm>>
        tpu.enqueue_dma source(%dma_start3A_3046 : memref<8x64xf32, #tpu.memory_space<hbm>>) target(%dma_start3A_3042 : memref<8x64xf32, #tpu.memory_space<vmem>>) target_semaphore(%arg15 : memref<!tpu.dma_semaphore, #tpu.memory_space<semaphore_mem>>)
        %slice3A_3047 = vector.extract_strided_slice %shift_right_arithmetic3A_2962 {offsets = [1], sizes = [1], strides = [1]} : vector<16xi32> to vector<1xi32>
        %squeeze3A_3048 = vector.extract %slice3A_3047[0] : i32 from vector<1xi32>
        %dma_start3A_3049 = arith.constant 1 : i32
        %dma_start3A_3050 = arith.constant 0 : i32
        %dma_start3A_3051 = arith.constant 0 : i32
        %dma_start3A_3052 = tpu.memref_slice %arg12[%sub3A_2946, %dma_start3A_3049, %dma_start3A_3050, %dma_start3A_3051] : memref<2x16x8x64xf32, #tpu.memory_space<vmem>> -> memref<1x1x8x64xf32, #tpu.memory_space<vmem>>
        %dma_start3A_3053 = tpu.memref_squeeze %dma_start3A_3052 : memref<1x1x8x64xf32, #tpu.memory_space<vmem>> -> memref<8x64xf32, #tpu.memory_space<vmem>>
        %dma_start3A_3054 = arith.constant 0 : i32
        %dma_start3A_3055 = arith.constant 0 : i32
        %dma_start3A_3056 = tpu.memref_slice %arg6[%squeeze3A_3048, %dma_start3A_3054, %dma_start3A_3055] : memref<125x8x64xf32, #tpu.memory_space<hbm>> -> memref<1x8x64xf32, #tpu.memory_space<hbm>>
        %dma_start3A_3057 = tpu.memref_squeeze %dma_start3A_3056 : memref<1x8x64xf32, #tpu.memory_space<hbm>> -> memref<8x64xf32, #tpu.memory_space<hbm>>
        %dma_start3A_3058 = arith.constant 0 : i32
        %dma_start3A_3059 = arith.constant 0 : i32
        %dma_start3A_3060 = tpu.memref_slice %arg12[%sub3A_2946, %dma_start3A_3049, %dma_start3A_3058, %dma_start3A_3059] : memref<2x16x8x64xf32, #tpu.memory_space<vmem>> -> memref<1x1x8x64xf32, #tpu.memory_space<vmem>>
        %dma_start3A_3061 = tpu.memref_squeeze %dma_start3A_3060 : memref<1x1x8x64xf32, #tpu.memory_space<vmem>> -> memref<8x64xf32, #tpu.memory_space<vmem>>
        %dma_start3A_3062 = arith.constant 0 : i32
        %dma_start3A_3063 = arith.constant 0 : i32
        %dma_start3A_3064 = tpu.memref_slice %arg6[%squeeze3A_3048, %dma_start3A_3062, %dma_start3A_3063] : memref<125x8x64xf32, #tpu.memory_space<hbm>> -> memref<1x8x64xf32, #tpu.memory_space<hbm>>
        %dma_start3A_3065 = tpu.memref_squeeze %dma_start3A_3064 : memref<1x8x64xf32, #tpu.memory_space<hbm>> -> memref<8x64xf32, #tpu.memory_space<hbm>>
        tpu.enqueue_dma source(%dma_start3A_3065 : memref<8x64xf32, #tpu.memory_space<hbm>>) target(%dma_start3A_3061 : memref<8x64xf32, #tpu.memory_space<vmem>>) target_semaphore(%arg15 : memref<!tpu.dma_semaphore, #tpu.memory_space<semaphore_mem>>)
        %slice3A_3066 = vector.extract_strided_slice %shift_right_arithmetic3A_2970 {offsets = [1], sizes = [1], strides = [1]} : vector<16xi32> to vector<1xi32>
        %squeeze3A_3067 = vector.extract %slice3A_3066[0] : i32 from vector<1xi32>
        %dma_start3A_3068 = arith.constant 1 : i32
        %dma_start3A_3069 = arith.constant 0 : i32
        %dma_start3A_3070 = arith.constant 0 : i32
        %dma_start3A_3071 = tpu.memref_slice %arg13[%sub3A_2946, %dma_start3A_3068, %dma_start3A_3069, %dma_start3A_3070] : memref<2x16x8x64xf32, #tpu.memory_space<vmem>> -> memref<1x1x8x64xf32, #tpu.memory_space<vmem>>
        %dma_start3A_3072 = tpu.memref_squeeze %dma_start3A_3071 : memref<1x1x8x64xf32, #tpu.memory_space<vmem>> -> memref<8x64xf32, #tpu.memory_space<vmem>>
        %dma_start3A_3073 = arith.constant 0 : i32
        %dma_start3A_3074 = arith.constant 0 : i32
        %dma_start3A_3075 = tpu.memref_slice %arg5[%squeeze3A_3067, %dma_start3A_3073, %dma_start3A_3074] : memref<125000x8x64xf32, #tpu.memory_space<hbm>> -> memref<1x8x64xf32, #tpu.memory_space<hbm>>
        %dma_start3A_3076 = tpu.memref_squeeze %dma_start3A_3075 : memref<1x8x64xf32, #tpu.memory_space<hbm>> -> memref<8x64xf32, #tpu.memory_space<hbm>>
        %dma_start3A_3077 = arith.constant 0 : i32
        %dma_start3A_3078 = arith.constant 0 : i32
        %dma_start3A_3079 = tpu.memref_slice %arg13[%sub3A_2946, %dma_start3A_3068, %dma_start3A_3077, %dma_start3A_3078] : memref<2x16x8x64xf32, #tpu.memory_space<vmem>> -> memref<1x1x8x64xf32, #tpu.memory_space<vmem>>
        %dma_start3A_3080 = tpu.memref_squeeze %dma_start3A_3079 : memref<1x1x8x64xf32, #tpu.memory_space<vmem>> -> memref<8x64xf32, #tpu.memory_space<vmem>>
        %dma_start3A_3081 = arith.constant 0 : i32
        %dma_start3A_3082 = arith.constant 0 : i32
        %dma_start3A_3083 = tpu.memref_slice %arg5[%squeeze3A_3067, %dma_start3A_3081, %dma_start3A_3082] : memref<125000x8x64xf32, #tpu.memory_space<hbm>> -> memref<1x8x64xf32, #tpu.memory_space<hbm>>
        %dma_start3A_3084 = tpu.memref_squeeze %dma_start3A_3083 : memref<1x8x64xf32, #tpu.memory_space<hbm>> -> memref<8x64xf32, #tpu.memory_space<hbm>>
        tpu.enqueue_dma source(%dma_start3A_3084 : memref<8x64xf32, #tpu.memory_space<hbm>>) target(%dma_start3A_3080 : memref<8x64xf32, #tpu.memory_space<vmem>>) target_semaphore(%arg15 : memref<!tpu.dma_semaphore, #tpu.memory_space<semaphore_mem>>)
        %slice3A_3085 = vector.extract_strided_slice %shift_right_arithmetic3A_2954 {offsets = [2], sizes = [1], strides = [1]} : vector<16xi32> to vector<1xi32>
        %squeeze3A_3086 = vector.extract %slice3A_3085[0] : i32 from vector<1xi32>
        %dma_start3A_3087 = arith.constant 2 : i32
        %dma_start3A_3088 = arith.constant 0 : i32
        %dma_start3A_3089 = arith.constant 0 : i32
        %dma_start3A_3090 = tpu.memref_slice %arg11[%sub3A_2946, %dma_start3A_3087, %dma_start3A_3088, %dma_start3A_3089] : memref<2x16x8x64xf32, #tpu.memory_space<vmem>> -> memref<1x1x8x64xf32, #tpu.memory_space<vmem>>
        %dma_start3A_3091 = tpu.memref_squeeze %dma_start3A_3090 : memref<1x1x8x64xf32, #tpu.memory_space<vmem>> -> memref<8x64xf32, #tpu.memory_space<vmem>>
        %dma_start3A_3092 = arith.constant 0 : i32
        %dma_start3A_3093 = arith.constant 0 : i32
        %dma_start3A_3094 = tpu.memref_slice %arg5[%squeeze3A_3086, %dma_start3A_3092, %dma_start3A_3093] : memref<125000x8x64xf32, #tpu.memory_space<hbm>> -> memref<1x8x64xf32, #tpu.memory_space<hbm>>
        %dma_start3A_3095 = tpu.memref_squeeze %dma_start3A_3094 : memref<1x8x64xf32, #tpu.memory_space<hbm>> -> memref<8x64xf32, #tpu.memory_space<hbm>>
        %dma_start3A_3096 = arith.constant 0 : i32
        %dma_start3A_3097 = arith.constant 0 : i32
        %dma_start3A_3098 = tpu.memref_slice %arg11[%sub3A_2946, %dma_start3A_3087, %dma_start3A_3096, %dma_start3A_3097] : memref<2x16x8x64xf32, #tpu.memory_space<vmem>> -> memref<1x1x8x64xf32, #tpu.memory_space<vmem>>
        %dma_start3A_3099 = tpu.memref_squeeze %dma_start3A_3098 : memref<1x1x8x64xf32, #tpu.memory_space<vmem>> -> memref<8x64xf32, #tpu.memory_space<vmem>>
        %dma_start3A_3100 = arith.constant 0 : i32
        %dma_start3A_3101 = arith.constant 0 : i32
        %dma_start3A_3102 = tpu.memref_slice %arg5[%squeeze3A_3086, %dma_start3A_3100, %dma_start3A_3101] : memref<125000x8x64xf32, #tpu.memory_space<hbm>> -> memref<1x8x64xf32, #tpu.memory_space<hbm>>
        %dma_start3A_3103 = tpu.memref_squeeze %dma_start3A_3102 : memref<1x8x64xf32, #tpu.memory_space<hbm>> -> memref<8x64xf32, #tpu.memory_space<hbm>>
        tpu.enqueue_dma source(%dma_start3A_3103 : memref<8x64xf32, #tpu.memory_space<hbm>>) target(%dma_start3A_3099 : memref<8x64xf32, #tpu.memory_space<vmem>>) target_semaphore(%arg15 : memref<!tpu.dma_semaphore, #tpu.memory_space<semaphore_mem>>)
        %slice3A_3104 = vector.extract_strided_slice %shift_right_arithmetic3A_2962 {offsets = [2], sizes = [1], strides = [1]} : vector<16xi32> to vector<1xi32>
        %squeeze3A_3105 = vector.extract %slice3A_3104[0] : i32 from vector<1xi32>
        %dma_start3A_3106 = arith.constant 2 : i32
        %dma_start3A_3107 = arith.constant 0 : i32
        %dma_start3A_3108 = arith.constant 0 : i32
        %dma_start3A_3109 = tpu.memref_slice %arg12[%sub3A_2946, %dma_start3A_3106, %dma_start3A_3107, %dma_start3A_3108] : memref<2x16x8x64xf32, #tpu.memory_space<vmem>> -> memref<1x1x8x64xf32, #tpu.memory_space<vmem>>
        %dma_start3A_3110 = tpu.memref_squeeze %dma_start3A_3109 : memref<1x1x8x64xf32, #tpu.memory_space<vmem>> -> memref<8x64xf32, #tpu.memory_space<vmem>>
        %dma_start3A_3111 = arith.constant 0 : i32
        %dma_start3A_3112 = arith.constant 0 : i32
        %dma_start3A_3113 = tpu.memref_slice %arg6[%squeeze3A_3105, %dma_start3A_3111, %dma_start3A_3112] : memref<125x8x64xf32, #tpu.memory_space<hbm>> -> memref<1x8x64xf32, #tpu.memory_space<hbm>>
        %dma_start3A_3114 = tpu.memref_squeeze %dma_start3A_3113 : memref<1x8x64xf32, #tpu.memory_space<hbm>> -> memref<8x64xf32, #tpu.memory_space<hbm>>
        %dma_start3A_3115 = arith.constant 0 : i32
        %dma_start3A_3116 = arith.constant 0 : i32
        %dma_start3A_3117 = tpu.memref_slice %arg12[%sub3A_2946, %dma_start3A_3106, %dma_start3A_3115, %dma_start3A_3116] : memref<2x16x8x64xf32, #tpu.memory_space<vmem>> -> memref<1x1x8x64xf32, #tpu.memory_space<vmem>>
        %dma_start3A_3118 = tpu.memref_squeeze %dma_start3A_3117 : memref<1x1x8x64xf32, #tpu.memory_space<vmem>> -> memref<8x64xf32, #tpu.memory_space<vmem>>
        %dma_start3A_3119 = arith.constant 0 : i32
        %dma_start3A_3120 = arith.constant 0 : i32
        %dma_start3A_3121 = tpu.memref_slice %arg6[%squeeze3A_3105, %dma_start3A_3119, %dma_start3A_3120] : memref<125x8x64xf32, #tpu.memory_space<hbm>> -> memref<1x8x64xf32, #tpu.memory_space<hbm>>
        %dma_start3A_3122 = tpu.memref_squeeze %dma_start3A_3121 : memref<1x8x64xf32, #tpu.memory_space<hbm>> -> memref<8x64xf32, #tpu.memory_space<hbm>>
        tpu.enqueue_dma source(%dma_start3A_3122 : memref<8x64xf32, #tpu.memory_space<hbm>>) target(%dma_start3A_3118 : memref<8x64xf32, #tpu.memory_space<vmem>>) target_semaphore(%arg15 : memref<!tpu.dma_semaphore, #tpu.memory_space<semaphore_mem>>)
        %slice3A_3123 = vector.extract_strided_slice %shift_right_arithmetic3A_2970 {offsets = [2], sizes = [1], strides = [1]} : vector<16xi32> to vector<1xi32>
        %squeeze3A_3124 = vector.extract %slice3A_3123[0] : i32 from vector<1xi32>
        %dma_start3A_3125 = arith.constant 2 : i32
        %dma_start3A_3126 = arith.constant 0 : i32
        %dma_start3A_3127 = arith.constant 0 : i32
        %dma_start3A_3128 = tpu.memref_slice %arg13[%sub3A_2946, %dma_start3A_3125, %dma_start3A_3126, %dma_start3A_3127] : memref<2x16x8x64xf32, #tpu.memory_space<vmem>> -> memref<1x1x8x64xf32, #tpu.memory_space<vmem>>
        %dma_start3A_3129 = tpu.memref_squeeze %dma_start3A_3128 : memref<1x1x8x64xf32, #tpu.memory_space<vmem>> -> memref<8x64xf32, #tpu.memory_space<vmem>>
        %dma_start3A_3130 = arith.constant 0 : i32
        %dma_start3A_3131 = arith.constant 0 : i32
        %dma_start3A_3132 = tpu.memref_slice %arg5[%squeeze3A_3124, %dma_start3A_3130, %dma_start3A_3131] : memref<125000x8x64xf32, #tpu.memory_space<hbm>> -> memref<1x8x64xf32, #tpu.memory_space<hbm>>
        %dma_start3A_3133 = tpu.memref_squeeze %dma_start3A_3132 : memref<1x8x64xf32, #tpu.memory_space<hbm>> -> memref<8x64xf32, #tpu.memory_space<hbm>>
        %dma_start3A_3134 = arith.constant 0 : i32
        %dma_start3A_3135 = arith.constant 0 : i32
        %dma_start3A_3136 = tpu.memref_slice %arg13[%sub3A_2946, %dma_start3A_3125, %dma_start3A_3134, %dma_start3A_3135] : memref<2x16x8x64xf32, #tpu.memory_space<vmem>> -> memref<1x1x8x64xf32, #tpu.memory_space<vmem>>
        %dma_start3A_3137 = tpu.memref_squeeze %dma_start3A_3136 : memref<1x1x8x64xf32, #tpu.memory_space<vmem>> -> memref<8x64xf32, #tpu.memory_space<vmem>>
        %dma_start3A_3138 = arith.constant 0 : i32
        %dma_start3A_3139 = arith.constant 0 : i32
        %dma_start3A_3140 = tpu.memref_slice %arg5[%squeeze3A_3124, %dma_start3A_3138, %dma_start3A_3139] : memref<125000x8x64xf32, #tpu.memory_space<hbm>> -> memref<1x8x64xf32, #tpu.memory_space<hbm>>
        %dma_start3A_3141 = tpu.memref_squeeze %dma_start3A_3140 : memref<1x8x64xf32, #tpu.memory_space<hbm>> -> memref<8x64xf32, #tpu.memory_space<hbm>>
        tpu.enqueue_dma source(%dma_start3A_3141 : memref<8x64xf32, #tpu.memory_space<hbm>>) target(%dma_start3A_3137 : memref<8x64xf32, #tpu.memory_space<vmem>>) target_semaphore(%arg15 : memref<!tpu.dma_semaphore, #tpu.memory_space<semaphore_mem>>)
        %slice3A_3142 = vector.extract_strided_slice %shift_right_arithmetic3A_2954 {offsets = [3], sizes = [1], strides = [1]} : vector<16xi32> to vector<1xi32>
        %squeeze3A_3143 = vector.extract %slice3A_3142[0] : i32 from vector<1xi32>
        %dma_start3A_3144 = arith.constant 3 : i32
        %dma_start3A_3145 = arith.constant 0 : i32
        %dma_start3A_3146 = arith.constant 0 : i32
        %dma_start3A_3147 = tpu.memref_slice %arg11[%sub3A_2946, %dma_start3A_3144, %dma_start3A_3145, %dma_start3A_3146] : memref<2x16x8x64xf32, #tpu.memory_space<vmem>> -> memref<1x1x8x64xf32, #tpu.memory_space<vmem>>
        %dma_start3A_3148 = tpu.memref_squeeze %dma_start3A_3147 : memref<1x1x8x64xf32, #tpu.memory_space<vmem>> -> memref<8x64xf32, #tpu.memory_space<vmem>>
        %dma_start3A_3149 = arith.constant 0 : i32
        %dma_start3A_3150 = arith.constant 0 : i32
        %dma_start3A_3151 = tpu.memref_slice %arg5[%squeeze3A_3143, %dma_start3A_3149, %dma_start3A_3150] : memref<125000x8x64xf32, #tpu.memory_space<hbm>> -> memref<1x8x64xf32, #tpu.memory_space<hbm>>
        %dma_start3A_3152 = tpu.memref_squeeze %dma_start3A_3151 : memref<1x8x64xf32, #tpu.memory_space<hbm>> -> memref<8x64xf32, #tpu.memory_space<hbm>>
        %dma_start3A_3153 = arith.constant 0 : i32
        %dma_start3A_3154 = arith.constant 0 : i32
        %dma_start3A_3155 = tpu.memref_slice %arg11[%sub3A_2946, %dma_start3A_3144, %dma_start3A_3153, %dma_start3A_3154] : memref<2x16x8x64xf32, #tpu.memory_space<vmem>> -> memref<1x1x8x64xf32, #tpu.memory_space<vmem>>
        %dma_start3A_3156 = tpu.memref_squeeze %dma_start3A_3155 : memref<1x1x8x64xf32, #tpu.memory_space<vmem>> -> memref<8x64xf32, #tpu.memory_space<vmem>>
        %dma_start3A_3157 = arith.constant 0 : i32
        %dma_start3A_3158 = arith.constant 0 : i32
        %dma_start3A_3159 = tpu.memref_slice %arg5[%squeeze3A_3143, %dma_start3A_3157, %dma_start3A_3158] : memref<125000x8x64xf32, #tpu.memory_space<hbm>> -> memref<1x8x64xf32, #tpu.memory_space<hbm>>
        %dma_start3A_3160 = tpu.memref_squeeze %dma_start3A_3159 : memref<1x8x64xf32, #tpu.memory_space<hbm>> -> memref<8x64xf32, #tpu.memory_space<hbm>>
        tpu.enqueue_dma source(%dma_start3A_3160 : memref<8x64xf32, #tpu.memory_space<hbm>>) target(%dma_start3A_3156 : memref<8x64xf32, #tpu.memory_space<vmem>>) target_semaphore(%arg15 : memref<!tpu.dma_semaphore, #tpu.memory_space<semaphore_mem>>)
        %slice3A_3161 = vector.extract_strided_slice %shift_right_arithmetic3A_2962 {offsets = [3], sizes = [1], strides = [1]} : vector<16xi32> to vector<1xi32>
        %squeeze3A_3162 = vector.extract %slice3A_3161[0] : i32 from vector<1xi32>
        %dma_start3A_3163 = arith.constant 3 : i32
        %dma_start3A_3164 = arith.constant 0 : i32
        %dma_start3A_3165 = arith.constant 0 : i32
        %dma_start3A_3166 = tpu.memref_slice %arg12[%sub3A_2946, %dma_start3A_3163, %dma_start3A_3164, %dma_start3A_3165] : memref<2x16x8x64xf32, #tpu.memory_space<vmem>> -> memref<1x1x8x64xf32, #tpu.memory_space<vmem>>
        %dma_start3A_3167 = tpu.memref_squeeze %dma_start3A_3166 : memref<1x1x8x64xf32, #tpu.memory_space<vmem>> -> memref<8x64xf32, #tpu.memory_space<vmem>>
        %dma_start3A_3168 = arith.constant 0 : i32
        %dma_start3A_3169 = arith.constant 0 : i32
        %dma_start3A_3170 = tpu.memref_slice %arg6[%squeeze3A_3162, %dma_start3A_3168, %dma_start3A_3169] : memref<125x8x64xf32, #tpu.memory_space<hbm>> -> memref<1x8x64xf32, #tpu.memory_space<hbm>>
        %dma_start3A_3171 = tpu.memref_squeeze %dma_start3A_3170 : memref<1x8x64xf32, #tpu.memory_space<hbm>> -> memref<8x64xf32, #tpu.memory_space<hbm>>
        %dma_start3A_3172 = arith.constant 0 : i32
        %dma_start3A_3173 = arith.constant 0 : i32
        %dma_start3A_3174 = tpu.memref_slice %arg12[%sub3A_2946, %dma_start3A_3163, %dma_start3A_3172, %dma_start3A_3173] : memref<2x16x8x64xf32, #tpu.memory_space<vmem>> -> memref<1x1x8x64xf32, #tpu.memory_space<vmem>>
        %dma_start3A_3175 = tpu.memref_squeeze %dma_start3A_3174 : memref<1x1x8x64xf32, #tpu.memory_space<vmem>> -> memref<8x64xf32, #tpu.memory_space<vmem>>
        %dma_start3A_3176 = arith.constant 0 : i32
        %dma_start3A_3177 = arith.constant 0 : i32
        %dma_start3A_3178 = tpu.memref_slice %arg6[%squeeze3A_3162, %dma_start3A_3176, %dma_start3A_3177] : memref<125x8x64xf32, #tpu.memory_space<hbm>> -> memref<1x8x64xf32, #tpu.memory_space<hbm>>
        %dma_start3A_3179 = tpu.memref_squeeze %dma_start3A_3178 : memref<1x8x64xf32, #tpu.memory_space<hbm>> -> memref<8x64xf32, #tpu.memory_space<hbm>>
        tpu.enqueue_dma source(%dma_start3A_3179 : memref<8x64xf32, #tpu.memory_space<hbm>>) target(%dma_start3A_3175 : memref<8x64xf32, #tpu.memory_space<vmem>>) target_semaphore(%arg15 : memref<!tpu.dma_semaphore, #tpu.memory_space<semaphore_mem>>)
        %slice3A_3180 = vector.extract_strided_slice %shift_right_arithmetic3A_2970 {offsets = [3], sizes = [1], strides = [1]} : vector<16xi32> to vector<1xi32>
        %squeeze3A_3181 = vector.extract %slice3A_3180[0] : i32 from vector<1xi32>
        %dma_start3A_3182 = arith.constant 3 : i32
        %dma_start3A_3183 = arith.constant 0 : i32
        %dma_start3A_3184 = arith.constant 0 : i32
        %dma_start3A_3185 = tpu.memref_slice %arg13[%sub3A_2946, %dma_start3A_3182, %dma_start3A_3183, %dma_start3A_3184] : memref<2x16x8x64xf32, #tpu.memory_space<vmem>> -> memref<1x1x8x64xf32, #tpu.memory_space<vmem>>
        %dma_start3A_3186 = tpu.memref_squeeze %dma_start3A_3185 : memref<1x1x8x64xf32, #tpu.memory_space<vmem>> -> memref<8x64xf32, #tpu.memory_space<vmem>>
        %dma_start3A_3187 = arith.constant 0 : i32
        %dma_start3A_3188 = arith.constant 0 : i32
        %dma_start3A_3189 = tpu.memref_slice %arg5[%squeeze3A_3181, %dma_start3A_3187, %dma_start3A_3188] : memref<125000x8x64xf32, #tpu.memory_space<hbm>> -> memref<1x8x64xf32, #tpu.memory_space<hbm>>
        %dma_start3A_3190 = tpu.memref_squeeze %dma_start3A_3189 : memref<1x8x64xf32, #tpu.memory_space<hbm>> -> memref<8x64xf32, #tpu.memory_space<hbm>>
        %dma_start3A_3191 = arith.constant 0 : i32
        %dma_start3A_3192 = arith.constant 0 : i32
        %dma_start3A_3193 = tpu.memref_slice %arg13[%sub3A_2946, %dma_start3A_3182, %dma_start3A_3191, %dma_start3A_3192] : memref<2x16x8x64xf32, #tpu.memory_space<vmem>> -> memref<1x1x8x64xf32, #tpu.memory_space<vmem>>
        %dma_start3A_3194 = tpu.memref_squeeze %dma_start3A_3193 : memref<1x1x8x64xf32, #tpu.memory_space<vmem>> -> memref<8x64xf32, #tpu.memory_space<vmem>>
        %dma_start3A_3195 = arith.constant 0 : i32
        %dma_start3A_3196 = arith.constant 0 : i32
        %dma_start3A_3197 = tpu.memref_slice %arg5[%squeeze3A_3181, %dma_start3A_3195, %dma_start3A_3196] : memref<125000x8x64xf32, #tpu.memory_space<hbm>> -> memref<1x8x64xf32, #tpu.memory_space<hbm>>
        %dma_start3A_3198 = tpu.memref_squeeze %dma_start3A_3197 : memref<1x8x64xf32, #tpu.memory_space<hbm>> -> memref<8x64xf32, #tpu.memory_space<hbm>>
        tpu.enqueue_dma source(%dma_start3A_3198 : memref<8x64xf32, #tpu.memory_space<hbm>>) target(%dma_start3A_3194 : memref<8x64xf32, #tpu.memory_space<vmem>>) target_semaphore(%arg15 : memref<!tpu.dma_semaphore, #tpu.memory_space<semaphore_mem>>)
        %slice3A_3199 = vector.extract_strided_slice %shift_right_arithmetic3A_2954 {offsets = [4], sizes = [1], strides = [1]} : vector<16xi32> to vector<1xi32>
        %squeeze3A_3200 = vector.extract %slice3A_3199[0] : i32 from vector<1xi32>
        %dma_start3A_3201 = arith.constant 4 : i32
        %dma_start3A_3202 = arith.constant 0 : i32
        %dma_start3A_3203 = arith.constant 0 : i32
        %dma_start3A_3204 = tpu.memref_slice %arg11[%sub3A_2946, %dma_start3A_3201, %dma_start3A_3202, %dma_start3A_3203] : memref<2x16x8x64xf32, #tpu.memory_space<vmem>> -> memref<1x1x8x64xf32, #tpu.memory_space<vmem>>
        %dma_start3A_3205 = tpu.memref_squeeze %dma_start3A_3204 : memref<1x1x8x64xf32, #tpu.memory_space<vmem>> -> memref<8x64xf32, #tpu.memory_space<vmem>>
        %dma_start3A_3206 = arith.constant 0 : i32
        %dma_start3A_3207 = arith.constant 0 : i32
        %dma_start3A_3208 = tpu.memref_slice %arg5[%squeeze3A_3200, %dma_start3A_3206, %dma_start3A_3207] : memref<125000x8x64xf32, #tpu.memory_space<hbm>> -> memref<1x8x64xf32, #tpu.memory_space<hbm>>
        %dma_start3A_3209 = tpu.memref_squeeze %dma_start3A_3208 : memref<1x8x64xf32, #tpu.memory_space<hbm>> -> memref<8x64xf32, #tpu.memory_space<hbm>>
        %dma_start3A_3210 = arith.constant 0 : i32
        %dma_start3A_3211 = arith.constant 0 : i32
        %dma_start3A_3212 = tpu.memref_slice %arg11[%sub3A_2946, %dma_start3A_3201, %dma_start3A_3210, %dma_start3A_3211] : memref<2x16x8x64xf32, #tpu.memory_space<vmem>> -> memref<1x1x8x64xf32, #tpu.memory_space<vmem>>
        %dma_start3A_3213 = tpu.memref_squeeze %dma_start3A_3212 : memref<1x1x8x64xf32, #tpu.memory_space<vmem>> -> memref<8x64xf32, #tpu.memory_space<vmem>>
        %dma_start3A_3214 = arith.constant 0 : i32
        %dma_start3A_3215 = arith.constant 0 : i32
        %dma_start3A_3216 = tpu.memref_slice %arg5[%squeeze3A_3200, %dma_start3A_3214, %dma_start3A_3215] : memref<125000x8x64xf32, #tpu.memory_space<hbm>> -> memref<1x8x64xf32, #tpu.memory_space<hbm>>
        %dma_start3A_3217 = tpu.memref_squeeze %dma_start3A_3216 : memref<1x8x64xf32, #tpu.memory_space<hbm>> -> memref<8x64xf32, #tpu.memory_space<hbm>>
        tpu.enqueue_dma source(%dma_start3A_3217 : memref<8x64xf32, #tpu.memory_space<hbm>>) target(%dma_start3A_3213 : memref<8x64xf32, #tpu.memory_space<vmem>>) target_semaphore(%arg15 : memref<!tpu.dma_semaphore, #tpu.memory_space<semaphore_mem>>)
        %slice3A_3218 = vector.extract_strided_slice %shift_right_arithmetic3A_2962 {offsets = [4], sizes = [1], strides = [1]} : vector<16xi32> to vector<1xi32>
        %squeeze3A_3219 = vector.extract %slice3A_3218[0] : i32 from vector<1xi32>
        %dma_start3A_3220 = arith.constant 4 : i32
        %dma_start3A_3221 = arith.constant 0 : i32
        %dma_start3A_3222 = arith.constant 0 : i32
        %dma_start3A_3223 = tpu.memref_slice %arg12[%sub3A_2946, %dma_start3A_3220, %dma_start3A_3221, %dma_start3A_3222] : memref<2x16x8x64xf32, #tpu.memory_space<vmem>> -> memref<1x1x8x64xf32, #tpu.memory_space<vmem>>
        %dma_start3A_3224 = tpu.memref_squeeze %dma_start3A_3223 : memref<1x1x8x64xf32, #tpu.memory_space<vmem>> -> memref<8x64xf32, #tpu.memory_space<vmem>>
        %dma_start3A_3225 = arith.constant 0 : i32
        %dma_start3A_3226 = arith.constant 0 : i32
        %dma_start3A_3227 = tpu.memref_slice %arg6[%squeeze3A_3219, %dma_start3A_3225, %dma_start3A_3226] : memref<125x8x64xf32, #tpu.memory_space<hbm>> -> memref<1x8x64xf32, #tpu.memory_space<hbm>>
        %dma_start3A_3228 = tpu.memref_squeeze %dma_start3A_3227 : memref<1x8x64xf32, #tpu.memory_space<hbm>> -> memref<8x64xf32, #tpu.memory_space<hbm>>
        %dma_start3A_3229 = arith.constant 0 : i32
        %dma_start3A_3230 = arith.constant 0 : i32
        %dma_start3A_3231 = tpu.memref_slice %arg12[%sub3A_2946, %dma_start3A_3220, %dma_start3A_3229, %dma_start3A_3230] : memref<2x16x8x64xf32, #tpu.memory_space<vmem>> -> memref<1x1x8x64xf32, #tpu.memory_space<vmem>>
        %dma_start3A_3232 = tpu.memref_squeeze %dma_start3A_3231 : memref<1x1x8x64xf32, #tpu.memory_space<vmem>> -> memref<8x64xf32, #tpu.memory_space<vmem>>
        %dma_start3A_3233 = arith.constant 0 : i32
        %dma_start3A_3234 = arith.constant 0 : i32
        %dma_start3A_3235 = tpu.memref_slice %arg6[%squeeze3A_3219, %dma_start3A_3233, %dma_start3A_3234] : memref<125x8x64xf32, #tpu.memory_space<hbm>> -> memref<1x8x64xf32, #tpu.memory_space<hbm>>
        %dma_start3A_3236 = tpu.memref_squeeze %dma_start3A_3235 : memref<1x8x64xf32, #tpu.memory_space<hbm>> -> memref<8x64xf32, #tpu.memory_space<hbm>>
        tpu.enqueue_dma source(%dma_start3A_3236 : memref<8x64xf32, #tpu.memory_space<hbm>>) target(%dma_start3A_3232 : memref<8x64xf32, #tpu.memory_space<vmem>>) target_semaphore(%arg15 : memref<!tpu.dma_semaphore, #tpu.memory_space<semaphore_mem>>)
        %slice3A_3237 = vector.extract_strided_slice %shift_right_arithmetic3A_2970 {offsets = [4], sizes = [1], strides = [1]} : vector<16xi32> to vector<1xi32>
        %squeeze3A_3238 = vector.extract %slice3A_3237[0] : i32 from vector<1xi32>
        %dma_start3A_3239 = arith.constant 4 : i32
        %dma_start3A_3240 = arith.constant 0 : i32
        %dma_start3A_3241 = arith.constant 0 : i32
        %dma_start3A_3242 = tpu.memref_slice %arg13[%sub3A_2946, %dma_start3A_3239, %dma_start3A_3240, %dma_start3A_3241] : memref<2x16x8x64xf32, #tpu.memory_space<vmem>> -> memref<1x1x8x64xf32, #tpu.memory_space<vmem>>
        %dma_start3A_3243 = tpu.memref_squeeze %dma_start3A_3242 : memref<1x1x8x64xf32, #tpu.memory_space<vmem>> -> memref<8x64xf32, #tpu.memory_space<vmem>>
        %dma_start3A_3244 = arith.constant 0 : i32
        %dma_start3A_3245 = arith.constant 0 : i32
        %dma_start3A_3246 = tpu.memref_slice %arg5[%squeeze3A_3238, %dma_start3A_3244, %dma_start3A_3245] : memref<125000x8x64xf32, #tpu.memory_space<hbm>> -> memref<1x8x64xf32, #tpu.memory_space<hbm>>
        %dma_start3A_3247 = tpu.memref_squeeze %dma_start3A_3246 : memref<1x8x64xf32, #tpu.memory_space<hbm>> -> memref<8x64xf32, #tpu.memory_space<hbm>>
        %dma_start3A_3248 = arith.constant 0 : i32
        %dma_start3A_3249 = arith.constant 0 : i32
        %dma_start3A_3250 = tpu.memref_slice %arg13[%sub3A_2946, %dma_start3A_3239, %dma_start3A_3248, %dma_start3A_3249] : memref<2x16x8x64xf32, #tpu.memory_space<vmem>> -> memref<1x1x8x64xf32, #tpu.memory_space<vmem>>
        %dma_start3A_3251 = tpu.memref_squeeze %dma_start3A_3250 : memref<1x1x8x64xf32, #tpu.memory_space<vmem>> -> memref<8x64xf32, #tpu.memory_space<vmem>>
        %dma_start3A_3252 = arith.constant 0 : i32
        %dma_start3A_3253 = arith.constant 0 : i32
        %dma_start3A_3254 = tpu.memref_slice %arg5[%squeeze3A_3238, %dma_start3A_3252, %dma_start3A_3253] : memref<125000x8x64xf32, #tpu.memory_space<hbm>> -> memref<1x8x64xf32, #tpu.memory_space<hbm>>
        %dma_start3A_3255 = tpu.memref_squeeze %dma_start3A_3254 : memref<1x8x64xf32, #tpu.memory_space<hbm>> -> memref<8x64xf32, #tpu.memory_space<hbm>>
        tpu.enqueue_dma source(%dma_start3A_3255 : memref<8x64xf32, #tpu.memory_space<hbm>>) target(%dma_start3A_3251 : memref<8x64xf32, #tpu.memory_space<vmem>>) target_semaphore(%arg15 : memref<!tpu.dma_semaphore, #tpu.memory_space<semaphore_mem>>)
        %slice3A_3256 = vector.extract_strided_slice %shift_right_arithmetic3A_2954 {offsets = [5], sizes = [1], strides = [1]} : vector<16xi32> to vector<1xi32>
        %squeeze3A_3257 = vector.extract %slice3A_3256[0] : i32 from vector<1xi32>
        %dma_start3A_3258 = arith.constant 5 : i32
        %dma_start3A_3259 = arith.constant 0 : i32
        %dma_start3A_3260 = arith.constant 0 : i32
        %dma_start3A_3261 = tpu.memref_slice %arg11[%sub3A_2946, %dma_start3A_3258, %dma_start3A_3259, %dma_start3A_3260] : memref<2x16x8x64xf32, #tpu.memory_space<vmem>> -> memref<1x1x8x64xf32, #tpu.memory_space<vmem>>
        %dma_start3A_3262 = tpu.memref_squeeze %dma_start3A_3261 : memref<1x1x8x64xf32, #tpu.memory_space<vmem>> -> memref<8x64xf32, #tpu.memory_space<vmem>>
        %dma_start3A_3263 = arith.constant 0 : i32
        %dma_start3A_3264 = arith.constant 0 : i32
        %dma_start3A_3265 = tpu.memref_slice %arg5[%squeeze3A_3257, %dma_start3A_3263, %dma_start3A_3264] : memref<125000x8x64xf32, #tpu.memory_space<hbm>> -> memref<1x8x64xf32, #tpu.memory_space<hbm>>
        %dma_start3A_3266 = tpu.memref_squeeze %dma_start3A_3265 : memref<1x8x64xf32, #tpu.memory_space<hbm>> -> memref<8x64xf32, #tpu.memory_space<hbm>>
        %dma_start3A_3267 = arith.constant 0 : i32
        %dma_start3A_3268 = arith.constant 0 : i32
        %dma_start3A_3269 = tpu.memref_slice %arg11[%sub3A_2946, %dma_start3A_3258, %dma_start3A_3267, %dma_start3A_3268] : memref<2x16x8x64xf32, #tpu.memory_space<vmem>> -> memref<1x1x8x64xf32, #tpu.memory_space<vmem>>
        %dma_start3A_3270 = tpu.memref_squeeze %dma_start3A_3269 : memref<1x1x8x64xf32, #tpu.memory_space<vmem>> -> memref<8x64xf32, #tpu.memory_space<vmem>>
        %dma_start3A_3271 = arith.constant 0 : i32
        %dma_start3A_3272 = arith.constant 0 : i32
        %dma_start3A_3273 = tpu.memref_slice %arg5[%squeeze3A_3257, %dma_start3A_3271, %dma_start3A_3272] : memref<125000x8x64xf32, #tpu.memory_space<hbm>> -> memref<1x8x64xf32, #tpu.memory_space<hbm>>
        %dma_start3A_3274 = tpu.memref_squeeze %dma_start3A_3273 : memref<1x8x64xf32, #tpu.memory_space<hbm>> -> memref<8x64xf32, #tpu.memory_space<hbm>>
        tpu.enqueue_dma source(%dma_start3A_3274 : memref<8x64xf32, #tpu.memory_space<hbm>>) target(%dma_start3A_3270 : memref<8x64xf32, #tpu.memory_space<vmem>>) target_semaphore(%arg15 : memref<!tpu.dma_semaphore, #tpu.memory_space<semaphore_mem>>)
        %slice3A_3275 = vector.extract_strided_slice %shift_right_arithmetic3A_2962 {offsets = [5], sizes = [1], strides = [1]} : vector<16xi32> to vector<1xi32>
        %squeeze3A_3276 = vector.extract %slice3A_3275[0] : i32 from vector<1xi32>
        %dma_start3A_3277 = arith.constant 5 : i32
        %dma_start3A_3278 = arith.constant 0 : i32
        %dma_start3A_3279 = arith.constant 0 : i32
        %dma_start3A_3280 = tpu.memref_slice %arg12[%sub3A_2946, %dma_start3A_3277, %dma_start3A_3278, %dma_start3A_3279] : memref<2x16x8x64xf32, #tpu.memory_space<vmem>> -> memref<1x1x8x64xf32, #tpu.memory_space<vmem>>
        %dma_start3A_3281 = tpu.memref_squeeze %dma_start3A_3280 : memref<1x1x8x64xf32, #tpu.memory_space<vmem>> -> memref<8x64xf32, #tpu.memory_space<vmem>>
        %dma_start3A_3282 = arith.constant 0 : i32
        %dma_start3A_3283 = arith.constant 0 : i32
        %dma_start3A_3284 = tpu.memref_slice %arg6[%squeeze3A_3276, %dma_start3A_3282, %dma_start3A_3283] : memref<125x8x64xf32, #tpu.memory_space<hbm>> -> memref<1x8x64xf32, #tpu.memory_space<hbm>>
        %dma_start3A_3285 = tpu.memref_squeeze %dma_start3A_3284 : memref<1x8x64xf32, #tpu.memory_space<hbm>> -> memref<8x64xf32, #tpu.memory_space<hbm>>
        %dma_start3A_3286 = arith.constant 0 : i32
        %dma_start3A_3287 = arith.constant 0 : i32
        %dma_start3A_3288 = tpu.memref_slice %arg12[%sub3A_2946, %dma_start3A_3277, %dma_start3A_3286, %dma_start3A_3287] : memref<2x16x8x64xf32, #tpu.memory_space<vmem>> -> memref<1x1x8x64xf32, #tpu.memory_space<vmem>>
        %dma_start3A_3289 = tpu.memref_squeeze %dma_start3A_3288 : memref<1x1x8x64xf32, #tpu.memory_space<vmem>> -> memref<8x64xf32, #tpu.memory_space<vmem>>
        %dma_start3A_3290 = arith.constant 0 : i32
        %dma_start3A_3291 = arith.constant 0 : i32
        %dma_start3A_3292 = tpu.memref_slice %arg6[%squeeze3A_3276, %dma_start3A_3290, %dma_start3A_3291] : memref<125x8x64xf32, #tpu.memory_space<hbm>> -> memref<1x8x64xf32, #tpu.memory_space<hbm>>
        %dma_start3A_3293 = tpu.memref_squeeze %dma_start3A_3292 : memref<1x8x64xf32, #tpu.memory_space<hbm>> -> memref<8x64xf32, #tpu.memory_space<hbm>>
        tpu.enqueue_dma source(%dma_start3A_3293 : memref<8x64xf32, #tpu.memory_space<hbm>>) target(%dma_start3A_3289 : memref<8x64xf32, #tpu.memory_space<vmem>>) target_semaphore(%arg15 : memref<!tpu.dma_semaphore, #tpu.memory_space<semaphore_mem>>)
        %slice3A_3294 = vector.extract_strided_slice %shift_right_arithmetic3A_2970 {offsets = [5], sizes = [1], strides = [1]} : vector<16xi32> to vector<1xi32>
        %squeeze3A_3295 = vector.extract %slice3A_3294[0] : i32 from vector<1xi32>
        %dma_start3A_3296 = arith.constant 5 : i32
        %dma_start3A_3297 = arith.constant 0 : i32
        %dma_start3A_3298 = arith.constant 0 : i32
        %dma_start3A_3299 = tpu.memref_slice %arg13[%sub3A_2946, %dma_start3A_3296, %dma_start3A_3297, %dma_start3A_3298] : memref<2x16x8x64xf32, #tpu.memory_space<vmem>> -> memref<1x1x8x64xf32, #tpu.memory_space<vmem>>
        %dma_start3A_3300 = tpu.memref_squeeze %dma_start3A_3299 : memref<1x1x8x64xf32, #tpu.memory_space<vmem>> -> memref<8x64xf32, #tpu.memory_space<vmem>>
        %dma_start3A_3301 = arith.constant 0 : i32
        %dma_start3A_3302 = arith.constant 0 : i32
        %dma_start3A_3303 = tpu.memref_slice %arg5[%squeeze3A_3295, %dma_start3A_3301, %dma_start3A_3302] : memref<125000x8x64xf32, #tpu.memory_space<hbm>> -> memref<1x8x64xf32, #tpu.memory_space<hbm>>
        %dma_start3A_3304 = tpu.memref_squeeze %dma_start3A_3303 : memref<1x8x64xf32, #tpu.memory_space<hbm>> -> memref<8x64xf32, #tpu.memory_space<hbm>>
        %dma_start3A_3305 = arith.constant 0 : i32
        %dma_start3A_3306 = arith.constant 0 : i32
        %dma_start3A_3307 = tpu.memref_slice %arg13[%sub3A_2946, %dma_start3A_3296, %dma_start3A_3305, %dma_start3A_3306] : memref<2x16x8x64xf32, #tpu.memory_space<vmem>> -> memref<1x1x8x64xf32, #tpu.memory_space<vmem>>
        %dma_start3A_3308 = tpu.memref_squeeze %dma_start3A_3307 : memref<1x1x8x64xf32, #tpu.memory_space<vmem>> -> memref<8x64xf32, #tpu.memory_space<vmem>>
        %dma_start3A_3309 = arith.constant 0 : i32
        %dma_start3A_3310 = arith.constant 0 : i32
        %dma_start3A_3311 = tpu.memref_slice %arg5[%squeeze3A_3295, %dma_start3A_3309, %dma_start3A_3310] : memref<125000x8x64xf32, #tpu.memory_space<hbm>> -> memref<1x8x64xf32, #tpu.memory_space<hbm>>
        %dma_start3A_3312 = tpu.memref_squeeze %dma_start3A_3311 : memref<1x8x64xf32, #tpu.memory_space<hbm>> -> memref<8x64xf32, #tpu.memory_space<hbm>>
        tpu.enqueue_dma source(%dma_start3A_3312 : memref<8x64xf32, #tpu.memory_space<hbm>>) target(%dma_start3A_3308 : memref<8x64xf32, #tpu.memory_space<vmem>>) target_semaphore(%arg15 : memref<!tpu.dma_semaphore, #tpu.memory_space<semaphore_mem>>)
        %slice3A_3313 = vector.extract_strided_slice %shift_right_arithmetic3A_2954 {offsets = [6], sizes = [1], strides = [1]} : vector<16xi32> to vector<1xi32>
        %squeeze3A_3314 = vector.extract %slice3A_3313[0] : i32 from vector<1xi32>
        %dma_start3A_3315 = arith.constant 6 : i32
        %dma_start3A_3316 = arith.constant 0 : i32
        %dma_start3A_3317 = arith.constant 0 : i32
        %dma_start3A_3318 = tpu.memref_slice %arg11[%sub3A_2946, %dma_start3A_3315, %dma_start3A_3316, %dma_start3A_3317] : memref<2x16x8x64xf32, #tpu.memory_space<vmem>> -> memref<1x1x8x64xf32, #tpu.memory_space<vmem>>
        %dma_start3A_3319 = tpu.memref_squeeze %dma_start3A_3318 : memref<1x1x8x64xf32, #tpu.memory_space<vmem>> -> memref<8x64xf32, #tpu.memory_space<vmem>>
        %dma_start3A_3320 = arith.constant 0 : i32
        %dma_start3A_3321 = arith.constant 0 : i32
        %dma_start3A_3322 = tpu.memref_slice %arg5[%squeeze3A_3314, %dma_start3A_3320, %dma_start3A_3321] : memref<125000x8x64xf32, #tpu.memory_space<hbm>> -> memref<1x8x64xf32, #tpu.memory_space<hbm>>
        %dma_start3A_3323 = tpu.memref_squeeze %dma_start3A_3322 : memref<1x8x64xf32, #tpu.memory_space<hbm>> -> memref<8x64xf32, #tpu.memory_space<hbm>>
        %dma_start3A_3324 = arith.constant 0 : i32
        %dma_start3A_3325 = arith.constant 0 : i32
        %dma_start3A_3326 = tpu.memref_slice %arg11[%sub3A_2946, %dma_start3A_3315, %dma_start3A_3324, %dma_start3A_3325] : memref<2x16x8x64xf32, #tpu.memory_space<vmem>> -> memref<1x1x8x64xf32, #tpu.memory_space<vmem>>
        %dma_start3A_3327 = tpu.memref_squeeze %dma_start3A_3326 : memref<1x1x8x64xf32, #tpu.memory_space<vmem>> -> memref<8x64xf32, #tpu.memory_space<vmem>>
        %dma_start3A_3328 = arith.constant 0 : i32
        %dma_start3A_3329 = arith.constant 0 : i32
        %dma_start3A_3330 = tpu.memref_slice %arg5[%squeeze3A_3314, %dma_start3A_3328, %dma_start3A_3329] : memref<125000x8x64xf32, #tpu.memory_space<hbm>> -> memref<1x8x64xf32, #tpu.memory_space<hbm>>
        %dma_start3A_3331 = tpu.memref_squeeze %dma_start3A_3330 : memref<1x8x64xf32, #tpu.memory_space<hbm>> -> memref<8x64xf32, #tpu.memory_space<hbm>>
        tpu.enqueue_dma source(%dma_start3A_3331 : memref<8x64xf32, #tpu.memory_space<hbm>>) target(%dma_start3A_3327 : memref<8x64xf32, #tpu.memory_space<vmem>>) target_semaphore(%arg15 : memref<!tpu.dma_semaphore, #tpu.memory_space<semaphore_mem>>)
        %slice3A_3332 = vector.extract_strided_slice %shift_right_arithmetic3A_2962 {offsets = [6], sizes = [1], strides = [1]} : vector<16xi32> to vector<1xi32>
        %squeeze3A_3333 = vector.extract %slice3A_3332[0] : i32 from vector<1xi32>
        %dma_start3A_3334 = arith.constant 6 : i32
        %dma_start3A_3335 = arith.constant 0 : i32
        %dma_start3A_3336 = arith.constant 0 : i32
        %dma_start3A_3337 = tpu.memref_slice %arg12[%sub3A_2946, %dma_start3A_3334, %dma_start3A_3335, %dma_start3A_3336] : memref<2x16x8x64xf32, #tpu.memory_space<vmem>> -> memref<1x1x8x64xf32, #tpu.memory_space<vmem>>
        %dma_start3A_3338 = tpu.memref_squeeze %dma_start3A_3337 : memref<1x1x8x64xf32, #tpu.memory_space<vmem>> -> memref<8x64xf32, #tpu.memory_space<vmem>>
        %dma_start3A_3339 = arith.constant 0 : i32
        %dma_start3A_3340 = arith.constant 0 : i32
        %dma_start3A_3341 = tpu.memref_slice %arg6[%squeeze3A_3333, %dma_start3A_3339, %dma_start3A_3340] : memref<125x8x64xf32, #tpu.memory_space<hbm>> -> memref<1x8x64xf32, #tpu.memory_space<hbm>>
        %dma_start3A_3342 = tpu.memref_squeeze %dma_start3A_3341 : memref<1x8x64xf32, #tpu.memory_space<hbm>> -> memref<8x64xf32, #tpu.memory_space<hbm>>
        %dma_start3A_3343 = arith.constant 0 : i32
        %dma_start3A_3344 = arith.constant 0 : i32
        %dma_start3A_3345 = tpu.memref_slice %arg12[%sub3A_2946, %dma_start3A_3334, %dma_start3A_3343, %dma_start3A_3344] : memref<2x16x8x64xf32, #tpu.memory_space<vmem>> -> memref<1x1x8x64xf32, #tpu.memory_space<vmem>>
        %dma_start3A_3346 = tpu.memref_squeeze %dma_start3A_3345 : memref<1x1x8x64xf32, #tpu.memory_space<vmem>> -> memref<8x64xf32, #tpu.memory_space<vmem>>
        %dma_start3A_3347 = arith.constant 0 : i32
        %dma_start3A_3348 = arith.constant 0 : i32
        %dma_start3A_3349 = tpu.memref_slice %arg6[%squeeze3A_3333, %dma_start3A_3347, %dma_start3A_3348] : memref<125x8x64xf32, #tpu.memory_space<hbm>> -> memref<1x8x64xf32, #tpu.memory_space<hbm>>
        %dma_start3A_3350 = tpu.memref_squeeze %dma_start3A_3349 : memref<1x8x64xf32, #tpu.memory_space<hbm>> -> memref<8x64xf32, #tpu.memory_space<hbm>>
        tpu.enqueue_dma source(%dma_start3A_3350 : memref<8x64xf32, #tpu.memory_space<hbm>>) target(%dma_start3A_3346 : memref<8x64xf32, #tpu.memory_space<vmem>>) target_semaphore(%arg15 : memref<!tpu.dma_semaphore, #tpu.memory_space<semaphore_mem>>)
        %slice3A_3351 = vector.extract_strided_slice %shift_right_arithmetic3A_2970 {offsets = [6], sizes = [1], strides = [1]} : vector<16xi32> to vector<1xi32>
        %squeeze3A_3352 = vector.extract %slice3A_3351[0] : i32 from vector<1xi32>
        %dma_start3A_3353 = arith.constant 6 : i32
        %dma_start3A_3354 = arith.constant 0 : i32
        %dma_start3A_3355 = arith.constant 0 : i32
        %dma_start3A_3356 = tpu.memref_slice %arg13[%sub3A_2946, %dma_start3A_3353, %dma_start3A_3354, %dma_start3A_3355] : memref<2x16x8x64xf32, #tpu.memory_space<vmem>> -> memref<1x1x8x64xf32, #tpu.memory_space<vmem>>
        %dma_start3A_3357 = tpu.memref_squeeze %dma_start3A_3356 : memref<1x1x8x64xf32, #tpu.memory_space<vmem>> -> memref<8x64xf32, #tpu.memory_space<vmem>>
        %dma_start3A_3358 = arith.constant 0 : i32
        %dma_start3A_3359 = arith.constant 0 : i32
        %dma_start3A_3360 = tpu.memref_slice %arg5[%squeeze3A_3352, %dma_start3A_3358, %dma_start3A_3359] : memref<125000x8x64xf32, #tpu.memory_space<hbm>> -> memref<1x8x64xf32, #tpu.memory_space<hbm>>
        %dma_start3A_3361 = tpu.memref_squeeze %dma_start3A_3360 : memref<1x8x64xf32, #tpu.memory_space<hbm>> -> memref<8x64xf32, #tpu.memory_space<hbm>>
        %dma_start3A_3362 = arith.constant 0 : i32
        %dma_start3A_3363 = arith.constant 0 : i32
        %dma_start3A_3364 = tpu.memref_slice %arg13[%sub3A_2946, %dma_start3A_3353, %dma_start3A_3362, %dma_start3A_3363] : memref<2x16x8x64xf32, #tpu.memory_space<vmem>> -> memref<1x1x8x64xf32, #tpu.memory_space<vmem>>
        %dma_start3A_3365 = tpu.memref_squeeze %dma_start3A_3364 : memref<1x1x8x64xf32, #tpu.memory_space<vmem>> -> memref<8x64xf32, #tpu.memory_space<vmem>>
        %dma_start3A_3366 = arith.constant 0 : i32
        %dma_start3A_3367 = arith.constant 0 : i32
        %dma_start3A_3368 = tpu.memref_slice %arg5[%squeeze3A_3352, %dma_start3A_3366, %dma_start3A_3367] : memref<125000x8x64xf32, #tpu.memory_space<hbm>> -> memref<1x8x64xf32, #tpu.memory_space<hbm>>
        %dma_start3A_3369 = tpu.memref_squeeze %dma_start3A_3368 : memref<1x8x64xf32, #tpu.memory_space<hbm>> -> memref<8x64xf32, #tpu.memory_space<hbm>>
        tpu.enqueue_dma source(%dma_start3A_3369 : memref<8x64xf32, #tpu.memory_space<hbm>>) target(%dma_start3A_3365 : memref<8x64xf32, #tpu.memory_space<vmem>>) target_semaphore(%arg15 : memref<!tpu.dma_semaphore, #tpu.memory_space<semaphore_mem>>)
        %slice3A_3370 = vector.extract_strided_slice %shift_right_arithmetic3A_2954 {offsets = [7], sizes = [1], strides = [1]} : vector<16xi32> to vector<1xi32>
        %squeeze3A_3371 = vector.extract %slice3A_3370[0] : i32 from vector<1xi32>
        %dma_start3A_3372 = arith.constant 7 : i32
        %dma_start3A_3373 = arith.constant 0 : i32
        %dma_start3A_3374 = arith.constant 0 : i32
        %dma_start3A_3375 = tpu.memref_slice %arg11[%sub3A_2946, %dma_start3A_3372, %dma_start3A_3373, %dma_start3A_3374] : memref<2x16x8x64xf32, #tpu.memory_space<vmem>> -> memref<1x1x8x64xf32, #tpu.memory_space<vmem>>
        %dma_start3A_3376 = tpu.memref_squeeze %dma_start3A_3375 : memref<1x1x8x64xf32, #tpu.memory_space<vmem>> -> memref<8x64xf32, #tpu.memory_space<vmem>>
        %dma_start3A_3377 = arith.constant 0 : i32
        %dma_start3A_3378 = arith.constant 0 : i32
        %dma_start3A_3379 = tpu.memref_slice %arg5[%squeeze3A_3371, %dma_start3A_3377, %dma_start3A_3378] : memref<125000x8x64xf32, #tpu.memory_space<hbm>> -> memref<1x8x64xf32, #tpu.memory_space<hbm>>
        %dma_start3A_3380 = tpu.memref_squeeze %dma_start3A_3379 : memref<1x8x64xf32, #tpu.memory_space<hbm>> -> memref<8x64xf32, #tpu.memory_space<hbm>>
        %dma_start3A_3381 = arith.constant 0 : i32
        %dma_start3A_3382 = arith.constant 0 : i32
        %dma_start3A_3383 = tpu.memref_slice %arg11[%sub3A_2946, %dma_start3A_3372, %dma_start3A_3381, %dma_start3A_3382] : memref<2x16x8x64xf32, #tpu.memory_space<vmem>> -> memref<1x1x8x64xf32, #tpu.memory_space<vmem>>
        %dma_start3A_3384 = tpu.memref_squeeze %dma_start3A_3383 : memref<1x1x8x64xf32, #tpu.memory_space<vmem>> -> memref<8x64xf32, #tpu.memory_space<vmem>>
        %dma_start3A_3385 = arith.constant 0 : i32
        %dma_start3A_3386 = arith.constant 0 : i32
        %dma_start3A_3387 = tpu.memref_slice %arg5[%squeeze3A_3371, %dma_start3A_3385, %dma_start3A_3386] : memref<125000x8x64xf32, #tpu.memory_space<hbm>> -> memref<1x8x64xf32, #tpu.memory_space<hbm>>
        %dma_start3A_3388 = tpu.memref_squeeze %dma_start3A_3387 : memref<1x8x64xf32, #tpu.memory_space<hbm>> -> memref<8x64xf32, #tpu.memory_space<hbm>>
        tpu.enqueue_dma source(%dma_start3A_3388 : memref<8x64xf32, #tpu.memory_space<hbm>>) target(%dma_start3A_3384 : memref<8x64xf32, #tpu.memory_space<vmem>>) target_semaphore(%arg15 : memref<!tpu.dma_semaphore, #tpu.memory_space<semaphore_mem>>)
        %slice3A_3389 = vector.extract_strided_slice %shift_right_arithmetic3A_2962 {offsets = [7], sizes = [1], strides = [1]} : vector<16xi32> to vector<1xi32>
        %squeeze3A_3390 = vector.extract %slice3A_3389[0] : i32 from vector<1xi32>
        %dma_start3A_3391 = arith.constant 7 : i32
        %dma_start3A_3392 = arith.constant 0 : i32
        %dma_start3A_3393 = arith.constant 0 : i32
        %dma_start3A_3394 = tpu.memref_slice %arg12[%sub3A_2946, %dma_start3A_3391, %dma_start3A_3392, %dma_start3A_3393] : memref<2x16x8x64xf32, #tpu.memory_space<vmem>> -> memref<1x1x8x64xf32, #tpu.memory_space<vmem>>
        %dma_start3A_3395 = tpu.memref_squeeze %dma_start3A_3394 : memref<1x1x8x64xf32, #tpu.memory_space<vmem>> -> memref<8x64xf32, #tpu.memory_space<vmem>>
        %dma_start3A_3396 = arith.constant 0 : i32
        %dma_start3A_3397 = arith.constant 0 : i32
        %dma_start3A_3398 = tpu.memref_slice %arg6[%squeeze3A_3390, %dma_start3A_3396, %dma_start3A_3397] : memref<125x8x64xf32, #tpu.memory_space<hbm>> -> memref<1x8x64xf32, #tpu.memory_space<hbm>>
        %dma_start3A_3399 = tpu.memref_squeeze %dma_start3A_3398 : memref<1x8x64xf32, #tpu.memory_space<hbm>> -> memref<8x64xf32, #tpu.memory_space<hbm>>
        %dma_start3A_3400 = arith.constant 0 : i32
        %dma_start3A_3401 = arith.constant 0 : i32
        %dma_start3A_3402 = tpu.memref_slice %arg12[%sub3A_2946, %dma_start3A_3391, %dma_start3A_3400, %dma_start3A_3401] : memref<2x16x8x64xf32, #tpu.memory_space<vmem>> -> memref<1x1x8x64xf32, #tpu.memory_space<vmem>>
        %dma_start3A_3403 = tpu.memref_squeeze %dma_start3A_3402 : memref<1x1x8x64xf32, #tpu.memory_space<vmem>> -> memref<8x64xf32, #tpu.memory_space<vmem>>
        %dma_start3A_3404 = arith.constant 0 : i32
        %dma_start3A_3405 = arith.constant 0 : i32
        %dma_start3A_3406 = tpu.memref_slice %arg6[%squeeze3A_3390, %dma_start3A_3404, %dma_start3A_3405] : memref<125x8x64xf32, #tpu.memory_space<hbm>> -> memref<1x8x64xf32, #tpu.memory_space<hbm>>
        %dma_start3A_3407 = tpu.memref_squeeze %dma_start3A_3406 : memref<1x8x64xf32, #tpu.memory_space<hbm>> -> memref<8x64xf32, #tpu.memory_space<hbm>>
        tpu.enqueue_dma source(%dma_start3A_3407 : memref<8x64xf32, #tpu.memory_space<hbm>>) target(%dma_start3A_3403 : memref<8x64xf32, #tpu.memory_space<vmem>>) target_semaphore(%arg15 : memref<!tpu.dma_semaphore, #tpu.memory_space<semaphore_mem>>)
        %slice3A_3408 = vector.extract_strided_slice %shift_right_arithmetic3A_2970 {offsets = [7], sizes = [1], strides = [1]} : vector<16xi32> to vector<1xi32>
        %squeeze3A_3409 = vector.extract %slice3A_3408[0] : i32 from vector<1xi32>
        %dma_start3A_3410 = arith.constant 7 : i32
        %dma_start3A_3411 = arith.constant 0 : i32
        %dma_start3A_3412 = arith.constant 0 : i32
        %dma_start3A_3413 = tpu.memref_slice %arg13[%sub3A_2946, %dma_start3A_3410, %dma_start3A_3411, %dma_start3A_3412] : memref<2x16x8x64xf32, #tpu.memory_space<vmem>> -> memref<1x1x8x64xf32, #tpu.memory_space<vmem>>
        %dma_start3A_3414 = tpu.memref_squeeze %dma_start3A_3413 : memref<1x1x8x64xf32, #tpu.memory_space<vmem>> -> memref<8x64xf32, #tpu.memory_space<vmem>>
        %dma_start3A_3415 = arith.constant 0 : i32
        %dma_start3A_3416 = arith.constant 0 : i32
        %dma_start3A_3417 = tpu.memref_slice %arg5[%squeeze3A_3409, %dma_start3A_3415, %dma_start3A_3416] : memref<125000x8x64xf32, #tpu.memory_space<hbm>> -> memref<1x8x64xf32, #tpu.memory_space<hbm>>
        %dma_start3A_3418 = tpu.memref_squeeze %dma_start3A_3417 : memref<1x8x64xf32, #tpu.memory_space<hbm>> -> memref<8x64xf32, #tpu.memory_space<hbm>>
        %dma_start3A_3419 = arith.constant 0 : i32
        %dma_start3A_3420 = arith.constant 0 : i32
        %dma_start3A_3421 = tpu.memref_slice %arg13[%sub3A_2946, %dma_start3A_3410, %dma_start3A_3419, %dma_start3A_3420] : memref<2x16x8x64xf32, #tpu.memory_space<vmem>> -> memref<1x1x8x64xf32, #tpu.memory_space<vmem>>
        %dma_start3A_3422 = tpu.memref_squeeze %dma_start3A_3421 : memref<1x1x8x64xf32, #tpu.memory_space<vmem>> -> memref<8x64xf32, #tpu.memory_space<vmem>>
        %dma_start3A_3423 = arith.constant 0 : i32
        %dma_start3A_3424 = arith.constant 0 : i32
        %dma_start3A_3425 = tpu.memref_slice %arg5[%squeeze3A_3409, %dma_start3A_3423, %dma_start3A_3424] : memref<125000x8x64xf32, #tpu.memory_space<hbm>> -> memref<1x8x64xf32, #tpu.memory_space<hbm>>
        %dma_start3A_3426 = tpu.memref_squeeze %dma_start3A_3425 : memref<1x8x64xf32, #tpu.memory_space<hbm>> -> memref<8x64xf32, #tpu.memory_space<hbm>>
        tpu.enqueue_dma source(%dma_start3A_3426 : memref<8x64xf32, #tpu.memory_space<hbm>>) target(%dma_start3A_3422 : memref<8x64xf32, #tpu.memory_space<vmem>>) target_semaphore(%arg15 : memref<!tpu.dma_semaphore, #tpu.memory_space<semaphore_mem>>)
        %slice3A_3427 = vector.extract_strided_slice %shift_right_arithmetic3A_2954 {offsets = [8], sizes = [1], strides = [1]} : vector<16xi32> to vector<1xi32>
        %squeeze3A_3428 = vector.extract %slice3A_3427[0] : i32 from vector<1xi32>
        %dma_start3A_3429 = arith.constant 8 : i32
        %dma_start3A_3430 = arith.constant 0 : i32
        %dma_start3A_3431 = arith.constant 0 : i32
        %dma_start3A_3432 = tpu.memref_slice %arg11[%sub3A_2946, %dma_start3A_3429, %dma_start3A_3430, %dma_start3A_3431] : memref<2x16x8x64xf32, #tpu.memory_space<vmem>> -> memref<1x1x8x64xf32, #tpu.memory_space<vmem>>
        %dma_start3A_3433 = tpu.memref_squeeze %dma_start3A_3432 : memref<1x1x8x64xf32, #tpu.memory_space<vmem>> -> memref<8x64xf32, #tpu.memory_space<vmem>>
        %dma_start3A_3434 = arith.constant 0 : i32
        %dma_start3A_3435 = arith.constant 0 : i32
        %dma_start3A_3436 = tpu.memref_slice %arg5[%squeeze3A_3428, %dma_start3A_3434, %dma_start3A_3435] : memref<125000x8x64xf32, #tpu.memory_space<hbm>> -> memref<1x8x64xf32, #tpu.memory_space<hbm>>
        %dma_start3A_3437 = tpu.memref_squeeze %dma_start3A_3436 : memref<1x8x64xf32, #tpu.memory_space<hbm>> -> memref<8x64xf32, #tpu.memory_space<hbm>>
        %dma_start3A_3438 = arith.constant 0 : i32
        %dma_start3A_3439 = arith.constant 0 : i32
        %dma_start3A_3440 = tpu.memref_slice %arg11[%sub3A_2946, %dma_start3A_3429, %dma_start3A_3438, %dma_start3A_3439] : memref<2x16x8x64xf32, #tpu.memory_space<vmem>> -> memref<1x1x8x64xf32, #tpu.memory_space<vmem>>
        %dma_start3A_3441 = tpu.memref_squeeze %dma_start3A_3440 : memref<1x1x8x64xf32, #tpu.memory_space<vmem>> -> memref<8x64xf32, #tpu.memory_space<vmem>>
        %dma_start3A_3442 = arith.constant 0 : i32
        %dma_start3A_3443 = arith.constant 0 : i32
        %dma_start3A_3444 = tpu.memref_slice %arg5[%squeeze3A_3428, %dma_start3A_3442, %dma_start3A_3443] : memref<125000x8x64xf32, #tpu.memory_space<hbm>> -> memref<1x8x64xf32, #tpu.memory_space<hbm>>
        %dma_start3A_3445 = tpu.memref_squeeze %dma_start3A_3444 : memref<1x8x64xf32, #tpu.memory_space<hbm>> -> memref<8x64xf32, #tpu.memory_space<hbm>>
        tpu.enqueue_dma source(%dma_start3A_3445 : memref<8x64xf32, #tpu.memory_space<hbm>>) target(%dma_start3A_3441 : memref<8x64xf32, #tpu.memory_space<vmem>>) target_semaphore(%arg15 : memref<!tpu.dma_semaphore, #tpu.memory_space<semaphore_mem>>)
        %slice3A_3446 = vector.extract_strided_slice %shift_right_arithmetic3A_2962 {offsets = [8], sizes = [1], strides = [1]} : vector<16xi32> to vector<1xi32>
        %squeeze3A_3447 = vector.extract %slice3A_3446[0] : i32 from vector<1xi32>
        %dma_start3A_3448 = arith.constant 8 : i32
        %dma_start3A_3449 = arith.constant 0 : i32
        %dma_start3A_3450 = arith.constant 0 : i32
        %dma_start3A_3451 = tpu.memref_slice %arg12[%sub3A_2946, %dma_start3A_3448, %dma_start3A_3449, %dma_start3A_3450] : memref<2x16x8x64xf32, #tpu.memory_space<vmem>> -> memref<1x1x8x64xf32, #tpu.memory_space<vmem>>
        %dma_start3A_3452 = tpu.memref_squeeze %dma_start3A_3451 : memref<1x1x8x64xf32, #tpu.memory_space<vmem>> -> memref<8x64xf32, #tpu.memory_space<vmem>>
        %dma_start3A_3453 = arith.constant 0 : i32
        %dma_start3A_3454 = arith.constant 0 : i32
        %dma_start3A_3455 = tpu.memref_slice %arg6[%squeeze3A_3447, %dma_start3A_3453, %dma_start3A_3454] : memref<125x8x64xf32, #tpu.memory_space<hbm>> -> memref<1x8x64xf32, #tpu.memory_space<hbm>>
        %dma_start3A_3456 = tpu.memref_squeeze %dma_start3A_3455 : memref<1x8x64xf32, #tpu.memory_space<hbm>> -> memref<8x64xf32, #tpu.memory_space<hbm>>
        %dma_start3A_3457 = arith.constant 0 : i32
        %dma_start3A_3458 = arith.constant 0 : i32
        %dma_start3A_3459 = tpu.memref_slice %arg12[%sub3A_2946, %dma_start3A_3448, %dma_start3A_3457, %dma_start3A_3458] : memref<2x16x8x64xf32, #tpu.memory_space<vmem>> -> memref<1x1x8x64xf32, #tpu.memory_space<vmem>>
        %dma_start3A_3460 = tpu.memref_squeeze %dma_start3A_3459 : memref<1x1x8x64xf32, #tpu.memory_space<vmem>> -> memref<8x64xf32, #tpu.memory_space<vmem>>
        %dma_start3A_3461 = arith.constant 0 : i32
        %dma_start3A_3462 = arith.constant 0 : i32
        %dma_start3A_3463 = tpu.memref_slice %arg6[%squeeze3A_3447, %dma_start3A_3461, %dma_start3A_3462] : memref<125x8x64xf32, #tpu.memory_space<hbm>> -> memref<1x8x64xf32, #tpu.memory_space<hbm>>
        %dma_start3A_3464 = tpu.memref_squeeze %dma_start3A_3463 : memref<1x8x64xf32, #tpu.memory_space<hbm>> -> memref<8x64xf32, #tpu.memory_space<hbm>>
        tpu.enqueue_dma source(%dma_start3A_3464 : memref<8x64xf32, #tpu.memory_space<hbm>>) target(%dma_start3A_3460 : memref<8x64xf32, #tpu.memory_space<vmem>>) target_semaphore(%arg15 : memref<!tpu.dma_semaphore, #tpu.memory_space<semaphore_mem>>)
        %slice3A_3465 = vector.extract_strided_slice %shift_right_arithmetic3A_2970 {offsets = [8], sizes = [1], strides = [1]} : vector<16xi32> to vector<1xi32>
        %squeeze3A_3466 = vector.extract %slice3A_3465[0] : i32 from vector<1xi32>
        %dma_start3A_3467 = arith.constant 8 : i32
        %dma_start3A_3468 = arith.constant 0 : i32
        %dma_start3A_3469 = arith.constant 0 : i32
        %dma_start3A_3470 = tpu.memref_slice %arg13[%sub3A_2946, %dma_start3A_3467, %dma_start3A_3468, %dma_start3A_3469] : memref<2x16x8x64xf32, #tpu.memory_space<vmem>> -> memref<1x1x8x64xf32, #tpu.memory_space<vmem>>
        %dma_start3A_3471 = tpu.memref_squeeze %dma_start3A_3470 : memref<1x1x8x64xf32, #tpu.memory_space<vmem>> -> memref<8x64xf32, #tpu.memory_space<vmem>>
        %dma_start3A_3472 = arith.constant 0 : i32
        %dma_start3A_3473 = arith.constant 0 : i32
        %dma_start3A_3474 = tpu.memref_slice %arg5[%squeeze3A_3466, %dma_start3A_3472, %dma_start3A_3473] : memref<125000x8x64xf32, #tpu.memory_space<hbm>> -> memref<1x8x64xf32, #tpu.memory_space<hbm>>
        %dma_start3A_3475 = tpu.memref_squeeze %dma_start3A_3474 : memref<1x8x64xf32, #tpu.memory_space<hbm>> -> memref<8x64xf32, #tpu.memory_space<hbm>>
        %dma_start3A_3476 = arith.constant 0 : i32
        %dma_start3A_3477 = arith.constant 0 : i32
        %dma_start3A_3478 = tpu.memref_slice %arg13[%sub3A_2946, %dma_start3A_3467, %dma_start3A_3476, %dma_start3A_3477] : memref<2x16x8x64xf32, #tpu.memory_space<vmem>> -> memref<1x1x8x64xf32, #tpu.memory_space<vmem>>
        %dma_start3A_3479 = tpu.memref_squeeze %dma_start3A_3478 : memref<1x1x8x64xf32, #tpu.memory_space<vmem>> -> memref<8x64xf32, #tpu.memory_space<vmem>>
        %dma_start3A_3480 = arith.constant 0 : i32
        %dma_start3A_3481 = arith.constant 0 : i32
        %dma_start3A_3482 = tpu.memref_slice %arg5[%squeeze3A_3466, %dma_start3A_3480, %dma_start3A_3481] : memref<125000x8x64xf32, #tpu.memory_space<hbm>> -> memref<1x8x64xf32, #tpu.memory_space<hbm>>
        %dma_start3A_3483 = tpu.memref_squeeze %dma_start3A_3482 : memref<1x8x64xf32, #tpu.memory_space<hbm>> -> memref<8x64xf32, #tpu.memory_space<hbm>>
        tpu.enqueue_dma source(%dma_start3A_3483 : memref<8x64xf32, #tpu.memory_space<hbm>>) target(%dma_start3A_3479 : memref<8x64xf32, #tpu.memory_space<vmem>>) target_semaphore(%arg15 : memref<!tpu.dma_semaphore, #tpu.memory_space<semaphore_mem>>)
        %slice3A_3484 = vector.extract_strided_slice %shift_right_arithmetic3A_2954 {offsets = [9], sizes = [1], strides = [1]} : vector<16xi32> to vector<1xi32>
        %squeeze3A_3485 = vector.extract %slice3A_3484[0] : i32 from vector<1xi32>
        %dma_start3A_3486 = arith.constant 9 : i32
        %dma_start3A_3487 = arith.constant 0 : i32
        %dma_start3A_3488 = arith.constant 0 : i32
        %dma_start3A_3489 = tpu.memref_slice %arg11[%sub3A_2946, %dma_start3A_3486, %dma_start3A_3487, %dma_start3A_3488] : memref<2x16x8x64xf32, #tpu.memory_space<vmem>> -> memref<1x1x8x64xf32, #tpu.memory_space<vmem>>
        %dma_start3A_3490 = tpu.memref_squeeze %dma_start3A_3489 : memref<1x1x8x64xf32, #tpu.memory_space<vmem>> -> memref<8x64xf32, #tpu.memory_space<vmem>>
        %dma_start3A_3491 = arith.constant 0 : i32
        %dma_start3A_3492 = arith.constant 0 : i32
        %dma_start3A_3493 = tpu.memref_slice %arg5[%squeeze3A_3485, %dma_start3A_3491, %dma_start3A_3492] : memref<125000x8x64xf32, #tpu.memory_space<hbm>> -> memref<1x8x64xf32, #tpu.memory_space<hbm>>
        %dma_start3A_3494 = tpu.memref_squeeze %dma_start3A_3493 : memref<1x8x64xf32, #tpu.memory_space<hbm>> -> memref<8x64xf32, #tpu.memory_space<hbm>>
        %dma_start3A_3495 = arith.constant 0 : i32
        %dma_start3A_3496 = arith.constant 0 : i32
        %dma_start3A_3497 = tpu.memref_slice %arg11[%sub3A_2946, %dma_start3A_3486, %dma_start3A_3495, %dma_start3A_3496] : memref<2x16x8x64xf32, #tpu.memory_space<vmem>> -> memref<1x1x8x64xf32, #tpu.memory_space<vmem>>
        %dma_start3A_3498 = tpu.memref_squeeze %dma_start3A_3497 : memref<1x1x8x64xf32, #tpu.memory_space<vmem>> -> memref<8x64xf32, #tpu.memory_space<vmem>>
        %dma_start3A_3499 = arith.constant 0 : i32
        %dma_start3A_3500 = arith.constant 0 : i32
        %dma_start3A_3501 = tpu.memref_slice %arg5[%squeeze3A_3485, %dma_start3A_3499, %dma_start3A_3500] : memref<125000x8x64xf32, #tpu.memory_space<hbm>> -> memref<1x8x64xf32, #tpu.memory_space<hbm>>
        %dma_start3A_3502 = tpu.memref_squeeze %dma_start3A_3501 : memref<1x8x64xf32, #tpu.memory_space<hbm>> -> memref<8x64xf32, #tpu.memory_space<hbm>>
        tpu.enqueue_dma source(%dma_start3A_3502 : memref<8x64xf32, #tpu.memory_space<hbm>>) target(%dma_start3A_3498 : memref<8x64xf32, #tpu.memory_space<vmem>>) target_semaphore(%arg15 : memref<!tpu.dma_semaphore, #tpu.memory_space<semaphore_mem>>)
        %slice3A_3503 = vector.extract_strided_slice %shift_right_arithmetic3A_2962 {offsets = [9], sizes = [1], strides = [1]} : vector<16xi32> to vector<1xi32>
        %squeeze3A_3504 = vector.extract %slice3A_3503[0] : i32 from vector<1xi32>
        %dma_start3A_3505 = arith.constant 9 : i32
        %dma_start3A_3506 = arith.constant 0 : i32
        %dma_start3A_3507 = arith.constant 0 : i32
        %dma_start3A_3508 = tpu.memref_slice %arg12[%sub3A_2946, %dma_start3A_3505, %dma_start3A_3506, %dma_start3A_3507] : memref<2x16x8x64xf32, #tpu.memory_space<vmem>> -> memref<1x1x8x64xf32, #tpu.memory_space<vmem>>
        %dma_start3A_3509 = tpu.memref_squeeze %dma_start3A_3508 : memref<1x1x8x64xf32, #tpu.memory_space<vmem>> -> memref<8x64xf32, #tpu.memory_space<vmem>>
        %dma_start3A_3510 = arith.constant 0 : i32
        %dma_start3A_3511 = arith.constant 0 : i32
        %dma_start3A_3512 = tpu.memref_slice %arg6[%squeeze3A_3504, %dma_start3A_3510, %dma_start3A_3511] : memref<125x8x64xf32, #tpu.memory_space<hbm>> -> memref<1x8x64xf32, #tpu.memory_space<hbm>>
        %dma_start3A_3513 = tpu.memref_squeeze %dma_start3A_3512 : memref<1x8x64xf32, #tpu.memory_space<hbm>> -> memref<8x64xf32, #tpu.memory_space<hbm>>
        %dma_start3A_3514 = arith.constant 0 : i32
        %dma_start3A_3515 = arith.constant 0 : i32
        %dma_start3A_3516 = tpu.memref_slice %arg12[%sub3A_2946, %dma_start3A_3505, %dma_start3A_3514, %dma_start3A_3515] : memref<2x16x8x64xf32, #tpu.memory_space<vmem>> -> memref<1x1x8x64xf32, #tpu.memory_space<vmem>>
        %dma_start3A_3517 = tpu.memref_squeeze %dma_start3A_3516 : memref<1x1x8x64xf32, #tpu.memory_space<vmem>> -> memref<8x64xf32, #tpu.memory_space<vmem>>
        %dma_start3A_3518 = arith.constant 0 : i32
        %dma_start3A_3519 = arith.constant 0 : i32
        %dma_start3A_3520 = tpu.memref_slice %arg6[%squeeze3A_3504, %dma_start3A_3518, %dma_start3A_3519] : memref<125x8x64xf32, #tpu.memory_space<hbm>> -> memref<1x8x64xf32, #tpu.memory_space<hbm>>
        %dma_start3A_3521 = tpu.memref_squeeze %dma_start3A_3520 : memref<1x8x64xf32, #tpu.memory_space<hbm>> -> memref<8x64xf32, #tpu.memory_space<hbm>>
        tpu.enqueue_dma source(%dma_start3A_3521 : memref<8x64xf32, #tpu.memory_space<hbm>>) target(%dma_start3A_3517 : memref<8x64xf32, #tpu.memory_space<vmem>>) target_semaphore(%arg15 : memref<!tpu.dma_semaphore, #tpu.memory_space<semaphore_mem>>)
        %slice3A_3522 = vector.extract_strided_slice %shift_right_arithmetic3A_2970 {offsets = [9], sizes = [1], strides = [1]} : vector<16xi32> to vector<1xi32>
        %squeeze3A_3523 = vector.extract %slice3A_3522[0] : i32 from vector<1xi32>
        %dma_start3A_3524 = arith.constant 9 : i32
        %dma_start3A_3525 = arith.constant 0 : i32
        %dma_start3A_3526 = arith.constant 0 : i32
        %dma_start3A_3527 = tpu.memref_slice %arg13[%sub3A_2946, %dma_start3A_3524, %dma_start3A_3525, %dma_start3A_3526] : memref<2x16x8x64xf32, #tpu.memory_space<vmem>> -> memref<1x1x8x64xf32, #tpu.memory_space<vmem>>
        %dma_start3A_3528 = tpu.memref_squeeze %dma_start3A_3527 : memref<1x1x8x64xf32, #tpu.memory_space<vmem>> -> memref<8x64xf32, #tpu.memory_space<vmem>>
        %dma_start3A_3529 = arith.constant 0 : i32
        %dma_start3A_3530 = arith.constant 0 : i32
        %dma_start3A_3531 = tpu.memref_slice %arg5[%squeeze3A_3523, %dma_start3A_3529, %dma_start3A_3530] : memref<125000x8x64xf32, #tpu.memory_space<hbm>> -> memref<1x8x64xf32, #tpu.memory_space<hbm>>
        %dma_start3A_3532 = tpu.memref_squeeze %dma_start3A_3531 : memref<1x8x64xf32, #tpu.memory_space<hbm>> -> memref<8x64xf32, #tpu.memory_space<hbm>>
        %dma_start3A_3533 = arith.constant 0 : i32
        %dma_start3A_3534 = arith.constant 0 : i32
        %dma_start3A_3535 = tpu.memref_slice %arg13[%sub3A_2946, %dma_start3A_3524, %dma_start3A_3533, %dma_start3A_3534] : memref<2x16x8x64xf32, #tpu.memory_space<vmem>> -> memref<1x1x8x64xf32, #tpu.memory_space<vmem>>
        %dma_start3A_3536 = tpu.memref_squeeze %dma_start3A_3535 : memref<1x1x8x64xf32, #tpu.memory_space<vmem>> -> memref<8x64xf32, #tpu.memory_space<vmem>>
        %dma_start3A_3537 = arith.constant 0 : i32
        %dma_start3A_3538 = arith.constant 0 : i32
        %dma_start3A_3539 = tpu.memref_slice %arg5[%squeeze3A_3523, %dma_start3A_3537, %dma_start3A_3538] : memref<125000x8x64xf32, #tpu.memory_space<hbm>> -> memref<1x8x64xf32, #tpu.memory_space<hbm>>
        %dma_start3A_3540 = tpu.memref_squeeze %dma_start3A_3539 : memref<1x8x64xf32, #tpu.memory_space<hbm>> -> memref<8x64xf32, #tpu.memory_space<hbm>>
        tpu.enqueue_dma source(%dma_start3A_3540 : memref<8x64xf32, #tpu.memory_space<hbm>>) target(%dma_start3A_3536 : memref<8x64xf32, #tpu.memory_space<vmem>>) target_semaphore(%arg15 : memref<!tpu.dma_semaphore, #tpu.memory_space<semaphore_mem>>)
        %slice3A_3541 = vector.extract_strided_slice %shift_right_arithmetic3A_2954 {offsets = [10], sizes = [1], strides = [1]} : vector<16xi32> to vector<1xi32>
        %squeeze3A_3542 = vector.extract %slice3A_3541[0] : i32 from vector<1xi32>
        %dma_start3A_3543 = arith.constant 10 : i32
        %dma_start3A_3544 = arith.constant 0 : i32
        %dma_start3A_3545 = arith.constant 0 : i32
        %dma_start3A_3546 = tpu.memref_slice %arg11[%sub3A_2946, %dma_start3A_3543, %dma_start3A_3544, %dma_start3A_3545] : memref<2x16x8x64xf32, #tpu.memory_space<vmem>> -> memref<1x1x8x64xf32, #tpu.memory_space<vmem>>
        %dma_start3A_3547 = tpu.memref_squeeze %dma_start3A_3546 : memref<1x1x8x64xf32, #tpu.memory_space<vmem>> -> memref<8x64xf32, #tpu.memory_space<vmem>>
        %dma_start3A_3548 = arith.constant 0 : i32
        %dma_start3A_3549 = arith.constant 0 : i32
        %dma_start3A_3550 = tpu.memref_slice %arg5[%squeeze3A_3542, %dma_start3A_3548, %dma_start3A_3549] : memref<125000x8x64xf32, #tpu.memory_space<hbm>> -> memref<1x8x64xf32, #tpu.memory_space<hbm>>
        %dma_start3A_3551 = tpu.memref_squeeze %dma_start3A_3550 : memref<1x8x64xf32, #tpu.memory_space<hbm>> -> memref<8x64xf32, #tpu.memory_space<hbm>>
        %dma_start3A_3552 = arith.constant 0 : i32
        %dma_start3A_3553 = arith.constant 0 : i32
        %dma_start3A_3554 = tpu.memref_slice %arg11[%sub3A_2946, %dma_start3A_3543, %dma_start3A_3552, %dma_start3A_3553] : memref<2x16x8x64xf32, #tpu.memory_space<vmem>> -> memref<1x1x8x64xf32, #tpu.memory_space<vmem>>
        %dma_start3A_3555 = tpu.memref_squeeze %dma_start3A_3554 : memref<1x1x8x64xf32, #tpu.memory_space<vmem>> -> memref<8x64xf32, #tpu.memory_space<vmem>>
        %dma_start3A_3556 = arith.constant 0 : i32
        %dma_start3A_3557 = arith.constant 0 : i32
        %dma_start3A_3558 = tpu.memref_slice %arg5[%squeeze3A_3542, %dma_start3A_3556, %dma_start3A_3557] : memref<125000x8x64xf32, #tpu.memory_space<hbm>> -> memref<1x8x64xf32, #tpu.memory_space<hbm>>
        %dma_start3A_3559 = tpu.memref_squeeze %dma_start3A_3558 : memref<1x8x64xf32, #tpu.memory_space<hbm>> -> memref<8x64xf32, #tpu.memory_space<hbm>>
        tpu.enqueue_dma source(%dma_start3A_3559 : memref<8x64xf32, #tpu.memory_space<hbm>>) target(%dma_start3A_3555 : memref<8x64xf32, #tpu.memory_space<vmem>>) target_semaphore(%arg15 : memref<!tpu.dma_semaphore, #tpu.memory_space<semaphore_mem>>)
        %slice3A_3560 = vector.extract_strided_slice %shift_right_arithmetic3A_2962 {offsets = [10], sizes = [1], strides = [1]} : vector<16xi32> to vector<1xi32>
        %squeeze3A_3561 = vector.extract %slice3A_3560[0] : i32 from vector<1xi32>
        %dma_start3A_3562 = arith.constant 10 : i32
        %dma_start3A_3563 = arith.constant 0 : i32
        %dma_start3A_3564 = arith.constant 0 : i32
        %dma_start3A_3565 = tpu.memref_slice %arg12[%sub3A_2946, %dma_start3A_3562, %dma_start3A_3563, %dma_start3A_3564] : memref<2x16x8x64xf32, #tpu.memory_space<vmem>> -> memref<1x1x8x64xf32, #tpu.memory_space<vmem>>
        %dma_start3A_3566 = tpu.memref_squeeze %dma_start3A_3565 : memref<1x1x8x64xf32, #tpu.memory_space<vmem>> -> memref<8x64xf32, #tpu.memory_space<vmem>>
        %dma_start3A_3567 = arith.constant 0 : i32
        %dma_start3A_3568 = arith.constant 0 : i32
        %dma_start3A_3569 = tpu.memref_slice %arg6[%squeeze3A_3561, %dma_start3A_3567, %dma_start3A_3568] : memref<125x8x64xf32, #tpu.memory_space<hbm>> -> memref<1x8x64xf32, #tpu.memory_space<hbm>>
        %dma_start3A_3570 = tpu.memref_squeeze %dma_start3A_3569 : memref<1x8x64xf32, #tpu.memory_space<hbm>> -> memref<8x64xf32, #tpu.memory_space<hbm>>
        %dma_start3A_3571 = arith.constant 0 : i32
        %dma_start3A_3572 = arith.constant 0 : i32
        %dma_start3A_3573 = tpu.memref_slice %arg12[%sub3A_2946, %dma_start3A_3562, %dma_start3A_3571, %dma_start3A_3572] : memref<2x16x8x64xf32, #tpu.memory_space<vmem>> -> memref<1x1x8x64xf32, #tpu.memory_space<vmem>>
        %dma_start3A_3574 = tpu.memref_squeeze %dma_start3A_3573 : memref<1x1x8x64xf32, #tpu.memory_space<vmem>> -> memref<8x64xf32, #tpu.memory_space<vmem>>
        %dma_start3A_3575 = arith.constant 0 : i32
        %dma_start3A_3576 = arith.constant 0 : i32
        %dma_start3A_3577 = tpu.memref_slice %arg6[%squeeze3A_3561, %dma_start3A_3575, %dma_start3A_3576] : memref<125x8x64xf32, #tpu.memory_space<hbm>> -> memref<1x8x64xf32, #tpu.memory_space<hbm>>
        %dma_start3A_3578 = tpu.memref_squeeze %dma_start3A_3577 : memref<1x8x64xf32, #tpu.memory_space<hbm>> -> memref<8x64xf32, #tpu.memory_space<hbm>>
        tpu.enqueue_dma source(%dma_start3A_3578 : memref<8x64xf32, #tpu.memory_space<hbm>>) target(%dma_start3A_3574 : memref<8x64xf32, #tpu.memory_space<vmem>>) target_semaphore(%arg15 : memref<!tpu.dma_semaphore, #tpu.memory_space<semaphore_mem>>)
        %slice3A_3579 = vector.extract_strided_slice %shift_right_arithmetic3A_2970 {offsets = [10], sizes = [1], strides = [1]} : vector<16xi32> to vector<1xi32>
        %squeeze3A_3580 = vector.extract %slice3A_3579[0] : i32 from vector<1xi32>
        %dma_start3A_3581 = arith.constant 10 : i32
        %dma_start3A_3582 = arith.constant 0 : i32
        %dma_start3A_3583 = arith.constant 0 : i32
        %dma_start3A_3584 = tpu.memref_slice %arg13[%sub3A_2946, %dma_start3A_3581, %dma_start3A_3582, %dma_start3A_3583] : memref<2x16x8x64xf32, #tpu.memory_space<vmem>> -> memref<1x1x8x64xf32, #tpu.memory_space<vmem>>
        %dma_start3A_3585 = tpu.memref_squeeze %dma_start3A_3584 : memref<1x1x8x64xf32, #tpu.memory_space<vmem>> -> memref<8x64xf32, #tpu.memory_space<vmem>>
        %dma_start3A_3586 = arith.constant 0 : i32
        %dma_start3A_3587 = arith.constant 0 : i32
        %dma_start3A_3588 = tpu.memref_slice %arg5[%squeeze3A_3580, %dma_start3A_3586, %dma_start3A_3587] : memref<125000x8x64xf32, #tpu.memory_space<hbm>> -> memref<1x8x64xf32, #tpu.memory_space<hbm>>
        %dma_start3A_3589 = tpu.memref_squeeze %dma_start3A_3588 : memref<1x8x64xf32, #tpu.memory_space<hbm>> -> memref<8x64xf32, #tpu.memory_space<hbm>>
        %dma_start3A_3590 = arith.constant 0 : i32
        %dma_start3A_3591 = arith.constant 0 : i32
        %dma_start3A_3592 = tpu.memref_slice %arg13[%sub3A_2946, %dma_start3A_3581, %dma_start3A_3590, %dma_start3A_3591] : memref<2x16x8x64xf32, #tpu.memory_space<vmem>> -> memref<1x1x8x64xf32, #tpu.memory_space<vmem>>
        %dma_start3A_3593 = tpu.memref_squeeze %dma_start3A_3592 : memref<1x1x8x64xf32, #tpu.memory_space<vmem>> -> memref<8x64xf32, #tpu.memory_space<vmem>>
        %dma_start3A_3594 = arith.constant 0 : i32
        %dma_start3A_3595 = arith.constant 0 : i32
        %dma_start3A_3596 = tpu.memref_slice %arg5[%squeeze3A_3580, %dma_start3A_3594, %dma_start3A_3595] : memref<125000x8x64xf32, #tpu.memory_space<hbm>> -> memref<1x8x64xf32, #tpu.memory_space<hbm>>
        %dma_start3A_3597 = tpu.memref_squeeze %dma_start3A_3596 : memref<1x8x64xf32, #tpu.memory_space<hbm>> -> memref<8x64xf32, #tpu.memory_space<hbm>>
        tpu.enqueue_dma source(%dma_start3A_3597 : memref<8x64xf32, #tpu.memory_space<hbm>>) target(%dma_start3A_3593 : memref<8x64xf32, #tpu.memory_space<vmem>>) target_semaphore(%arg15 : memref<!tpu.dma_semaphore, #tpu.memory_space<semaphore_mem>>)
        %slice3A_3598 = vector.extract_strided_slice %shift_right_arithmetic3A_2954 {offsets = [11], sizes = [1], strides = [1]} : vector<16xi32> to vector<1xi32>
        %squeeze3A_3599 = vector.extract %slice3A_3598[0] : i32 from vector<1xi32>
        %dma_start3A_3600 = arith.constant 11 : i32
        %dma_start3A_3601 = arith.constant 0 : i32
        %dma_start3A_3602 = arith.constant 0 : i32
        %dma_start3A_3603 = tpu.memref_slice %arg11[%sub3A_2946, %dma_start3A_3600, %dma_start3A_3601, %dma_start3A_3602] : memref<2x16x8x64xf32, #tpu.memory_space<vmem>> -> memref<1x1x8x64xf32, #tpu.memory_space<vmem>>
        %dma_start3A_3604 = tpu.memref_squeeze %dma_start3A_3603 : memref<1x1x8x64xf32, #tpu.memory_space<vmem>> -> memref<8x64xf32, #tpu.memory_space<vmem>>
        %dma_start3A_3605 = arith.constant 0 : i32
        %dma_start3A_3606 = arith.constant 0 : i32
        %dma_start3A_3607 = tpu.memref_slice %arg5[%squeeze3A_3599, %dma_start3A_3605, %dma_start3A_3606] : memref<125000x8x64xf32, #tpu.memory_space<hbm>> -> memref<1x8x64xf32, #tpu.memory_space<hbm>>
        %dma_start3A_3608 = tpu.memref_squeeze %dma_start3A_3607 : memref<1x8x64xf32, #tpu.memory_space<hbm>> -> memref<8x64xf32, #tpu.memory_space<hbm>>
        %dma_start3A_3609 = arith.constant 0 : i32
        %dma_start3A_3610 = arith.constant 0 : i32
        %dma_start3A_3611 = tpu.memref_slice %arg11[%sub3A_2946, %dma_start3A_3600, %dma_start3A_3609, %dma_start3A_3610] : memref<2x16x8x64xf32, #tpu.memory_space<vmem>> -> memref<1x1x8x64xf32, #tpu.memory_space<vmem>>
        %dma_start3A_3612 = tpu.memref_squeeze %dma_start3A_3611 : memref<1x1x8x64xf32, #tpu.memory_space<vmem>> -> memref<8x64xf32, #tpu.memory_space<vmem>>
        %dma_start3A_3613 = arith.constant 0 : i32
        %dma_start3A_3614 = arith.constant 0 : i32
        %dma_start3A_3615 = tpu.memref_slice %arg5[%squeeze3A_3599, %dma_start3A_3613, %dma_start3A_3614] : memref<125000x8x64xf32, #tpu.memory_space<hbm>> -> memref<1x8x64xf32, #tpu.memory_space<hbm>>
        %dma_start3A_3616 = tpu.memref_squeeze %dma_start3A_3615 : memref<1x8x64xf32, #tpu.memory_space<hbm>> -> memref<8x64xf32, #tpu.memory_space<hbm>>
        tpu.enqueue_dma source(%dma_start3A_3616 : memref<8x64xf32, #tpu.memory_space<hbm>>) target(%dma_start3A_3612 : memref<8x64xf32, #tpu.memory_space<vmem>>) target_semaphore(%arg15 : memref<!tpu.dma_semaphore, #tpu.memory_space<semaphore_mem>>)
        %slice3A_3617 = vector.extract_strided_slice %shift_right_arithmetic3A_2962 {offsets = [11], sizes = [1], strides = [1]} : vector<16xi32> to vector<1xi32>
        %squeeze3A_3618 = vector.extract %slice3A_3617[0] : i32 from vector<1xi32>
        %dma_start3A_3619 = arith.constant 11 : i32
        %dma_start3A_3620 = arith.constant 0 : i32
        %dma_start3A_3621 = arith.constant 0 : i32
        %dma_start3A_3622 = tpu.memref_slice %arg12[%sub3A_2946, %dma_start3A_3619, %dma_start3A_3620, %dma_start3A_3621] : memref<2x16x8x64xf32, #tpu.memory_space<vmem>> -> memref<1x1x8x64xf32, #tpu.memory_space<vmem>>
        %dma_start3A_3623 = tpu.memref_squeeze %dma_start3A_3622 : memref<1x1x8x64xf32, #tpu.memory_space<vmem>> -> memref<8x64xf32, #tpu.memory_space<vmem>>
        %dma_start3A_3624 = arith.constant 0 : i32
        %dma_start3A_3625 = arith.constant 0 : i32
        %dma_start3A_3626 = tpu.memref_slice %arg6[%squeeze3A_3618, %dma_start3A_3624, %dma_start3A_3625] : memref<125x8x64xf32, #tpu.memory_space<hbm>> -> memref<1x8x64xf32, #tpu.memory_space<hbm>>
        %dma_start3A_3627 = tpu.memref_squeeze %dma_start3A_3626 : memref<1x8x64xf32, #tpu.memory_space<hbm>> -> memref<8x64xf32, #tpu.memory_space<hbm>>
        %dma_start3A_3628 = arith.constant 0 : i32
        %dma_start3A_3629 = arith.constant 0 : i32
        %dma_start3A_3630 = tpu.memref_slice %arg12[%sub3A_2946, %dma_start3A_3619, %dma_start3A_3628, %dma_start3A_3629] : memref<2x16x8x64xf32, #tpu.memory_space<vmem>> -> memref<1x1x8x64xf32, #tpu.memory_space<vmem>>
        %dma_start3A_3631 = tpu.memref_squeeze %dma_start3A_3630 : memref<1x1x8x64xf32, #tpu.memory_space<vmem>> -> memref<8x64xf32, #tpu.memory_space<vmem>>
        %dma_start3A_3632 = arith.constant 0 : i32
        %dma_start3A_3633 = arith.constant 0 : i32
        %dma_start3A_3634 = tpu.memref_slice %arg6[%squeeze3A_3618, %dma_start3A_3632, %dma_start3A_3633] : memref<125x8x64xf32, #tpu.memory_space<hbm>> -> memref<1x8x64xf32, #tpu.memory_space<hbm>>
        %dma_start3A_3635 = tpu.memref_squeeze %dma_start3A_3634 : memref<1x8x64xf32, #tpu.memory_space<hbm>> -> memref<8x64xf32, #tpu.memory_space<hbm>>
        tpu.enqueue_dma source(%dma_start3A_3635 : memref<8x64xf32, #tpu.memory_space<hbm>>) target(%dma_start3A_3631 : memref<8x64xf32, #tpu.memory_space<vmem>>) target_semaphore(%arg15 : memref<!tpu.dma_semaphore, #tpu.memory_space<semaphore_mem>>)
        %slice3A_3636 = vector.extract_strided_slice %shift_right_arithmetic3A_2970 {offsets = [11], sizes = [1], strides = [1]} : vector<16xi32> to vector<1xi32>
        %squeeze3A_3637 = vector.extract %slice3A_3636[0] : i32 from vector<1xi32>
        %dma_start3A_3638 = arith.constant 11 : i32
        %dma_start3A_3639 = arith.constant 0 : i32
        %dma_start3A_3640 = arith.constant 0 : i32
        %dma_start3A_3641 = tpu.memref_slice %arg13[%sub3A_2946, %dma_start3A_3638, %dma_start3A_3639, %dma_start3A_3640] : memref<2x16x8x64xf32, #tpu.memory_space<vmem>> -> memref<1x1x8x64xf32, #tpu.memory_space<vmem>>
        %dma_start3A_3642 = tpu.memref_squeeze %dma_start3A_3641 : memref<1x1x8x64xf32, #tpu.memory_space<vmem>> -> memref<8x64xf32, #tpu.memory_space<vmem>>
        %dma_start3A_3643 = arith.constant 0 : i32
        %dma_start3A_3644 = arith.constant 0 : i32
        %dma_start3A_3645 = tpu.memref_slice %arg5[%squeeze3A_3637, %dma_start3A_3643, %dma_start3A_3644] : memref<125000x8x64xf32, #tpu.memory_space<hbm>> -> memref<1x8x64xf32, #tpu.memory_space<hbm>>
        %dma_start3A_3646 = tpu.memref_squeeze %dma_start3A_3645 : memref<1x8x64xf32, #tpu.memory_space<hbm>> -> memref<8x64xf32, #tpu.memory_space<hbm>>
        %dma_start3A_3647 = arith.constant 0 : i32
        %dma_start3A_3648 = arith.constant 0 : i32
        %dma_start3A_3649 = tpu.memref_slice %arg13[%sub3A_2946, %dma_start3A_3638, %dma_start3A_3647, %dma_start3A_3648] : memref<2x16x8x64xf32, #tpu.memory_space<vmem>> -> memref<1x1x8x64xf32, #tpu.memory_space<vmem>>
        %dma_start3A_3650 = tpu.memref_squeeze %dma_start3A_3649 : memref<1x1x8x64xf32, #tpu.memory_space<vmem>> -> memref<8x64xf32, #tpu.memory_space<vmem>>
        %dma_start3A_3651 = arith.constant 0 : i32
        %dma_start3A_3652 = arith.constant 0 : i32
        %dma_start3A_3653 = tpu.memref_slice %arg5[%squeeze3A_3637, %dma_start3A_3651, %dma_start3A_3652] : memref<125000x8x64xf32, #tpu.memory_space<hbm>> -> memref<1x8x64xf32, #tpu.memory_space<hbm>>
        %dma_start3A_3654 = tpu.memref_squeeze %dma_start3A_3653 : memref<1x8x64xf32, #tpu.memory_space<hbm>> -> memref<8x64xf32, #tpu.memory_space<hbm>>
        tpu.enqueue_dma source(%dma_start3A_3654 : memref<8x64xf32, #tpu.memory_space<hbm>>) target(%dma_start3A_3650 : memref<8x64xf32, #tpu.memory_space<vmem>>) target_semaphore(%arg15 : memref<!tpu.dma_semaphore, #tpu.memory_space<semaphore_mem>>)
        %slice3A_3655 = vector.extract_strided_slice %shift_right_arithmetic3A_2954 {offsets = [12], sizes = [1], strides = [1]} : vector<16xi32> to vector<1xi32>
        %squeeze3A_3656 = vector.extract %slice3A_3655[0] : i32 from vector<1xi32>
        %dma_start3A_3657 = arith.constant 12 : i32
        %dma_start3A_3658 = arith.constant 0 : i32
        %dma_start3A_3659 = arith.constant 0 : i32
        %dma_start3A_3660 = tpu.memref_slice %arg11[%sub3A_2946, %dma_start3A_3657, %dma_start3A_3658, %dma_start3A_3659] : memref<2x16x8x64xf32, #tpu.memory_space<vmem>> -> memref<1x1x8x64xf32, #tpu.memory_space<vmem>>
        %dma_start3A_3661 = tpu.memref_squeeze %dma_start3A_3660 : memref<1x1x8x64xf32, #tpu.memory_space<vmem>> -> memref<8x64xf32, #tpu.memory_space<vmem>>
        %dma_start3A_3662 = arith.constant 0 : i32
        %dma_start3A_3663 = arith.constant 0 : i32
        %dma_start3A_3664 = tpu.memref_slice %arg5[%squeeze3A_3656, %dma_start3A_3662, %dma_start3A_3663] : memref<125000x8x64xf32, #tpu.memory_space<hbm>> -> memref<1x8x64xf32, #tpu.memory_space<hbm>>
        %dma_start3A_3665 = tpu.memref_squeeze %dma_start3A_3664 : memref<1x8x64xf32, #tpu.memory_space<hbm>> -> memref<8x64xf32, #tpu.memory_space<hbm>>
        %dma_start3A_3666 = arith.constant 0 : i32
        %dma_start3A_3667 = arith.constant 0 : i32
        %dma_start3A_3668 = tpu.memref_slice %arg11[%sub3A_2946, %dma_start3A_3657, %dma_start3A_3666, %dma_start3A_3667] : memref<2x16x8x64xf32, #tpu.memory_space<vmem>> -> memref<1x1x8x64xf32, #tpu.memory_space<vmem>>
        %dma_start3A_3669 = tpu.memref_squeeze %dma_start3A_3668 : memref<1x1x8x64xf32, #tpu.memory_space<vmem>> -> memref<8x64xf32, #tpu.memory_space<vmem>>
        %dma_start3A_3670 = arith.constant 0 : i32
        %dma_start3A_3671 = arith.constant 0 : i32
        %dma_start3A_3672 = tpu.memref_slice %arg5[%squeeze3A_3656, %dma_start3A_3670, %dma_start3A_3671] : memref<125000x8x64xf32, #tpu.memory_space<hbm>> -> memref<1x8x64xf32, #tpu.memory_space<hbm>>
        %dma_start3A_3673 = tpu.memref_squeeze %dma_start3A_3672 : memref<1x8x64xf32, #tpu.memory_space<hbm>> -> memref<8x64xf32, #tpu.memory_space<hbm>>
        tpu.enqueue_dma source(%dma_start3A_3673 : memref<8x64xf32, #tpu.memory_space<hbm>>) target(%dma_start3A_3669 : memref<8x64xf32, #tpu.memory_space<vmem>>) target_semaphore(%arg15 : memref<!tpu.dma_semaphore, #tpu.memory_space<semaphore_mem>>)
        %slice3A_3674 = vector.extract_strided_slice %shift_right_arithmetic3A_2962 {offsets = [12], sizes = [1], strides = [1]} : vector<16xi32> to vector<1xi32>
        %squeeze3A_3675 = vector.extract %slice3A_3674[0] : i32 from vector<1xi32>
        %dma_start3A_3676 = arith.constant 12 : i32
        %dma_start3A_3677 = arith.constant 0 : i32
        %dma_start3A_3678 = arith.constant 0 : i32
        %dma_start3A_3679 = tpu.memref_slice %arg12[%sub3A_2946, %dma_start3A_3676, %dma_start3A_3677, %dma_start3A_3678] : memref<2x16x8x64xf32, #tpu.memory_space<vmem>> -> memref<1x1x8x64xf32, #tpu.memory_space<vmem>>
        %dma_start3A_3680 = tpu.memref_squeeze %dma_start3A_3679 : memref<1x1x8x64xf32, #tpu.memory_space<vmem>> -> memref<8x64xf32, #tpu.memory_space<vmem>>
        %dma_start3A_3681 = arith.constant 0 : i32
        %dma_start3A_3682 = arith.constant 0 : i32
        %dma_start3A_3683 = tpu.memref_slice %arg6[%squeeze3A_3675, %dma_start3A_3681, %dma_start3A_3682] : memref<125x8x64xf32, #tpu.memory_space<hbm>> -> memref<1x8x64xf32, #tpu.memory_space<hbm>>
        %dma_start3A_3684 = tpu.memref_squeeze %dma_start3A_3683 : memref<1x8x64xf32, #tpu.memory_space<hbm>> -> memref<8x64xf32, #tpu.memory_space<hbm>>
        %dma_start3A_3685 = arith.constant 0 : i32
        %dma_start3A_3686 = arith.constant 0 : i32
        %dma_start3A_3687 = tpu.memref_slice %arg12[%sub3A_2946, %dma_start3A_3676, %dma_start3A_3685, %dma_start3A_3686] : memref<2x16x8x64xf32, #tpu.memory_space<vmem>> -> memref<1x1x8x64xf32, #tpu.memory_space<vmem>>
        %dma_start3A_3688 = tpu.memref_squeeze %dma_start3A_3687 : memref<1x1x8x64xf32, #tpu.memory_space<vmem>> -> memref<8x64xf32, #tpu.memory_space<vmem>>
        %dma_start3A_3689 = arith.constant 0 : i32
        %dma_start3A_3690 = arith.constant 0 : i32
        %dma_start3A_3691 = tpu.memref_slice %arg6[%squeeze3A_3675, %dma_start3A_3689, %dma_start3A_3690] : memref<125x8x64xf32, #tpu.memory_space<hbm>> -> memref<1x8x64xf32, #tpu.memory_space<hbm>>
        %dma_start3A_3692 = tpu.memref_squeeze %dma_start3A_3691 : memref<1x8x64xf32, #tpu.memory_space<hbm>> -> memref<8x64xf32, #tpu.memory_space<hbm>>
        tpu.enqueue_dma source(%dma_start3A_3692 : memref<8x64xf32, #tpu.memory_space<hbm>>) target(%dma_start3A_3688 : memref<8x64xf32, #tpu.memory_space<vmem>>) target_semaphore(%arg15 : memref<!tpu.dma_semaphore, #tpu.memory_space<semaphore_mem>>)
        %slice3A_3693 = vector.extract_strided_slice %shift_right_arithmetic3A_2970 {offsets = [12], sizes = [1], strides = [1]} : vector<16xi32> to vector<1xi32>
        %squeeze3A_3694 = vector.extract %slice3A_3693[0] : i32 from vector<1xi32>
        %dma_start3A_3695 = arith.constant 12 : i32
        %dma_start3A_3696 = arith.constant 0 : i32
        %dma_start3A_3697 = arith.constant 0 : i32
        %dma_start3A_3698 = tpu.memref_slice %arg13[%sub3A_2946, %dma_start3A_3695, %dma_start3A_3696, %dma_start3A_3697] : memref<2x16x8x64xf32, #tpu.memory_space<vmem>> -> memref<1x1x8x64xf32, #tpu.memory_space<vmem>>
        %dma_start3A_3699 = tpu.memref_squeeze %dma_start3A_3698 : memref<1x1x8x64xf32, #tpu.memory_space<vmem>> -> memref<8x64xf32, #tpu.memory_space<vmem>>
        %dma_start3A_3700 = arith.constant 0 : i32
        %dma_start3A_3701 = arith.constant 0 : i32
        %dma_start3A_3702 = tpu.memref_slice %arg5[%squeeze3A_3694, %dma_start3A_3700, %dma_start3A_3701] : memref<125000x8x64xf32, #tpu.memory_space<hbm>> -> memref<1x8x64xf32, #tpu.memory_space<hbm>>
        %dma_start3A_3703 = tpu.memref_squeeze %dma_start3A_3702 : memref<1x8x64xf32, #tpu.memory_space<hbm>> -> memref<8x64xf32, #tpu.memory_space<hbm>>
        %dma_start3A_3704 = arith.constant 0 : i32
        %dma_start3A_3705 = arith.constant 0 : i32
        %dma_start3A_3706 = tpu.memref_slice %arg13[%sub3A_2946, %dma_start3A_3695, %dma_start3A_3704, %dma_start3A_3705] : memref<2x16x8x64xf32, #tpu.memory_space<vmem>> -> memref<1x1x8x64xf32, #tpu.memory_space<vmem>>
        %dma_start3A_3707 = tpu.memref_squeeze %dma_start3A_3706 : memref<1x1x8x64xf32, #tpu.memory_space<vmem>> -> memref<8x64xf32, #tpu.memory_space<vmem>>
        %dma_start3A_3708 = arith.constant 0 : i32
        %dma_start3A_3709 = arith.constant 0 : i32
        %dma_start3A_3710 = tpu.memref_slice %arg5[%squeeze3A_3694, %dma_start3A_3708, %dma_start3A_3709] : memref<125000x8x64xf32, #tpu.memory_space<hbm>> -> memref<1x8x64xf32, #tpu.memory_space<hbm>>
        %dma_start3A_3711 = tpu.memref_squeeze %dma_start3A_3710 : memref<1x8x64xf32, #tpu.memory_space<hbm>> -> memref<8x64xf32, #tpu.memory_space<hbm>>
        tpu.enqueue_dma source(%dma_start3A_3711 : memref<8x64xf32, #tpu.memory_space<hbm>>) target(%dma_start3A_3707 : memref<8x64xf32, #tpu.memory_space<vmem>>) target_semaphore(%arg15 : memref<!tpu.dma_semaphore, #tpu.memory_space<semaphore_mem>>)
        %slice3A_3712 = vector.extract_strided_slice %shift_right_arithmetic3A_2954 {offsets = [13], sizes = [1], strides = [1]} : vector<16xi32> to vector<1xi32>
        %squeeze3A_3713 = vector.extract %slice3A_3712[0] : i32 from vector<1xi32>
        %dma_start3A_3714 = arith.constant 13 : i32
        %dma_start3A_3715 = arith.constant 0 : i32
        %dma_start3A_3716 = arith.constant 0 : i32
        %dma_start3A_3717 = tpu.memref_slice %arg11[%sub3A_2946, %dma_start3A_3714, %dma_start3A_3715, %dma_start3A_3716] : memref<2x16x8x64xf32, #tpu.memory_space<vmem>> -> memref<1x1x8x64xf32, #tpu.memory_space<vmem>>
        %dma_start3A_3718 = tpu.memref_squeeze %dma_start3A_3717 : memref<1x1x8x64xf32, #tpu.memory_space<vmem>> -> memref<8x64xf32, #tpu.memory_space<vmem>>
        %dma_start3A_3719 = arith.constant 0 : i32
        %dma_start3A_3720 = arith.constant 0 : i32
        %dma_start3A_3721 = tpu.memref_slice %arg5[%squeeze3A_3713, %dma_start3A_3719, %dma_start3A_3720] : memref<125000x8x64xf32, #tpu.memory_space<hbm>> -> memref<1x8x64xf32, #tpu.memory_space<hbm>>
        %dma_start3A_3722 = tpu.memref_squeeze %dma_start3A_3721 : memref<1x8x64xf32, #tpu.memory_space<hbm>> -> memref<8x64xf32, #tpu.memory_space<hbm>>
        %dma_start3A_3723 = arith.constant 0 : i32
        %dma_start3A_3724 = arith.constant 0 : i32
        %dma_start3A_3725 = tpu.memref_slice %arg11[%sub3A_2946, %dma_start3A_3714, %dma_start3A_3723, %dma_start3A_3724] : memref<2x16x8x64xf32, #tpu.memory_space<vmem>> -> memref<1x1x8x64xf32, #tpu.memory_space<vmem>>
        %dma_start3A_3726 = tpu.memref_squeeze %dma_start3A_3725 : memref<1x1x8x64xf32, #tpu.memory_space<vmem>> -> memref<8x64xf32, #tpu.memory_space<vmem>>
        %dma_start3A_3727 = arith.constant 0 : i32
        %dma_start3A_3728 = arith.constant 0 : i32
        %dma_start3A_3729 = tpu.memref_slice %arg5[%squeeze3A_3713, %dma_start3A_3727, %dma_start3A_3728] : memref<125000x8x64xf32, #tpu.memory_space<hbm>> -> memref<1x8x64xf32, #tpu.memory_space<hbm>>
        %dma_start3A_3730 = tpu.memref_squeeze %dma_start3A_3729 : memref<1x8x64xf32, #tpu.memory_space<hbm>> -> memref<8x64xf32, #tpu.memory_space<hbm>>
        tpu.enqueue_dma source(%dma_start3A_3730 : memref<8x64xf32, #tpu.memory_space<hbm>>) target(%dma_start3A_3726 : memref<8x64xf32, #tpu.memory_space<vmem>>) target_semaphore(%arg15 : memref<!tpu.dma_semaphore, #tpu.memory_space<semaphore_mem>>)
        %slice3A_3731 = vector.extract_strided_slice %shift_right_arithmetic3A_2962 {offsets = [13], sizes = [1], strides = [1]} : vector<16xi32> to vector<1xi32>
        %squeeze3A_3732 = vector.extract %slice3A_3731[0] : i32 from vector<1xi32>
        %dma_start3A_3733 = arith.constant 13 : i32
        %dma_start3A_3734 = arith.constant 0 : i32
        %dma_start3A_3735 = arith.constant 0 : i32
        %dma_start3A_3736 = tpu.memref_slice %arg12[%sub3A_2946, %dma_start3A_3733, %dma_start3A_3734, %dma_start3A_3735] : memref<2x16x8x64xf32, #tpu.memory_space<vmem>> -> memref<1x1x8x64xf32, #tpu.memory_space<vmem>>
        %dma_start3A_3737 = tpu.memref_squeeze %dma_start3A_3736 : memref<1x1x8x64xf32, #tpu.memory_space<vmem>> -> memref<8x64xf32, #tpu.memory_space<vmem>>
        %dma_start3A_3738 = arith.constant 0 : i32
        %dma_start3A_3739 = arith.constant 0 : i32
        %dma_start3A_3740 = tpu.memref_slice %arg6[%squeeze3A_3732, %dma_start3A_3738, %dma_start3A_3739] : memref<125x8x64xf32, #tpu.memory_space<hbm>> -> memref<1x8x64xf32, #tpu.memory_space<hbm>>
        %dma_start3A_3741 = tpu.memref_squeeze %dma_start3A_3740 : memref<1x8x64xf32, #tpu.memory_space<hbm>> -> memref<8x64xf32, #tpu.memory_space<hbm>>
        %dma_start3A_3742 = arith.constant 0 : i32
        %dma_start3A_3743 = arith.constant 0 : i32
        %dma_start3A_3744 = tpu.memref_slice %arg12[%sub3A_2946, %dma_start3A_3733, %dma_start3A_3742, %dma_start3A_3743] : memref<2x16x8x64xf32, #tpu.memory_space<vmem>> -> memref<1x1x8x64xf32, #tpu.memory_space<vmem>>
        %dma_start3A_3745 = tpu.memref_squeeze %dma_start3A_3744 : memref<1x1x8x64xf32, #tpu.memory_space<vmem>> -> memref<8x64xf32, #tpu.memory_space<vmem>>
        %dma_start3A_3746 = arith.constant 0 : i32
        %dma_start3A_3747 = arith.constant 0 : i32
        %dma_start3A_3748 = tpu.memref_slice %arg6[%squeeze3A_3732, %dma_start3A_3746, %dma_start3A_3747] : memref<125x8x64xf32, #tpu.memory_space<hbm>> -> memref<1x8x64xf32, #tpu.memory_space<hbm>>
        %dma_start3A_3749 = tpu.memref_squeeze %dma_start3A_3748 : memref<1x8x64xf32, #tpu.memory_space<hbm>> -> memref<8x64xf32, #tpu.memory_space<hbm>>
        tpu.enqueue_dma source(%dma_start3A_3749 : memref<8x64xf32, #tpu.memory_space<hbm>>) target(%dma_start3A_3745 : memref<8x64xf32, #tpu.memory_space<vmem>>) target_semaphore(%arg15 : memref<!tpu.dma_semaphore, #tpu.memory_space<semaphore_mem>>)
        %slice3A_3750 = vector.extract_strided_slice %shift_right_arithmetic3A_2970 {offsets = [13], sizes = [1], strides = [1]} : vector<16xi32> to vector<1xi32>
        %squeeze3A_3751 = vector.extract %slice3A_3750[0] : i32 from vector<1xi32>
        %dma_start3A_3752 = arith.constant 13 : i32
        %dma_start3A_3753 = arith.constant 0 : i32
        %dma_start3A_3754 = arith.constant 0 : i32
        %dma_start3A_3755 = tpu.memref_slice %arg13[%sub3A_2946, %dma_start3A_3752, %dma_start3A_3753, %dma_start3A_3754] : memref<2x16x8x64xf32, #tpu.memory_space<vmem>> -> memref<1x1x8x64xf32, #tpu.memory_space<vmem>>
        %dma_start3A_3756 = tpu.memref_squeeze %dma_start3A_3755 : memref<1x1x8x64xf32, #tpu.memory_space<vmem>> -> memref<8x64xf32, #tpu.memory_space<vmem>>
        %dma_start3A_3757 = arith.constant 0 : i32
        %dma_start3A_3758 = arith.constant 0 : i32
        %dma_start3A_3759 = tpu.memref_slice %arg5[%squeeze3A_3751, %dma_start3A_3757, %dma_start3A_3758] : memref<125000x8x64xf32, #tpu.memory_space<hbm>> -> memref<1x8x64xf32, #tpu.memory_space<hbm>>
        %dma_start3A_3760 = tpu.memref_squeeze %dma_start3A_3759 : memref<1x8x64xf32, #tpu.memory_space<hbm>> -> memref<8x64xf32, #tpu.memory_space<hbm>>
        %dma_start3A_3761 = arith.constant 0 : i32
        %dma_start3A_3762 = arith.constant 0 : i32
        %dma_start3A_3763 = tpu.memref_slice %arg13[%sub3A_2946, %dma_start3A_3752, %dma_start3A_3761, %dma_start3A_3762] : memref<2x16x8x64xf32, #tpu.memory_space<vmem>> -> memref<1x1x8x64xf32, #tpu.memory_space<vmem>>
        %dma_start3A_3764 = tpu.memref_squeeze %dma_start3A_3763 : memref<1x1x8x64xf32, #tpu.memory_space<vmem>> -> memref<8x64xf32, #tpu.memory_space<vmem>>
        %dma_start3A_3765 = arith.constant 0 : i32
        %dma_start3A_3766 = arith.constant 0 : i32
        %dma_start3A_3767 = tpu.memref_slice %arg5[%squeeze3A_3751, %dma_start3A_3765, %dma_start3A_3766] : memref<125000x8x64xf32, #tpu.memory_space<hbm>> -> memref<1x8x64xf32, #tpu.memory_space<hbm>>
        %dma_start3A_3768 = tpu.memref_squeeze %dma_start3A_3767 : memref<1x8x64xf32, #tpu.memory_space<hbm>> -> memref<8x64xf32, #tpu.memory_space<hbm>>
        tpu.enqueue_dma source(%dma_start3A_3768 : memref<8x64xf32, #tpu.memory_space<hbm>>) target(%dma_start3A_3764 : memref<8x64xf32, #tpu.memory_space<vmem>>) target_semaphore(%arg15 : memref<!tpu.dma_semaphore, #tpu.memory_space<semaphore_mem>>)
        %slice3A_3769 = vector.extract_strided_slice %shift_right_arithmetic3A_2954 {offsets = [14], sizes = [1], strides = [1]} : vector<16xi32> to vector<1xi32>
        %squeeze3A_3770 = vector.extract %slice3A_3769[0] : i32 from vector<1xi32>
        %dma_start3A_3771 = arith.constant 14 : i32
        %dma_start3A_3772 = arith.constant 0 : i32
        %dma_start3A_3773 = arith.constant 0 : i32
        %dma_start3A_3774 = tpu.memref_slice %arg11[%sub3A_2946, %dma_start3A_3771, %dma_start3A_3772, %dma_start3A_3773] : memref<2x16x8x64xf32, #tpu.memory_space<vmem>> -> memref<1x1x8x64xf32, #tpu.memory_space<vmem>>
        %dma_start3A_3775 = tpu.memref_squeeze %dma_start3A_3774 : memref<1x1x8x64xf32, #tpu.memory_space<vmem>> -> memref<8x64xf32, #tpu.memory_space<vmem>>
        %dma_start3A_3776 = arith.constant 0 : i32
        %dma_start3A_3777 = arith.constant 0 : i32
        %dma_start3A_3778 = tpu.memref_slice %arg5[%squeeze3A_3770, %dma_start3A_3776, %dma_start3A_3777] : memref<125000x8x64xf32, #tpu.memory_space<hbm>> -> memref<1x8x64xf32, #tpu.memory_space<hbm>>
        %dma_start3A_3779 = tpu.memref_squeeze %dma_start3A_3778 : memref<1x8x64xf32, #tpu.memory_space<hbm>> -> memref<8x64xf32, #tpu.memory_space<hbm>>
        %dma_start3A_3780 = arith.constant 0 : i32
        %dma_start3A_3781 = arith.constant 0 : i32
        %dma_start3A_3782 = tpu.memref_slice %arg11[%sub3A_2946, %dma_start3A_3771, %dma_start3A_3780, %dma_start3A_3781] : memref<2x16x8x64xf32, #tpu.memory_space<vmem>> -> memref<1x1x8x64xf32, #tpu.memory_space<vmem>>
        %dma_start3A_3783 = tpu.memref_squeeze %dma_start3A_3782 : memref<1x1x8x64xf32, #tpu.memory_space<vmem>> -> memref<8x64xf32, #tpu.memory_space<vmem>>
        %dma_start3A_3784 = arith.constant 0 : i32
        %dma_start3A_3785 = arith.constant 0 : i32
        %dma_start3A_3786 = tpu.memref_slice %arg5[%squeeze3A_3770, %dma_start3A_3784, %dma_start3A_3785] : memref<125000x8x64xf32, #tpu.memory_space<hbm>> -> memref<1x8x64xf32, #tpu.memory_space<hbm>>
        %dma_start3A_3787 = tpu.memref_squeeze %dma_start3A_3786 : memref<1x8x64xf32, #tpu.memory_space<hbm>> -> memref<8x64xf32, #tpu.memory_space<hbm>>
        tpu.enqueue_dma source(%dma_start3A_3787 : memref<8x64xf32, #tpu.memory_space<hbm>>) target(%dma_start3A_3783 : memref<8x64xf32, #tpu.memory_space<vmem>>) target_semaphore(%arg15 : memref<!tpu.dma_semaphore, #tpu.memory_space<semaphore_mem>>)
        %slice3A_3788 = vector.extract_strided_slice %shift_right_arithmetic3A_2962 {offsets = [14], sizes = [1], strides = [1]} : vector<16xi32> to vector<1xi32>
        %squeeze3A_3789 = vector.extract %slice3A_3788[0] : i32 from vector<1xi32>
        %dma_start3A_3790 = arith.constant 14 : i32
        %dma_start3A_3791 = arith.constant 0 : i32
        %dma_start3A_3792 = arith.constant 0 : i32
        %dma_start3A_3793 = tpu.memref_slice %arg12[%sub3A_2946, %dma_start3A_3790, %dma_start3A_3791, %dma_start3A_3792] : memref<2x16x8x64xf32, #tpu.memory_space<vmem>> -> memref<1x1x8x64xf32, #tpu.memory_space<vmem>>
        %dma_start3A_3794 = tpu.memref_squeeze %dma_start3A_3793 : memref<1x1x8x64xf32, #tpu.memory_space<vmem>> -> memref<8x64xf32, #tpu.memory_space<vmem>>
        %dma_start3A_3795 = arith.constant 0 : i32
        %dma_start3A_3796 = arith.constant 0 : i32
        %dma_start3A_3797 = tpu.memref_slice %arg6[%squeeze3A_3789, %dma_start3A_3795, %dma_start3A_3796] : memref<125x8x64xf32, #tpu.memory_space<hbm>> -> memref<1x8x64xf32, #tpu.memory_space<hbm>>
        %dma_start3A_3798 = tpu.memref_squeeze %dma_start3A_3797 : memref<1x8x64xf32, #tpu.memory_space<hbm>> -> memref<8x64xf32, #tpu.memory_space<hbm>>
        %dma_start3A_3799 = arith.constant 0 : i32
        %dma_start3A_3800 = arith.constant 0 : i32
        %dma_start3A_3801 = tpu.memref_slice %arg12[%sub3A_2946, %dma_start3A_3790, %dma_start3A_3799, %dma_start3A_3800] : memref<2x16x8x64xf32, #tpu.memory_space<vmem>> -> memref<1x1x8x64xf32, #tpu.memory_space<vmem>>
        %dma_start3A_3802 = tpu.memref_squeeze %dma_start3A_3801 : memref<1x1x8x64xf32, #tpu.memory_space<vmem>> -> memref<8x64xf32, #tpu.memory_space<vmem>>
        %dma_start3A_3803 = arith.constant 0 : i32
        %dma_start3A_3804 = arith.constant 0 : i32
        %dma_start3A_3805 = tpu.memref_slice %arg6[%squeeze3A_3789, %dma_start3A_3803, %dma_start3A_3804] : memref<125x8x64xf32, #tpu.memory_space<hbm>> -> memref<1x8x64xf32, #tpu.memory_space<hbm>>
        %dma_start3A_3806 = tpu.memref_squeeze %dma_start3A_3805 : memref<1x8x64xf32, #tpu.memory_space<hbm>> -> memref<8x64xf32, #tpu.memory_space<hbm>>
        tpu.enqueue_dma source(%dma_start3A_3806 : memref<8x64xf32, #tpu.memory_space<hbm>>) target(%dma_start3A_3802 : memref<8x64xf32, #tpu.memory_space<vmem>>) target_semaphore(%arg15 : memref<!tpu.dma_semaphore, #tpu.memory_space<semaphore_mem>>)
        %slice3A_3807 = vector.extract_strided_slice %shift_right_arithmetic3A_2970 {offsets = [14], sizes = [1], strides = [1]} : vector<16xi32> to vector<1xi32>
        %squeeze3A_3808 = vector.extract %slice3A_3807[0] : i32 from vector<1xi32>
        %dma_start3A_3809 = arith.constant 14 : i32
        %dma_start3A_3810 = arith.constant 0 : i32
        %dma_start3A_3811 = arith.constant 0 : i32
        %dma_start3A_3812 = tpu.memref_slice %arg13[%sub3A_2946, %dma_start3A_3809, %dma_start3A_3810, %dma_start3A_3811] : memref<2x16x8x64xf32, #tpu.memory_space<vmem>> -> memref<1x1x8x64xf32, #tpu.memory_space<vmem>>
        %dma_start3A_3813 = tpu.memref_squeeze %dma_start3A_3812 : memref<1x1x8x64xf32, #tpu.memory_space<vmem>> -> memref<8x64xf32, #tpu.memory_space<vmem>>
        %dma_start3A_3814 = arith.constant 0 : i32
        %dma_start3A_3815 = arith.constant 0 : i32
        %dma_start3A_3816 = tpu.memref_slice %arg5[%squeeze3A_3808, %dma_start3A_3814, %dma_start3A_3815] : memref<125000x8x64xf32, #tpu.memory_space<hbm>> -> memref<1x8x64xf32, #tpu.memory_space<hbm>>
        %dma_start3A_3817 = tpu.memref_squeeze %dma_start3A_3816 : memref<1x8x64xf32, #tpu.memory_space<hbm>> -> memref<8x64xf32, #tpu.memory_space<hbm>>
        %dma_start3A_3818 = arith.constant 0 : i32
        %dma_start3A_3819 = arith.constant 0 : i32
        %dma_start3A_3820 = tpu.memref_slice %arg13[%sub3A_2946, %dma_start3A_3809, %dma_start3A_3818, %dma_start3A_3819] : memref<2x16x8x64xf32, #tpu.memory_space<vmem>> -> memref<1x1x8x64xf32, #tpu.memory_space<vmem>>
        %dma_start3A_3821 = tpu.memref_squeeze %dma_start3A_3820 : memref<1x1x8x64xf32, #tpu.memory_space<vmem>> -> memref<8x64xf32, #tpu.memory_space<vmem>>
        %dma_start3A_3822 = arith.constant 0 : i32
        %dma_start3A_3823 = arith.constant 0 : i32
        %dma_start3A_3824 = tpu.memref_slice %arg5[%squeeze3A_3808, %dma_start3A_3822, %dma_start3A_3823] : memref<125000x8x64xf32, #tpu.memory_space<hbm>> -> memref<1x8x64xf32, #tpu.memory_space<hbm>>
        %dma_start3A_3825 = tpu.memref_squeeze %dma_start3A_3824 : memref<1x8x64xf32, #tpu.memory_space<hbm>> -> memref<8x64xf32, #tpu.memory_space<hbm>>
        tpu.enqueue_dma source(%dma_start3A_3825 : memref<8x64xf32, #tpu.memory_space<hbm>>) target(%dma_start3A_3821 : memref<8x64xf32, #tpu.memory_space<vmem>>) target_semaphore(%arg15 : memref<!tpu.dma_semaphore, #tpu.memory_space<semaphore_mem>>)
        %slice3A_3826 = vector.extract_strided_slice %shift_right_arithmetic3A_2954 {offsets = [15], sizes = [1], strides = [1]} : vector<16xi32> to vector<1xi32>
        %squeeze3A_3827 = vector.extract %slice3A_3826[0] : i32 from vector<1xi32>
        %dma_start3A_3828 = arith.constant 15 : i32
        %dma_start3A_3829 = arith.constant 0 : i32
        %dma_start3A_3830 = arith.constant 0 : i32
        %dma_start3A_3831 = tpu.memref_slice %arg11[%sub3A_2946, %dma_start3A_3828, %dma_start3A_3829, %dma_start3A_3830] : memref<2x16x8x64xf32, #tpu.memory_space<vmem>> -> memref<1x1x8x64xf32, #tpu.memory_space<vmem>>
        %dma_start3A_3832 = tpu.memref_squeeze %dma_start3A_3831 : memref<1x1x8x64xf32, #tpu.memory_space<vmem>> -> memref<8x64xf32, #tpu.memory_space<vmem>>
        %dma_start3A_3833 = arith.constant 0 : i32
        %dma_start3A_3834 = arith.constant 0 : i32
        %dma_start3A_3835 = tpu.memref_slice %arg5[%squeeze3A_3827, %dma_start3A_3833, %dma_start3A_3834] : memref<125000x8x64xf32, #tpu.memory_space<hbm>> -> memref<1x8x64xf32, #tpu.memory_space<hbm>>
        %dma_start3A_3836 = tpu.memref_squeeze %dma_start3A_3835 : memref<1x8x64xf32, #tpu.memory_space<hbm>> -> memref<8x64xf32, #tpu.memory_space<hbm>>
        %dma_start3A_3837 = arith.constant 0 : i32
        %dma_start3A_3838 = arith.constant 0 : i32
        %dma_start3A_3839 = tpu.memref_slice %arg11[%sub3A_2946, %dma_start3A_3828, %dma_start3A_3837, %dma_start3A_3838] : memref<2x16x8x64xf32, #tpu.memory_space<vmem>> -> memref<1x1x8x64xf32, #tpu.memory_space<vmem>>
        %dma_start3A_3840 = tpu.memref_squeeze %dma_start3A_3839 : memref<1x1x8x64xf32, #tpu.memory_space<vmem>> -> memref<8x64xf32, #tpu.memory_space<vmem>>
        %dma_start3A_3841 = arith.constant 0 : i32
        %dma_start3A_3842 = arith.constant 0 : i32
        %dma_start3A_3843 = tpu.memref_slice %arg5[%squeeze3A_3827, %dma_start3A_3841, %dma_start3A_3842] : memref<125000x8x64xf32, #tpu.memory_space<hbm>> -> memref<1x8x64xf32, #tpu.memory_space<hbm>>
        %dma_start3A_3844 = tpu.memref_squeeze %dma_start3A_3843 : memref<1x8x64xf32, #tpu.memory_space<hbm>> -> memref<8x64xf32, #tpu.memory_space<hbm>>
        tpu.enqueue_dma source(%dma_start3A_3844 : memref<8x64xf32, #tpu.memory_space<hbm>>) target(%dma_start3A_3840 : memref<8x64xf32, #tpu.memory_space<vmem>>) target_semaphore(%arg15 : memref<!tpu.dma_semaphore, #tpu.memory_space<semaphore_mem>>)
        %slice3A_3845 = vector.extract_strided_slice %shift_right_arithmetic3A_2962 {offsets = [15], sizes = [1], strides = [1]} : vector<16xi32> to vector<1xi32>
        %squeeze3A_3846 = vector.extract %slice3A_3845[0] : i32 from vector<1xi32>
        %dma_start3A_3847 = arith.constant 15 : i32
        %dma_start3A_3848 = arith.constant 0 : i32
        %dma_start3A_3849 = arith.constant 0 : i32
        %dma_start3A_3850 = tpu.memref_slice %arg12[%sub3A_2946, %dma_start3A_3847, %dma_start3A_3848, %dma_start3A_3849] : memref<2x16x8x64xf32, #tpu.memory_space<vmem>> -> memref<1x1x8x64xf32, #tpu.memory_space<vmem>>
        %dma_start3A_3851 = tpu.memref_squeeze %dma_start3A_3850 : memref<1x1x8x64xf32, #tpu.memory_space<vmem>> -> memref<8x64xf32, #tpu.memory_space<vmem>>
        %dma_start3A_3852 = arith.constant 0 : i32
        %dma_start3A_3853 = arith.constant 0 : i32
        %dma_start3A_3854 = tpu.memref_slice %arg6[%squeeze3A_3846, %dma_start3A_3852, %dma_start3A_3853] : memref<125x8x64xf32, #tpu.memory_space<hbm>> -> memref<1x8x64xf32, #tpu.memory_space<hbm>>
        %dma_start3A_3855 = tpu.memref_squeeze %dma_start3A_3854 : memref<1x8x64xf32, #tpu.memory_space<hbm>> -> memref<8x64xf32, #tpu.memory_space<hbm>>
        %dma_start3A_3856 = arith.constant 0 : i32
        %dma_start3A_3857 = arith.constant 0 : i32
        %dma_start3A_3858 = tpu.memref_slice %arg12[%sub3A_2946, %dma_start3A_3847, %dma_start3A_3856, %dma_start3A_3857] : memref<2x16x8x64xf32, #tpu.memory_space<vmem>> -> memref<1x1x8x64xf32, #tpu.memory_space<vmem>>
        %dma_start3A_3859 = tpu.memref_squeeze %dma_start3A_3858 : memref<1x1x8x64xf32, #tpu.memory_space<vmem>> -> memref<8x64xf32, #tpu.memory_space<vmem>>
        %dma_start3A_3860 = arith.constant 0 : i32
        %dma_start3A_3861 = arith.constant 0 : i32
        %dma_start3A_3862 = tpu.memref_slice %arg6[%squeeze3A_3846, %dma_start3A_3860, %dma_start3A_3861] : memref<125x8x64xf32, #tpu.memory_space<hbm>> -> memref<1x8x64xf32, #tpu.memory_space<hbm>>
        %dma_start3A_3863 = tpu.memref_squeeze %dma_start3A_3862 : memref<1x8x64xf32, #tpu.memory_space<hbm>> -> memref<8x64xf32, #tpu.memory_space<hbm>>
        tpu.enqueue_dma source(%dma_start3A_3863 : memref<8x64xf32, #tpu.memory_space<hbm>>) target(%dma_start3A_3859 : memref<8x64xf32, #tpu.memory_space<vmem>>) target_semaphore(%arg15 : memref<!tpu.dma_semaphore, #tpu.memory_space<semaphore_mem>>)
        %slice3A_3864 = vector.extract_strided_slice %shift_right_arithmetic3A_2970 {offsets = [15], sizes = [1], strides = [1]} : vector<16xi32> to vector<1xi32>
        %squeeze3A_3865 = vector.extract %slice3A_3864[0] : i32 from vector<1xi32>
        %dma_start3A_3866 = arith.constant 15 : i32
        %dma_start3A_3867 = arith.constant 0 : i32
        %dma_start3A_3868 = arith.constant 0 : i32
        %dma_start3A_3869 = tpu.memref_slice %arg13[%sub3A_2946, %dma_start3A_3866, %dma_start3A_3867, %dma_start3A_3868] : memref<2x16x8x64xf32, #tpu.memory_space<vmem>> -> memref<1x1x8x64xf32, #tpu.memory_space<vmem>>
        %dma_start3A_3870 = tpu.memref_squeeze %dma_start3A_3869 : memref<1x1x8x64xf32, #tpu.memory_space<vmem>> -> memref<8x64xf32, #tpu.memory_space<vmem>>
        %dma_start3A_3871 = arith.constant 0 : i32
        %dma_start3A_3872 = arith.constant 0 : i32
        %dma_start3A_3873 = tpu.memref_slice %arg5[%squeeze3A_3865, %dma_start3A_3871, %dma_start3A_3872] : memref<125000x8x64xf32, #tpu.memory_space<hbm>> -> memref<1x8x64xf32, #tpu.memory_space<hbm>>
        %dma_start3A_3874 = tpu.memref_squeeze %dma_start3A_3873 : memref<1x8x64xf32, #tpu.memory_space<hbm>> -> memref<8x64xf32, #tpu.memory_space<hbm>>
        %dma_start3A_3875 = arith.constant 0 : i32
        %dma_start3A_3876 = arith.constant 0 : i32
        %dma_start3A_3877 = tpu.memref_slice %arg13[%sub3A_2946, %dma_start3A_3866, %dma_start3A_3875, %dma_start3A_3876] : memref<2x16x8x64xf32, #tpu.memory_space<vmem>> -> memref<1x1x8x64xf32, #tpu.memory_space<vmem>>
        %dma_start3A_3878 = tpu.memref_squeeze %dma_start3A_3877 : memref<1x1x8x64xf32, #tpu.memory_space<vmem>> -> memref<8x64xf32, #tpu.memory_space<vmem>>
        %dma_start3A_3879 = arith.constant 0 : i32
        %dma_start3A_3880 = arith.constant 0 : i32
        %dma_start3A_3881 = tpu.memref_slice %arg5[%squeeze3A_3865, %dma_start3A_3879, %dma_start3A_3880] : memref<125000x8x64xf32, #tpu.memory_space<hbm>> -> memref<1x8x64xf32, #tpu.memory_space<hbm>>
        %dma_start3A_3882 = tpu.memref_squeeze %dma_start3A_3881 : memref<1x8x64xf32, #tpu.memory_space<hbm>> -> memref<8x64xf32, #tpu.memory_space<hbm>>
        tpu.enqueue_dma source(%dma_start3A_3882 : memref<8x64xf32, #tpu.memory_space<hbm>>) target(%dma_start3A_3878 : memref<8x64xf32, #tpu.memory_space<vmem>>) target_semaphore(%arg15 : memref<!tpu.dma_semaphore, #tpu.memory_space<semaphore_mem>>)
      } else {
      }
      %dma_wait3A = arith.constant 0 : i32
      %dma_wait3A_1020 = arith.constant 0 : i32
      %dma_wait3A_1021 = arith.constant 0 : i32
      %dma_wait3A_1022 = tpu.memref_slice %arg11[%rem3A_1015, %dma_wait3A, %dma_wait3A_1020, %dma_wait3A_1021] : memref<2x16x8x64xf32, #tpu.memory_space<vmem>> -> memref<1x16x8x64xf32, #tpu.memory_space<vmem>>
      %dma_wait3A_1023 = tpu.memref_squeeze %dma_wait3A_1022 : memref<1x16x8x64xf32, #tpu.memory_space<vmem>> -> memref<16x8x64xf32, #tpu.memory_space<vmem>>
      %dma_wait3A_1024 = arith.constant 0 : i32
      %dma_wait3A_1025 = arith.constant 0 : i32
      %dma_wait3A_1026 = arith.constant 0 : i32
      %dma_wait3A_1027 = tpu.memref_slice %arg5[%dma_wait3A_1024, %dma_wait3A_1025, %dma_wait3A_1026] : memref<125000x8x64xf32, #tpu.memory_space<hbm>> -> memref<16x8x64xf32, #tpu.memory_space<hbm>>
      %dma_wait3A_1028 = arith.constant 0 : i32
      %dma_wait3A_1029 = arith.constant 0 : i32
      %dma_wait3A_1030 = arith.constant 0 : i32
      %dma_wait3A_1031 = tpu.memref_slice %arg11[%rem3A_1015, %dma_wait3A_1028, %dma_wait3A_1029, %dma_wait3A_1030] : memref<2x16x8x64xf32, #tpu.memory_space<vmem>> -> memref<1x16x8x64xf32, #tpu.memory_space<vmem>>
      %dma_wait3A_1032 = tpu.memref_squeeze %dma_wait3A_1031 : memref<1x16x8x64xf32, #tpu.memory_space<vmem>> -> memref<16x8x64xf32, #tpu.memory_space<vmem>>
      %dma_wait3A_1033 = arith.constant 0 : i32
      %dma_wait3A_1034 = arith.constant 0 : i32
      %dma_wait3A_1035 = arith.constant 0 : i32
      %dma_wait3A_1036 = tpu.memref_slice %arg5[%dma_wait3A_1033, %dma_wait3A_1034, %dma_wait3A_1035] : memref<125000x8x64xf32, #tpu.memory_space<hbm>> -> memref<16x8x64xf32, #tpu.memory_space<hbm>>
      tpu.wait_dma2 semaphore(%arg15 : memref<!tpu.dma_semaphore, #tpu.memory_space<semaphore_mem>>) src(%dma_wait3A_1036 : memref<16x8x64xf32, #tpu.memory_space<hbm>>) dst(%dma_wait3A_1032 : memref<16x8x64xf32, #tpu.memory_space<vmem>>)
      %dma_wait3A_1037 = arith.constant 0 : i32
      %dma_wait3A_1038 = arith.constant 0 : i32
      %dma_wait3A_1039 = arith.constant 0 : i32
      %dma_wait3A_1040 = tpu.memref_slice %arg12[%rem3A_1015, %dma_wait3A_1037, %dma_wait3A_1038, %dma_wait3A_1039] : memref<2x16x8x64xf32, #tpu.memory_space<vmem>> -> memref<1x16x8x64xf32, #tpu.memory_space<vmem>>
      %dma_wait3A_1041 = tpu.memref_squeeze %dma_wait3A_1040 : memref<1x16x8x64xf32, #tpu.memory_space<vmem>> -> memref<16x8x64xf32, #tpu.memory_space<vmem>>
      %dma_wait3A_1042 = arith.constant 0 : i32
      %dma_wait3A_1043 = arith.constant 0 : i32
      %dma_wait3A_1044 = arith.constant 0 : i32
      %dma_wait3A_1045 = tpu.memref_slice %arg5[%dma_wait3A_1042, %dma_wait3A_1043, %dma_wait3A_1044] : memref<125000x8x64xf32, #tpu.memory_space<hbm>> -> memref<16x8x64xf32, #tpu.memory_space<hbm>>
      %dma_wait3A_1046 = arith.constant 0 : i32
      %dma_wait3A_1047 = arith.constant 0 : i32
      %dma_wait3A_1048 = arith.constant 0 : i32
      %dma_wait3A_1049 = tpu.memref_slice %arg12[%rem3A_1015, %dma_wait3A_1046, %dma_wait3A_1047, %dma_wait3A_1048] : memref<2x16x8x64xf32, #tpu.memory_space<vmem>> -> memref<1x16x8x64xf32, #tpu.memory_space<vmem>>
      %dma_wait3A_1050 = tpu.memref_squeeze %dma_wait3A_1049 : memref<1x16x8x64xf32, #tpu.memory_space<vmem>> -> memref<16x8x64xf32, #tpu.memory_space<vmem>>
      %dma_wait3A_1051 = arith.constant 0 : i32
      %dma_wait3A_1052 = arith.constant 0 : i32
      %dma_wait3A_1053 = arith.constant 0 : i32
      %dma_wait3A_1054 = tpu.memref_slice %arg5[%dma_wait3A_1051, %dma_wait3A_1052, %dma_wait3A_1053] : memref<125000x8x64xf32, #tpu.memory_space<hbm>> -> memref<16x8x64xf32, #tpu.memory_space<hbm>>
      tpu.wait_dma2 semaphore(%arg15 : memref<!tpu.dma_semaphore, #tpu.memory_space<semaphore_mem>>) src(%dma_wait3A_1054 : memref<16x8x64xf32, #tpu.memory_space<hbm>>) dst(%dma_wait3A_1050 : memref<16x8x64xf32, #tpu.memory_space<vmem>>)
      %dma_wait3A_1055 = arith.constant 0 : i32
      %dma_wait3A_1056 = arith.constant 0 : i32
      %dma_wait3A_1057 = arith.constant 0 : i32
      %dma_wait3A_1058 = tpu.memref_slice %arg13[%rem3A_1015, %dma_wait3A_1055, %dma_wait3A_1056, %dma_wait3A_1057] : memref<2x16x8x64xf32, #tpu.memory_space<vmem>> -> memref<1x16x8x64xf32, #tpu.memory_space<vmem>>
      %dma_wait3A_1059 = tpu.memref_squeeze %dma_wait3A_1058 : memref<1x16x8x64xf32, #tpu.memory_space<vmem>> -> memref<16x8x64xf32, #tpu.memory_space<vmem>>
      %dma_wait3A_1060 = arith.constant 0 : i32
      %dma_wait3A_1061 = arith.constant 0 : i32
      %dma_wait3A_1062 = arith.constant 0 : i32
      %dma_wait3A_1063 = tpu.memref_slice %arg5[%dma_wait3A_1060, %dma_wait3A_1061, %dma_wait3A_1062] : memref<125000x8x64xf32, #tpu.memory_space<hbm>> -> memref<16x8x64xf32, #tpu.memory_space<hbm>>
      %dma_wait3A_1064 = arith.constant 0 : i32
      %dma_wait3A_1065 = arith.constant 0 : i32
      %dma_wait3A_1066 = arith.constant 0 : i32
      %dma_wait3A_1067 = tpu.memref_slice %arg13[%rem3A_1015, %dma_wait3A_1064, %dma_wait3A_1065, %dma_wait3A_1066] : memref<2x16x8x64xf32, #tpu.memory_space<vmem>> -> memref<1x16x8x64xf32, #tpu.memory_space<vmem>>
      %dma_wait3A_1068 = tpu.memref_squeeze %dma_wait3A_1067 : memref<1x16x8x64xf32, #tpu.memory_space<vmem>> -> memref<16x8x64xf32, #tpu.memory_space<vmem>>
      %dma_wait3A_1069 = arith.constant 0 : i32
      %dma_wait3A_1070 = arith.constant 0 : i32
      %dma_wait3A_1071 = arith.constant 0 : i32
      %dma_wait3A_1072 = tpu.memref_slice %arg5[%dma_wait3A_1069, %dma_wait3A_1070, %dma_wait3A_1071] : memref<125000x8x64xf32, #tpu.memory_space<hbm>> -> memref<16x8x64xf32, #tpu.memory_space<hbm>>
      tpu.wait_dma2 semaphore(%arg15 : memref<!tpu.dma_semaphore, #tpu.memory_space<semaphore_mem>>) src(%dma_wait3A_1072 : memref<16x8x64xf32, #tpu.memory_space<hbm>>) dst(%dma_wait3A_1068 : memref<16x8x64xf32, #tpu.memory_space<vmem>>)
      %mul3A_1073 = arith.constant 16 : i32
      %mul3A_1074 = arith.muli %scan3A_1014, %mul3A_1073 : i32
      %get3A_1075 = arith.index_cast %mul3A_1074 : i32 to index
      %get3A_1076 = tpu.vector_load %arg8[%get3A_1075] {strides = array<i32>} : memref<512xi32, #tpu.memory_space<vmem>>, vector<16xi32>,
      %get3A_1077 = vector.shape_cast %get3A_1076 : vector<16xi32> to vector<16xi32>
      %and3A_1078 = arith.constant 7 : i32
      %and3A_1079 = vector.broadcast %and3A_1078 : i32 to vector<16xi32>
      %and3A_1080 = arith.andi %get3A_1077, %and3A_1079 : vector<16xi32>
      %mul3A_1081 = arith.constant 16 : i32
      %mul3A_1082 = arith.muli %scan3A_1014, %mul3A_1081 : i32
      %get3A_1083 = arith.index_cast %mul3A_1082 : i32 to index
      %get3A_1084 = tpu.vector_load %arg9[%get3A_1083] {strides = array<i32>} : memref<512xi32, #tpu.memory_space<vmem>>, vector<16xi32>,
      %get3A_1085 = vector.shape_cast %get3A_1084 : vector<16xi32> to vector<16xi32>
      %and3A_1086 = arith.constant 7 : i32
      %and3A_1087 = vector.broadcast %and3A_1086 : i32 to vector<16xi32>
      %and3A_1088 = arith.andi %get3A_1085, %and3A_1087 : vector<16xi32>
      %mul3A_1089 = arith.constant 16 : i32
      %mul3A_1090 = arith.muli %scan3A_1014, %mul3A_1089 : i32
      %get3A_1091 = arith.index_cast %mul3A_1090 : i32 to index
      %get3A_1092 = tpu.vector_load %arg10[%get3A_1091] {strides = array<i32>} : memref<512xi32, #tpu.memory_space<vmem>>, vector<16xi32>,
      %get3A_1093 = vector.shape_cast %get3A_1092 : vector<16xi32> to vector<16xi32>
      %and3A_1094 = arith.constant 7 : i32
      %and3A_1095 = vector.broadcast %and3A_1094 : i32 to vector<16xi32>
      %and3A_1096 = arith.andi %get3A_1093, %and3A_1095 : vector<16xi32>
      %slice3A_1097 = vector.extract_strided_slice %and3A_1080 {offsets = [0], sizes = [1], strides = [1]} : vector<16xi32> to vector<1xi32>
      %squeeze3A_1098 = vector.extract %slice3A_1097[0] : i32 from vector<1xi32>
      %slice3A_1099 = vector.extract_strided_slice %and3A_1088 {offsets = [0], sizes = [1], strides = [1]} : vector<16xi32> to vector<1xi32>
      %squeeze3A_1100 = vector.extract %slice3A_1099[0] : i32 from vector<1xi32>
      %slice3A_1101 = vector.extract_strided_slice %and3A_1096 {offsets = [0], sizes = [1], strides = [1]} : vector<16xi32> to vector<1xi32>
      %squeeze3A_1102 = vector.extract %slice3A_1101[0] : i32 from vector<1xi32>
      %get3A_1103 = arith.constant 0 : i32
      %get3A_1104 = arith.index_cast %rem3A_1015 : i32 to index
      %get3A_1105 = arith.index_cast %get3A_1103 : i32 to index
      %get3A_1106 = arith.index_cast %squeeze3A_1098 : i32 to index
      %get3A_1107 = arith.constant 0 : index
      %get3A_1108 = tpu.vector_load %arg11[%get3A_1104, %get3A_1105, %get3A_1106, %get3A_1107] {strides = array<i32>} : memref<2x16x8x64xf32, #tpu.memory_space<vmem>>, vector<1x1x1x16xf32>,
      %get3A_1109 = vector.shape_cast %get3A_1108 : vector<1x1x1x16xf32> to vector<16xf32>
      %get3A_1110 = arith.constant 0 : i32
      %get3A_1111 = arith.index_cast %rem3A_1015 : i32 to index
      %get3A_1112 = arith.index_cast %get3A_1110 : i32 to index
      %get3A_1113 = arith.index_cast %squeeze3A_1100 : i32 to index
      %get3A_1114 = arith.constant 0 : index
      %get3A_1115 = tpu.vector_load %arg12[%get3A_1111, %get3A_1112, %get3A_1113, %get3A_1114] {strides = array<i32>} : memref<2x16x8x64xf32, #tpu.memory_space<vmem>>, vector<1x1x1x16xf32>,
      %get3A_1116 = vector.shape_cast %get3A_1115 : vector<1x1x1x16xf32> to vector<16xf32>
      %add3A_1117 = arith.addf %get3A_1109, %get3A_1116 : vector<16xf32>
      %get3A_1118 = arith.constant 0 : i32
      %get3A_1119 = arith.index_cast %rem3A_1015 : i32 to index
      %get3A_1120 = arith.index_cast %get3A_1118 : i32 to index
      %get3A_1121 = arith.index_cast %squeeze3A_1102 : i32 to index
      %get3A_1122 = arith.constant 0 : index
      %get3A_1123 = tpu.vector_load %arg13[%get3A_1119, %get3A_1120, %get3A_1121, %get3A_1122] {strides = array<i32>} : memref<2x16x8x64xf32, #tpu.memory_space<vmem>>, vector<1x1x1x16xf32>,
      %get3A_1124 = vector.shape_cast %get3A_1123 : vector<1x1x1x16xf32> to vector<16xf32>
      %sub3A = arith.subf %add3A_1117, %get3A_1124 : vector<16xf32>
      %mul3A_1125 = arith.mulf %sub3A, %sub3A : vector<16xf32>
      %get3A_1126 = arith.constant 0 : i32
      %get3A_1127 = arith.index_cast %rem3A_1015 : i32 to index
      %get3A_1128 = arith.index_cast %get3A_1126 : i32 to index
      %get3A_1129 = arith.index_cast %squeeze3A_1098 : i32 to index
      %get3A_1130 = arith.constant 16 : index
      %get3A_1131 = tpu.vector_load %arg11[%get3A_1127, %get3A_1128, %get3A_1129, %get3A_1130] {strides = array<i32>} : memref<2x16x8x64xf32, #tpu.memory_space<vmem>>, vector<1x1x1x16xf32>,
      %get3A_1132 = vector.shape_cast %get3A_1131 : vector<1x1x1x16xf32> to vector<16xf32>
      %get3A_1133 = arith.constant 0 : i32
      %get3A_1134 = arith.index_cast %rem3A_1015 : i32 to index
      %get3A_1135 = arith.index_cast %get3A_1133 : i32 to index
      %get3A_1136 = arith.index_cast %squeeze3A_1100 : i32 to index
      %get3A_1137 = arith.constant 16 : index
      %get3A_1138 = tpu.vector_load %arg12[%get3A_1134, %get3A_1135, %get3A_1136, %get3A_1137] {strides = array<i32>} : memref<2x16x8x64xf32, #tpu.memory_space<vmem>>, vector<1x1x1x16xf32>,
      %get3A_1139 = vector.shape_cast %get3A_1138 : vector<1x1x1x16xf32> to vector<16xf32>
      %add3A_1140 = arith.addf %get3A_1132, %get3A_1139 : vector<16xf32>
      %get3A_1141 = arith.constant 0 : i32
      %get3A_1142 = arith.index_cast %rem3A_1015 : i32 to index
      %get3A_1143 = arith.index_cast %get3A_1141 : i32 to index
      %get3A_1144 = arith.index_cast %squeeze3A_1102 : i32 to index
      %get3A_1145 = arith.constant 16 : index
      %get3A_1146 = tpu.vector_load %arg13[%get3A_1142, %get3A_1143, %get3A_1144, %get3A_1145] {strides = array<i32>} : memref<2x16x8x64xf32, #tpu.memory_space<vmem>>, vector<1x1x1x16xf32>,
      %get3A_1147 = vector.shape_cast %get3A_1146 : vector<1x1x1x16xf32> to vector<16xf32>
      %sub3A_1148 = arith.subf %add3A_1140, %get3A_1147 : vector<16xf32>
      %mul3A_1149 = arith.mulf %sub3A_1148, %sub3A_1148 : vector<16xf32>
      %add3A_1150 = arith.addf %mul3A_1125, %mul3A_1149 : vector<16xf32>
      %get3A_1151 = arith.constant 0 : i32
      %get3A_1152 = arith.index_cast %rem3A_1015 : i32 to index
      %get3A_1153 = arith.index_cast %get3A_1151 : i32 to index
      %get3A_1154 = arith.index_cast %squeeze3A_1098 : i32 to index
      %get3A_1155 = arith.constant 32 : index
      %get3A_1156 = tpu.vector_load %arg11[%get3A_1152, %get3A_1153, %get3A_1154, %get3A_1155] {strides = array<i32>} : memref<2x16x8x64xf32, #tpu.memory_space<vmem>>, vector<1x1x1x16xf32>,
      %get3A_1157 = vector.shape_cast %get3A_1156 : vector<1x1x1x16xf32> to vector<16xf32>
      %get3A_1158 = arith.constant 0 : i32
      %get3A_1159 = arith.index_cast %rem3A_1015 : i32 to index
      %get3A_1160 = arith.index_cast %get3A_1158 : i32 to index
      %get3A_1161 = arith.index_cast %squeeze3A_1100 : i32 to index
      %get3A_1162 = arith.constant 32 : index
      %get3A_1163 = tpu.vector_load %arg12[%get3A_1159, %get3A_1160, %get3A_1161, %get3A_1162] {strides = array<i32>} : memref<2x16x8x64xf32, #tpu.memory_space<vmem>>, vector<1x1x1x16xf32>,
      %get3A_1164 = vector.shape_cast %get3A_1163 : vector<1x1x1x16xf32> to vector<16xf32>
      %add3A_1165 = arith.addf %get3A_1157, %get3A_1164 : vector<16xf32>
      %get3A_1166 = arith.constant 0 : i32
      %get3A_1167 = arith.index_cast %rem3A_1015 : i32 to index
      %get3A_1168 = arith.index_cast %get3A_1166 : i32 to index
      %get3A_1169 = arith.index_cast %squeeze3A_1102 : i32 to index
      %get3A_1170 = arith.constant 32 : index
      %get3A_1171 = tpu.vector_load %arg13[%get3A_1167, %get3A_1168, %get3A_1169, %get3A_1170] {strides = array<i32>} : memref<2x16x8x64xf32, #tpu.memory_space<vmem>>, vector<1x1x1x16xf32>,
      %get3A_1172 = vector.shape_cast %get3A_1171 : vector<1x1x1x16xf32> to vector<16xf32>
      %sub3A_1173 = arith.subf %add3A_1165, %get3A_1172 : vector<16xf32>
      %mul3A_1174 = arith.mulf %sub3A_1173, %sub3A_1173 : vector<16xf32>
      %add3A_1175 = arith.addf %add3A_1150, %mul3A_1174 : vector<16xf32>
      %get3A_1176 = arith.constant 0 : i32
      %get3A_1177 = arith.index_cast %rem3A_1015 : i32 to index
      %get3A_1178 = arith.index_cast %get3A_1176 : i32 to index
      %get3A_1179 = arith.index_cast %squeeze3A_1098 : i32 to index
      %get3A_1180 = arith.constant 48 : index
      %get3A_1181 = tpu.vector_load %arg11[%get3A_1177, %get3A_1178, %get3A_1179, %get3A_1180] {strides = array<i32>} : memref<2x16x8x64xf32, #tpu.memory_space<vmem>>, vector<1x1x1x16xf32>,
      %get3A_1182 = vector.shape_cast %get3A_1181 : vector<1x1x1x16xf32> to vector<16xf32>
      %get3A_1183 = arith.constant 0 : i32
      %get3A_1184 = arith.index_cast %rem3A_1015 : i32 to index
      %get3A_1185 = arith.index_cast %get3A_1183 : i32 to index
      %get3A_1186 = arith.index_cast %squeeze3A_1100 : i32 to index
      %get3A_1187 = arith.constant 48 : index
      %get3A_1188 = tpu.vector_load %arg12[%get3A_1184, %get3A_1185, %get3A_1186, %get3A_1187] {strides = array<i32>} : memref<2x16x8x64xf32, #tpu.memory_space<vmem>>, vector<1x1x1x16xf32>,
      %get3A_1189 = vector.shape_cast %get3A_1188 : vector<1x1x1x16xf32> to vector<16xf32>
      %add3A_1190 = arith.addf %get3A_1182, %get3A_1189 : vector<16xf32>
      %get3A_1191 = arith.constant 0 : i32
      %get3A_1192 = arith.index_cast %rem3A_1015 : i32 to index
      %get3A_1193 = arith.index_cast %get3A_1191 : i32 to index
      %get3A_1194 = arith.index_cast %squeeze3A_1102 : i32 to index
      %get3A_1195 = arith.constant 48 : index
      %get3A_1196 = tpu.vector_load %arg13[%get3A_1192, %get3A_1193, %get3A_1194, %get3A_1195] {strides = array<i32>} : memref<2x16x8x64xf32, #tpu.memory_space<vmem>>, vector<1x1x1x16xf32>,
      %get3A_1197 = vector.shape_cast %get3A_1196 : vector<1x1x1x16xf32> to vector<16xf32>
      %sub3A_1198 = arith.subf %add3A_1190, %get3A_1197 : vector<16xf32>
      %mul3A_1199 = arith.mulf %sub3A_1198, %sub3A_1198 : vector<16xf32>
      %add3A_1200 = arith.addf %add3A_1175, %mul3A_1199 : vector<16xf32>
      %slice3A_1201 = vector.extract_strided_slice %and3A_1080 {offsets = [1], sizes = [1], strides = [1]} : vector<16xi32> to vector<1xi32>
      %squeeze3A_1202 = vector.extract %slice3A_1201[0] : i32 from vector<1xi32>
      %slice3A_1203 = vector.extract_strided_slice %and3A_1088 {offsets = [1], sizes = [1], strides = [1]} : vector<16xi32> to vector<1xi32>
      %squeeze3A_1204 = vector.extract %slice3A_1203[0] : i32 from vector<1xi32>
      %slice3A_1205 = vector.extract_strided_slice %and3A_1096 {offsets = [1], sizes = [1], strides = [1]} : vector<16xi32> to vector<1xi32>
      %squeeze3A_1206 = vector.extract %slice3A_1205[0] : i32 from vector<1xi32>
      %get3A_1207 = arith.constant 1 : i32
      %get3A_1208 = arith.index_cast %rem3A_1015 : i32 to index
      %get3A_1209 = arith.index_cast %get3A_1207 : i32 to index
      %get3A_1210 = arith.index_cast %squeeze3A_1202 : i32 to index
      %get3A_1211 = arith.constant 0 : index
      %get3A_1212 = tpu.vector_load %arg11[%get3A_1208, %get3A_1209, %get3A_1210, %get3A_1211] {strides = array<i32>} : memref<2x16x8x64xf32, #tpu.memory_space<vmem>>, vector<1x1x1x16xf32>,
      %get3A_1213 = vector.shape_cast %get3A_1212 : vector<1x1x1x16xf32> to vector<16xf32>
      %get3A_1214 = arith.constant 1 : i32
      %get3A_1215 = arith.index_cast %rem3A_1015 : i32 to index
      %get3A_1216 = arith.index_cast %get3A_1214 : i32 to index
      %get3A_1217 = arith.index_cast %squeeze3A_1204 : i32 to index
      %get3A_1218 = arith.constant 0 : index
      %get3A_1219 = tpu.vector_load %arg12[%get3A_1215, %get3A_1216, %get3A_1217, %get3A_1218] {strides = array<i32>} : memref<2x16x8x64xf32, #tpu.memory_space<vmem>>, vector<1x1x1x16xf32>,
      %get3A_1220 = vector.shape_cast %get3A_1219 : vector<1x1x1x16xf32> to vector<16xf32>
      %add3A_1221 = arith.addf %get3A_1213, %get3A_1220 : vector<16xf32>
      %get3A_1222 = arith.constant 1 : i32
      %get3A_1223 = arith.index_cast %rem3A_1015 : i32 to index
      %get3A_1224 = arith.index_cast %get3A_1222 : i32 to index
      %get3A_1225 = arith.index_cast %squeeze3A_1206 : i32 to index
      %get3A_1226 = arith.constant 0 : index
      %get3A_1227 = tpu.vector_load %arg13[%get3A_1223, %get3A_1224, %get3A_1225, %get3A_1226] {strides = array<i32>} : memref<2x16x8x64xf32, #tpu.memory_space<vmem>>, vector<1x1x1x16xf32>,
      %get3A_1228 = vector.shape_cast %get3A_1227 : vector<1x1x1x16xf32> to vector<16xf32>
      %sub3A_1229 = arith.subf %add3A_1221, %get3A_1228 : vector<16xf32>
      %mul3A_1230 = arith.mulf %sub3A_1229, %sub3A_1229 : vector<16xf32>
      %get3A_1231 = arith.constant 1 : i32
      %get3A_1232 = arith.index_cast %rem3A_1015 : i32 to index
      %get3A_1233 = arith.index_cast %get3A_1231 : i32 to index
      %get3A_1234 = arith.index_cast %squeeze3A_1202 : i32 to index
      %get3A_1235 = arith.constant 16 : index
      %get3A_1236 = tpu.vector_load %arg11[%get3A_1232, %get3A_1233, %get3A_1234, %get3A_1235] {strides = array<i32>} : memref<2x16x8x64xf32, #tpu.memory_space<vmem>>, vector<1x1x1x16xf32>,
      %get3A_1237 = vector.shape_cast %get3A_1236 : vector<1x1x1x16xf32> to vector<16xf32>
      %get3A_1238 = arith.constant 1 : i32
      %get3A_1239 = arith.index_cast %rem3A_1015 : i32 to index
      %get3A_1240 = arith.index_cast %get3A_1238 : i32 to index
      %get3A_1241 = arith.index_cast %squeeze3A_1204 : i32 to index
      %get3A_1242 = arith.constant 16 : index
      %get3A_1243 = tpu.vector_load %arg12[%get3A_1239, %get3A_1240, %get3A_1241, %get3A_1242] {strides = array<i32>} : memref<2x16x8x64xf32, #tpu.memory_space<vmem>>, vector<1x1x1x16xf32>,
      %get3A_1244 = vector.shape_cast %get3A_1243 : vector<1x1x1x16xf32> to vector<16xf32>
      %add3A_1245 = arith.addf %get3A_1237, %get3A_1244 : vector<16xf32>
      %get3A_1246 = arith.constant 1 : i32
      %get3A_1247 = arith.index_cast %rem3A_1015 : i32 to index
      %get3A_1248 = arith.index_cast %get3A_1246 : i32 to index
      %get3A_1249 = arith.index_cast %squeeze3A_1206 : i32 to index
      %get3A_1250 = arith.constant 16 : index
      %get3A_1251 = tpu.vector_load %arg13[%get3A_1247, %get3A_1248, %get3A_1249, %get3A_1250] {strides = array<i32>} : memref<2x16x8x64xf32, #tpu.memory_space<vmem>>, vector<1x1x1x16xf32>,
      %get3A_1252 = vector.shape_cast %get3A_1251 : vector<1x1x1x16xf32> to vector<16xf32>
      %sub3A_1253 = arith.subf %add3A_1245, %get3A_1252 : vector<16xf32>
      %mul3A_1254 = arith.mulf %sub3A_1253, %sub3A_1253 : vector<16xf32>
      %add3A_1255 = arith.addf %mul3A_1230, %mul3A_1254 : vector<16xf32>
      %get3A_1256 = arith.constant 1 : i32
      %get3A_1257 = arith.index_cast %rem3A_1015 : i32 to index
      %get3A_1258 = arith.index_cast %get3A_1256 : i32 to index
      %get3A_1259 = arith.index_cast %squeeze3A_1202 : i32 to index
      %get3A_1260 = arith.constant 32 : index
      %get3A_1261 = tpu.vector_load %arg11[%get3A_1257, %get3A_1258, %get3A_1259, %get3A_1260] {strides = array<i32>} : memref<2x16x8x64xf32, #tpu.memory_space<vmem>>, vector<1x1x1x16xf32>,
      %get3A_1262 = vector.shape_cast %get3A_1261 : vector<1x1x1x16xf32> to vector<16xf32>
      %get3A_1263 = arith.constant 1 : i32
      %get3A_1264 = arith.index_cast %rem3A_1015 : i32 to index
      %get3A_1265 = arith.index_cast %get3A_1263 : i32 to index
      %get3A_1266 = arith.index_cast %squeeze3A_1204 : i32 to index
      %get3A_1267 = arith.constant 32 : index
      %get3A_1268 = tpu.vector_load %arg12[%get3A_1264, %get3A_1265, %get3A_1266, %get3A_1267] {strides = array<i32>} : memref<2x16x8x64xf32, #tpu.memory_space<vmem>>, vector<1x1x1x16xf32>,
      %get3A_1269 = vector.shape_cast %get3A_1268 : vector<1x1x1x16xf32> to vector<16xf32>
      %add3A_1270 = arith.addf %get3A_1262, %get3A_1269 : vector<16xf32>
      %get3A_1271 = arith.constant 1 : i32
      %get3A_1272 = arith.index_cast %rem3A_1015 : i32 to index
      %get3A_1273 = arith.index_cast %get3A_1271 : i32 to index
      %get3A_1274 = arith.index_cast %squeeze3A_1206 : i32 to index
      %get3A_1275 = arith.constant 32 : index
      %get3A_1276 = tpu.vector_load %arg13[%get3A_1272, %get3A_1273, %get3A_1274, %get3A_1275] {strides = array<i32>} : memref<2x16x8x64xf32, #tpu.memory_space<vmem>>, vector<1x1x1x16xf32>,
      %get3A_1277 = vector.shape_cast %get3A_1276 : vector<1x1x1x16xf32> to vector<16xf32>
      %sub3A_1278 = arith.subf %add3A_1270, %get3A_1277 : vector<16xf32>
      %mul3A_1279 = arith.mulf %sub3A_1278, %sub3A_1278 : vector<16xf32>
      %add3A_1280 = arith.addf %add3A_1255, %mul3A_1279 : vector<16xf32>
      %get3A_1281 = arith.constant 1 : i32
      %get3A_1282 = arith.index_cast %rem3A_1015 : i32 to index
      %get3A_1283 = arith.index_cast %get3A_1281 : i32 to index
      %get3A_1284 = arith.index_cast %squeeze3A_1202 : i32 to index
      %get3A_1285 = arith.constant 48 : index
      %get3A_1286 = tpu.vector_load %arg11[%get3A_1282, %get3A_1283, %get3A_1284, %get3A_1285] {strides = array<i32>} : memref<2x16x8x64xf32, #tpu.memory_space<vmem>>, vector<1x1x1x16xf32>,
      %get3A_1287 = vector.shape_cast %get3A_1286 : vector<1x1x1x16xf32> to vector<16xf32>
      %get3A_1288 = arith.constant 1 : i32
      %get3A_1289 = arith.index_cast %rem3A_1015 : i32 to index
      %get3A_1290 = arith.index_cast %get3A_1288 : i32 to index
      %get3A_1291 = arith.index_cast %squeeze3A_1204 : i32 to index
      %get3A_1292 = arith.constant 48 : index
      %get3A_1293 = tpu.vector_load %arg12[%get3A_1289, %get3A_1290, %get3A_1291, %get3A_1292] {strides = array<i32>} : memref<2x16x8x64xf32, #tpu.memory_space<vmem>>, vector<1x1x1x16xf32>,
      %get3A_1294 = vector.shape_cast %get3A_1293 : vector<1x1x1x16xf32> to vector<16xf32>
      %add3A_1295 = arith.addf %get3A_1287, %get3A_1294 : vector<16xf32>
      %get3A_1296 = arith.constant 1 : i32
      %get3A_1297 = arith.index_cast %rem3A_1015 : i32 to index
      %get3A_1298 = arith.index_cast %get3A_1296 : i32 to index
      %get3A_1299 = arith.index_cast %squeeze3A_1206 : i32 to index
      %get3A_1300 = arith.constant 48 : index
      %get3A_1301 = tpu.vector_load %arg13[%get3A_1297, %get3A_1298, %get3A_1299, %get3A_1300] {strides = array<i32>} : memref<2x16x8x64xf32, #tpu.memory_space<vmem>>, vector<1x1x1x16xf32>,
      %get3A_1302 = vector.shape_cast %get3A_1301 : vector<1x1x1x16xf32> to vector<16xf32>
      %sub3A_1303 = arith.subf %add3A_1295, %get3A_1302 : vector<16xf32>
      %mul3A_1304 = arith.mulf %sub3A_1303, %sub3A_1303 : vector<16xf32>
      %add3A_1305 = arith.addf %add3A_1280, %mul3A_1304 : vector<16xf32>
      %slice3A_1306 = vector.extract_strided_slice %and3A_1080 {offsets = [2], sizes = [1], strides = [1]} : vector<16xi32> to vector<1xi32>
      %squeeze3A_1307 = vector.extract %slice3A_1306[0] : i32 from vector<1xi32>
      %slice3A_1308 = vector.extract_strided_slice %and3A_1088 {offsets = [2], sizes = [1], strides = [1]} : vector<16xi32> to vector<1xi32>
      %squeeze3A_1309 = vector.extract %slice3A_1308[0] : i32 from vector<1xi32>
      %slice3A_1310 = vector.extract_strided_slice %and3A_1096 {offsets = [2], sizes = [1], strides = [1]} : vector<16xi32> to vector<1xi32>
      %squeeze3A_1311 = vector.extract %slice3A_1310[0] : i32 from vector<1xi32>
      %get3A_1312 = arith.constant 2 : i32
      %get3A_1313 = arith.index_cast %rem3A_1015 : i32 to index
      %get3A_1314 = arith.index_cast %get3A_1312 : i32 to index
      %get3A_1315 = arith.index_cast %squeeze3A_1307 : i32 to index
      %get3A_1316 = arith.constant 0 : index
      %get3A_1317 = tpu.vector_load %arg11[%get3A_1313, %get3A_1314, %get3A_1315, %get3A_1316] {strides = array<i32>} : memref<2x16x8x64xf32, #tpu.memory_space<vmem>>, vector<1x1x1x16xf32>,
      %get3A_1318 = vector.shape_cast %get3A_1317 : vector<1x1x1x16xf32> to vector<16xf32>
      %get3A_1319 = arith.constant 2 : i32
      %get3A_1320 = arith.index_cast %rem3A_1015 : i32 to index
      %get3A_1321 = arith.index_cast %get3A_1319 : i32 to index
      %get3A_1322 = arith.index_cast %squeeze3A_1309 : i32 to index
      %get3A_1323 = arith.constant 0 : index
      %get3A_1324 = tpu.vector_load %arg12[%get3A_1320, %get3A_1321, %get3A_1322, %get3A_1323] {strides = array<i32>} : memref<2x16x8x64xf32, #tpu.memory_space<vmem>>, vector<1x1x1x16xf32>,
      %get3A_1325 = vector.shape_cast %get3A_1324 : vector<1x1x1x16xf32> to vector<16xf32>
      %add3A_1326 = arith.addf %get3A_1318, %get3A_1325 : vector<16xf32>
      %get3A_1327 = arith.constant 2 : i32
      %get3A_1328 = arith.index_cast %rem3A_1015 : i32 to index
      %get3A_1329 = arith.index_cast %get3A_1327 : i32 to index
      %get3A_1330 = arith.index_cast %squeeze3A_1311 : i32 to index
      %get3A_1331 = arith.constant 0 : index
      %get3A_1332 = tpu.vector_load %arg13[%get3A_1328, %get3A_1329, %get3A_1330, %get3A_1331] {strides = array<i32>} : memref<2x16x8x64xf32, #tpu.memory_space<vmem>>, vector<1x1x1x16xf32>,
      %get3A_1333 = vector.shape_cast %get3A_1332 : vector<1x1x1x16xf32> to vector<16xf32>
      %sub3A_1334 = arith.subf %add3A_1326, %get3A_1333 : vector<16xf32>
      %mul3A_1335 = arith.mulf %sub3A_1334, %sub3A_1334 : vector<16xf32>
      %get3A_1336 = arith.constant 2 : i32
      %get3A_1337 = arith.index_cast %rem3A_1015 : i32 to index
      %get3A_1338 = arith.index_cast %get3A_1336 : i32 to index
      %get3A_1339 = arith.index_cast %squeeze3A_1307 : i32 to index
      %get3A_1340 = arith.constant 16 : index
      %get3A_1341 = tpu.vector_load %arg11[%get3A_1337, %get3A_1338, %get3A_1339, %get3A_1340] {strides = array<i32>} : memref<2x16x8x64xf32, #tpu.memory_space<vmem>>, vector<1x1x1x16xf32>,
      %get3A_1342 = vector.shape_cast %get3A_1341 : vector<1x1x1x16xf32> to vector<16xf32>
      %get3A_1343 = arith.constant 2 : i32
      %get3A_1344 = arith.index_cast %rem3A_1015 : i32 to index
      %get3A_1345 = arith.index_cast %get3A_1343 : i32 to index
      %get3A_1346 = arith.index_cast %squeeze3A_1309 : i32 to index
      %get3A_1347 = arith.constant 16 : index
      %get3A_1348 = tpu.vector_load %arg12[%get3A_1344, %get3A_1345, %get3A_1346, %get3A_1347] {strides = array<i32>} : memref<2x16x8x64xf32, #tpu.memory_space<vmem>>, vector<1x1x1x16xf32>,
      %get3A_1349 = vector.shape_cast %get3A_1348 : vector<1x1x1x16xf32> to vector<16xf32>
      %add3A_1350 = arith.addf %get3A_1342, %get3A_1349 : vector<16xf32>
      %get3A_1351 = arith.constant 2 : i32
      %get3A_1352 = arith.index_cast %rem3A_1015 : i32 to index
      %get3A_1353 = arith.index_cast %get3A_1351 : i32 to index
      %get3A_1354 = arith.index_cast %squeeze3A_1311 : i32 to index
      %get3A_1355 = arith.constant 16 : index
      %get3A_1356 = tpu.vector_load %arg13[%get3A_1352, %get3A_1353, %get3A_1354, %get3A_1355] {strides = array<i32>} : memref<2x16x8x64xf32, #tpu.memory_space<vmem>>, vector<1x1x1x16xf32>,
      %get3A_1357 = vector.shape_cast %get3A_1356 : vector<1x1x1x16xf32> to vector<16xf32>
      %sub3A_1358 = arith.subf %add3A_1350, %get3A_1357 : vector<16xf32>
      %mul3A_1359 = arith.mulf %sub3A_1358, %sub3A_1358 : vector<16xf32>
      %add3A_1360 = arith.addf %mul3A_1335, %mul3A_1359 : vector<16xf32>
      %get3A_1361 = arith.constant 2 : i32
      %get3A_1362 = arith.index_cast %rem3A_1015 : i32 to index
      %get3A_1363 = arith.index_cast %get3A_1361 : i32 to index
      %get3A_1364 = arith.index_cast %squeeze3A_1307 : i32 to index
      %get3A_1365 = arith.constant 32 : index
      %get3A_1366 = tpu.vector_load %arg11[%get3A_1362, %get3A_1363, %get3A_1364, %get3A_1365] {strides = array<i32>} : memref<2x16x8x64xf32, #tpu.memory_space<vmem>>, vector<1x1x1x16xf32>,
      %get3A_1367 = vector.shape_cast %get3A_1366 : vector<1x1x1x16xf32> to vector<16xf32>
      %get3A_1368 = arith.constant 2 : i32
      %get3A_1369 = arith.index_cast %rem3A_1015 : i32 to index
      %get3A_1370 = arith.index_cast %get3A_1368 : i32 to index
      %get3A_1371 = arith.index_cast %squeeze3A_1309 : i32 to index
      %get3A_1372 = arith.constant 32 : index
      %get3A_1373 = tpu.vector_load %arg12[%get3A_1369, %get3A_1370, %get3A_1371, %get3A_1372] {strides = array<i32>} : memref<2x16x8x64xf32, #tpu.memory_space<vmem>>, vector<1x1x1x16xf32>,
      %get3A_1374 = vector.shape_cast %get3A_1373 : vector<1x1x1x16xf32> to vector<16xf32>
      %add3A_1375 = arith.addf %get3A_1367, %get3A_1374 : vector<16xf32>
      %get3A_1376 = arith.constant 2 : i32
      %get3A_1377 = arith.index_cast %rem3A_1015 : i32 to index
      %get3A_1378 = arith.index_cast %get3A_1376 : i32 to index
      %get3A_1379 = arith.index_cast %squeeze3A_1311 : i32 to index
      %get3A_1380 = arith.constant 32 : index
      %get3A_1381 = tpu.vector_load %arg13[%get3A_1377, %get3A_1378, %get3A_1379, %get3A_1380] {strides = array<i32>} : memref<2x16x8x64xf32, #tpu.memory_space<vmem>>, vector<1x1x1x16xf32>,
      %get3A_1382 = vector.shape_cast %get3A_1381 : vector<1x1x1x16xf32> to vector<16xf32>
      %sub3A_1383 = arith.subf %add3A_1375, %get3A_1382 : vector<16xf32>
      %mul3A_1384 = arith.mulf %sub3A_1383, %sub3A_1383 : vector<16xf32>
      %add3A_1385 = arith.addf %add3A_1360, %mul3A_1384 : vector<16xf32>
      %get3A_1386 = arith.constant 2 : i32
      %get3A_1387 = arith.index_cast %rem3A_1015 : i32 to index
      %get3A_1388 = arith.index_cast %get3A_1386 : i32 to index
      %get3A_1389 = arith.index_cast %squeeze3A_1307 : i32 to index
      %get3A_1390 = arith.constant 48 : index
      %get3A_1391 = tpu.vector_load %arg11[%get3A_1387, %get3A_1388, %get3A_1389, %get3A_1390] {strides = array<i32>} : memref<2x16x8x64xf32, #tpu.memory_space<vmem>>, vector<1x1x1x16xf32>,
      %get3A_1392 = vector.shape_cast %get3A_1391 : vector<1x1x1x16xf32> to vector<16xf32>
      %get3A_1393 = arith.constant 2 : i32
      %get3A_1394 = arith.index_cast %rem3A_1015 : i32 to index
      %get3A_1395 = arith.index_cast %get3A_1393 : i32 to index
      %get3A_1396 = arith.index_cast %squeeze3A_1309 : i32 to index
      %get3A_1397 = arith.constant 48 : index
      %get3A_1398 = tpu.vector_load %arg12[%get3A_1394, %get3A_1395, %get3A_1396, %get3A_1397] {strides = array<i32>} : memref<2x16x8x64xf32, #tpu.memory_space<vmem>>, vector<1x1x1x16xf32>,
      %get3A_1399 = vector.shape_cast %get3A_1398 : vector<1x1x1x16xf32> to vector<16xf32>
      %add3A_1400 = arith.addf %get3A_1392, %get3A_1399 : vector<16xf32>
      %get3A_1401 = arith.constant 2 : i32
      %get3A_1402 = arith.index_cast %rem3A_1015 : i32 to index
      %get3A_1403 = arith.index_cast %get3A_1401 : i32 to index
      %get3A_1404 = arith.index_cast %squeeze3A_1311 : i32 to index
      %get3A_1405 = arith.constant 48 : index
      %get3A_1406 = tpu.vector_load %arg13[%get3A_1402, %get3A_1403, %get3A_1404, %get3A_1405] {strides = array<i32>} : memref<2x16x8x64xf32, #tpu.memory_space<vmem>>, vector<1x1x1x16xf32>,
      %get3A_1407 = vector.shape_cast %get3A_1406 : vector<1x1x1x16xf32> to vector<16xf32>
      %sub3A_1408 = arith.subf %add3A_1400, %get3A_1407 : vector<16xf32>
      %mul3A_1409 = arith.mulf %sub3A_1408, %sub3A_1408 : vector<16xf32>
      %add3A_1410 = arith.addf %add3A_1385, %mul3A_1409 : vector<16xf32>
      %slice3A_1411 = vector.extract_strided_slice %and3A_1080 {offsets = [3], sizes = [1], strides = [1]} : vector<16xi32> to vector<1xi32>
      %squeeze3A_1412 = vector.extract %slice3A_1411[0] : i32 from vector<1xi32>
      %slice3A_1413 = vector.extract_strided_slice %and3A_1088 {offsets = [3], sizes = [1], strides = [1]} : vector<16xi32> to vector<1xi32>
      %squeeze3A_1414 = vector.extract %slice3A_1413[0] : i32 from vector<1xi32>
      %slice3A_1415 = vector.extract_strided_slice %and3A_1096 {offsets = [3], sizes = [1], strides = [1]} : vector<16xi32> to vector<1xi32>
      %squeeze3A_1416 = vector.extract %slice3A_1415[0] : i32 from vector<1xi32>
      %get3A_1417 = arith.constant 3 : i32
      %get3A_1418 = arith.index_cast %rem3A_1015 : i32 to index
      %get3A_1419 = arith.index_cast %get3A_1417 : i32 to index
      %get3A_1420 = arith.index_cast %squeeze3A_1412 : i32 to index
      %get3A_1421 = arith.constant 0 : index
      %get3A_1422 = tpu.vector_load %arg11[%get3A_1418, %get3A_1419, %get3A_1420, %get3A_1421] {strides = array<i32>} : memref<2x16x8x64xf32, #tpu.memory_space<vmem>>, vector<1x1x1x16xf32>,
      %get3A_1423 = vector.shape_cast %get3A_1422 : vector<1x1x1x16xf32> to vector<16xf32>
      %get3A_1424 = arith.constant 3 : i32
      %get3A_1425 = arith.index_cast %rem3A_1015 : i32 to index
      %get3A_1426 = arith.index_cast %get3A_1424 : i32 to index
      %get3A_1427 = arith.index_cast %squeeze3A_1414 : i32 to index
      %get3A_1428 = arith.constant 0 : index
      %get3A_1429 = tpu.vector_load %arg12[%get3A_1425, %get3A_1426, %get3A_1427, %get3A_1428] {strides = array<i32>} : memref<2x16x8x64xf32, #tpu.memory_space<vmem>>, vector<1x1x1x16xf32>,
      %get3A_1430 = vector.shape_cast %get3A_1429 : vector<1x1x1x16xf32> to vector<16xf32>
      %add3A_1431 = arith.addf %get3A_1423, %get3A_1430 : vector<16xf32>
      %get3A_1432 = arith.constant 3 : i32
      %get3A_1433 = arith.index_cast %rem3A_1015 : i32 to index
      %get3A_1434 = arith.index_cast %get3A_1432 : i32 to index
      %get3A_1435 = arith.index_cast %squeeze3A_1416 : i32 to index
      %get3A_1436 = arith.constant 0 : index
      %get3A_1437 = tpu.vector_load %arg13[%get3A_1433, %get3A_1434, %get3A_1435, %get3A_1436] {strides = array<i32>} : memref<2x16x8x64xf32, #tpu.memory_space<vmem>>, vector<1x1x1x16xf32>,
      %get3A_1438 = vector.shape_cast %get3A_1437 : vector<1x1x1x16xf32> to vector<16xf32>
      %sub3A_1439 = arith.subf %add3A_1431, %get3A_1438 : vector<16xf32>
      %mul3A_1440 = arith.mulf %sub3A_1439, %sub3A_1439 : vector<16xf32>
      %get3A_1441 = arith.constant 3 : i32
      %get3A_1442 = arith.index_cast %rem3A_1015 : i32 to index
      %get3A_1443 = arith.index_cast %get3A_1441 : i32 to index
      %get3A_1444 = arith.index_cast %squeeze3A_1412 : i32 to index
      %get3A_1445 = arith.constant 16 : index
      %get3A_1446 = tpu.vector_load %arg11[%get3A_1442, %get3A_1443, %get3A_1444, %get3A_1445] {strides = array<i32>} : memref<2x16x8x64xf32, #tpu.memory_space<vmem>>, vector<1x1x1x16xf32>,
      %get3A_1447 = vector.shape_cast %get3A_1446 : vector<1x1x1x16xf32> to vector<16xf32>
      %get3A_1448 = arith.constant 3 : i32
      %get3A_1449 = arith.index_cast %rem3A_1015 : i32 to index
      %get3A_1450 = arith.index_cast %get3A_1448 : i32 to index
      %get3A_1451 = arith.index_cast %squeeze3A_1414 : i32 to index
      %get3A_1452 = arith.constant 16 : index
      %get3A_1453 = tpu.vector_load %arg12[%get3A_1449, %get3A_1450, %get3A_1451, %get3A_1452] {strides = array<i32>} : memref<2x16x8x64xf32, #tpu.memory_space<vmem>>, vector<1x1x1x16xf32>,
      %get3A_1454 = vector.shape_cast %get3A_1453 : vector<1x1x1x16xf32> to vector<16xf32>
      %add3A_1455 = arith.addf %get3A_1447, %get3A_1454 : vector<16xf32>
      %get3A_1456 = arith.constant 3 : i32
      %get3A_1457 = arith.index_cast %rem3A_1015 : i32 to index
      %get3A_1458 = arith.index_cast %get3A_1456 : i32 to index
      %get3A_1459 = arith.index_cast %squeeze3A_1416 : i32 to index
      %get3A_1460 = arith.constant 16 : index
      %get3A_1461 = tpu.vector_load %arg13[%get3A_1457, %get3A_1458, %get3A_1459, %get3A_1460] {strides = array<i32>} : memref<2x16x8x64xf32, #tpu.memory_space<vmem>>, vector<1x1x1x16xf32>,
      %get3A_1462 = vector.shape_cast %get3A_1461 : vector<1x1x1x16xf32> to vector<16xf32>
      %sub3A_1463 = arith.subf %add3A_1455, %get3A_1462 : vector<16xf32>
      %mul3A_1464 = arith.mulf %sub3A_1463, %sub3A_1463 : vector<16xf32>
      %add3A_1465 = arith.addf %mul3A_1440, %mul3A_1464 : vector<16xf32>
      %get3A_1466 = arith.constant 3 : i32
      %get3A_1467 = arith.index_cast %rem3A_1015 : i32 to index
      %get3A_1468 = arith.index_cast %get3A_1466 : i32 to index
      %get3A_1469 = arith.index_cast %squeeze3A_1412 : i32 to index
      %get3A_1470 = arith.constant 32 : index
      %get3A_1471 = tpu.vector_load %arg11[%get3A_1467, %get3A_1468, %get3A_1469, %get3A_1470] {strides = array<i32>} : memref<2x16x8x64xf32, #tpu.memory_space<vmem>>, vector<1x1x1x16xf32>,
      %get3A_1472 = vector.shape_cast %get3A_1471 : vector<1x1x1x16xf32> to vector<16xf32>
      %get3A_1473 = arith.constant 3 : i32
      %get3A_1474 = arith.index_cast %rem3A_1015 : i32 to index
      %get3A_1475 = arith.index_cast %get3A_1473 : i32 to index
      %get3A_1476 = arith.index_cast %squeeze3A_1414 : i32 to index
      %get3A_1477 = arith.constant 32 : index
      %get3A_1478 = tpu.vector_load %arg12[%get3A_1474, %get3A_1475, %get3A_1476, %get3A_1477] {strides = array<i32>} : memref<2x16x8x64xf32, #tpu.memory_space<vmem>>, vector<1x1x1x16xf32>,
      %get3A_1479 = vector.shape_cast %get3A_1478 : vector<1x1x1x16xf32> to vector<16xf32>
      %add3A_1480 = arith.addf %get3A_1472, %get3A_1479 : vector<16xf32>
      %get3A_1481 = arith.constant 3 : i32
      %get3A_1482 = arith.index_cast %rem3A_1015 : i32 to index
      %get3A_1483 = arith.index_cast %get3A_1481 : i32 to index
      %get3A_1484 = arith.index_cast %squeeze3A_1416 : i32 to index
      %get3A_1485 = arith.constant 32 : index
      %get3A_1486 = tpu.vector_load %arg13[%get3A_1482, %get3A_1483, %get3A_1484, %get3A_1485] {strides = array<i32>} : memref<2x16x8x64xf32, #tpu.memory_space<vmem>>, vector<1x1x1x16xf32>,
      %get3A_1487 = vector.shape_cast %get3A_1486 : vector<1x1x1x16xf32> to vector<16xf32>
      %sub3A_1488 = arith.subf %add3A_1480, %get3A_1487 : vector<16xf32>
      %mul3A_1489 = arith.mulf %sub3A_1488, %sub3A_1488 : vector<16xf32>
      %add3A_1490 = arith.addf %add3A_1465, %mul3A_1489 : vector<16xf32>
      %get3A_1491 = arith.constant 3 : i32
      %get3A_1492 = arith.index_cast %rem3A_1015 : i32 to index
      %get3A_1493 = arith.index_cast %get3A_1491 : i32 to index
      %get3A_1494 = arith.index_cast %squeeze3A_1412 : i32 to index
      %get3A_1495 = arith.constant 48 : index
      %get3A_1496 = tpu.vector_load %arg11[%get3A_1492, %get3A_1493, %get3A_1494, %get3A_1495] {strides = array<i32>} : memref<2x16x8x64xf32, #tpu.memory_space<vmem>>, vector<1x1x1x16xf32>,
      %get3A_1497 = vector.shape_cast %get3A_1496 : vector<1x1x1x16xf32> to vector<16xf32>
      %get3A_1498 = arith.constant 3 : i32
      %get3A_1499 = arith.index_cast %rem3A_1015 : i32 to index
      %get3A_1500 = arith.index_cast %get3A_1498 : i32 to index
      %get3A_1501 = arith.index_cast %squeeze3A_1414 : i32 to index
      %get3A_1502 = arith.constant 48 : index
      %get3A_1503 = tpu.vector_load %arg12[%get3A_1499, %get3A_1500, %get3A_1501, %get3A_1502] {strides = array<i32>} : memref<2x16x8x64xf32, #tpu.memory_space<vmem>>, vector<1x1x1x16xf32>,
      %get3A_1504 = vector.shape_cast %get3A_1503 : vector<1x1x1x16xf32> to vector<16xf32>
      %add3A_1505 = arith.addf %get3A_1497, %get3A_1504 : vector<16xf32>
      %get3A_1506 = arith.constant 3 : i32
      %get3A_1507 = arith.index_cast %rem3A_1015 : i32 to index
      %get3A_1508 = arith.index_cast %get3A_1506 : i32 to index
      %get3A_1509 = arith.index_cast %squeeze3A_1416 : i32 to index
      %get3A_1510 = arith.constant 48 : index
      %get3A_1511 = tpu.vector_load %arg13[%get3A_1507, %get3A_1508, %get3A_1509, %get3A_1510] {strides = array<i32>} : memref<2x16x8x64xf32, #tpu.memory_space<vmem>>, vector<1x1x1x16xf32>,
      %get3A_1512 = vector.shape_cast %get3A_1511 : vector<1x1x1x16xf32> to vector<16xf32>
      %sub3A_1513 = arith.subf %add3A_1505, %get3A_1512 : vector<16xf32>
      %mul3A_1514 = arith.mulf %sub3A_1513, %sub3A_1513 : vector<16xf32>
      %add3A_1515 = arith.addf %add3A_1490, %mul3A_1514 : vector<16xf32>
      %slice3A_1516 = vector.extract_strided_slice %and3A_1080 {offsets = [4], sizes = [1], strides = [1]} : vector<16xi32> to vector<1xi32>
      %squeeze3A_1517 = vector.extract %slice3A_1516[0] : i32 from vector<1xi32>
      %slice3A_1518 = vector.extract_strided_slice %and3A_1088 {offsets = [4], sizes = [1], strides = [1]} : vector<16xi32> to vector<1xi32>
      %squeeze3A_1519 = vector.extract %slice3A_1518[0] : i32 from vector<1xi32>
      %slice3A_1520 = vector.extract_strided_slice %and3A_1096 {offsets = [4], sizes = [1], strides = [1]} : vector<16xi32> to vector<1xi32>
      %squeeze3A_1521 = vector.extract %slice3A_1520[0] : i32 from vector<1xi32>
      %get3A_1522 = arith.constant 4 : i32
      %get3A_1523 = arith.index_cast %rem3A_1015 : i32 to index
      %get3A_1524 = arith.index_cast %get3A_1522 : i32 to index
      %get3A_1525 = arith.index_cast %squeeze3A_1517 : i32 to index
      %get3A_1526 = arith.constant 0 : index
      %get3A_1527 = tpu.vector_load %arg11[%get3A_1523, %get3A_1524, %get3A_1525, %get3A_1526] {strides = array<i32>} : memref<2x16x8x64xf32, #tpu.memory_space<vmem>>, vector<1x1x1x16xf32>,
      %get3A_1528 = vector.shape_cast %get3A_1527 : vector<1x1x1x16xf32> to vector<16xf32>
      %get3A_1529 = arith.constant 4 : i32
      %get3A_1530 = arith.index_cast %rem3A_1015 : i32 to index
      %get3A_1531 = arith.index_cast %get3A_1529 : i32 to index
      %get3A_1532 = arith.index_cast %squeeze3A_1519 : i32 to index
      %get3A_1533 = arith.constant 0 : index
      %get3A_1534 = tpu.vector_load %arg12[%get3A_1530, %get3A_1531, %get3A_1532, %get3A_1533] {strides = array<i32>} : memref<2x16x8x64xf32, #tpu.memory_space<vmem>>, vector<1x1x1x16xf32>,
      %get3A_1535 = vector.shape_cast %get3A_1534 : vector<1x1x1x16xf32> to vector<16xf32>
      %add3A_1536 = arith.addf %get3A_1528, %get3A_1535 : vector<16xf32>
      %get3A_1537 = arith.constant 4 : i32
      %get3A_1538 = arith.index_cast %rem3A_1015 : i32 to index
      %get3A_1539 = arith.index_cast %get3A_1537 : i32 to index
      %get3A_1540 = arith.index_cast %squeeze3A_1521 : i32 to index
      %get3A_1541 = arith.constant 0 : index
      %get3A_1542 = tpu.vector_load %arg13[%get3A_1538, %get3A_1539, %get3A_1540, %get3A_1541] {strides = array<i32>} : memref<2x16x8x64xf32, #tpu.memory_space<vmem>>, vector<1x1x1x16xf32>,
      %get3A_1543 = vector.shape_cast %get3A_1542 : vector<1x1x1x16xf32> to vector<16xf32>
      %sub3A_1544 = arith.subf %add3A_1536, %get3A_1543 : vector<16xf32>
      %mul3A_1545 = arith.mulf %sub3A_1544, %sub3A_1544 : vector<16xf32>
      %get3A_1546 = arith.constant 4 : i32
      %get3A_1547 = arith.index_cast %rem3A_1015 : i32 to index
      %get3A_1548 = arith.index_cast %get3A_1546 : i32 to index
      %get3A_1549 = arith.index_cast %squeeze3A_1517 : i32 to index
      %get3A_1550 = arith.constant 16 : index
      %get3A_1551 = tpu.vector_load %arg11[%get3A_1547, %get3A_1548, %get3A_1549, %get3A_1550] {strides = array<i32>} : memref<2x16x8x64xf32, #tpu.memory_space<vmem>>, vector<1x1x1x16xf32>,
      %get3A_1552 = vector.shape_cast %get3A_1551 : vector<1x1x1x16xf32> to vector<16xf32>
      %get3A_1553 = arith.constant 4 : i32
      %get3A_1554 = arith.index_cast %rem3A_1015 : i32 to index
      %get3A_1555 = arith.index_cast %get3A_1553 : i32 to index
      %get3A_1556 = arith.index_cast %squeeze3A_1519 : i32 to index
      %get3A_1557 = arith.constant 16 : index
      %get3A_1558 = tpu.vector_load %arg12[%get3A_1554, %get3A_1555, %get3A_1556, %get3A_1557] {strides = array<i32>} : memref<2x16x8x64xf32, #tpu.memory_space<vmem>>, vector<1x1x1x16xf32>,
      %get3A_1559 = vector.shape_cast %get3A_1558 : vector<1x1x1x16xf32> to vector<16xf32>
      %add3A_1560 = arith.addf %get3A_1552, %get3A_1559 : vector<16xf32>
      %get3A_1561 = arith.constant 4 : i32
      %get3A_1562 = arith.index_cast %rem3A_1015 : i32 to index
      %get3A_1563 = arith.index_cast %get3A_1561 : i32 to index
      %get3A_1564 = arith.index_cast %squeeze3A_1521 : i32 to index
      %get3A_1565 = arith.constant 16 : index
      %get3A_1566 = tpu.vector_load %arg13[%get3A_1562, %get3A_1563, %get3A_1564, %get3A_1565] {strides = array<i32>} : memref<2x16x8x64xf32, #tpu.memory_space<vmem>>, vector<1x1x1x16xf32>,
      %get3A_1567 = vector.shape_cast %get3A_1566 : vector<1x1x1x16xf32> to vector<16xf32>
      %sub3A_1568 = arith.subf %add3A_1560, %get3A_1567 : vector<16xf32>
      %mul3A_1569 = arith.mulf %sub3A_1568, %sub3A_1568 : vector<16xf32>
      %add3A_1570 = arith.addf %mul3A_1545, %mul3A_1569 : vector<16xf32>
      %get3A_1571 = arith.constant 4 : i32
      %get3A_1572 = arith.index_cast %rem3A_1015 : i32 to index
      %get3A_1573 = arith.index_cast %get3A_1571 : i32 to index
      %get3A_1574 = arith.index_cast %squeeze3A_1517 : i32 to index
      %get3A_1575 = arith.constant 32 : index
      %get3A_1576 = tpu.vector_load %arg11[%get3A_1572, %get3A_1573, %get3A_1574, %get3A_1575] {strides = array<i32>} : memref<2x16x8x64xf32, #tpu.memory_space<vmem>>, vector<1x1x1x16xf32>,
      %get3A_1577 = vector.shape_cast %get3A_1576 : vector<1x1x1x16xf32> to vector<16xf32>
      %get3A_1578 = arith.constant 4 : i32
      %get3A_1579 = arith.index_cast %rem3A_1015 : i32 to index
      %get3A_1580 = arith.index_cast %get3A_1578 : i32 to index
      %get3A_1581 = arith.index_cast %squeeze3A_1519 : i32 to index
      %get3A_1582 = arith.constant 32 : index
      %get3A_1583 = tpu.vector_load %arg12[%get3A_1579, %get3A_1580, %get3A_1581, %get3A_1582] {strides = array<i32>} : memref<2x16x8x64xf32, #tpu.memory_space<vmem>>, vector<1x1x1x16xf32>,
      %get3A_1584 = vector.shape_cast %get3A_1583 : vector<1x1x1x16xf32> to vector<16xf32>
      %add3A_1585 = arith.addf %get3A_1577, %get3A_1584 : vector<16xf32>
      %get3A_1586 = arith.constant 4 : i32
      %get3A_1587 = arith.index_cast %rem3A_1015 : i32 to index
      %get3A_1588 = arith.index_cast %get3A_1586 : i32 to index
      %get3A_1589 = arith.index_cast %squeeze3A_1521 : i32 to index
      %get3A_1590 = arith.constant 32 : index
      %get3A_1591 = tpu.vector_load %arg13[%get3A_1587, %get3A_1588, %get3A_1589, %get3A_1590] {strides = array<i32>} : memref<2x16x8x64xf32, #tpu.memory_space<vmem>>, vector<1x1x1x16xf32>,
      %get3A_1592 = vector.shape_cast %get3A_1591 : vector<1x1x1x16xf32> to vector<16xf32>
      %sub3A_1593 = arith.subf %add3A_1585, %get3A_1592 : vector<16xf32>
      %mul3A_1594 = arith.mulf %sub3A_1593, %sub3A_1593 : vector<16xf32>
      %add3A_1595 = arith.addf %add3A_1570, %mul3A_1594 : vector<16xf32>
      %get3A_1596 = arith.constant 4 : i32
      %get3A_1597 = arith.index_cast %rem3A_1015 : i32 to index
      %get3A_1598 = arith.index_cast %get3A_1596 : i32 to index
      %get3A_1599 = arith.index_cast %squeeze3A_1517 : i32 to index
      %get3A_1600 = arith.constant 48 : index
      %get3A_1601 = tpu.vector_load %arg11[%get3A_1597, %get3A_1598, %get3A_1599, %get3A_1600] {strides = array<i32>} : memref<2x16x8x64xf32, #tpu.memory_space<vmem>>, vector<1x1x1x16xf32>,
      %get3A_1602 = vector.shape_cast %get3A_1601 : vector<1x1x1x16xf32> to vector<16xf32>
      %get3A_1603 = arith.constant 4 : i32
      %get3A_1604 = arith.index_cast %rem3A_1015 : i32 to index
      %get3A_1605 = arith.index_cast %get3A_1603 : i32 to index
      %get3A_1606 = arith.index_cast %squeeze3A_1519 : i32 to index
      %get3A_1607 = arith.constant 48 : index
      %get3A_1608 = tpu.vector_load %arg12[%get3A_1604, %get3A_1605, %get3A_1606, %get3A_1607] {strides = array<i32>} : memref<2x16x8x64xf32, #tpu.memory_space<vmem>>, vector<1x1x1x16xf32>,
      %get3A_1609 = vector.shape_cast %get3A_1608 : vector<1x1x1x16xf32> to vector<16xf32>
      %add3A_1610 = arith.addf %get3A_1602, %get3A_1609 : vector<16xf32>
      %get3A_1611 = arith.constant 4 : i32
      %get3A_1612 = arith.index_cast %rem3A_1015 : i32 to index
      %get3A_1613 = arith.index_cast %get3A_1611 : i32 to index
      %get3A_1614 = arith.index_cast %squeeze3A_1521 : i32 to index
      %get3A_1615 = arith.constant 48 : index
      %get3A_1616 = tpu.vector_load %arg13[%get3A_1612, %get3A_1613, %get3A_1614, %get3A_1615] {strides = array<i32>} : memref<2x16x8x64xf32, #tpu.memory_space<vmem>>, vector<1x1x1x16xf32>,
      %get3A_1617 = vector.shape_cast %get3A_1616 : vector<1x1x1x16xf32> to vector<16xf32>
      %sub3A_1618 = arith.subf %add3A_1610, %get3A_1617 : vector<16xf32>
      %mul3A_1619 = arith.mulf %sub3A_1618, %sub3A_1618 : vector<16xf32>
      %add3A_1620 = arith.addf %add3A_1595, %mul3A_1619 : vector<16xf32>
      %slice3A_1621 = vector.extract_strided_slice %and3A_1080 {offsets = [5], sizes = [1], strides = [1]} : vector<16xi32> to vector<1xi32>
      %squeeze3A_1622 = vector.extract %slice3A_1621[0] : i32 from vector<1xi32>
      %slice3A_1623 = vector.extract_strided_slice %and3A_1088 {offsets = [5], sizes = [1], strides = [1]} : vector<16xi32> to vector<1xi32>
      %squeeze3A_1624 = vector.extract %slice3A_1623[0] : i32 from vector<1xi32>
      %slice3A_1625 = vector.extract_strided_slice %and3A_1096 {offsets = [5], sizes = [1], strides = [1]} : vector<16xi32> to vector<1xi32>
      %squeeze3A_1626 = vector.extract %slice3A_1625[0] : i32 from vector<1xi32>
      %get3A_1627 = arith.constant 5 : i32
      %get3A_1628 = arith.index_cast %rem3A_1015 : i32 to index
      %get3A_1629 = arith.index_cast %get3A_1627 : i32 to index
      %get3A_1630 = arith.index_cast %squeeze3A_1622 : i32 to index
      %get3A_1631 = arith.constant 0 : index
      %get3A_1632 = tpu.vector_load %arg11[%get3A_1628, %get3A_1629, %get3A_1630, %get3A_1631] {strides = array<i32>} : memref<2x16x8x64xf32, #tpu.memory_space<vmem>>, vector<1x1x1x16xf32>,
      %get3A_1633 = vector.shape_cast %get3A_1632 : vector<1x1x1x16xf32> to vector<16xf32>
      %get3A_1634 = arith.constant 5 : i32
      %get3A_1635 = arith.index_cast %rem3A_1015 : i32 to index
      %get3A_1636 = arith.index_cast %get3A_1634 : i32 to index
      %get3A_1637 = arith.index_cast %squeeze3A_1624 : i32 to index
      %get3A_1638 = arith.constant 0 : index
      %get3A_1639 = tpu.vector_load %arg12[%get3A_1635, %get3A_1636, %get3A_1637, %get3A_1638] {strides = array<i32>} : memref<2x16x8x64xf32, #tpu.memory_space<vmem>>, vector<1x1x1x16xf32>,
      %get3A_1640 = vector.shape_cast %get3A_1639 : vector<1x1x1x16xf32> to vector<16xf32>
      %add3A_1641 = arith.addf %get3A_1633, %get3A_1640 : vector<16xf32>
      %get3A_1642 = arith.constant 5 : i32
      %get3A_1643 = arith.index_cast %rem3A_1015 : i32 to index
      %get3A_1644 = arith.index_cast %get3A_1642 : i32 to index
      %get3A_1645 = arith.index_cast %squeeze3A_1626 : i32 to index
      %get3A_1646 = arith.constant 0 : index
      %get3A_1647 = tpu.vector_load %arg13[%get3A_1643, %get3A_1644, %get3A_1645, %get3A_1646] {strides = array<i32>} : memref<2x16x8x64xf32, #tpu.memory_space<vmem>>, vector<1x1x1x16xf32>,
      %get3A_1648 = vector.shape_cast %get3A_1647 : vector<1x1x1x16xf32> to vector<16xf32>
      %sub3A_1649 = arith.subf %add3A_1641, %get3A_1648 : vector<16xf32>
      %mul3A_1650 = arith.mulf %sub3A_1649, %sub3A_1649 : vector<16xf32>
      %get3A_1651 = arith.constant 5 : i32
      %get3A_1652 = arith.index_cast %rem3A_1015 : i32 to index
      %get3A_1653 = arith.index_cast %get3A_1651 : i32 to index
      %get3A_1654 = arith.index_cast %squeeze3A_1622 : i32 to index
      %get3A_1655 = arith.constant 16 : index
      %get3A_1656 = tpu.vector_load %arg11[%get3A_1652, %get3A_1653, %get3A_1654, %get3A_1655] {strides = array<i32>} : memref<2x16x8x64xf32, #tpu.memory_space<vmem>>, vector<1x1x1x16xf32>,
      %get3A_1657 = vector.shape_cast %get3A_1656 : vector<1x1x1x16xf32> to vector<16xf32>
      %get3A_1658 = arith.constant 5 : i32
      %get3A_1659 = arith.index_cast %rem3A_1015 : i32 to index
      %get3A_1660 = arith.index_cast %get3A_1658 : i32 to index
      %get3A_1661 = arith.index_cast %squeeze3A_1624 : i32 to index
      %get3A_1662 = arith.constant 16 : index
      %get3A_1663 = tpu.vector_load %arg12[%get3A_1659, %get3A_1660, %get3A_1661, %get3A_1662] {strides = array<i32>} : memref<2x16x8x64xf32, #tpu.memory_space<vmem>>, vector<1x1x1x16xf32>,
      %get3A_1664 = vector.shape_cast %get3A_1663 : vector<1x1x1x16xf32> to vector<16xf32>
      %add3A_1665 = arith.addf %get3A_1657, %get3A_1664 : vector<16xf32>
      %get3A_1666 = arith.constant 5 : i32
      %get3A_1667 = arith.index_cast %rem3A_1015 : i32 to index
      %get3A_1668 = arith.index_cast %get3A_1666 : i32 to index
      %get3A_1669 = arith.index_cast %squeeze3A_1626 : i32 to index
      %get3A_1670 = arith.constant 16 : index
      %get3A_1671 = tpu.vector_load %arg13[%get3A_1667, %get3A_1668, %get3A_1669, %get3A_1670] {strides = array<i32>} : memref<2x16x8x64xf32, #tpu.memory_space<vmem>>, vector<1x1x1x16xf32>,
      %get3A_1672 = vector.shape_cast %get3A_1671 : vector<1x1x1x16xf32> to vector<16xf32>
      %sub3A_1673 = arith.subf %add3A_1665, %get3A_1672 : vector<16xf32>
      %mul3A_1674 = arith.mulf %sub3A_1673, %sub3A_1673 : vector<16xf32>
      %add3A_1675 = arith.addf %mul3A_1650, %mul3A_1674 : vector<16xf32>
      %get3A_1676 = arith.constant 5 : i32
      %get3A_1677 = arith.index_cast %rem3A_1015 : i32 to index
      %get3A_1678 = arith.index_cast %get3A_1676 : i32 to index
      %get3A_1679 = arith.index_cast %squeeze3A_1622 : i32 to index
      %get3A_1680 = arith.constant 32 : index
      %get3A_1681 = tpu.vector_load %arg11[%get3A_1677, %get3A_1678, %get3A_1679, %get3A_1680] {strides = array<i32>} : memref<2x16x8x64xf32, #tpu.memory_space<vmem>>, vector<1x1x1x16xf32>,
      %get3A_1682 = vector.shape_cast %get3A_1681 : vector<1x1x1x16xf32> to vector<16xf32>
      %get3A_1683 = arith.constant 5 : i32
      %get3A_1684 = arith.index_cast %rem3A_1015 : i32 to index
      %get3A_1685 = arith.index_cast %get3A_1683 : i32 to index
      %get3A_1686 = arith.index_cast %squeeze3A_1624 : i32 to index
      %get3A_1687 = arith.constant 32 : index
      %get3A_1688 = tpu.vector_load %arg12[%get3A_1684, %get3A_1685, %get3A_1686, %get3A_1687] {strides = array<i32>} : memref<2x16x8x64xf32, #tpu.memory_space<vmem>>, vector<1x1x1x16xf32>,
      %get3A_1689 = vector.shape_cast %get3A_1688 : vector<1x1x1x16xf32> to vector<16xf32>
      %add3A_1690 = arith.addf %get3A_1682, %get3A_1689 : vector<16xf32>
      %get3A_1691 = arith.constant 5 : i32
      %get3A_1692 = arith.index_cast %rem3A_1015 : i32 to index
      %get3A_1693 = arith.index_cast %get3A_1691 : i32 to index
      %get3A_1694 = arith.index_cast %squeeze3A_1626 : i32 to index
      %get3A_1695 = arith.constant 32 : index
      %get3A_1696 = tpu.vector_load %arg13[%get3A_1692, %get3A_1693, %get3A_1694, %get3A_1695] {strides = array<i32>} : memref<2x16x8x64xf32, #tpu.memory_space<vmem>>, vector<1x1x1x16xf32>,
      %get3A_1697 = vector.shape_cast %get3A_1696 : vector<1x1x1x16xf32> to vector<16xf32>
      %sub3A_1698 = arith.subf %add3A_1690, %get3A_1697 : vector<16xf32>
      %mul3A_1699 = arith.mulf %sub3A_1698, %sub3A_1698 : vector<16xf32>
      %add3A_1700 = arith.addf %add3A_1675, %mul3A_1699 : vector<16xf32>
      %get3A_1701 = arith.constant 5 : i32
      %get3A_1702 = arith.index_cast %rem3A_1015 : i32 to index
      %get3A_1703 = arith.index_cast %get3A_1701 : i32 to index
      %get3A_1704 = arith.index_cast %squeeze3A_1622 : i32 to index
      %get3A_1705 = arith.constant 48 : index
      %get3A_1706 = tpu.vector_load %arg11[%get3A_1702, %get3A_1703, %get3A_1704, %get3A_1705] {strides = array<i32>} : memref<2x16x8x64xf32, #tpu.memory_space<vmem>>, vector<1x1x1x16xf32>,
      %get3A_1707 = vector.shape_cast %get3A_1706 : vector<1x1x1x16xf32> to vector<16xf32>
      %get3A_1708 = arith.constant 5 : i32
      %get3A_1709 = arith.index_cast %rem3A_1015 : i32 to index
      %get3A_1710 = arith.index_cast %get3A_1708 : i32 to index
      %get3A_1711 = arith.index_cast %squeeze3A_1624 : i32 to index
      %get3A_1712 = arith.constant 48 : index
      %get3A_1713 = tpu.vector_load %arg12[%get3A_1709, %get3A_1710, %get3A_1711, %get3A_1712] {strides = array<i32>} : memref<2x16x8x64xf32, #tpu.memory_space<vmem>>, vector<1x1x1x16xf32>,
      %get3A_1714 = vector.shape_cast %get3A_1713 : vector<1x1x1x16xf32> to vector<16xf32>
      %add3A_1715 = arith.addf %get3A_1707, %get3A_1714 : vector<16xf32>
      %get3A_1716 = arith.constant 5 : i32
      %get3A_1717 = arith.index_cast %rem3A_1015 : i32 to index
      %get3A_1718 = arith.index_cast %get3A_1716 : i32 to index
      %get3A_1719 = arith.index_cast %squeeze3A_1626 : i32 to index
      %get3A_1720 = arith.constant 48 : index
      %get3A_1721 = tpu.vector_load %arg13[%get3A_1717, %get3A_1718, %get3A_1719, %get3A_1720] {strides = array<i32>} : memref<2x16x8x64xf32, #tpu.memory_space<vmem>>, vector<1x1x1x16xf32>,
      %get3A_1722 = vector.shape_cast %get3A_1721 : vector<1x1x1x16xf32> to vector<16xf32>
      %sub3A_1723 = arith.subf %add3A_1715, %get3A_1722 : vector<16xf32>
      %mul3A_1724 = arith.mulf %sub3A_1723, %sub3A_1723 : vector<16xf32>
      %add3A_1725 = arith.addf %add3A_1700, %mul3A_1724 : vector<16xf32>
      %slice3A_1726 = vector.extract_strided_slice %and3A_1080 {offsets = [6], sizes = [1], strides = [1]} : vector<16xi32> to vector<1xi32>
      %squeeze3A_1727 = vector.extract %slice3A_1726[0] : i32 from vector<1xi32>
      %slice3A_1728 = vector.extract_strided_slice %and3A_1088 {offsets = [6], sizes = [1], strides = [1]} : vector<16xi32> to vector<1xi32>
      %squeeze3A_1729 = vector.extract %slice3A_1728[0] : i32 from vector<1xi32>
      %slice3A_1730 = vector.extract_strided_slice %and3A_1096 {offsets = [6], sizes = [1], strides = [1]} : vector<16xi32> to vector<1xi32>
      %squeeze3A_1731 = vector.extract %slice3A_1730[0] : i32 from vector<1xi32>
      %get3A_1732 = arith.constant 6 : i32
      %get3A_1733 = arith.index_cast %rem3A_1015 : i32 to index
      %get3A_1734 = arith.index_cast %get3A_1732 : i32 to index
      %get3A_1735 = arith.index_cast %squeeze3A_1727 : i32 to index
      %get3A_1736 = arith.constant 0 : index
      %get3A_1737 = tpu.vector_load %arg11[%get3A_1733, %get3A_1734, %get3A_1735, %get3A_1736] {strides = array<i32>} : memref<2x16x8x64xf32, #tpu.memory_space<vmem>>, vector<1x1x1x16xf32>,
      %get3A_1738 = vector.shape_cast %get3A_1737 : vector<1x1x1x16xf32> to vector<16xf32>
      %get3A_1739 = arith.constant 6 : i32
      %get3A_1740 = arith.index_cast %rem3A_1015 : i32 to index
      %get3A_1741 = arith.index_cast %get3A_1739 : i32 to index
      %get3A_1742 = arith.index_cast %squeeze3A_1729 : i32 to index
      %get3A_1743 = arith.constant 0 : index
      %get3A_1744 = tpu.vector_load %arg12[%get3A_1740, %get3A_1741, %get3A_1742, %get3A_1743] {strides = array<i32>} : memref<2x16x8x64xf32, #tpu.memory_space<vmem>>, vector<1x1x1x16xf32>,
      %get3A_1745 = vector.shape_cast %get3A_1744 : vector<1x1x1x16xf32> to vector<16xf32>
      %add3A_1746 = arith.addf %get3A_1738, %get3A_1745 : vector<16xf32>
      %get3A_1747 = arith.constant 6 : i32
      %get3A_1748 = arith.index_cast %rem3A_1015 : i32 to index
      %get3A_1749 = arith.index_cast %get3A_1747 : i32 to index
      %get3A_1750 = arith.index_cast %squeeze3A_1731 : i32 to index
      %get3A_1751 = arith.constant 0 : index
      %get3A_1752 = tpu.vector_load %arg13[%get3A_1748, %get3A_1749, %get3A_1750, %get3A_1751] {strides = array<i32>} : memref<2x16x8x64xf32, #tpu.memory_space<vmem>>, vector<1x1x1x16xf32>,
      %get3A_1753 = vector.shape_cast %get3A_1752 : vector<1x1x1x16xf32> to vector<16xf32>
      %sub3A_1754 = arith.subf %add3A_1746, %get3A_1753 : vector<16xf32>
      %mul3A_1755 = arith.mulf %sub3A_1754, %sub3A_1754 : vector<16xf32>
      %get3A_1756 = arith.constant 6 : i32
      %get3A_1757 = arith.index_cast %rem3A_1015 : i32 to index
      %get3A_1758 = arith.index_cast %get3A_1756 : i32 to index
      %get3A_1759 = arith.index_cast %squeeze3A_1727 : i32 to index
      %get3A_1760 = arith.constant 16 : index
      %get3A_1761 = tpu.vector_load %arg11[%get3A_1757, %get3A_1758, %get3A_1759, %get3A_1760] {strides = array<i32>} : memref<2x16x8x64xf32, #tpu.memory_space<vmem>>, vector<1x1x1x16xf32>,
      %get3A_1762 = vector.shape_cast %get3A_1761 : vector<1x1x1x16xf32> to vector<16xf32>
      %get3A_1763 = arith.constant 6 : i32
      %get3A_1764 = arith.index_cast %rem3A_1015 : i32 to index
      %get3A_1765 = arith.index_cast %get3A_1763 : i32 to index
      %get3A_1766 = arith.index_cast %squeeze3A_1729 : i32 to index
      %get3A_1767 = arith.constant 16 : index
      %get3A_1768 = tpu.vector_load %arg12[%get3A_1764, %get3A_1765, %get3A_1766, %get3A_1767] {strides = array<i32>} : memref<2x16x8x64xf32, #tpu.memory_space<vmem>>, vector<1x1x1x16xf32>,
      %get3A_1769 = vector.shape_cast %get3A_1768 : vector<1x1x1x16xf32> to vector<16xf32>
      %add3A_1770 = arith.addf %get3A_1762, %get3A_1769 : vector<16xf32>
      %get3A_1771 = arith.constant 6 : i32
      %get3A_1772 = arith.index_cast %rem3A_1015 : i32 to index
      %get3A_1773 = arith.index_cast %get3A_1771 : i32 to index
      %get3A_1774 = arith.index_cast %squeeze3A_1731 : i32 to index
      %get3A_1775 = arith.constant 16 : index
      %get3A_1776 = tpu.vector_load %arg13[%get3A_1772, %get3A_1773, %get3A_1774, %get3A_1775] {strides = array<i32>} : memref<2x16x8x64xf32, #tpu.memory_space<vmem>>, vector<1x1x1x16xf32>,
      %get3A_1777 = vector.shape_cast %get3A_1776 : vector<1x1x1x16xf32> to vector<16xf32>
      %sub3A_1778 = arith.subf %add3A_1770, %get3A_1777 : vector<16xf32>
      %mul3A_1779 = arith.mulf %sub3A_1778, %sub3A_1778 : vector<16xf32>
      %add3A_1780 = arith.addf %mul3A_1755, %mul3A_1779 : vector<16xf32>
      %get3A_1781 = arith.constant 6 : i32
      %get3A_1782 = arith.index_cast %rem3A_1015 : i32 to index
      %get3A_1783 = arith.index_cast %get3A_1781 : i32 to index
      %get3A_1784 = arith.index_cast %squeeze3A_1727 : i32 to index
      %get3A_1785 = arith.constant 32 : index
      %get3A_1786 = tpu.vector_load %arg11[%get3A_1782, %get3A_1783, %get3A_1784, %get3A_1785] {strides = array<i32>} : memref<2x16x8x64xf32, #tpu.memory_space<vmem>>, vector<1x1x1x16xf32>,
      %get3A_1787 = vector.shape_cast %get3A_1786 : vector<1x1x1x16xf32> to vector<16xf32>
      %get3A_1788 = arith.constant 6 : i32
      %get3A_1789 = arith.index_cast %rem3A_1015 : i32 to index
      %get3A_1790 = arith.index_cast %get3A_1788 : i32 to index
      %get3A_1791 = arith.index_cast %squeeze3A_1729 : i32 to index
      %get3A_1792 = arith.constant 32 : index
      %get3A_1793 = tpu.vector_load %arg12[%get3A_1789, %get3A_1790, %get3A_1791, %get3A_1792] {strides = array<i32>} : memref<2x16x8x64xf32, #tpu.memory_space<vmem>>, vector<1x1x1x16xf32>,
      %get3A_1794 = vector.shape_cast %get3A_1793 : vector<1x1x1x16xf32> to vector<16xf32>
      %add3A_1795 = arith.addf %get3A_1787, %get3A_1794 : vector<16xf32>
      %get3A_1796 = arith.constant 6 : i32
      %get3A_1797 = arith.index_cast %rem3A_1015 : i32 to index
      %get3A_1798 = arith.index_cast %get3A_1796 : i32 to index
      %get3A_1799 = arith.index_cast %squeeze3A_1731 : i32 to index
      %get3A_1800 = arith.constant 32 : index
      %get3A_1801 = tpu.vector_load %arg13[%get3A_1797, %get3A_1798, %get3A_1799, %get3A_1800] {strides = array<i32>} : memref<2x16x8x64xf32, #tpu.memory_space<vmem>>, vector<1x1x1x16xf32>,
      %get3A_1802 = vector.shape_cast %get3A_1801 : vector<1x1x1x16xf32> to vector<16xf32>
      %sub3A_1803 = arith.subf %add3A_1795, %get3A_1802 : vector<16xf32>
      %mul3A_1804 = arith.mulf %sub3A_1803, %sub3A_1803 : vector<16xf32>
      %add3A_1805 = arith.addf %add3A_1780, %mul3A_1804 : vector<16xf32>
      %get3A_1806 = arith.constant 6 : i32
      %get3A_1807 = arith.index_cast %rem3A_1015 : i32 to index
      %get3A_1808 = arith.index_cast %get3A_1806 : i32 to index
      %get3A_1809 = arith.index_cast %squeeze3A_1727 : i32 to index
      %get3A_1810 = arith.constant 48 : index
      %get3A_1811 = tpu.vector_load %arg11[%get3A_1807, %get3A_1808, %get3A_1809, %get3A_1810] {strides = array<i32>} : memref<2x16x8x64xf32, #tpu.memory_space<vmem>>, vector<1x1x1x16xf32>,
      %get3A_1812 = vector.shape_cast %get3A_1811 : vector<1x1x1x16xf32> to vector<16xf32>
      %get3A_1813 = arith.constant 6 : i32
      %get3A_1814 = arith.index_cast %rem3A_1015 : i32 to index
      %get3A_1815 = arith.index_cast %get3A_1813 : i32 to index
      %get3A_1816 = arith.index_cast %squeeze3A_1729 : i32 to index
      %get3A_1817 = arith.constant 48 : index
      %get3A_1818 = tpu.vector_load %arg12[%get3A_1814, %get3A_1815, %get3A_1816, %get3A_1817] {strides = array<i32>} : memref<2x16x8x64xf32, #tpu.memory_space<vmem>>, vector<1x1x1x16xf32>,
      %get3A_1819 = vector.shape_cast %get3A_1818 : vector<1x1x1x16xf32> to vector<16xf32>
      %add3A_1820 = arith.addf %get3A_1812, %get3A_1819 : vector<16xf32>
      %get3A_1821 = arith.constant 6 : i32
      %get3A_1822 = arith.index_cast %rem3A_1015 : i32 to index
      %get3A_1823 = arith.index_cast %get3A_1821 : i32 to index
      %get3A_1824 = arith.index_cast %squeeze3A_1731 : i32 to index
      %get3A_1825 = arith.constant 48 : index
      %get3A_1826 = tpu.vector_load %arg13[%get3A_1822, %get3A_1823, %get3A_1824, %get3A_1825] {strides = array<i32>} : memref<2x16x8x64xf32, #tpu.memory_space<vmem>>, vector<1x1x1x16xf32>,
      %get3A_1827 = vector.shape_cast %get3A_1826 : vector<1x1x1x16xf32> to vector<16xf32>
      %sub3A_1828 = arith.subf %add3A_1820, %get3A_1827 : vector<16xf32>
      %mul3A_1829 = arith.mulf %sub3A_1828, %sub3A_1828 : vector<16xf32>
      %add3A_1830 = arith.addf %add3A_1805, %mul3A_1829 : vector<16xf32>
      %slice3A_1831 = vector.extract_strided_slice %and3A_1080 {offsets = [7], sizes = [1], strides = [1]} : vector<16xi32> to vector<1xi32>
      %squeeze3A_1832 = vector.extract %slice3A_1831[0] : i32 from vector<1xi32>
      %slice3A_1833 = vector.extract_strided_slice %and3A_1088 {offsets = [7], sizes = [1], strides = [1]} : vector<16xi32> to vector<1xi32>
      %squeeze3A_1834 = vector.extract %slice3A_1833[0] : i32 from vector<1xi32>
      %slice3A_1835 = vector.extract_strided_slice %and3A_1096 {offsets = [7], sizes = [1], strides = [1]} : vector<16xi32> to vector<1xi32>
      %squeeze3A_1836 = vector.extract %slice3A_1835[0] : i32 from vector<1xi32>
      %get3A_1837 = arith.constant 7 : i32
      %get3A_1838 = arith.index_cast %rem3A_1015 : i32 to index
      %get3A_1839 = arith.index_cast %get3A_1837 : i32 to index
      %get3A_1840 = arith.index_cast %squeeze3A_1832 : i32 to index
      %get3A_1841 = arith.constant 0 : index
      %get3A_1842 = tpu.vector_load %arg11[%get3A_1838, %get3A_1839, %get3A_1840, %get3A_1841] {strides = array<i32>} : memref<2x16x8x64xf32, #tpu.memory_space<vmem>>, vector<1x1x1x16xf32>,
      %get3A_1843 = vector.shape_cast %get3A_1842 : vector<1x1x1x16xf32> to vector<16xf32>
      %get3A_1844 = arith.constant 7 : i32
      %get3A_1845 = arith.index_cast %rem3A_1015 : i32 to index
      %get3A_1846 = arith.index_cast %get3A_1844 : i32 to index
      %get3A_1847 = arith.index_cast %squeeze3A_1834 : i32 to index
      %get3A_1848 = arith.constant 0 : index
      %get3A_1849 = tpu.vector_load %arg12[%get3A_1845, %get3A_1846, %get3A_1847, %get3A_1848] {strides = array<i32>} : memref<2x16x8x64xf32, #tpu.memory_space<vmem>>, vector<1x1x1x16xf32>,
      %get3A_1850 = vector.shape_cast %get3A_1849 : vector<1x1x1x16xf32> to vector<16xf32>
      %add3A_1851 = arith.addf %get3A_1843, %get3A_1850 : vector<16xf32>
      %get3A_1852 = arith.constant 7 : i32
      %get3A_1853 = arith.index_cast %rem3A_1015 : i32 to index
      %get3A_1854 = arith.index_cast %get3A_1852 : i32 to index
      %get3A_1855 = arith.index_cast %squeeze3A_1836 : i32 to index
      %get3A_1856 = arith.constant 0 : index
      %get3A_1857 = tpu.vector_load %arg13[%get3A_1853, %get3A_1854, %get3A_1855, %get3A_1856] {strides = array<i32>} : memref<2x16x8x64xf32, #tpu.memory_space<vmem>>, vector<1x1x1x16xf32>,
      %get3A_1858 = vector.shape_cast %get3A_1857 : vector<1x1x1x16xf32> to vector<16xf32>
      %sub3A_1859 = arith.subf %add3A_1851, %get3A_1858 : vector<16xf32>
      %mul3A_1860 = arith.mulf %sub3A_1859, %sub3A_1859 : vector<16xf32>
      %get3A_1861 = arith.constant 7 : i32
      %get3A_1862 = arith.index_cast %rem3A_1015 : i32 to index
      %get3A_1863 = arith.index_cast %get3A_1861 : i32 to index
      %get3A_1864 = arith.index_cast %squeeze3A_1832 : i32 to index
      %get3A_1865 = arith.constant 16 : index
      %get3A_1866 = tpu.vector_load %arg11[%get3A_1862, %get3A_1863, %get3A_1864, %get3A_1865] {strides = array<i32>} : memref<2x16x8x64xf32, #tpu.memory_space<vmem>>, vector<1x1x1x16xf32>,
      %get3A_1867 = vector.shape_cast %get3A_1866 : vector<1x1x1x16xf32> to vector<16xf32>
      %get3A_1868 = arith.constant 7 : i32
      %get3A_1869 = arith.index_cast %rem3A_1015 : i32 to index
      %get3A_1870 = arith.index_cast %get3A_1868 : i32 to index
      %get3A_1871 = arith.index_cast %squeeze3A_1834 : i32 to index
      %get3A_1872 = arith.constant 16 : index
      %get3A_1873 = tpu.vector_load %arg12[%get3A_1869, %get3A_1870, %get3A_1871, %get3A_1872] {strides = array<i32>} : memref<2x16x8x64xf32, #tpu.memory_space<vmem>>, vector<1x1x1x16xf32>,
      %get3A_1874 = vector.shape_cast %get3A_1873 : vector<1x1x1x16xf32> to vector<16xf32>
      %add3A_1875 = arith.addf %get3A_1867, %get3A_1874 : vector<16xf32>
      %get3A_1876 = arith.constant 7 : i32
      %get3A_1877 = arith.index_cast %rem3A_1015 : i32 to index
      %get3A_1878 = arith.index_cast %get3A_1876 : i32 to index
      %get3A_1879 = arith.index_cast %squeeze3A_1836 : i32 to index
      %get3A_1880 = arith.constant 16 : index
      %get3A_1881 = tpu.vector_load %arg13[%get3A_1877, %get3A_1878, %get3A_1879, %get3A_1880] {strides = array<i32>} : memref<2x16x8x64xf32, #tpu.memory_space<vmem>>, vector<1x1x1x16xf32>,
      %get3A_1882 = vector.shape_cast %get3A_1881 : vector<1x1x1x16xf32> to vector<16xf32>
      %sub3A_1883 = arith.subf %add3A_1875, %get3A_1882 : vector<16xf32>
      %mul3A_1884 = arith.mulf %sub3A_1883, %sub3A_1883 : vector<16xf32>
      %add3A_1885 = arith.addf %mul3A_1860, %mul3A_1884 : vector<16xf32>
      %get3A_1886 = arith.constant 7 : i32
      %get3A_1887 = arith.index_cast %rem3A_1015 : i32 to index
      %get3A_1888 = arith.index_cast %get3A_1886 : i32 to index
      %get3A_1889 = arith.index_cast %squeeze3A_1832 : i32 to index
      %get3A_1890 = arith.constant 32 : index
      %get3A_1891 = tpu.vector_load %arg11[%get3A_1887, %get3A_1888, %get3A_1889, %get3A_1890] {strides = array<i32>} : memref<2x16x8x64xf32, #tpu.memory_space<vmem>>, vector<1x1x1x16xf32>,
      %get3A_1892 = vector.shape_cast %get3A_1891 : vector<1x1x1x16xf32> to vector<16xf32>
      %get3A_1893 = arith.constant 7 : i32
      %get3A_1894 = arith.index_cast %rem3A_1015 : i32 to index
      %get3A_1895 = arith.index_cast %get3A_1893 : i32 to index
      %get3A_1896 = arith.index_cast %squeeze3A_1834 : i32 to index
      %get3A_1897 = arith.constant 32 : index
      %get3A_1898 = tpu.vector_load %arg12[%get3A_1894, %get3A_1895, %get3A_1896, %get3A_1897] {strides = array<i32>} : memref<2x16x8x64xf32, #tpu.memory_space<vmem>>, vector<1x1x1x16xf32>,
      %get3A_1899 = vector.shape_cast %get3A_1898 : vector<1x1x1x16xf32> to vector<16xf32>
      %add3A_1900 = arith.addf %get3A_1892, %get3A_1899 : vector<16xf32>
      %get3A_1901 = arith.constant 7 : i32
      %get3A_1902 = arith.index_cast %rem3A_1015 : i32 to index
      %get3A_1903 = arith.index_cast %get3A_1901 : i32 to index
      %get3A_1904 = arith.index_cast %squeeze3A_1836 : i32 to index
      %get3A_1905 = arith.constant 32 : index
      %get3A_1906 = tpu.vector_load %arg13[%get3A_1902, %get3A_1903, %get3A_1904, %get3A_1905] {strides = array<i32>} : memref<2x16x8x64xf32, #tpu.memory_space<vmem>>, vector<1x1x1x16xf32>,
      %get3A_1907 = vector.shape_cast %get3A_1906 : vector<1x1x1x16xf32> to vector<16xf32>
      %sub3A_1908 = arith.subf %add3A_1900, %get3A_1907 : vector<16xf32>
      %mul3A_1909 = arith.mulf %sub3A_1908, %sub3A_1908 : vector<16xf32>
      %add3A_1910 = arith.addf %add3A_1885, %mul3A_1909 : vector<16xf32>
      %get3A_1911 = arith.constant 7 : i32
      %get3A_1912 = arith.index_cast %rem3A_1015 : i32 to index
      %get3A_1913 = arith.index_cast %get3A_1911 : i32 to index
      %get3A_1914 = arith.index_cast %squeeze3A_1832 : i32 to index
      %get3A_1915 = arith.constant 48 : index
      %get3A_1916 = tpu.vector_load %arg11[%get3A_1912, %get3A_1913, %get3A_1914, %get3A_1915] {strides = array<i32>} : memref<2x16x8x64xf32, #tpu.memory_space<vmem>>, vector<1x1x1x16xf32>,
      %get3A_1917 = vector.shape_cast %get3A_1916 : vector<1x1x1x16xf32> to vector<16xf32>
      %get3A_1918 = arith.constant 7 : i32
      %get3A_1919 = arith.index_cast %rem3A_1015 : i32 to index
      %get3A_1920 = arith.index_cast %get3A_1918 : i32 to index
      %get3A_1921 = arith.index_cast %squeeze3A_1834 : i32 to index
      %get3A_1922 = arith.constant 48 : index
      %get3A_1923 = tpu.vector_load %arg12[%get3A_1919, %get3A_1920, %get3A_1921, %get3A_1922] {strides = array<i32>} : memref<2x16x8x64xf32, #tpu.memory_space<vmem>>, vector<1x1x1x16xf32>,
      %get3A_1924 = vector.shape_cast %get3A_1923 : vector<1x1x1x16xf32> to vector<16xf32>
      %add3A_1925 = arith.addf %get3A_1917, %get3A_1924 : vector<16xf32>
      %get3A_1926 = arith.constant 7 : i32
      %get3A_1927 = arith.index_cast %rem3A_1015 : i32 to index
      %get3A_1928 = arith.index_cast %get3A_1926 : i32 to index
      %get3A_1929 = arith.index_cast %squeeze3A_1836 : i32 to index
      %get3A_1930 = arith.constant 48 : index
      %get3A_1931 = tpu.vector_load %arg13[%get3A_1927, %get3A_1928, %get3A_1929, %get3A_1930] {strides = array<i32>} : memref<2x16x8x64xf32, #tpu.memory_space<vmem>>, vector<1x1x1x16xf32>,
      %get3A_1932 = vector.shape_cast %get3A_1931 : vector<1x1x1x16xf32> to vector<16xf32>
      %sub3A_1933 = arith.subf %add3A_1925, %get3A_1932 : vector<16xf32>
      %mul3A_1934 = arith.mulf %sub3A_1933, %sub3A_1933 : vector<16xf32>
      %add3A_1935 = arith.addf %add3A_1910, %mul3A_1934 : vector<16xf32>
      %slice3A_1936 = vector.extract_strided_slice %and3A_1080 {offsets = [8], sizes = [1], strides = [1]} : vector<16xi32> to vector<1xi32>
      %squeeze3A_1937 = vector.extract %slice3A_1936[0] : i32 from vector<1xi32>
      %slice3A_1938 = vector.extract_strided_slice %and3A_1088 {offsets = [8], sizes = [1], strides = [1]} : vector<16xi32> to vector<1xi32>
      %squeeze3A_1939 = vector.extract %slice3A_1938[0] : i32 from vector<1xi32>
      %slice3A_1940 = vector.extract_strided_slice %and3A_1096 {offsets = [8], sizes = [1], strides = [1]} : vector<16xi32> to vector<1xi32>
      %squeeze3A_1941 = vector.extract %slice3A_1940[0] : i32 from vector<1xi32>
      %get3A_1942 = arith.constant 8 : i32
      %get3A_1943 = arith.index_cast %rem3A_1015 : i32 to index
      %get3A_1944 = arith.index_cast %get3A_1942 : i32 to index
      %get3A_1945 = arith.index_cast %squeeze3A_1937 : i32 to index
      %get3A_1946 = arith.constant 0 : index
      %get3A_1947 = tpu.vector_load %arg11[%get3A_1943, %get3A_1944, %get3A_1945, %get3A_1946] {strides = array<i32>} : memref<2x16x8x64xf32, #tpu.memory_space<vmem>>, vector<1x1x1x16xf32>,
      %get3A_1948 = vector.shape_cast %get3A_1947 : vector<1x1x1x16xf32> to vector<16xf32>
      %get3A_1949 = arith.constant 8 : i32
      %get3A_1950 = arith.index_cast %rem3A_1015 : i32 to index
      %get3A_1951 = arith.index_cast %get3A_1949 : i32 to index
      %get3A_1952 = arith.index_cast %squeeze3A_1939 : i32 to index
      %get3A_1953 = arith.constant 0 : index
      %get3A_1954 = tpu.vector_load %arg12[%get3A_1950, %get3A_1951, %get3A_1952, %get3A_1953] {strides = array<i32>} : memref<2x16x8x64xf32, #tpu.memory_space<vmem>>, vector<1x1x1x16xf32>,
      %get3A_1955 = vector.shape_cast %get3A_1954 : vector<1x1x1x16xf32> to vector<16xf32>
      %add3A_1956 = arith.addf %get3A_1948, %get3A_1955 : vector<16xf32>
      %get3A_1957 = arith.constant 8 : i32
      %get3A_1958 = arith.index_cast %rem3A_1015 : i32 to index
      %get3A_1959 = arith.index_cast %get3A_1957 : i32 to index
      %get3A_1960 = arith.index_cast %squeeze3A_1941 : i32 to index
      %get3A_1961 = arith.constant 0 : index
      %get3A_1962 = tpu.vector_load %arg13[%get3A_1958, %get3A_1959, %get3A_1960, %get3A_1961] {strides = array<i32>} : memref<2x16x8x64xf32, #tpu.memory_space<vmem>>, vector<1x1x1x16xf32>,
      %get3A_1963 = vector.shape_cast %get3A_1962 : vector<1x1x1x16xf32> to vector<16xf32>
      %sub3A_1964 = arith.subf %add3A_1956, %get3A_1963 : vector<16xf32>
      %mul3A_1965 = arith.mulf %sub3A_1964, %sub3A_1964 : vector<16xf32>
      %get3A_1966 = arith.constant 8 : i32
      %get3A_1967 = arith.index_cast %rem3A_1015 : i32 to index
      %get3A_1968 = arith.index_cast %get3A_1966 : i32 to index
      %get3A_1969 = arith.index_cast %squeeze3A_1937 : i32 to index
      %get3A_1970 = arith.constant 16 : index
      %get3A_1971 = tpu.vector_load %arg11[%get3A_1967, %get3A_1968, %get3A_1969, %get3A_1970] {strides = array<i32>} : memref<2x16x8x64xf32, #tpu.memory_space<vmem>>, vector<1x1x1x16xf32>,
      %get3A_1972 = vector.shape_cast %get3A_1971 : vector<1x1x1x16xf32> to vector<16xf32>
      %get3A_1973 = arith.constant 8 : i32
      %get3A_1974 = arith.index_cast %rem3A_1015 : i32 to index
      %get3A_1975 = arith.index_cast %get3A_1973 : i32 to index
      %get3A_1976 = arith.index_cast %squeeze3A_1939 : i32 to index
      %get3A_1977 = arith.constant 16 : index
      %get3A_1978 = tpu.vector_load %arg12[%get3A_1974, %get3A_1975, %get3A_1976, %get3A_1977] {strides = array<i32>} : memref<2x16x8x64xf32, #tpu.memory_space<vmem>>, vector<1x1x1x16xf32>,
      %get3A_1979 = vector.shape_cast %get3A_1978 : vector<1x1x1x16xf32> to vector<16xf32>
      %add3A_1980 = arith.addf %get3A_1972, %get3A_1979 : vector<16xf32>
      %get3A_1981 = arith.constant 8 : i32
      %get3A_1982 = arith.index_cast %rem3A_1015 : i32 to index
      %get3A_1983 = arith.index_cast %get3A_1981 : i32 to index
      %get3A_1984 = arith.index_cast %squeeze3A_1941 : i32 to index
      %get3A_1985 = arith.constant 16 : index
      %get3A_1986 = tpu.vector_load %arg13[%get3A_1982, %get3A_1983, %get3A_1984, %get3A_1985] {strides = array<i32>} : memref<2x16x8x64xf32, #tpu.memory_space<vmem>>, vector<1x1x1x16xf32>,
      %get3A_1987 = vector.shape_cast %get3A_1986 : vector<1x1x1x16xf32> to vector<16xf32>
      %sub3A_1988 = arith.subf %add3A_1980, %get3A_1987 : vector<16xf32>
      %mul3A_1989 = arith.mulf %sub3A_1988, %sub3A_1988 : vector<16xf32>
      %add3A_1990 = arith.addf %mul3A_1965, %mul3A_1989 : vector<16xf32>
      %get3A_1991 = arith.constant 8 : i32
      %get3A_1992 = arith.index_cast %rem3A_1015 : i32 to index
      %get3A_1993 = arith.index_cast %get3A_1991 : i32 to index
      %get3A_1994 = arith.index_cast %squeeze3A_1937 : i32 to index
      %get3A_1995 = arith.constant 32 : index
      %get3A_1996 = tpu.vector_load %arg11[%get3A_1992, %get3A_1993, %get3A_1994, %get3A_1995] {strides = array<i32>} : memref<2x16x8x64xf32, #tpu.memory_space<vmem>>, vector<1x1x1x16xf32>,
      %get3A_1997 = vector.shape_cast %get3A_1996 : vector<1x1x1x16xf32> to vector<16xf32>
      %get3A_1998 = arith.constant 8 : i32
      %get3A_1999 = arith.index_cast %rem3A_1015 : i32 to index
      %get3A_2000 = arith.index_cast %get3A_1998 : i32 to index
      %get3A_2001 = arith.index_cast %squeeze3A_1939 : i32 to index
      %get3A_2002 = arith.constant 32 : index
      %get3A_2003 = tpu.vector_load %arg12[%get3A_1999, %get3A_2000, %get3A_2001, %get3A_2002] {strides = array<i32>} : memref<2x16x8x64xf32, #tpu.memory_space<vmem>>, vector<1x1x1x16xf32>,
      %get3A_2004 = vector.shape_cast %get3A_2003 : vector<1x1x1x16xf32> to vector<16xf32>
      %add3A_2005 = arith.addf %get3A_1997, %get3A_2004 : vector<16xf32>
      %get3A_2006 = arith.constant 8 : i32
      %get3A_2007 = arith.index_cast %rem3A_1015 : i32 to index
      %get3A_2008 = arith.index_cast %get3A_2006 : i32 to index
      %get3A_2009 = arith.index_cast %squeeze3A_1941 : i32 to index
      %get3A_2010 = arith.constant 32 : index
      %get3A_2011 = tpu.vector_load %arg13[%get3A_2007, %get3A_2008, %get3A_2009, %get3A_2010] {strides = array<i32>} : memref<2x16x8x64xf32, #tpu.memory_space<vmem>>, vector<1x1x1x16xf32>,
      %get3A_2012 = vector.shape_cast %get3A_2011 : vector<1x1x1x16xf32> to vector<16xf32>
      %sub3A_2013 = arith.subf %add3A_2005, %get3A_2012 : vector<16xf32>
      %mul3A_2014 = arith.mulf %sub3A_2013, %sub3A_2013 : vector<16xf32>
      %add3A_2015 = arith.addf %add3A_1990, %mul3A_2014 : vector<16xf32>
      %get3A_2016 = arith.constant 8 : i32
      %get3A_2017 = arith.index_cast %rem3A_1015 : i32 to index
      %get3A_2018 = arith.index_cast %get3A_2016 : i32 to index
      %get3A_2019 = arith.index_cast %squeeze3A_1937 : i32 to index
      %get3A_2020 = arith.constant 48 : index
      %get3A_2021 = tpu.vector_load %arg11[%get3A_2017, %get3A_2018, %get3A_2019, %get3A_2020] {strides = array<i32>} : memref<2x16x8x64xf32, #tpu.memory_space<vmem>>, vector<1x1x1x16xf32>,
      %get3A_2022 = vector.shape_cast %get3A_2021 : vector<1x1x1x16xf32> to vector<16xf32>
      %get3A_2023 = arith.constant 8 : i32
      %get3A_2024 = arith.index_cast %rem3A_1015 : i32 to index
      %get3A_2025 = arith.index_cast %get3A_2023 : i32 to index
      %get3A_2026 = arith.index_cast %squeeze3A_1939 : i32 to index
      %get3A_2027 = arith.constant 48 : index
      %get3A_2028 = tpu.vector_load %arg12[%get3A_2024, %get3A_2025, %get3A_2026, %get3A_2027] {strides = array<i32>} : memref<2x16x8x64xf32, #tpu.memory_space<vmem>>, vector<1x1x1x16xf32>,
      %get3A_2029 = vector.shape_cast %get3A_2028 : vector<1x1x1x16xf32> to vector<16xf32>
      %add3A_2030 = arith.addf %get3A_2022, %get3A_2029 : vector<16xf32>
      %get3A_2031 = arith.constant 8 : i32
      %get3A_2032 = arith.index_cast %rem3A_1015 : i32 to index
      %get3A_2033 = arith.index_cast %get3A_2031 : i32 to index
      %get3A_2034 = arith.index_cast %squeeze3A_1941 : i32 to index
      %get3A_2035 = arith.constant 48 : index
      %get3A_2036 = tpu.vector_load %arg13[%get3A_2032, %get3A_2033, %get3A_2034, %get3A_2035] {strides = array<i32>} : memref<2x16x8x64xf32, #tpu.memory_space<vmem>>, vector<1x1x1x16xf32>,
      %get3A_2037 = vector.shape_cast %get3A_2036 : vector<1x1x1x16xf32> to vector<16xf32>
      %sub3A_2038 = arith.subf %add3A_2030, %get3A_2037 : vector<16xf32>
      %mul3A_2039 = arith.mulf %sub3A_2038, %sub3A_2038 : vector<16xf32>
      %add3A_2040 = arith.addf %add3A_2015, %mul3A_2039 : vector<16xf32>
      %slice3A_2041 = vector.extract_strided_slice %and3A_1080 {offsets = [9], sizes = [1], strides = [1]} : vector<16xi32> to vector<1xi32>
      %squeeze3A_2042 = vector.extract %slice3A_2041[0] : i32 from vector<1xi32>
      %slice3A_2043 = vector.extract_strided_slice %and3A_1088 {offsets = [9], sizes = [1], strides = [1]} : vector<16xi32> to vector<1xi32>
      %squeeze3A_2044 = vector.extract %slice3A_2043[0] : i32 from vector<1xi32>
      %slice3A_2045 = vector.extract_strided_slice %and3A_1096 {offsets = [9], sizes = [1], strides = [1]} : vector<16xi32> to vector<1xi32>
      %squeeze3A_2046 = vector.extract %slice3A_2045[0] : i32 from vector<1xi32>
      %get3A_2047 = arith.constant 9 : i32
      %get3A_2048 = arith.index_cast %rem3A_1015 : i32 to index
      %get3A_2049 = arith.index_cast %get3A_2047 : i32 to index
      %get3A_2050 = arith.index_cast %squeeze3A_2042 : i32 to index
      %get3A_2051 = arith.constant 0 : index
      %get3A_2052 = tpu.vector_load %arg11[%get3A_2048, %get3A_2049, %get3A_2050, %get3A_2051] {strides = array<i32>} : memref<2x16x8x64xf32, #tpu.memory_space<vmem>>, vector<1x1x1x16xf32>,
      %get3A_2053 = vector.shape_cast %get3A_2052 : vector<1x1x1x16xf32> to vector<16xf32>
      %get3A_2054 = arith.constant 9 : i32
      %get3A_2055 = arith.index_cast %rem3A_1015 : i32 to index
      %get3A_2056 = arith.index_cast %get3A_2054 : i32 to index
      %get3A_2057 = arith.index_cast %squeeze3A_2044 : i32 to index
      %get3A_2058 = arith.constant 0 : index
      %get3A_2059 = tpu.vector_load %arg12[%get3A_2055, %get3A_2056, %get3A_2057, %get3A_2058] {strides = array<i32>} : memref<2x16x8x64xf32, #tpu.memory_space<vmem>>, vector<1x1x1x16xf32>,
      %get3A_2060 = vector.shape_cast %get3A_2059 : vector<1x1x1x16xf32> to vector<16xf32>
      %add3A_2061 = arith.addf %get3A_2053, %get3A_2060 : vector<16xf32>
      %get3A_2062 = arith.constant 9 : i32
      %get3A_2063 = arith.index_cast %rem3A_1015 : i32 to index
      %get3A_2064 = arith.index_cast %get3A_2062 : i32 to index
      %get3A_2065 = arith.index_cast %squeeze3A_2046 : i32 to index
      %get3A_2066 = arith.constant 0 : index
      %get3A_2067 = tpu.vector_load %arg13[%get3A_2063, %get3A_2064, %get3A_2065, %get3A_2066] {strides = array<i32>} : memref<2x16x8x64xf32, #tpu.memory_space<vmem>>, vector<1x1x1x16xf32>,
      %get3A_2068 = vector.shape_cast %get3A_2067 : vector<1x1x1x16xf32> to vector<16xf32>
      %sub3A_2069 = arith.subf %add3A_2061, %get3A_2068 : vector<16xf32>
      %mul3A_2070 = arith.mulf %sub3A_2069, %sub3A_2069 : vector<16xf32>
      %get3A_2071 = arith.constant 9 : i32
      %get3A_2072 = arith.index_cast %rem3A_1015 : i32 to index
      %get3A_2073 = arith.index_cast %get3A_2071 : i32 to index
      %get3A_2074 = arith.index_cast %squeeze3A_2042 : i32 to index
      %get3A_2075 = arith.constant 16 : index
      %get3A_2076 = tpu.vector_load %arg11[%get3A_2072, %get3A_2073, %get3A_2074, %get3A_2075] {strides = array<i32>} : memref<2x16x8x64xf32, #tpu.memory_space<vmem>>, vector<1x1x1x16xf32>,
      %get3A_2077 = vector.shape_cast %get3A_2076 : vector<1x1x1x16xf32> to vector<16xf32>
      %get3A_2078 = arith.constant 9 : i32
      %get3A_2079 = arith.index_cast %rem3A_1015 : i32 to index
      %get3A_2080 = arith.index_cast %get3A_2078 : i32 to index
      %get3A_2081 = arith.index_cast %squeeze3A_2044 : i32 to index
      %get3A_2082 = arith.constant 16 : index
      %get3A_2083 = tpu.vector_load %arg12[%get3A_2079, %get3A_2080, %get3A_2081, %get3A_2082] {strides = array<i32>} : memref<2x16x8x64xf32, #tpu.memory_space<vmem>>, vector<1x1x1x16xf32>,
      %get3A_2084 = vector.shape_cast %get3A_2083 : vector<1x1x1x16xf32> to vector<16xf32>
      %add3A_2085 = arith.addf %get3A_2077, %get3A_2084 : vector<16xf32>
      %get3A_2086 = arith.constant 9 : i32
      %get3A_2087 = arith.index_cast %rem3A_1015 : i32 to index
      %get3A_2088 = arith.index_cast %get3A_2086 : i32 to index
      %get3A_2089 = arith.index_cast %squeeze3A_2046 : i32 to index
      %get3A_2090 = arith.constant 16 : index
      %get3A_2091 = tpu.vector_load %arg13[%get3A_2087, %get3A_2088, %get3A_2089, %get3A_2090] {strides = array<i32>} : memref<2x16x8x64xf32, #tpu.memory_space<vmem>>, vector<1x1x1x16xf32>,
      %get3A_2092 = vector.shape_cast %get3A_2091 : vector<1x1x1x16xf32> to vector<16xf32>
      %sub3A_2093 = arith.subf %add3A_2085, %get3A_2092 : vector<16xf32>
      %mul3A_2094 = arith.mulf %sub3A_2093, %sub3A_2093 : vector<16xf32>
      %add3A_2095 = arith.addf %mul3A_2070, %mul3A_2094 : vector<16xf32>
      %get3A_2096 = arith.constant 9 : i32
      %get3A_2097 = arith.index_cast %rem3A_1015 : i32 to index
      %get3A_2098 = arith.index_cast %get3A_2096 : i32 to index
      %get3A_2099 = arith.index_cast %squeeze3A_2042 : i32 to index
      %get3A_2100 = arith.constant 32 : index
      %get3A_2101 = tpu.vector_load %arg11[%get3A_2097, %get3A_2098, %get3A_2099, %get3A_2100] {strides = array<i32>} : memref<2x16x8x64xf32, #tpu.memory_space<vmem>>, vector<1x1x1x16xf32>,
      %get3A_2102 = vector.shape_cast %get3A_2101 : vector<1x1x1x16xf32> to vector<16xf32>
      %get3A_2103 = arith.constant 9 : i32
      %get3A_2104 = arith.index_cast %rem3A_1015 : i32 to index
      %get3A_2105 = arith.index_cast %get3A_2103 : i32 to index
      %get3A_2106 = arith.index_cast %squeeze3A_2044 : i32 to index
      %get3A_2107 = arith.constant 32 : index
      %get3A_2108 = tpu.vector_load %arg12[%get3A_2104, %get3A_2105, %get3A_2106, %get3A_2107] {strides = array<i32>} : memref<2x16x8x64xf32, #tpu.memory_space<vmem>>, vector<1x1x1x16xf32>,
      %get3A_2109 = vector.shape_cast %get3A_2108 : vector<1x1x1x16xf32> to vector<16xf32>
      %add3A_2110 = arith.addf %get3A_2102, %get3A_2109 : vector<16xf32>
      %get3A_2111 = arith.constant 9 : i32
      %get3A_2112 = arith.index_cast %rem3A_1015 : i32 to index
      %get3A_2113 = arith.index_cast %get3A_2111 : i32 to index
      %get3A_2114 = arith.index_cast %squeeze3A_2046 : i32 to index
      %get3A_2115 = arith.constant 32 : index
      %get3A_2116 = tpu.vector_load %arg13[%get3A_2112, %get3A_2113, %get3A_2114, %get3A_2115] {strides = array<i32>} : memref<2x16x8x64xf32, #tpu.memory_space<vmem>>, vector<1x1x1x16xf32>,
      %get3A_2117 = vector.shape_cast %get3A_2116 : vector<1x1x1x16xf32> to vector<16xf32>
      %sub3A_2118 = arith.subf %add3A_2110, %get3A_2117 : vector<16xf32>
      %mul3A_2119 = arith.mulf %sub3A_2118, %sub3A_2118 : vector<16xf32>
      %add3A_2120 = arith.addf %add3A_2095, %mul3A_2119 : vector<16xf32>
      %get3A_2121 = arith.constant 9 : i32
      %get3A_2122 = arith.index_cast %rem3A_1015 : i32 to index
      %get3A_2123 = arith.index_cast %get3A_2121 : i32 to index
      %get3A_2124 = arith.index_cast %squeeze3A_2042 : i32 to index
      %get3A_2125 = arith.constant 48 : index
      %get3A_2126 = tpu.vector_load %arg11[%get3A_2122, %get3A_2123, %get3A_2124, %get3A_2125] {strides = array<i32>} : memref<2x16x8x64xf32, #tpu.memory_space<vmem>>, vector<1x1x1x16xf32>,
      %get3A_2127 = vector.shape_cast %get3A_2126 : vector<1x1x1x16xf32> to vector<16xf32>
      %get3A_2128 = arith.constant 9 : i32
      %get3A_2129 = arith.index_cast %rem3A_1015 : i32 to index
      %get3A_2130 = arith.index_cast %get3A_2128 : i32 to index
      %get3A_2131 = arith.index_cast %squeeze3A_2044 : i32 to index
      %get3A_2132 = arith.constant 48 : index
      %get3A_2133 = tpu.vector_load %arg12[%get3A_2129, %get3A_2130, %get3A_2131, %get3A_2132] {strides = array<i32>} : memref<2x16x8x64xf32, #tpu.memory_space<vmem>>, vector<1x1x1x16xf32>,
      %get3A_2134 = vector.shape_cast %get3A_2133 : vector<1x1x1x16xf32> to vector<16xf32>
      %add3A_2135 = arith.addf %get3A_2127, %get3A_2134 : vector<16xf32>
      %get3A_2136 = arith.constant 9 : i32
      %get3A_2137 = arith.index_cast %rem3A_1015 : i32 to index
      %get3A_2138 = arith.index_cast %get3A_2136 : i32 to index
      %get3A_2139 = arith.index_cast %squeeze3A_2046 : i32 to index
      %get3A_2140 = arith.constant 48 : index
      %get3A_2141 = tpu.vector_load %arg13[%get3A_2137, %get3A_2138, %get3A_2139, %get3A_2140] {strides = array<i32>} : memref<2x16x8x64xf32, #tpu.memory_space<vmem>>, vector<1x1x1x16xf32>,
      %get3A_2142 = vector.shape_cast %get3A_2141 : vector<1x1x1x16xf32> to vector<16xf32>
      %sub3A_2143 = arith.subf %add3A_2135, %get3A_2142 : vector<16xf32>
      %mul3A_2144 = arith.mulf %sub3A_2143, %sub3A_2143 : vector<16xf32>
      %add3A_2145 = arith.addf %add3A_2120, %mul3A_2144 : vector<16xf32>
      %slice3A_2146 = vector.extract_strided_slice %and3A_1080 {offsets = [10], sizes = [1], strides = [1]} : vector<16xi32> to vector<1xi32>
      %squeeze3A_2147 = vector.extract %slice3A_2146[0] : i32 from vector<1xi32>
      %slice3A_2148 = vector.extract_strided_slice %and3A_1088 {offsets = [10], sizes = [1], strides = [1]} : vector<16xi32> to vector<1xi32>
      %squeeze3A_2149 = vector.extract %slice3A_2148[0] : i32 from vector<1xi32>
      %slice3A_2150 = vector.extract_strided_slice %and3A_1096 {offsets = [10], sizes = [1], strides = [1]} : vector<16xi32> to vector<1xi32>
      %squeeze3A_2151 = vector.extract %slice3A_2150[0] : i32 from vector<1xi32>
      %get3A_2152 = arith.constant 10 : i32
      %get3A_2153 = arith.index_cast %rem3A_1015 : i32 to index
      %get3A_2154 = arith.index_cast %get3A_2152 : i32 to index
      %get3A_2155 = arith.index_cast %squeeze3A_2147 : i32 to index
      %get3A_2156 = arith.constant 0 : index
      %get3A_2157 = tpu.vector_load %arg11[%get3A_2153, %get3A_2154, %get3A_2155, %get3A_2156] {strides = array<i32>} : memref<2x16x8x64xf32, #tpu.memory_space<vmem>>, vector<1x1x1x16xf32>,
      %get3A_2158 = vector.shape_cast %get3A_2157 : vector<1x1x1x16xf32> to vector<16xf32>
      %get3A_2159 = arith.constant 10 : i32
      %get3A_2160 = arith.index_cast %rem3A_1015 : i32 to index
      %get3A_2161 = arith.index_cast %get3A_2159 : i32 to index
      %get3A_2162 = arith.index_cast %squeeze3A_2149 : i32 to index
      %get3A_2163 = arith.constant 0 : index
      %get3A_2164 = tpu.vector_load %arg12[%get3A_2160, %get3A_2161, %get3A_2162, %get3A_2163] {strides = array<i32>} : memref<2x16x8x64xf32, #tpu.memory_space<vmem>>, vector<1x1x1x16xf32>,
      %get3A_2165 = vector.shape_cast %get3A_2164 : vector<1x1x1x16xf32> to vector<16xf32>
      %add3A_2166 = arith.addf %get3A_2158, %get3A_2165 : vector<16xf32>
      %get3A_2167 = arith.constant 10 : i32
      %get3A_2168 = arith.index_cast %rem3A_1015 : i32 to index
      %get3A_2169 = arith.index_cast %get3A_2167 : i32 to index
      %get3A_2170 = arith.index_cast %squeeze3A_2151 : i32 to index
      %get3A_2171 = arith.constant 0 : index
      %get3A_2172 = tpu.vector_load %arg13[%get3A_2168, %get3A_2169, %get3A_2170, %get3A_2171] {strides = array<i32>} : memref<2x16x8x64xf32, #tpu.memory_space<vmem>>, vector<1x1x1x16xf32>,
      %get3A_2173 = vector.shape_cast %get3A_2172 : vector<1x1x1x16xf32> to vector<16xf32>
      %sub3A_2174 = arith.subf %add3A_2166, %get3A_2173 : vector<16xf32>
      %mul3A_2175 = arith.mulf %sub3A_2174, %sub3A_2174 : vector<16xf32>
      %get3A_2176 = arith.constant 10 : i32
      %get3A_2177 = arith.index_cast %rem3A_1015 : i32 to index
      %get3A_2178 = arith.index_cast %get3A_2176 : i32 to index
      %get3A_2179 = arith.index_cast %squeeze3A_2147 : i32 to index
      %get3A_2180 = arith.constant 16 : index
      %get3A_2181 = tpu.vector_load %arg11[%get3A_2177, %get3A_2178, %get3A_2179, %get3A_2180] {strides = array<i32>} : memref<2x16x8x64xf32, #tpu.memory_space<vmem>>, vector<1x1x1x16xf32>,
      %get3A_2182 = vector.shape_cast %get3A_2181 : vector<1x1x1x16xf32> to vector<16xf32>
      %get3A_2183 = arith.constant 10 : i32
      %get3A_2184 = arith.index_cast %rem3A_1015 : i32 to index
      %get3A_2185 = arith.index_cast %get3A_2183 : i32 to index
      %get3A_2186 = arith.index_cast %squeeze3A_2149 : i32 to index
      %get3A_2187 = arith.constant 16 : index
      %get3A_2188 = tpu.vector_load %arg12[%get3A_2184, %get3A_2185, %get3A_2186, %get3A_2187] {strides = array<i32>} : memref<2x16x8x64xf32, #tpu.memory_space<vmem>>, vector<1x1x1x16xf32>,
      %get3A_2189 = vector.shape_cast %get3A_2188 : vector<1x1x1x16xf32> to vector<16xf32>
      %add3A_2190 = arith.addf %get3A_2182, %get3A_2189 : vector<16xf32>
      %get3A_2191 = arith.constant 10 : i32
      %get3A_2192 = arith.index_cast %rem3A_1015 : i32 to index
      %get3A_2193 = arith.index_cast %get3A_2191 : i32 to index
      %get3A_2194 = arith.index_cast %squeeze3A_2151 : i32 to index
      %get3A_2195 = arith.constant 16 : index
      %get3A_2196 = tpu.vector_load %arg13[%get3A_2192, %get3A_2193, %get3A_2194, %get3A_2195] {strides = array<i32>} : memref<2x16x8x64xf32, #tpu.memory_space<vmem>>, vector<1x1x1x16xf32>,
      %get3A_2197 = vector.shape_cast %get3A_2196 : vector<1x1x1x16xf32> to vector<16xf32>
      %sub3A_2198 = arith.subf %add3A_2190, %get3A_2197 : vector<16xf32>
      %mul3A_2199 = arith.mulf %sub3A_2198, %sub3A_2198 : vector<16xf32>
      %add3A_2200 = arith.addf %mul3A_2175, %mul3A_2199 : vector<16xf32>
      %get3A_2201 = arith.constant 10 : i32
      %get3A_2202 = arith.index_cast %rem3A_1015 : i32 to index
      %get3A_2203 = arith.index_cast %get3A_2201 : i32 to index
      %get3A_2204 = arith.index_cast %squeeze3A_2147 : i32 to index
      %get3A_2205 = arith.constant 32 : index
      %get3A_2206 = tpu.vector_load %arg11[%get3A_2202, %get3A_2203, %get3A_2204, %get3A_2205] {strides = array<i32>} : memref<2x16x8x64xf32, #tpu.memory_space<vmem>>, vector<1x1x1x16xf32>,
      %get3A_2207 = vector.shape_cast %get3A_2206 : vector<1x1x1x16xf32> to vector<16xf32>
      %get3A_2208 = arith.constant 10 : i32
      %get3A_2209 = arith.index_cast %rem3A_1015 : i32 to index
      %get3A_2210 = arith.index_cast %get3A_2208 : i32 to index
      %get3A_2211 = arith.index_cast %squeeze3A_2149 : i32 to index
      %get3A_2212 = arith.constant 32 : index
      %get3A_2213 = tpu.vector_load %arg12[%get3A_2209, %get3A_2210, %get3A_2211, %get3A_2212] {strides = array<i32>} : memref<2x16x8x64xf32, #tpu.memory_space<vmem>>, vector<1x1x1x16xf32>,
      %get3A_2214 = vector.shape_cast %get3A_2213 : vector<1x1x1x16xf32> to vector<16xf32>
      %add3A_2215 = arith.addf %get3A_2207, %get3A_2214 : vector<16xf32>
      %get3A_2216 = arith.constant 10 : i32
      %get3A_2217 = arith.index_cast %rem3A_1015 : i32 to index
      %get3A_2218 = arith.index_cast %get3A_2216 : i32 to index
      %get3A_2219 = arith.index_cast %squeeze3A_2151 : i32 to index
      %get3A_2220 = arith.constant 32 : index
      %get3A_2221 = tpu.vector_load %arg13[%get3A_2217, %get3A_2218, %get3A_2219, %get3A_2220] {strides = array<i32>} : memref<2x16x8x64xf32, #tpu.memory_space<vmem>>, vector<1x1x1x16xf32>,
      %get3A_2222 = vector.shape_cast %get3A_2221 : vector<1x1x1x16xf32> to vector<16xf32>
      %sub3A_2223 = arith.subf %add3A_2215, %get3A_2222 : vector<16xf32>
      %mul3A_2224 = arith.mulf %sub3A_2223, %sub3A_2223 : vector<16xf32>
      %add3A_2225 = arith.addf %add3A_2200, %mul3A_2224 : vector<16xf32>
      %get3A_2226 = arith.constant 10 : i32
      %get3A_2227 = arith.index_cast %rem3A_1015 : i32 to index
      %get3A_2228 = arith.index_cast %get3A_2226 : i32 to index
      %get3A_2229 = arith.index_cast %squeeze3A_2147 : i32 to index
      %get3A_2230 = arith.constant 48 : index
      %get3A_2231 = tpu.vector_load %arg11[%get3A_2227, %get3A_2228, %get3A_2229, %get3A_2230] {strides = array<i32>} : memref<2x16x8x64xf32, #tpu.memory_space<vmem>>, vector<1x1x1x16xf32>,
      %get3A_2232 = vector.shape_cast %get3A_2231 : vector<1x1x1x16xf32> to vector<16xf32>
      %get3A_2233 = arith.constant 10 : i32
      %get3A_2234 = arith.index_cast %rem3A_1015 : i32 to index
      %get3A_2235 = arith.index_cast %get3A_2233 : i32 to index
      %get3A_2236 = arith.index_cast %squeeze3A_2149 : i32 to index
      %get3A_2237 = arith.constant 48 : index
      %get3A_2238 = tpu.vector_load %arg12[%get3A_2234, %get3A_2235, %get3A_2236, %get3A_2237] {strides = array<i32>} : memref<2x16x8x64xf32, #tpu.memory_space<vmem>>, vector<1x1x1x16xf32>,
      %get3A_2239 = vector.shape_cast %get3A_2238 : vector<1x1x1x16xf32> to vector<16xf32>
      %add3A_2240 = arith.addf %get3A_2232, %get3A_2239 : vector<16xf32>
      %get3A_2241 = arith.constant 10 : i32
      %get3A_2242 = arith.index_cast %rem3A_1015 : i32 to index
      %get3A_2243 = arith.index_cast %get3A_2241 : i32 to index
      %get3A_2244 = arith.index_cast %squeeze3A_2151 : i32 to index
      %get3A_2245 = arith.constant 48 : index
      %get3A_2246 = tpu.vector_load %arg13[%get3A_2242, %get3A_2243, %get3A_2244, %get3A_2245] {strides = array<i32>} : memref<2x16x8x64xf32, #tpu.memory_space<vmem>>, vector<1x1x1x16xf32>,
      %get3A_2247 = vector.shape_cast %get3A_2246 : vector<1x1x1x16xf32> to vector<16xf32>
      %sub3A_2248 = arith.subf %add3A_2240, %get3A_2247 : vector<16xf32>
      %mul3A_2249 = arith.mulf %sub3A_2248, %sub3A_2248 : vector<16xf32>
      %add3A_2250 = arith.addf %add3A_2225, %mul3A_2249 : vector<16xf32>
      %slice3A_2251 = vector.extract_strided_slice %and3A_1080 {offsets = [11], sizes = [1], strides = [1]} : vector<16xi32> to vector<1xi32>
      %squeeze3A_2252 = vector.extract %slice3A_2251[0] : i32 from vector<1xi32>
      %slice3A_2253 = vector.extract_strided_slice %and3A_1088 {offsets = [11], sizes = [1], strides = [1]} : vector<16xi32> to vector<1xi32>
      %squeeze3A_2254 = vector.extract %slice3A_2253[0] : i32 from vector<1xi32>
      %slice3A_2255 = vector.extract_strided_slice %and3A_1096 {offsets = [11], sizes = [1], strides = [1]} : vector<16xi32> to vector<1xi32>
      %squeeze3A_2256 = vector.extract %slice3A_2255[0] : i32 from vector<1xi32>
      %get3A_2257 = arith.constant 11 : i32
      %get3A_2258 = arith.index_cast %rem3A_1015 : i32 to index
      %get3A_2259 = arith.index_cast %get3A_2257 : i32 to index
      %get3A_2260 = arith.index_cast %squeeze3A_2252 : i32 to index
      %get3A_2261 = arith.constant 0 : index
      %get3A_2262 = tpu.vector_load %arg11[%get3A_2258, %get3A_2259, %get3A_2260, %get3A_2261] {strides = array<i32>} : memref<2x16x8x64xf32, #tpu.memory_space<vmem>>, vector<1x1x1x16xf32>,
      %get3A_2263 = vector.shape_cast %get3A_2262 : vector<1x1x1x16xf32> to vector<16xf32>
      %get3A_2264 = arith.constant 11 : i32
      %get3A_2265 = arith.index_cast %rem3A_1015 : i32 to index
      %get3A_2266 = arith.index_cast %get3A_2264 : i32 to index
      %get3A_2267 = arith.index_cast %squeeze3A_2254 : i32 to index
      %get3A_2268 = arith.constant 0 : index
      %get3A_2269 = tpu.vector_load %arg12[%get3A_2265, %get3A_2266, %get3A_2267, %get3A_2268] {strides = array<i32>} : memref<2x16x8x64xf32, #tpu.memory_space<vmem>>, vector<1x1x1x16xf32>,
      %get3A_2270 = vector.shape_cast %get3A_2269 : vector<1x1x1x16xf32> to vector<16xf32>
      %add3A_2271 = arith.addf %get3A_2263, %get3A_2270 : vector<16xf32>
      %get3A_2272 = arith.constant 11 : i32
      %get3A_2273 = arith.index_cast %rem3A_1015 : i32 to index
      %get3A_2274 = arith.index_cast %get3A_2272 : i32 to index
      %get3A_2275 = arith.index_cast %squeeze3A_2256 : i32 to index
      %get3A_2276 = arith.constant 0 : index
      %get3A_2277 = tpu.vector_load %arg13[%get3A_2273, %get3A_2274, %get3A_2275, %get3A_2276] {strides = array<i32>} : memref<2x16x8x64xf32, #tpu.memory_space<vmem>>, vector<1x1x1x16xf32>,
      %get3A_2278 = vector.shape_cast %get3A_2277 : vector<1x1x1x16xf32> to vector<16xf32>
      %sub3A_2279 = arith.subf %add3A_2271, %get3A_2278 : vector<16xf32>
      %mul3A_2280 = arith.mulf %sub3A_2279, %sub3A_2279 : vector<16xf32>
      %get3A_2281 = arith.constant 11 : i32
      %get3A_2282 = arith.index_cast %rem3A_1015 : i32 to index
      %get3A_2283 = arith.index_cast %get3A_2281 : i32 to index
      %get3A_2284 = arith.index_cast %squeeze3A_2252 : i32 to index
      %get3A_2285 = arith.constant 16 : index
      %get3A_2286 = tpu.vector_load %arg11[%get3A_2282, %get3A_2283, %get3A_2284, %get3A_2285] {strides = array<i32>} : memref<2x16x8x64xf32, #tpu.memory_space<vmem>>, vector<1x1x1x16xf32>,
      %get3A_2287 = vector.shape_cast %get3A_2286 : vector<1x1x1x16xf32> to vector<16xf32>
      %get3A_2288 = arith.constant 11 : i32
      %get3A_2289 = arith.index_cast %rem3A_1015 : i32 to index
      %get3A_2290 = arith.index_cast %get3A_2288 : i32 to index
      %get3A_2291 = arith.index_cast %squeeze3A_2254 : i32 to index
      %get3A_2292 = arith.constant 16 : index
      %get3A_2293 = tpu.vector_load %arg12[%get3A_2289, %get3A_2290, %get3A_2291, %get3A_2292] {strides = array<i32>} : memref<2x16x8x64xf32, #tpu.memory_space<vmem>>, vector<1x1x1x16xf32>,
      %get3A_2294 = vector.shape_cast %get3A_2293 : vector<1x1x1x16xf32> to vector<16xf32>
      %add3A_2295 = arith.addf %get3A_2287, %get3A_2294 : vector<16xf32>
      %get3A_2296 = arith.constant 11 : i32
      %get3A_2297 = arith.index_cast %rem3A_1015 : i32 to index
      %get3A_2298 = arith.index_cast %get3A_2296 : i32 to index
      %get3A_2299 = arith.index_cast %squeeze3A_2256 : i32 to index
      %get3A_2300 = arith.constant 16 : index
      %get3A_2301 = tpu.vector_load %arg13[%get3A_2297, %get3A_2298, %get3A_2299, %get3A_2300] {strides = array<i32>} : memref<2x16x8x64xf32, #tpu.memory_space<vmem>>, vector<1x1x1x16xf32>,
      %get3A_2302 = vector.shape_cast %get3A_2301 : vector<1x1x1x16xf32> to vector<16xf32>
      %sub3A_2303 = arith.subf %add3A_2295, %get3A_2302 : vector<16xf32>
      %mul3A_2304 = arith.mulf %sub3A_2303, %sub3A_2303 : vector<16xf32>
      %add3A_2305 = arith.addf %mul3A_2280, %mul3A_2304 : vector<16xf32>
      %get3A_2306 = arith.constant 11 : i32
      %get3A_2307 = arith.index_cast %rem3A_1015 : i32 to index
      %get3A_2308 = arith.index_cast %get3A_2306 : i32 to index
      %get3A_2309 = arith.index_cast %squeeze3A_2252 : i32 to index
      %get3A_2310 = arith.constant 32 : index
      %get3A_2311 = tpu.vector_load %arg11[%get3A_2307, %get3A_2308, %get3A_2309, %get3A_2310] {strides = array<i32>} : memref<2x16x8x64xf32, #tpu.memory_space<vmem>>, vector<1x1x1x16xf32>,
      %get3A_2312 = vector.shape_cast %get3A_2311 : vector<1x1x1x16xf32> to vector<16xf32>
      %get3A_2313 = arith.constant 11 : i32
      %get3A_2314 = arith.index_cast %rem3A_1015 : i32 to index
      %get3A_2315 = arith.index_cast %get3A_2313 : i32 to index
      %get3A_2316 = arith.index_cast %squeeze3A_2254 : i32 to index
      %get3A_2317 = arith.constant 32 : index
      %get3A_2318 = tpu.vector_load %arg12[%get3A_2314, %get3A_2315, %get3A_2316, %get3A_2317] {strides = array<i32>} : memref<2x16x8x64xf32, #tpu.memory_space<vmem>>, vector<1x1x1x16xf32>,
      %get3A_2319 = vector.shape_cast %get3A_2318 : vector<1x1x1x16xf32> to vector<16xf32>
      %add3A_2320 = arith.addf %get3A_2312, %get3A_2319 : vector<16xf32>
      %get3A_2321 = arith.constant 11 : i32
      %get3A_2322 = arith.index_cast %rem3A_1015 : i32 to index
      %get3A_2323 = arith.index_cast %get3A_2321 : i32 to index
      %get3A_2324 = arith.index_cast %squeeze3A_2256 : i32 to index
      %get3A_2325 = arith.constant 32 : index
      %get3A_2326 = tpu.vector_load %arg13[%get3A_2322, %get3A_2323, %get3A_2324, %get3A_2325] {strides = array<i32>} : memref<2x16x8x64xf32, #tpu.memory_space<vmem>>, vector<1x1x1x16xf32>,
      %get3A_2327 = vector.shape_cast %get3A_2326 : vector<1x1x1x16xf32> to vector<16xf32>
      %sub3A_2328 = arith.subf %add3A_2320, %get3A_2327 : vector<16xf32>
      %mul3A_2329 = arith.mulf %sub3A_2328, %sub3A_2328 : vector<16xf32>
      %add3A_2330 = arith.addf %add3A_2305, %mul3A_2329 : vector<16xf32>
      %get3A_2331 = arith.constant 11 : i32
      %get3A_2332 = arith.index_cast %rem3A_1015 : i32 to index
      %get3A_2333 = arith.index_cast %get3A_2331 : i32 to index
      %get3A_2334 = arith.index_cast %squeeze3A_2252 : i32 to index
      %get3A_2335 = arith.constant 48 : index
      %get3A_2336 = tpu.vector_load %arg11[%get3A_2332, %get3A_2333, %get3A_2334, %get3A_2335] {strides = array<i32>} : memref<2x16x8x64xf32, #tpu.memory_space<vmem>>, vector<1x1x1x16xf32>,
      %get3A_2337 = vector.shape_cast %get3A_2336 : vector<1x1x1x16xf32> to vector<16xf32>
      %get3A_2338 = arith.constant 11 : i32
      %get3A_2339 = arith.index_cast %rem3A_1015 : i32 to index
      %get3A_2340 = arith.index_cast %get3A_2338 : i32 to index
      %get3A_2341 = arith.index_cast %squeeze3A_2254 : i32 to index
      %get3A_2342 = arith.constant 48 : index
      %get3A_2343 = tpu.vector_load %arg12[%get3A_2339, %get3A_2340, %get3A_2341, %get3A_2342] {strides = array<i32>} : memref<2x16x8x64xf32, #tpu.memory_space<vmem>>, vector<1x1x1x16xf32>,
      %get3A_2344 = vector.shape_cast %get3A_2343 : vector<1x1x1x16xf32> to vector<16xf32>
      %add3A_2345 = arith.addf %get3A_2337, %get3A_2344 : vector<16xf32>
      %get3A_2346 = arith.constant 11 : i32
      %get3A_2347 = arith.index_cast %rem3A_1015 : i32 to index
      %get3A_2348 = arith.index_cast %get3A_2346 : i32 to index
      %get3A_2349 = arith.index_cast %squeeze3A_2256 : i32 to index
      %get3A_2350 = arith.constant 48 : index
      %get3A_2351 = tpu.vector_load %arg13[%get3A_2347, %get3A_2348, %get3A_2349, %get3A_2350] {strides = array<i32>} : memref<2x16x8x64xf32, #tpu.memory_space<vmem>>, vector<1x1x1x16xf32>,
      %get3A_2352 = vector.shape_cast %get3A_2351 : vector<1x1x1x16xf32> to vector<16xf32>
      %sub3A_2353 = arith.subf %add3A_2345, %get3A_2352 : vector<16xf32>
      %mul3A_2354 = arith.mulf %sub3A_2353, %sub3A_2353 : vector<16xf32>
      %add3A_2355 = arith.addf %add3A_2330, %mul3A_2354 : vector<16xf32>
      %slice3A_2356 = vector.extract_strided_slice %and3A_1080 {offsets = [12], sizes = [1], strides = [1]} : vector<16xi32> to vector<1xi32>
      %squeeze3A_2357 = vector.extract %slice3A_2356[0] : i32 from vector<1xi32>
      %slice3A_2358 = vector.extract_strided_slice %and3A_1088 {offsets = [12], sizes = [1], strides = [1]} : vector<16xi32> to vector<1xi32>
      %squeeze3A_2359 = vector.extract %slice3A_2358[0] : i32 from vector<1xi32>
      %slice3A_2360 = vector.extract_strided_slice %and3A_1096 {offsets = [12], sizes = [1], strides = [1]} : vector<16xi32> to vector<1xi32>
      %squeeze3A_2361 = vector.extract %slice3A_2360[0] : i32 from vector<1xi32>
      %get3A_2362 = arith.constant 12 : i32
      %get3A_2363 = arith.index_cast %rem3A_1015 : i32 to index
      %get3A_2364 = arith.index_cast %get3A_2362 : i32 to index
      %get3A_2365 = arith.index_cast %squeeze3A_2357 : i32 to index
      %get3A_2366 = arith.constant 0 : index
      %get3A_2367 = tpu.vector_load %arg11[%get3A_2363, %get3A_2364, %get3A_2365, %get3A_2366] {strides = array<i32>} : memref<2x16x8x64xf32, #tpu.memory_space<vmem>>, vector<1x1x1x16xf32>,
      %get3A_2368 = vector.shape_cast %get3A_2367 : vector<1x1x1x16xf32> to vector<16xf32>
      %get3A_2369 = arith.constant 12 : i32
      %get3A_2370 = arith.index_cast %rem3A_1015 : i32 to index
      %get3A_2371 = arith.index_cast %get3A_2369 : i32 to index
      %get3A_2372 = arith.index_cast %squeeze3A_2359 : i32 to index
      %get3A_2373 = arith.constant 0 : index
      %get3A_2374 = tpu.vector_load %arg12[%get3A_2370, %get3A_2371, %get3A_2372, %get3A_2373] {strides = array<i32>} : memref<2x16x8x64xf32, #tpu.memory_space<vmem>>, vector<1x1x1x16xf32>,
      %get3A_2375 = vector.shape_cast %get3A_2374 : vector<1x1x1x16xf32> to vector<16xf32>
      %add3A_2376 = arith.addf %get3A_2368, %get3A_2375 : vector<16xf32>
      %get3A_2377 = arith.constant 12 : i32
      %get3A_2378 = arith.index_cast %rem3A_1015 : i32 to index
      %get3A_2379 = arith.index_cast %get3A_2377 : i32 to index
      %get3A_2380 = arith.index_cast %squeeze3A_2361 : i32 to index
      %get3A_2381 = arith.constant 0 : index
      %get3A_2382 = tpu.vector_load %arg13[%get3A_2378, %get3A_2379, %get3A_2380, %get3A_2381] {strides = array<i32>} : memref<2x16x8x64xf32, #tpu.memory_space<vmem>>, vector<1x1x1x16xf32>,
      %get3A_2383 = vector.shape_cast %get3A_2382 : vector<1x1x1x16xf32> to vector<16xf32>
      %sub3A_2384 = arith.subf %add3A_2376, %get3A_2383 : vector<16xf32>
      %mul3A_2385 = arith.mulf %sub3A_2384, %sub3A_2384 : vector<16xf32>
      %get3A_2386 = arith.constant 12 : i32
      %get3A_2387 = arith.index_cast %rem3A_1015 : i32 to index
      %get3A_2388 = arith.index_cast %get3A_2386 : i32 to index
      %get3A_2389 = arith.index_cast %squeeze3A_2357 : i32 to index
      %get3A_2390 = arith.constant 16 : index
      %get3A_2391 = tpu.vector_load %arg11[%get3A_2387, %get3A_2388, %get3A_2389, %get3A_2390] {strides = array<i32>} : memref<2x16x8x64xf32, #tpu.memory_space<vmem>>, vector<1x1x1x16xf32>,
      %get3A_2392 = vector.shape_cast %get3A_2391 : vector<1x1x1x16xf32> to vector<16xf32>
      %get3A_2393 = arith.constant 12 : i32
      %get3A_2394 = arith.index_cast %rem3A_1015 : i32 to index
      %get3A_2395 = arith.index_cast %get3A_2393 : i32 to index
      %get3A_2396 = arith.index_cast %squeeze3A_2359 : i32 to index
      %get3A_2397 = arith.constant 16 : index
      %get3A_2398 = tpu.vector_load %arg12[%get3A_2394, %get3A_2395, %get3A_2396, %get3A_2397] {strides = array<i32>} : memref<2x16x8x64xf32, #tpu.memory_space<vmem>>, vector<1x1x1x16xf32>,
      %get3A_2399 = vector.shape_cast %get3A_2398 : vector<1x1x1x16xf32> to vector<16xf32>
      %add3A_2400 = arith.addf %get3A_2392, %get3A_2399 : vector<16xf32>
      %get3A_2401 = arith.constant 12 : i32
      %get3A_2402 = arith.index_cast %rem3A_1015 : i32 to index
      %get3A_2403 = arith.index_cast %get3A_2401 : i32 to index
      %get3A_2404 = arith.index_cast %squeeze3A_2361 : i32 to index
      %get3A_2405 = arith.constant 16 : index
      %get3A_2406 = tpu.vector_load %arg13[%get3A_2402, %get3A_2403, %get3A_2404, %get3A_2405] {strides = array<i32>} : memref<2x16x8x64xf32, #tpu.memory_space<vmem>>, vector<1x1x1x16xf32>,
      %get3A_2407 = vector.shape_cast %get3A_2406 : vector<1x1x1x16xf32> to vector<16xf32>
      %sub3A_2408 = arith.subf %add3A_2400, %get3A_2407 : vector<16xf32>
      %mul3A_2409 = arith.mulf %sub3A_2408, %sub3A_2408 : vector<16xf32>
      %add3A_2410 = arith.addf %mul3A_2385, %mul3A_2409 : vector<16xf32>
      %get3A_2411 = arith.constant 12 : i32
      %get3A_2412 = arith.index_cast %rem3A_1015 : i32 to index
      %get3A_2413 = arith.index_cast %get3A_2411 : i32 to index
      %get3A_2414 = arith.index_cast %squeeze3A_2357 : i32 to index
      %get3A_2415 = arith.constant 32 : index
      %get3A_2416 = tpu.vector_load %arg11[%get3A_2412, %get3A_2413, %get3A_2414, %get3A_2415] {strides = array<i32>} : memref<2x16x8x64xf32, #tpu.memory_space<vmem>>, vector<1x1x1x16xf32>,
      %get3A_2417 = vector.shape_cast %get3A_2416 : vector<1x1x1x16xf32> to vector<16xf32>
      %get3A_2418 = arith.constant 12 : i32
      %get3A_2419 = arith.index_cast %rem3A_1015 : i32 to index
      %get3A_2420 = arith.index_cast %get3A_2418 : i32 to index
      %get3A_2421 = arith.index_cast %squeeze3A_2359 : i32 to index
      %get3A_2422 = arith.constant 32 : index
      %get3A_2423 = tpu.vector_load %arg12[%get3A_2419, %get3A_2420, %get3A_2421, %get3A_2422] {strides = array<i32>} : memref<2x16x8x64xf32, #tpu.memory_space<vmem>>, vector<1x1x1x16xf32>,
      %get3A_2424 = vector.shape_cast %get3A_2423 : vector<1x1x1x16xf32> to vector<16xf32>
      %add3A_2425 = arith.addf %get3A_2417, %get3A_2424 : vector<16xf32>
      %get3A_2426 = arith.constant 12 : i32
      %get3A_2427 = arith.index_cast %rem3A_1015 : i32 to index
      %get3A_2428 = arith.index_cast %get3A_2426 : i32 to index
      %get3A_2429 = arith.index_cast %squeeze3A_2361 : i32 to index
      %get3A_2430 = arith.constant 32 : index
      %get3A_2431 = tpu.vector_load %arg13[%get3A_2427, %get3A_2428, %get3A_2429, %get3A_2430] {strides = array<i32>} : memref<2x16x8x64xf32, #tpu.memory_space<vmem>>, vector<1x1x1x16xf32>,
      %get3A_2432 = vector.shape_cast %get3A_2431 : vector<1x1x1x16xf32> to vector<16xf32>
      %sub3A_2433 = arith.subf %add3A_2425, %get3A_2432 : vector<16xf32>
      %mul3A_2434 = arith.mulf %sub3A_2433, %sub3A_2433 : vector<16xf32>
      %add3A_2435 = arith.addf %add3A_2410, %mul3A_2434 : vector<16xf32>
      %get3A_2436 = arith.constant 12 : i32
      %get3A_2437 = arith.index_cast %rem3A_1015 : i32 to index
      %get3A_2438 = arith.index_cast %get3A_2436 : i32 to index
      %get3A_2439 = arith.index_cast %squeeze3A_2357 : i32 to index
      %get3A_2440 = arith.constant 48 : index
      %get3A_2441 = tpu.vector_load %arg11[%get3A_2437, %get3A_2438, %get3A_2439, %get3A_2440] {strides = array<i32>} : memref<2x16x8x64xf32, #tpu.memory_space<vmem>>, vector<1x1x1x16xf32>,
      %get3A_2442 = vector.shape_cast %get3A_2441 : vector<1x1x1x16xf32> to vector<16xf32>
      %get3A_2443 = arith.constant 12 : i32
      %get3A_2444 = arith.index_cast %rem3A_1015 : i32 to index
      %get3A_2445 = arith.index_cast %get3A_2443 : i32 to index
      %get3A_2446 = arith.index_cast %squeeze3A_2359 : i32 to index
      %get3A_2447 = arith.constant 48 : index
      %get3A_2448 = tpu.vector_load %arg12[%get3A_2444, %get3A_2445, %get3A_2446, %get3A_2447] {strides = array<i32>} : memref<2x16x8x64xf32, #tpu.memory_space<vmem>>, vector<1x1x1x16xf32>,
      %get3A_2449 = vector.shape_cast %get3A_2448 : vector<1x1x1x16xf32> to vector<16xf32>
      %add3A_2450 = arith.addf %get3A_2442, %get3A_2449 : vector<16xf32>
      %get3A_2451 = arith.constant 12 : i32
      %get3A_2452 = arith.index_cast %rem3A_1015 : i32 to index
      %get3A_2453 = arith.index_cast %get3A_2451 : i32 to index
      %get3A_2454 = arith.index_cast %squeeze3A_2361 : i32 to index
      %get3A_2455 = arith.constant 48 : index
      %get3A_2456 = tpu.vector_load %arg13[%get3A_2452, %get3A_2453, %get3A_2454, %get3A_2455] {strides = array<i32>} : memref<2x16x8x64xf32, #tpu.memory_space<vmem>>, vector<1x1x1x16xf32>,
      %get3A_2457 = vector.shape_cast %get3A_2456 : vector<1x1x1x16xf32> to vector<16xf32>
      %sub3A_2458 = arith.subf %add3A_2450, %get3A_2457 : vector<16xf32>
      %mul3A_2459 = arith.mulf %sub3A_2458, %sub3A_2458 : vector<16xf32>
      %add3A_2460 = arith.addf %add3A_2435, %mul3A_2459 : vector<16xf32>
      %slice3A_2461 = vector.extract_strided_slice %and3A_1080 {offsets = [13], sizes = [1], strides = [1]} : vector<16xi32> to vector<1xi32>
      %squeeze3A_2462 = vector.extract %slice3A_2461[0] : i32 from vector<1xi32>
      %slice3A_2463 = vector.extract_strided_slice %and3A_1088 {offsets = [13], sizes = [1], strides = [1]} : vector<16xi32> to vector<1xi32>
      %squeeze3A_2464 = vector.extract %slice3A_2463[0] : i32 from vector<1xi32>
      %slice3A_2465 = vector.extract_strided_slice %and3A_1096 {offsets = [13], sizes = [1], strides = [1]} : vector<16xi32> to vector<1xi32>
      %squeeze3A_2466 = vector.extract %slice3A_2465[0] : i32 from vector<1xi32>
      %get3A_2467 = arith.constant 13 : i32
      %get3A_2468 = arith.index_cast %rem3A_1015 : i32 to index
      %get3A_2469 = arith.index_cast %get3A_2467 : i32 to index
      %get3A_2470 = arith.index_cast %squeeze3A_2462 : i32 to index
      %get3A_2471 = arith.constant 0 : index
      %get3A_2472 = tpu.vector_load %arg11[%get3A_2468, %get3A_2469, %get3A_2470, %get3A_2471] {strides = array<i32>} : memref<2x16x8x64xf32, #tpu.memory_space<vmem>>, vector<1x1x1x16xf32>,
      %get3A_2473 = vector.shape_cast %get3A_2472 : vector<1x1x1x16xf32> to vector<16xf32>
      %get3A_2474 = arith.constant 13 : i32
      %get3A_2475 = arith.index_cast %rem3A_1015 : i32 to index
      %get3A_2476 = arith.index_cast %get3A_2474 : i32 to index
      %get3A_2477 = arith.index_cast %squeeze3A_2464 : i32 to index
      %get3A_2478 = arith.constant 0 : index
      %get3A_2479 = tpu.vector_load %arg12[%get3A_2475, %get3A_2476, %get3A_2477, %get3A_2478] {strides = array<i32>} : memref<2x16x8x64xf32, #tpu.memory_space<vmem>>, vector<1x1x1x16xf32>,
      %get3A_2480 = vector.shape_cast %get3A_2479 : vector<1x1x1x16xf32> to vector<16xf32>
      %add3A_2481 = arith.addf %get3A_2473, %get3A_2480 : vector<16xf32>
      %get3A_2482 = arith.constant 13 : i32
      %get3A_2483 = arith.index_cast %rem3A_1015 : i32 to index
      %get3A_2484 = arith.index_cast %get3A_2482 : i32 to index
      %get3A_2485 = arith.index_cast %squeeze3A_2466 : i32 to index
      %get3A_2486 = arith.constant 0 : index
      %get3A_2487 = tpu.vector_load %arg13[%get3A_2483, %get3A_2484, %get3A_2485, %get3A_2486] {strides = array<i32>} : memref<2x16x8x64xf32, #tpu.memory_space<vmem>>, vector<1x1x1x16xf32>,
      %get3A_2488 = vector.shape_cast %get3A_2487 : vector<1x1x1x16xf32> to vector<16xf32>
      %sub3A_2489 = arith.subf %add3A_2481, %get3A_2488 : vector<16xf32>
      %mul3A_2490 = arith.mulf %sub3A_2489, %sub3A_2489 : vector<16xf32>
      %get3A_2491 = arith.constant 13 : i32
      %get3A_2492 = arith.index_cast %rem3A_1015 : i32 to index
      %get3A_2493 = arith.index_cast %get3A_2491 : i32 to index
      %get3A_2494 = arith.index_cast %squeeze3A_2462 : i32 to index
      %get3A_2495 = arith.constant 16 : index
      %get3A_2496 = tpu.vector_load %arg11[%get3A_2492, %get3A_2493, %get3A_2494, %get3A_2495] {strides = array<i32>} : memref<2x16x8x64xf32, #tpu.memory_space<vmem>>, vector<1x1x1x16xf32>,
      %get3A_2497 = vector.shape_cast %get3A_2496 : vector<1x1x1x16xf32> to vector<16xf32>
      %get3A_2498 = arith.constant 13 : i32
      %get3A_2499 = arith.index_cast %rem3A_1015 : i32 to index
      %get3A_2500 = arith.index_cast %get3A_2498 : i32 to index
      %get3A_2501 = arith.index_cast %squeeze3A_2464 : i32 to index
      %get3A_2502 = arith.constant 16 : index
      %get3A_2503 = tpu.vector_load %arg12[%get3A_2499, %get3A_2500, %get3A_2501, %get3A_2502] {strides = array<i32>} : memref<2x16x8x64xf32, #tpu.memory_space<vmem>>, vector<1x1x1x16xf32>,
      %get3A_2504 = vector.shape_cast %get3A_2503 : vector<1x1x1x16xf32> to vector<16xf32>
      %add3A_2505 = arith.addf %get3A_2497, %get3A_2504 : vector<16xf32>
      %get3A_2506 = arith.constant 13 : i32
      %get3A_2507 = arith.index_cast %rem3A_1015 : i32 to index
      %get3A_2508 = arith.index_cast %get3A_2506 : i32 to index
      %get3A_2509 = arith.index_cast %squeeze3A_2466 : i32 to index
      %get3A_2510 = arith.constant 16 : index
      %get3A_2511 = tpu.vector_load %arg13[%get3A_2507, %get3A_2508, %get3A_2509, %get3A_2510] {strides = array<i32>} : memref<2x16x8x64xf32, #tpu.memory_space<vmem>>, vector<1x1x1x16xf32>,
      %get3A_2512 = vector.shape_cast %get3A_2511 : vector<1x1x1x16xf32> to vector<16xf32>
      %sub3A_2513 = arith.subf %add3A_2505, %get3A_2512 : vector<16xf32>
      %mul3A_2514 = arith.mulf %sub3A_2513, %sub3A_2513 : vector<16xf32>
      %add3A_2515 = arith.addf %mul3A_2490, %mul3A_2514 : vector<16xf32>
      %get3A_2516 = arith.constant 13 : i32
      %get3A_2517 = arith.index_cast %rem3A_1015 : i32 to index
      %get3A_2518 = arith.index_cast %get3A_2516 : i32 to index
      %get3A_2519 = arith.index_cast %squeeze3A_2462 : i32 to index
      %get3A_2520 = arith.constant 32 : index
      %get3A_2521 = tpu.vector_load %arg11[%get3A_2517, %get3A_2518, %get3A_2519, %get3A_2520] {strides = array<i32>} : memref<2x16x8x64xf32, #tpu.memory_space<vmem>>, vector<1x1x1x16xf32>,
      %get3A_2522 = vector.shape_cast %get3A_2521 : vector<1x1x1x16xf32> to vector<16xf32>
      %get3A_2523 = arith.constant 13 : i32
      %get3A_2524 = arith.index_cast %rem3A_1015 : i32 to index
      %get3A_2525 = arith.index_cast %get3A_2523 : i32 to index
      %get3A_2526 = arith.index_cast %squeeze3A_2464 : i32 to index
      %get3A_2527 = arith.constant 32 : index
      %get3A_2528 = tpu.vector_load %arg12[%get3A_2524, %get3A_2525, %get3A_2526, %get3A_2527] {strides = array<i32>} : memref<2x16x8x64xf32, #tpu.memory_space<vmem>>, vector<1x1x1x16xf32>,
      %get3A_2529 = vector.shape_cast %get3A_2528 : vector<1x1x1x16xf32> to vector<16xf32>
      %add3A_2530 = arith.addf %get3A_2522, %get3A_2529 : vector<16xf32>
      %get3A_2531 = arith.constant 13 : i32
      %get3A_2532 = arith.index_cast %rem3A_1015 : i32 to index
      %get3A_2533 = arith.index_cast %get3A_2531 : i32 to index
      %get3A_2534 = arith.index_cast %squeeze3A_2466 : i32 to index
      %get3A_2535 = arith.constant 32 : index
      %get3A_2536 = tpu.vector_load %arg13[%get3A_2532, %get3A_2533, %get3A_2534, %get3A_2535] {strides = array<i32>} : memref<2x16x8x64xf32, #tpu.memory_space<vmem>>, vector<1x1x1x16xf32>,
      %get3A_2537 = vector.shape_cast %get3A_2536 : vector<1x1x1x16xf32> to vector<16xf32>
      %sub3A_2538 = arith.subf %add3A_2530, %get3A_2537 : vector<16xf32>
      %mul3A_2539 = arith.mulf %sub3A_2538, %sub3A_2538 : vector<16xf32>
      %add3A_2540 = arith.addf %add3A_2515, %mul3A_2539 : vector<16xf32>
      %get3A_2541 = arith.constant 13 : i32
      %get3A_2542 = arith.index_cast %rem3A_1015 : i32 to index
      %get3A_2543 = arith.index_cast %get3A_2541 : i32 to index
      %get3A_2544 = arith.index_cast %squeeze3A_2462 : i32 to index
      %get3A_2545 = arith.constant 48 : index
      %get3A_2546 = tpu.vector_load %arg11[%get3A_2542, %get3A_2543, %get3A_2544, %get3A_2545] {strides = array<i32>} : memref<2x16x8x64xf32, #tpu.memory_space<vmem>>, vector<1x1x1x16xf32>,
      %get3A_2547 = vector.shape_cast %get3A_2546 : vector<1x1x1x16xf32> to vector<16xf32>
      %get3A_2548 = arith.constant 13 : i32
      %get3A_2549 = arith.index_cast %rem3A_1015 : i32 to index
      %get3A_2550 = arith.index_cast %get3A_2548 : i32 to index
      %get3A_2551 = arith.index_cast %squeeze3A_2464 : i32 to index
      %get3A_2552 = arith.constant 48 : index
      %get3A_2553 = tpu.vector_load %arg12[%get3A_2549, %get3A_2550, %get3A_2551, %get3A_2552] {strides = array<i32>} : memref<2x16x8x64xf32, #tpu.memory_space<vmem>>, vector<1x1x1x16xf32>,
      %get3A_2554 = vector.shape_cast %get3A_2553 : vector<1x1x1x16xf32> to vector<16xf32>
      %add3A_2555 = arith.addf %get3A_2547, %get3A_2554 : vector<16xf32>
      %get3A_2556 = arith.constant 13 : i32
      %get3A_2557 = arith.index_cast %rem3A_1015 : i32 to index
      %get3A_2558 = arith.index_cast %get3A_2556 : i32 to index
      %get3A_2559 = arith.index_cast %squeeze3A_2466 : i32 to index
      %get3A_2560 = arith.constant 48 : index
      %get3A_2561 = tpu.vector_load %arg13[%get3A_2557, %get3A_2558, %get3A_2559, %get3A_2560] {strides = array<i32>} : memref<2x16x8x64xf32, #tpu.memory_space<vmem>>, vector<1x1x1x16xf32>,
      %get3A_2562 = vector.shape_cast %get3A_2561 : vector<1x1x1x16xf32> to vector<16xf32>
      %sub3A_2563 = arith.subf %add3A_2555, %get3A_2562 : vector<16xf32>
      %mul3A_2564 = arith.mulf %sub3A_2563, %sub3A_2563 : vector<16xf32>
      %add3A_2565 = arith.addf %add3A_2540, %mul3A_2564 : vector<16xf32>
      %slice3A_2566 = vector.extract_strided_slice %and3A_1080 {offsets = [14], sizes = [1], strides = [1]} : vector<16xi32> to vector<1xi32>
      %squeeze3A_2567 = vector.extract %slice3A_2566[0] : i32 from vector<1xi32>
      %slice3A_2568 = vector.extract_strided_slice %and3A_1088 {offsets = [14], sizes = [1], strides = [1]} : vector<16xi32> to vector<1xi32>
      %squeeze3A_2569 = vector.extract %slice3A_2568[0] : i32 from vector<1xi32>
      %slice3A_2570 = vector.extract_strided_slice %and3A_1096 {offsets = [14], sizes = [1], strides = [1]} : vector<16xi32> to vector<1xi32>
      %squeeze3A_2571 = vector.extract %slice3A_2570[0] : i32 from vector<1xi32>
      %get3A_2572 = arith.constant 14 : i32
      %get3A_2573 = arith.index_cast %rem3A_1015 : i32 to index
      %get3A_2574 = arith.index_cast %get3A_2572 : i32 to index
      %get3A_2575 = arith.index_cast %squeeze3A_2567 : i32 to index
      %get3A_2576 = arith.constant 0 : index
      %get3A_2577 = tpu.vector_load %arg11[%get3A_2573, %get3A_2574, %get3A_2575, %get3A_2576] {strides = array<i32>} : memref<2x16x8x64xf32, #tpu.memory_space<vmem>>, vector<1x1x1x16xf32>,
      %get3A_2578 = vector.shape_cast %get3A_2577 : vector<1x1x1x16xf32> to vector<16xf32>
      %get3A_2579 = arith.constant 14 : i32
      %get3A_2580 = arith.index_cast %rem3A_1015 : i32 to index
      %get3A_2581 = arith.index_cast %get3A_2579 : i32 to index
      %get3A_2582 = arith.index_cast %squeeze3A_2569 : i32 to index
      %get3A_2583 = arith.constant 0 : index
      %get3A_2584 = tpu.vector_load %arg12[%get3A_2580, %get3A_2581, %get3A_2582, %get3A_2583] {strides = array<i32>} : memref<2x16x8x64xf32, #tpu.memory_space<vmem>>, vector<1x1x1x16xf32>,
      %get3A_2585 = vector.shape_cast %get3A_2584 : vector<1x1x1x16xf32> to vector<16xf32>
      %add3A_2586 = arith.addf %get3A_2578, %get3A_2585 : vector<16xf32>
      %get3A_2587 = arith.constant 14 : i32
      %get3A_2588 = arith.index_cast %rem3A_1015 : i32 to index
      %get3A_2589 = arith.index_cast %get3A_2587 : i32 to index
      %get3A_2590 = arith.index_cast %squeeze3A_2571 : i32 to index
      %get3A_2591 = arith.constant 0 : index
      %get3A_2592 = tpu.vector_load %arg13[%get3A_2588, %get3A_2589, %get3A_2590, %get3A_2591] {strides = array<i32>} : memref<2x16x8x64xf32, #tpu.memory_space<vmem>>, vector<1x1x1x16xf32>,
      %get3A_2593 = vector.shape_cast %get3A_2592 : vector<1x1x1x16xf32> to vector<16xf32>
      %sub3A_2594 = arith.subf %add3A_2586, %get3A_2593 : vector<16xf32>
      %mul3A_2595 = arith.mulf %sub3A_2594, %sub3A_2594 : vector<16xf32>
      %get3A_2596 = arith.constant 14 : i32
      %get3A_2597 = arith.index_cast %rem3A_1015 : i32 to index
      %get3A_2598 = arith.index_cast %get3A_2596 : i32 to index
      %get3A_2599 = arith.index_cast %squeeze3A_2567 : i32 to index
      %get3A_2600 = arith.constant 16 : index
      %get3A_2601 = tpu.vector_load %arg11[%get3A_2597, %get3A_2598, %get3A_2599, %get3A_2600] {strides = array<i32>} : memref<2x16x8x64xf32, #tpu.memory_space<vmem>>, vector<1x1x1x16xf32>,
      %get3A_2602 = vector.shape_cast %get3A_2601 : vector<1x1x1x16xf32> to vector<16xf32>
      %get3A_2603 = arith.constant 14 : i32
      %get3A_2604 = arith.index_cast %rem3A_1015 : i32 to index
      %get3A_2605 = arith.index_cast %get3A_2603 : i32 to index
      %get3A_2606 = arith.index_cast %squeeze3A_2569 : i32 to index
      %get3A_2607 = arith.constant 16 : index
      %get3A_2608 = tpu.vector_load %arg12[%get3A_2604, %get3A_2605, %get3A_2606, %get3A_2607] {strides = array<i32>} : memref<2x16x8x64xf32, #tpu.memory_space<vmem>>, vector<1x1x1x16xf32>,
      %get3A_2609 = vector.shape_cast %get3A_2608 : vector<1x1x1x16xf32> to vector<16xf32>
      %add3A_2610 = arith.addf %get3A_2602, %get3A_2609 : vector<16xf32>
      %get3A_2611 = arith.constant 14 : i32
      %get3A_2612 = arith.index_cast %rem3A_1015 : i32 to index
      %get3A_2613 = arith.index_cast %get3A_2611 : i32 to index
      %get3A_2614 = arith.index_cast %squeeze3A_2571 : i32 to index
      %get3A_2615 = arith.constant 16 : index
      %get3A_2616 = tpu.vector_load %arg13[%get3A_2612, %get3A_2613, %get3A_2614, %get3A_2615] {strides = array<i32>} : memref<2x16x8x64xf32, #tpu.memory_space<vmem>>, vector<1x1x1x16xf32>,
      %get3A_2617 = vector.shape_cast %get3A_2616 : vector<1x1x1x16xf32> to vector<16xf32>
      %sub3A_2618 = arith.subf %add3A_2610, %get3A_2617 : vector<16xf32>
      %mul3A_2619 = arith.mulf %sub3A_2618, %sub3A_2618 : vector<16xf32>
      %add3A_2620 = arith.addf %mul3A_2595, %mul3A_2619 : vector<16xf32>
      %get3A_2621 = arith.constant 14 : i32
      %get3A_2622 = arith.index_cast %rem3A_1015 : i32 to index
      %get3A_2623 = arith.index_cast %get3A_2621 : i32 to index
      %get3A_2624 = arith.index_cast %squeeze3A_2567 : i32 to index
      %get3A_2625 = arith.constant 32 : index
      %get3A_2626 = tpu.vector_load %arg11[%get3A_2622, %get3A_2623, %get3A_2624, %get3A_2625] {strides = array<i32>} : memref<2x16x8x64xf32, #tpu.memory_space<vmem>>, vector<1x1x1x16xf32>,
      %get3A_2627 = vector.shape_cast %get3A_2626 : vector<1x1x1x16xf32> to vector<16xf32>
      %get3A_2628 = arith.constant 14 : i32
      %get3A_2629 = arith.index_cast %rem3A_1015 : i32 to index
      %get3A_2630 = arith.index_cast %get3A_2628 : i32 to index
      %get3A_2631 = arith.index_cast %squeeze3A_2569 : i32 to index
      %get3A_2632 = arith.constant 32 : index
      %get3A_2633 = tpu.vector_load %arg12[%get3A_2629, %get3A_2630, %get3A_2631, %get3A_2632] {strides = array<i32>} : memref<2x16x8x64xf32, #tpu.memory_space<vmem>>, vector<1x1x1x16xf32>,
      %get3A_2634 = vector.shape_cast %get3A_2633 : vector<1x1x1x16xf32> to vector<16xf32>
      %add3A_2635 = arith.addf %get3A_2627, %get3A_2634 : vector<16xf32>
      %get3A_2636 = arith.constant 14 : i32
      %get3A_2637 = arith.index_cast %rem3A_1015 : i32 to index
      %get3A_2638 = arith.index_cast %get3A_2636 : i32 to index
      %get3A_2639 = arith.index_cast %squeeze3A_2571 : i32 to index
      %get3A_2640 = arith.constant 32 : index
      %get3A_2641 = tpu.vector_load %arg13[%get3A_2637, %get3A_2638, %get3A_2639, %get3A_2640] {strides = array<i32>} : memref<2x16x8x64xf32, #tpu.memory_space<vmem>>, vector<1x1x1x16xf32>,
      %get3A_2642 = vector.shape_cast %get3A_2641 : vector<1x1x1x16xf32> to vector<16xf32>
      %sub3A_2643 = arith.subf %add3A_2635, %get3A_2642 : vector<16xf32>
      %mul3A_2644 = arith.mulf %sub3A_2643, %sub3A_2643 : vector<16xf32>
      %add3A_2645 = arith.addf %add3A_2620, %mul3A_2644 : vector<16xf32>
      %get3A_2646 = arith.constant 14 : i32
      %get3A_2647 = arith.index_cast %rem3A_1015 : i32 to index
      %get3A_2648 = arith.index_cast %get3A_2646 : i32 to index
      %get3A_2649 = arith.index_cast %squeeze3A_2567 : i32 to index
      %get3A_2650 = arith.constant 48 : index
      %get3A_2651 = tpu.vector_load %arg11[%get3A_2647, %get3A_2648, %get3A_2649, %get3A_2650] {strides = array<i32>} : memref<2x16x8x64xf32, #tpu.memory_space<vmem>>, vector<1x1x1x16xf32>,
      %get3A_2652 = vector.shape_cast %get3A_2651 : vector<1x1x1x16xf32> to vector<16xf32>
      %get3A_2653 = arith.constant 14 : i32
      %get3A_2654 = arith.index_cast %rem3A_1015 : i32 to index
      %get3A_2655 = arith.index_cast %get3A_2653 : i32 to index
      %get3A_2656 = arith.index_cast %squeeze3A_2569 : i32 to index
      %get3A_2657 = arith.constant 48 : index
      %get3A_2658 = tpu.vector_load %arg12[%get3A_2654, %get3A_2655, %get3A_2656, %get3A_2657] {strides = array<i32>} : memref<2x16x8x64xf32, #tpu.memory_space<vmem>>, vector<1x1x1x16xf32>,
      %get3A_2659 = vector.shape_cast %get3A_2658 : vector<1x1x1x16xf32> to vector<16xf32>
      %add3A_2660 = arith.addf %get3A_2652, %get3A_2659 : vector<16xf32>
      %get3A_2661 = arith.constant 14 : i32
      %get3A_2662 = arith.index_cast %rem3A_1015 : i32 to index
      %get3A_2663 = arith.index_cast %get3A_2661 : i32 to index
      %get3A_2664 = arith.index_cast %squeeze3A_2571 : i32 to index
      %get3A_2665 = arith.constant 48 : index
      %get3A_2666 = tpu.vector_load %arg13[%get3A_2662, %get3A_2663, %get3A_2664, %get3A_2665] {strides = array<i32>} : memref<2x16x8x64xf32, #tpu.memory_space<vmem>>, vector<1x1x1x16xf32>,
      %get3A_2667 = vector.shape_cast %get3A_2666 : vector<1x1x1x16xf32> to vector<16xf32>
      %sub3A_2668 = arith.subf %add3A_2660, %get3A_2667 : vector<16xf32>
      %mul3A_2669 = arith.mulf %sub3A_2668, %sub3A_2668 : vector<16xf32>
      %add3A_2670 = arith.addf %add3A_2645, %mul3A_2669 : vector<16xf32>
      %slice3A_2671 = vector.extract_strided_slice %and3A_1080 {offsets = [15], sizes = [1], strides = [1]} : vector<16xi32> to vector<1xi32>
      %squeeze3A_2672 = vector.extract %slice3A_2671[0] : i32 from vector<1xi32>
      %slice3A_2673 = vector.extract_strided_slice %and3A_1088 {offsets = [15], sizes = [1], strides = [1]} : vector<16xi32> to vector<1xi32>
      %squeeze3A_2674 = vector.extract %slice3A_2673[0] : i32 from vector<1xi32>
      %slice3A_2675 = vector.extract_strided_slice %and3A_1096 {offsets = [15], sizes = [1], strides = [1]} : vector<16xi32> to vector<1xi32>
      %squeeze3A_2676 = vector.extract %slice3A_2675[0] : i32 from vector<1xi32>
      %get3A_2677 = arith.constant 15 : i32
      %get3A_2678 = arith.index_cast %rem3A_1015 : i32 to index
      %get3A_2679 = arith.index_cast %get3A_2677 : i32 to index
      %get3A_2680 = arith.index_cast %squeeze3A_2672 : i32 to index
      %get3A_2681 = arith.constant 0 : index
      %get3A_2682 = tpu.vector_load %arg11[%get3A_2678, %get3A_2679, %get3A_2680, %get3A_2681] {strides = array<i32>} : memref<2x16x8x64xf32, #tpu.memory_space<vmem>>, vector<1x1x1x16xf32>,
      %get3A_2683 = vector.shape_cast %get3A_2682 : vector<1x1x1x16xf32> to vector<16xf32>
      %get3A_2684 = arith.constant 15 : i32
      %get3A_2685 = arith.index_cast %rem3A_1015 : i32 to index
      %get3A_2686 = arith.index_cast %get3A_2684 : i32 to index
      %get3A_2687 = arith.index_cast %squeeze3A_2674 : i32 to index
      %get3A_2688 = arith.constant 0 : index
      %get3A_2689 = tpu.vector_load %arg12[%get3A_2685, %get3A_2686, %get3A_2687, %get3A_2688] {strides = array<i32>} : memref<2x16x8x64xf32, #tpu.memory_space<vmem>>, vector<1x1x1x16xf32>,
      %get3A_2690 = vector.shape_cast %get3A_2689 : vector<1x1x1x16xf32> to vector<16xf32>
      %add3A_2691 = arith.addf %get3A_2683, %get3A_2690 : vector<16xf32>
      %get3A_2692 = arith.constant 15 : i32
      %get3A_2693 = arith.index_cast %rem3A_1015 : i32 to index
      %get3A_2694 = arith.index_cast %get3A_2692 : i32 to index
      %get3A_2695 = arith.index_cast %squeeze3A_2676 : i32 to index
      %get3A_2696 = arith.constant 0 : index
      %get3A_2697 = tpu.vector_load %arg13[%get3A_2693, %get3A_2694, %get3A_2695, %get3A_2696] {strides = array<i32>} : memref<2x16x8x64xf32, #tpu.memory_space<vmem>>, vector<1x1x1x16xf32>,
      %get3A_2698 = vector.shape_cast %get3A_2697 : vector<1x1x1x16xf32> to vector<16xf32>
      %sub3A_2699 = arith.subf %add3A_2691, %get3A_2698 : vector<16xf32>
      %mul3A_2700 = arith.mulf %sub3A_2699, %sub3A_2699 : vector<16xf32>
      %get3A_2701 = arith.constant 15 : i32
      %get3A_2702 = arith.index_cast %rem3A_1015 : i32 to index
      %get3A_2703 = arith.index_cast %get3A_2701 : i32 to index
      %get3A_2704 = arith.index_cast %squeeze3A_2672 : i32 to index
      %get3A_2705 = arith.constant 16 : index
      %get3A_2706 = tpu.vector_load %arg11[%get3A_2702, %get3A_2703, %get3A_2704, %get3A_2705] {strides = array<i32>} : memref<2x16x8x64xf32, #tpu.memory_space<vmem>>, vector<1x1x1x16xf32>,
      %get3A_2707 = vector.shape_cast %get3A_2706 : vector<1x1x1x16xf32> to vector<16xf32>
      %get3A_2708 = arith.constant 15 : i32
      %get3A_2709 = arith.index_cast %rem3A_1015 : i32 to index
      %get3A_2710 = arith.index_cast %get3A_2708 : i32 to index
      %get3A_2711 = arith.index_cast %squeeze3A_2674 : i32 to index
      %get3A_2712 = arith.constant 16 : index
      %get3A_2713 = tpu.vector_load %arg12[%get3A_2709, %get3A_2710, %get3A_2711, %get3A_2712] {strides = array<i32>} : memref<2x16x8x64xf32, #tpu.memory_space<vmem>>, vector<1x1x1x16xf32>,
      %get3A_2714 = vector.shape_cast %get3A_2713 : vector<1x1x1x16xf32> to vector<16xf32>
      %add3A_2715 = arith.addf %get3A_2707, %get3A_2714 : vector<16xf32>
      %get3A_2716 = arith.constant 15 : i32
      %get3A_2717 = arith.index_cast %rem3A_1015 : i32 to index
      %get3A_2718 = arith.index_cast %get3A_2716 : i32 to index
      %get3A_2719 = arith.index_cast %squeeze3A_2676 : i32 to index
      %get3A_2720 = arith.constant 16 : index
      %get3A_2721 = tpu.vector_load %arg13[%get3A_2717, %get3A_2718, %get3A_2719, %get3A_2720] {strides = array<i32>} : memref<2x16x8x64xf32, #tpu.memory_space<vmem>>, vector<1x1x1x16xf32>,
      %get3A_2722 = vector.shape_cast %get3A_2721 : vector<1x1x1x16xf32> to vector<16xf32>
      %sub3A_2723 = arith.subf %add3A_2715, %get3A_2722 : vector<16xf32>
      %mul3A_2724 = arith.mulf %sub3A_2723, %sub3A_2723 : vector<16xf32>
      %add3A_2725 = arith.addf %mul3A_2700, %mul3A_2724 : vector<16xf32>
      %get3A_2726 = arith.constant 15 : i32
      %get3A_2727 = arith.index_cast %rem3A_1015 : i32 to index
      %get3A_2728 = arith.index_cast %get3A_2726 : i32 to index
      %get3A_2729 = arith.index_cast %squeeze3A_2672 : i32 to index
      %get3A_2730 = arith.constant 32 : index
      %get3A_2731 = tpu.vector_load %arg11[%get3A_2727, %get3A_2728, %get3A_2729, %get3A_2730] {strides = array<i32>} : memref<2x16x8x64xf32, #tpu.memory_space<vmem>>, vector<1x1x1x16xf32>,
      %get3A_2732 = vector.shape_cast %get3A_2731 : vector<1x1x1x16xf32> to vector<16xf32>
      %get3A_2733 = arith.constant 15 : i32
      %get3A_2734 = arith.index_cast %rem3A_1015 : i32 to index
      %get3A_2735 = arith.index_cast %get3A_2733 : i32 to index
      %get3A_2736 = arith.index_cast %squeeze3A_2674 : i32 to index
      %get3A_2737 = arith.constant 32 : index
      %get3A_2738 = tpu.vector_load %arg12[%get3A_2734, %get3A_2735, %get3A_2736, %get3A_2737] {strides = array<i32>} : memref<2x16x8x64xf32, #tpu.memory_space<vmem>>, vector<1x1x1x16xf32>,
      %get3A_2739 = vector.shape_cast %get3A_2738 : vector<1x1x1x16xf32> to vector<16xf32>
      %add3A_2740 = arith.addf %get3A_2732, %get3A_2739 : vector<16xf32>
      %get3A_2741 = arith.constant 15 : i32
      %get3A_2742 = arith.index_cast %rem3A_1015 : i32 to index
      %get3A_2743 = arith.index_cast %get3A_2741 : i32 to index
      %get3A_2744 = arith.index_cast %squeeze3A_2676 : i32 to index
      %get3A_2745 = arith.constant 32 : index
      %get3A_2746 = tpu.vector_load %arg13[%get3A_2742, %get3A_2743, %get3A_2744, %get3A_2745] {strides = array<i32>} : memref<2x16x8x64xf32, #tpu.memory_space<vmem>>, vector<1x1x1x16xf32>,
      %get3A_2747 = vector.shape_cast %get3A_2746 : vector<1x1x1x16xf32> to vector<16xf32>
      %sub3A_2748 = arith.subf %add3A_2740, %get3A_2747 : vector<16xf32>
      %mul3A_2749 = arith.mulf %sub3A_2748, %sub3A_2748 : vector<16xf32>
      %add3A_2750 = arith.addf %add3A_2725, %mul3A_2749 : vector<16xf32>
      %get3A_2751 = arith.constant 15 : i32
      %get3A_2752 = arith.index_cast %rem3A_1015 : i32 to index
      %get3A_2753 = arith.index_cast %get3A_2751 : i32 to index
      %get3A_2754 = arith.index_cast %squeeze3A_2672 : i32 to index
      %get3A_2755 = arith.constant 48 : index
      %get3A_2756 = tpu.vector_load %arg11[%get3A_2752, %get3A_2753, %get3A_2754, %get3A_2755] {strides = array<i32>} : memref<2x16x8x64xf32, #tpu.memory_space<vmem>>, vector<1x1x1x16xf32>,
      %get3A_2757 = vector.shape_cast %get3A_2756 : vector<1x1x1x16xf32> to vector<16xf32>
      %get3A_2758 = arith.constant 15 : i32
      %get3A_2759 = arith.index_cast %rem3A_1015 : i32 to index
      %get3A_2760 = arith.index_cast %get3A_2758 : i32 to index
      %get3A_2761 = arith.index_cast %squeeze3A_2674 : i32 to index
      %get3A_2762 = arith.constant 48 : index
      %get3A_2763 = tpu.vector_load %arg12[%get3A_2759, %get3A_2760, %get3A_2761, %get3A_2762] {strides = array<i32>} : memref<2x16x8x64xf32, #tpu.memory_space<vmem>>, vector<1x1x1x16xf32>,
      %get3A_2764 = vector.shape_cast %get3A_2763 : vector<1x1x1x16xf32> to vector<16xf32>
      %add3A_2765 = arith.addf %get3A_2757, %get3A_2764 : vector<16xf32>
      %get3A_2766 = arith.constant 15 : i32
      %get3A_2767 = arith.index_cast %rem3A_1015 : i32 to index
      %get3A_2768 = arith.index_cast %get3A_2766 : i32 to index
      %get3A_2769 = arith.index_cast %squeeze3A_2676 : i32 to index
      %get3A_2770 = arith.constant 48 : index
      %get3A_2771 = tpu.vector_load %arg13[%get3A_2767, %get3A_2768, %get3A_2769, %get3A_2770] {strides = array<i32>} : memref<2x16x8x64xf32, #tpu.memory_space<vmem>>, vector<1x1x1x16xf32>,
      %get3A_2772 = vector.shape_cast %get3A_2771 : vector<1x1x1x16xf32> to vector<16xf32>
      %sub3A_2773 = arith.subf %add3A_2765, %get3A_2772 : vector<16xf32>
      %mul3A_2774 = arith.mulf %sub3A_2773, %sub3A_2773 : vector<16xf32>
      %add3A_2775 = arith.addf %add3A_2750, %mul3A_2774 : vector<16xf32>
      %broadcast_in_dim3A = vector.shape_cast %xor3A_977 : vector<16xi32> to vector<16x1xi32>
      %gather3A = vector.shape_cast %broadcast_in_dim3A : vector<16x1xi32> to vector<16xi32>
      %gather3A_2776 = tpu.dynamic_gather %add3A_1200[%gather3A] in [0] : vector<16xf32>, vector<16xi32> -> vector<16xf32>
      %broadcast_in_dim3A_2777 = vector.shape_cast %xor3A_977 : vector<16xi32> to vector<16x1xi32>
      %gather3A_2778 = vector.shape_cast %broadcast_in_dim3A_2777 : vector<16x1xi32> to vector<16xi32>
      %gather3A_2779 = tpu.dynamic_gather %add3A_1305[%gather3A_2778] in [0] : vector<16xf32>, vector<16xi32> -> vector<16xf32>
      %add3A_2780 = arith.addf %add3A_1305, %gather3A_2779 : vector<16xf32>
      %add3A_2781 = arith.addf %add3A_1200, %gather3A_2776 : vector<16xf32>
      %select_n3A = arith.select %ne3A_990, %add3A_2780, %add3A_2781 : vector<16xi1>, vector<16xf32>
      %broadcast_in_dim3A_2782 = vector.shape_cast %xor3A_977 : vector<16xi32> to vector<16x1xi32>
      %gather3A_2783 = vector.shape_cast %broadcast_in_dim3A_2782 : vector<16x1xi32> to vector<16xi32>
      %gather3A_2784 = tpu.dynamic_gather %add3A_1410[%gather3A_2783] in [0] : vector<16xf32>, vector<16xi32> -> vector<16xf32>
      %broadcast_in_dim3A_2785 = vector.shape_cast %xor3A_977 : vector<16xi32> to vector<16x1xi32>
      %gather3A_2786 = vector.shape_cast %broadcast_in_dim3A_2785 : vector<16x1xi32> to vector<16xi32>
      %gather3A_2787 = tpu.dynamic_gather %add3A_1515[%gather3A_2786] in [0] : vector<16xf32>, vector<16xi32> -> vector<16xf32>
      %add3A_2788 = arith.addf %add3A_1515, %gather3A_2787 : vector<16xf32>
      %add3A_2789 = arith.addf %add3A_1410, %gather3A_2784 : vector<16xf32>
      %select_n3A_2790 = arith.select %ne3A_990, %add3A_2788, %add3A_2789 : vector<16xi1>, vector<16xf32>
      %broadcast_in_dim3A_2791 = vector.shape_cast %xor3A_977 : vector<16xi32> to vector<16x1xi32>
      %gather3A_2792 = vector.shape_cast %broadcast_in_dim3A_2791 : vector<16x1xi32> to vector<16xi32>
      %gather3A_2793 = tpu.dynamic_gather %add3A_1620[%gather3A_2792] in [0] : vector<16xf32>, vector<16xi32> -> vector<16xf32>
      %broadcast_in_dim3A_2794 = vector.shape_cast %xor3A_977 : vector<16xi32> to vector<16x1xi32>
      %gather3A_2795 = vector.shape_cast %broadcast_in_dim3A_2794 : vector<16x1xi32> to vector<16xi32>
      %gather3A_2796 = tpu.dynamic_gather %add3A_1725[%gather3A_2795] in [0] : vector<16xf32>, vector<16xi32> -> vector<16xf32>
      %add3A_2797 = arith.addf %add3A_1725, %gather3A_2796 : vector<16xf32>
      %add3A_2798 = arith.addf %add3A_1620, %gather3A_2793 : vector<16xf32>
      %select_n3A_2799 = arith.select %ne3A_990, %add3A_2797, %add3A_2798 : vector<16xi1>, vector<16xf32>
      %broadcast_in_dim3A_2800 = vector.shape_cast %xor3A_977 : vector<16xi32> to vector<16x1xi32>
      %gather3A_2801 = vector.shape_cast %broadcast_in_dim3A_2800 : vector<16x1xi32> to vector<16xi32>
      %gather3A_2802 = tpu.dynamic_gather %add3A_1830[%gather3A_2801] in [0] : vector<16xf32>, vector<16xi32> -> vector<16xf32>
      %broadcast_in_dim3A_2803 = vector.shape_cast %xor3A_977 : vector<16xi32> to vector<16x1xi32>
      %gather3A_2804 = vector.shape_cast %broadcast_in_dim3A_2803 : vector<16x1xi32> to vector<16xi32>
      %gather3A_2805 = tpu.dynamic_gather %add3A_1935[%gather3A_2804] in [0] : vector<16xf32>, vector<16xi32> -> vector<16xf32>
      %add3A_2806 = arith.addf %add3A_1935, %gather3A_2805 : vector<16xf32>
      %add3A_2807 = arith.addf %add3A_1830, %gather3A_2802 : vector<16xf32>
      %select_n3A_2808 = arith.select %ne3A_990, %add3A_2806, %add3A_2807 : vector<16xi1>, vector<16xf32>
      %broadcast_in_dim3A_2809 = vector.shape_cast %xor3A_977 : vector<16xi32> to vector<16x1xi32>
      %gather3A_2810 = vector.shape_cast %broadcast_in_dim3A_2809 : vector<16x1xi32> to vector<16xi32>
      %gather3A_2811 = tpu.dynamic_gather %add3A_2040[%gather3A_2810] in [0] : vector<16xf32>, vector<16xi32> -> vector<16xf32>
      %broadcast_in_dim3A_2812 = vector.shape_cast %xor3A_977 : vector<16xi32> to vector<16x1xi32>
      %gather3A_2813 = vector.shape_cast %broadcast_in_dim3A_2812 : vector<16x1xi32> to vector<16xi32>
      %gather3A_2814 = tpu.dynamic_gather %add3A_2145[%gather3A_2813] in [0] : vector<16xf32>, vector<16xi32> -> vector<16xf32>
      %add3A_2815 = arith.addf %add3A_2145, %gather3A_2814 : vector<16xf32>
      %add3A_2816 = arith.addf %add3A_2040, %gather3A_2811 : vector<16xf32>
      %select_n3A_2817 = arith.select %ne3A_990, %add3A_2815, %add3A_2816 : vector<16xi1>, vector<16xf32>
      %broadcast_in_dim3A_2818 = vector.shape_cast %xor3A_977 : vector<16xi32> to vector<16x1xi32>
      %gather3A_2819 = vector.shape_cast %broadcast_in_dim3A_2818 : vector<16x1xi32> to vector<16xi32>
      %gather3A_2820 = tpu.dynamic_gather %add3A_2250[%gather3A_2819] in [0] : vector<16xf32>, vector<16xi32> -> vector<16xf32>
      %broadcast_in_dim3A_2821 = vector.shape_cast %xor3A_977 : vector<16xi32> to vector<16x1xi32>
      %gather3A_2822 = vector.shape_cast %broadcast_in_dim3A_2821 : vector<16x1xi32> to vector<16xi32>
      %gather3A_2823 = tpu.dynamic_gather %add3A_2355[%gather3A_2822] in [0] : vector<16xf32>, vector<16xi32> -> vector<16xf32>
      %add3A_2824 = arith.addf %add3A_2355, %gather3A_2823 : vector<16xf32>
      %add3A_2825 = arith.addf %add3A_2250, %gather3A_2820 : vector<16xf32>
      %select_n3A_2826 = arith.select %ne3A_990, %add3A_2824, %add3A_2825 : vector<16xi1>, vector<16xf32>
      %broadcast_in_dim3A_2827 = vector.shape_cast %xor3A_977 : vector<16xi32> to vector<16x1xi32>
      %gather3A_2828 = vector.shape_cast %broadcast_in_dim3A_2827 : vector<16x1xi32> to vector<16xi32>
      %gather3A_2829 = tpu.dynamic_gather %add3A_2460[%gather3A_2828] in [0] : vector<16xf32>, vector<16xi32> -> vector<16xf32>
      %broadcast_in_dim3A_2830 = vector.shape_cast %xor3A_977 : vector<16xi32> to vector<16x1xi32>
      %gather3A_2831 = vector.shape_cast %broadcast_in_dim3A_2830 : vector<16x1xi32> to vector<16xi32>
      %gather3A_2832 = tpu.dynamic_gather %add3A_2565[%gather3A_2831] in [0] : vector<16xf32>, vector<16xi32> -> vector<16xf32>
      %add3A_2833 = arith.addf %add3A_2565, %gather3A_2832 : vector<16xf32>
      %add3A_2834 = arith.addf %add3A_2460, %gather3A_2829 : vector<16xf32>
      %select_n3A_2835 = arith.select %ne3A_990, %add3A_2833, %add3A_2834 : vector<16xi1>, vector<16xf32>
      %broadcast_in_dim3A_2836 = vector.shape_cast %xor3A_977 : vector<16xi32> to vector<16x1xi32>
      %gather3A_2837 = vector.shape_cast %broadcast_in_dim3A_2836 : vector<16x1xi32> to vector<16xi32>
      %gather3A_2838 = tpu.dynamic_gather %add3A_2670[%gather3A_2837] in [0] : vector<16xf32>, vector<16xi32> -> vector<16xf32>
      %broadcast_in_dim3A_2839 = vector.shape_cast %xor3A_977 : vector<16xi32> to vector<16x1xi32>
      %gather3A_2840 = vector.shape_cast %broadcast_in_dim3A_2839 : vector<16x1xi32> to vector<16xi32>
      %gather3A_2841 = tpu.dynamic_gather %add3A_2775[%gather3A_2840] in [0] : vector<16xf32>, vector<16xi32> -> vector<16xf32>
      %add3A_2842 = arith.addf %add3A_2775, %gather3A_2841 : vector<16xf32>
      %add3A_2843 = arith.addf %add3A_2670, %gather3A_2838 : vector<16xf32>
      %select_n3A_2844 = arith.select %ne3A_990, %add3A_2842, %add3A_2843 : vector<16xi1>, vector<16xf32>
      %broadcast_in_dim3A_2845 = vector.shape_cast %xor3A_980 : vector<16xi32> to vector<16x1xi32>
      %gather3A_2846 = vector.shape_cast %broadcast_in_dim3A_2845 : vector<16x1xi32> to vector<16xi32>
      %gather3A_2847 = tpu.dynamic_gather %select_n3A[%gather3A_2846] in [0] : vector<16xf32>, vector<16xi32> -> vector<16xf32>
      %broadcast_in_dim3A_2848 = vector.shape_cast %xor3A_980 : vector<16xi32> to vector<16x1xi32>
      %gather3A_2849 = vector.shape_cast %broadcast_in_dim3A_2848 : vector<16x1xi32> to vector<16xi32>
      %gather3A_2850 = tpu.dynamic_gather %select_n3A_2790[%gather3A_2849] in [0] : vector<16xf32>, vector<16xi32> -> vector<16xf32>
      %add3A_2851 = arith.addf %select_n3A_2790, %gather3A_2850 : vector<16xf32>
      %add3A_2852 = arith.addf %select_n3A, %gather3A_2847 : vector<16xf32>
      %select_n3A_2853 = arith.select %ne3A_996, %add3A_2851, %add3A_2852 : vector<16xi1>, vector<16xf32>
      %broadcast_in_dim3A_2854 = vector.shape_cast %xor3A_980 : vector<16xi32> to vector<16x1xi32>
      %gather3A_2855 = vector.shape_cast %broadcast_in_dim3A_2854 : vector<16x1xi32> to vector<16xi32>
      %gather3A_2856 = tpu.dynamic_gather %select_n3A_2799[%gather3A_2855] in [0] : vector<16xf32>, vector<16xi32> -> vector<16xf32>
      %broadcast_in_dim3A_2857 = vector.shape_cast %xor3A_980 : vector<16xi32> to vector<16x1xi32>
      %gather3A_2858 = vector.shape_cast %broadcast_in_dim3A_2857 : vector<16x1xi32> to vector<16xi32>
      %gather3A_2859 = tpu.dynamic_gather %select_n3A_2808[%gather3A_2858] in [0] : vector<16xf32>, vector<16xi32> -> vector<16xf32>
      %add3A_2860 = arith.addf %select_n3A_2808, %gather3A_2859 : vector<16xf32>
      %add3A_2861 = arith.addf %select_n3A_2799, %gather3A_2856 : vector<16xf32>
      %select_n3A_2862 = arith.select %ne3A_996, %add3A_2860, %add3A_2861 : vector<16xi1>, vector<16xf32>
      %broadcast_in_dim3A_2863 = vector.shape_cast %xor3A_980 : vector<16xi32> to vector<16x1xi32>
      %gather3A_2864 = vector.shape_cast %broadcast_in_dim3A_2863 : vector<16x1xi32> to vector<16xi32>
      %gather3A_2865 = tpu.dynamic_gather %select_n3A_2817[%gather3A_2864] in [0] : vector<16xf32>, vector<16xi32> -> vector<16xf32>
      %broadcast_in_dim3A_2866 = vector.shape_cast %xor3A_980 : vector<16xi32> to vector<16x1xi32>
      %gather3A_2867 = vector.shape_cast %broadcast_in_dim3A_2866 : vector<16x1xi32> to vector<16xi32>
      %gather3A_2868 = tpu.dynamic_gather %select_n3A_2826[%gather3A_2867] in [0] : vector<16xf32>, vector<16xi32> -> vector<16xf32>
      %add3A_2869 = arith.addf %select_n3A_2826, %gather3A_2868 : vector<16xf32>
      %add3A_2870 = arith.addf %select_n3A_2817, %gather3A_2865 : vector<16xf32>
      %select_n3A_2871 = arith.select %ne3A_996, %add3A_2869, %add3A_2870 : vector<16xi1>, vector<16xf32>
      %broadcast_in_dim3A_2872 = vector.shape_cast %xor3A_980 : vector<16xi32> to vector<16x1xi32>
      %gather3A_2873 = vector.shape_cast %broadcast_in_dim3A_2872 : vector<16x1xi32> to vector<16xi32>
      %gather3A_2874 = tpu.dynamic_gather %select_n3A_2835[%gather3A_2873] in [0] : vector<16xf32>, vector<16xi32> -> vector<16xf32>
      %broadcast_in_dim3A_2875 = vector.shape_cast %xor3A_980 : vector<16xi32> to vector<16x1xi32>
      %gather3A_2876 = vector.shape_cast %broadcast_in_dim3A_2875 : vector<16x1xi32> to vector<16xi32>
      %gather3A_2877 = tpu.dynamic_gather %select_n3A_2844[%gather3A_2876] in [0] : vector<16xf32>, vector<16xi32> -> vector<16xf32>
      %add3A_2878 = arith.addf %select_n3A_2844, %gather3A_2877 : vector<16xf32>
      %add3A_2879 = arith.addf %select_n3A_2835, %gather3A_2874 : vector<16xf32>
      %select_n3A_2880 = arith.select %ne3A_996, %add3A_2878, %add3A_2879 : vector<16xi1>, vector<16xf32>
      %broadcast_in_dim3A_2881 = vector.shape_cast %xor3A_983 : vector<16xi32> to vector<16x1xi32>
      %gather3A_2882 = vector.shape_cast %broadcast_in_dim3A_2881 : vector<16x1xi32> to vector<16xi32>
      %gather3A_2883 = tpu.dynamic_gather %select_n3A_2853[%gather3A_2882] in [0] : vector<16xf32>, vector<16xi32> -> vector<16xf32>
      %broadcast_in_dim3A_2884 = vector.shape_cast %xor3A_983 : vector<16xi32> to vector<16x1xi32>
      %gather3A_2885 = vector.shape_cast %broadcast_in_dim3A_2884 : vector<16x1xi32> to vector<16xi32>
      %gather3A_2886 = tpu.dynamic_gather %select_n3A_2862[%gather3A_2885] in [0] : vector<16xf32>, vector<16xi32> -> vector<16xf32>
      %add3A_2887 = arith.addf %select_n3A_2862, %gather3A_2886 : vector<16xf32>
      %add3A_2888 = arith.addf %select_n3A_2853, %gather3A_2883 : vector<16xf32>
      %select_n3A_2889 = arith.select %ne3A_1002, %add3A_2887, %add3A_2888 : vector<16xi1>, vector<16xf32>
      %broadcast_in_dim3A_2890 = vector.shape_cast %xor3A_983 : vector<16xi32> to vector<16x1xi32>
      %gather3A_2891 = vector.shape_cast %broadcast_in_dim3A_2890 : vector<16x1xi32> to vector<16xi32>
      %gather3A_2892 = tpu.dynamic_gather %select_n3A_2871[%gather3A_2891] in [0] : vector<16xf32>, vector<16xi32> -> vector<16xf32>
      %broadcast_in_dim3A_2893 = vector.shape_cast %xor3A_983 : vector<16xi32> to vector<16x1xi32>
      %gather3A_2894 = vector.shape_cast %broadcast_in_dim3A_2893 : vector<16x1xi32> to vector<16xi32>
      %gather3A_2895 = tpu.dynamic_gather %select_n3A_2880[%gather3A_2894] in [0] : vector<16xf32>, vector<16xi32> -> vector<16xf32>
      %add3A_2896 = arith.addf %select_n3A_2880, %gather3A_2895 : vector<16xf32>
      %add3A_2897 = arith.addf %select_n3A_2871, %gather3A_2892 : vector<16xf32>
      %select_n3A_2898 = arith.select %ne3A_1002, %add3A_2896, %add3A_2897 : vector<16xi1>, vector<16xf32>
      %broadcast_in_dim3A_2899 = vector.shape_cast %xor3A_986 : vector<16xi32> to vector<16x1xi32>
      %gather3A_2900 = vector.shape_cast %broadcast_in_dim3A_2899 : vector<16x1xi32> to vector<16xi32>
      %gather3A_2901 = tpu.dynamic_gather %select_n3A_2889[%gather3A_2900] in [0] : vector<16xf32>, vector<16xi32> -> vector<16xf32>
      %broadcast_in_dim3A_2902 = vector.shape_cast %xor3A_986 : vector<16xi32> to vector<16x1xi32>
      %gather3A_2903 = vector.shape_cast %broadcast_in_dim3A_2902 : vector<16x1xi32> to vector<16xi32>
      %gather3A_2904 = tpu.dynamic_gather %select_n3A_2898[%gather3A_2903] in [0] : vector<16xf32>, vector<16xi32> -> vector<16xf32>
      %add3A_2905 = arith.addf %select_n3A_2898, %gather3A_2904 : vector<16xf32>
      %add3A_2906 = arith.addf %select_n3A_2889, %gather3A_2901 : vector<16xf32>
      %select_n3A_2907 = arith.select %ne3A_1008, %add3A_2905, %add3A_2906 : vector<16xi1>, vector<16xf32>
      %max3A = arith.constant 1.000000e-30 : f32
      %max3A_2908 = vector.broadcast %max3A : f32 to vector<16xf32>
      %max3A_2909 = arith.maximumf %select_n3A_2907, %max3A_2908 : vector<16xf32>
      %bitcast_convert_type3A = tpu.bitcast %max3A_2909 : vector<16xf32> -> vector<16xi32>
      %broadcast_in_dim3A_2910 = arith.constant 1 : i32
      %broadcast_in_dim3A_2911 = vector.broadcast %broadcast_in_dim3A_2910 : i32 to vector<16xi32>
      %shift_right_logical3A = arith.shrui %bitcast_convert_type3A, %broadcast_in_dim3A_2911 : vector<16xi32>
      %sub3A_2912 = arith.constant 1597463007 : i32
      %sub3A_2913 = vector.broadcast %sub3A_2912 : i32 to vector<16xi32>
      %sub3A_2914 = arith.subi %sub3A_2913, %shift_right_logical3A : vector<16xi32>
      %bitcast_convert_type3A_2915 = tpu.bitcast %sub3A_2914 : vector<16xi32> -> vector<16xf32>
      %mul3A_2916 = arith.constant 5.000000e-01 : f32
      %mul3A_2917 = vector.broadcast %mul3A_2916 : f32 to vector<16xf32>
      %mul3A_2918 = arith.mulf %mul3A_2917, %max3A_2909 : vector<16xf32>
      %mul3A_2919 = arith.mulf %mul3A_2918, %bitcast_convert_type3A_2915 : vector<16xf32>
      %mul3A_2920 = arith.mulf %mul3A_2919, %bitcast_convert_type3A_2915 : vector<16xf32>
      %sub3A_2921 = arith.constant 1.500000e+00 : f32
      %sub3A_2922 = vector.broadcast %sub3A_2921 : f32 to vector<16xf32>
      %sub3A_2923 = arith.subf %sub3A_2922, %mul3A_2920 : vector<16xf32>
      %mul3A_2924 = arith.mulf %bitcast_convert_type3A_2915, %sub3A_2923 : vector<16xf32>
      %mul3A_2925 = arith.mulf %mul3A_2918, %mul3A_2924 : vector<16xf32>
      %mul3A_2926 = arith.mulf %mul3A_2925, %mul3A_2924 : vector<16xf32>
      %sub3A_2927 = arith.constant 1.500000e+00 : f32
      %sub3A_2928 = vector.broadcast %sub3A_2927 : f32 to vector<16xf32>
      %sub3A_2929 = arith.subf %sub3A_2928, %mul3A_2926 : vector<16xf32>
      %mul3A_2930 = arith.mulf %mul3A_2924, %sub3A_2929 : vector<16xf32>
      %mul3A_2931 = arith.mulf %mul3A_2918, %mul3A_2930 : vector<16xf32>
      %mul3A_2932 = arith.mulf %mul3A_2931, %mul3A_2930 : vector<16xf32>
      %sub3A_2933 = arith.constant 1.500000e+00 : f32
      %sub3A_2934 = vector.broadcast %sub3A_2933 : f32 to vector<16xf32>
      %sub3A_2935 = arith.subf %sub3A_2934, %mul3A_2932 : vector<16xf32>
      %mul3A_2936 = arith.mulf %mul3A_2930, %sub3A_2935 : vector<16xf32>
      %mul3A_2937 = arith.mulf %max3A_2909, %mul3A_2936 : vector<16xf32>
      %mul3A_2938 = arith.constant 16 : i32
      %mul3A_2939 = arith.muli %scan3A_1014, %mul3A_2938 : i32
      %swap3A = arith.index_cast %mul3A_2939 : i32 to index
      %swap3A_2940 = tpu.vector_load %arg14[%swap3A] {strides = array<i32>} : memref<512xf32, #tpu.memory_space<vmem>>, vector<16xf32>,
      %swap3A_2941 = vector.shape_cast %swap3A_2940 : vector<16xf32> to vector<16xf32>
      %swap3A_2942 = vector.shape_cast %mul3A_2937 : vector<16xf32> to vector<16xf32>
      tpu.vector_store %arg14[%swap3A], %swap3A_2942 {strides = array<i32>} : memref<512xf32, #tpu.memory_space<vmem>>, vector<16xf32>,
    }
    %scan3A_1013 = arith.constant 32 : i32
    "tpu.region"() ({
      %run_scoped3A = tpu.sem_alloc : memref<!tpu.dma_semaphore, #tpu.memory_space<semaphore_mem>>
      %dma_start3A_1014 = tpu.memref_slice %arg7[%mul3A_2] : memref<16384xf32, #tpu.memory_space<hbm>> -> memref<512xf32, #tpu.memory_space<hbm>>
      %dma_start3A_1015 = tpu.memref_slice %arg7[%mul3A_2] : memref<16384xf32, #tpu.memory_space<hbm>> -> memref<512xf32, #tpu.memory_space<hbm>>
      tpu.enqueue_dma source(%arg14 : memref<512xf32, #tpu.memory_space<vmem>>) target(%dma_start3A_1015 : memref<512xf32, #tpu.memory_space<hbm>>) target_semaphore(%run_scoped3A : memref<!tpu.dma_semaphore, #tpu.memory_space<semaphore_mem>>)
      %dma_wait3A = tpu.memref_slice %arg7[%mul3A_2] : memref<16384xf32, #tpu.memory_space<hbm>> -> memref<512xf32, #tpu.memory_space<hbm>>
      %dma_wait3A_1016 = tpu.memref_slice %arg7[%mul3A_2] : memref<16384xf32, #tpu.memory_space<hbm>> -> memref<512xf32, #tpu.memory_space<hbm>>
      tpu.wait_dma2 semaphore(%run_scoped3A : memref<!tpu.dma_semaphore, #tpu.memory_space<semaphore_mem>>) src(%arg14 : memref<512xf32, #tpu.memory_space<vmem>>) dst(%dma_wait3A_1016 : memref<512xf32, #tpu.memory_space<hbm>>)
      tpu.yield
    }) : () -> ()
    return
  }
}

</mosaic_0001>

<sc_bundles>
// kernel: kernel.3.cloned.1.call-start
scs
__scs_entry_jumppad:
0x0: {  	(pc) =	sbr.rel $0x88, $3  }
0x1: {  	(tag) =	ssettag $0x0;
	lr =	simm.s32 $0x1  }
0x2: {  	[smem:$0x3F9C] =	sst lr;
	_ =	strace $0xD0000000  }
0x3: {  	_ = 	snop  }
0x4: {  	_ = 	snop  }
0x5: {  	_ = 	snop  }
0x6: {  	_ = 	snop  }
0x7: {  	_ = 	snop  }
__scs_overlays_trampoline_lowered:
0x8: {  	[smem:$0x3FAB] =	sst s0  }
0x9: {  	[smem:$0x3FAC] =	sst s1  }
0xa: {  	[smem:$0x3FAD] =	sst s2  }
0xb: {  	[smem:$0x3FAE] =	sst s3  }
0xc: {  	[smem:$0x3FAF] =	sst s4  }
0xd: {  	[smem:$0x3FB0] =	sst s5  }
0xe: {  	[smem:$0x3FB1] =	sst s6  }
0xf: {  	[smem:$0x3FB2] =	sst s7  }
0x10: {  	[smem:$0x3FB3] =	sst s8  }
0x11: {  	[smem:$0x3FB4] =	sst s9;
	s0 =	simm.s32 @!p0 $0x0  }
0x12: {  	s1 =	sld [smem:$0x3F9A];
	s0 =	simm.s32 @p0 $0x1  }
0x13: {  	[smem:$0x3FB5] =	sst s0;
	s0 =	simm.s32 @!p1 $0x0  }
0x14: {  	s2 =	sld [smem:$0x3F99];
	s0 =	simm.s32 @p1 $0x1  }
0x15: {  	[smem:$0x3FB6] =	sst s0;
	s0 =	simm.s32 @!p2 $0x0  }
0x16: {  	s3 =	sld [smem:$0x3FDB];
	s0 =	simm.s32 @p2 $0x1  }
0x17: {  	s4 =	simm.s32 $0x1BF5;
	[smem:$0x3FB8] =	sst s0  }
0x18: {  	s0 =	sld [smem:$0x3F9B];
	_ =	swait.ge [sflag:s4], $0x0  }
0x19: {  	s7 =	sld [smem:$0x3F9C]  }
0x1a: {  	s8 =	sadd.s32 $0xFFFFE003, lr  }
0x1b: {  	s9 =	sadd.s32 $0xFFFFFEF7, lr;
	s5 =	simm.s32 $0xFFFFFFFF;
	p2 =	slt.u32 s8, $0xFFFFF086  }
0x1c: {  	p1 =	slt.u32 s9, $0xF7A;
	s5 =	simm.s32 @!p2 $0x0  }
0x1d: {  	s5 =	simm.s32 @p1 $0x1;
	p0 =	seq.s32 s7, s2  }
0x1e: {  	s7 =	smul.u32 @!p0 $0xF7A, s2;
	p2 =	seq.s32 @!p0 s5, $0x0  }
0x1f: {  	s9 =	smul.u32 $0xF7A, s1;
	s8 =	simm.s32 @!p0 $0x1BF5;
	p2 =	por !p2, p0  }
0x20: {  	[sflag:s8] =	ssyncset.s32 @!p0 $0xFFFFF086;
	s6 =	sadd.s32 @!p0 s3, s7;
	s7 =	simm.s32 @!p0 $0x108  }
0x21: {  	s3 =	sadd.s32 s3, s9;
	s6 =	sadd.s32 @!p0 $0x88, s6;
	s7 =	simm.s32 @p2 $0x1082  }
0x22: {  	[simem:s7], [sflag:s8] =	dma.local @!p0 [hbm:s6], $0xF7A  }
0x23: {  	s9 =	sor.u32 $0xD0000000, s2;
	s6 =	simm.s32 $0x108;
	_ =	swait.ge @!p0 [sflag:s8], $0x0  }
0x24: {  	s3 =	sadd.s32 $0x88, s3;
	s6 =	simm.s32 @!p1 $0x1082;
	[sflag:s4] =	ssyncset.s32 $0xFFFFF086  }
0x25: {  	[simem:s6], [sflag:s4] =	dma.local [hbm:s3], $0xF7A  }
0x26: {  	[smem:$0x3F9C] =	sst s1;
	(tag) =	ssettag s2;
	_ =	strace s9  }
0x27: {  	s1 =	sld [smem:$0x3FAC]  }
0x28: {  	s2 =	sld [smem:$0x3FAD]  }
0x29: {  	s4 =	sld [smem:$0x3FAF]  }
0x2a: {  	p0 =	seq.s32 s5, $0x0;
	s5 =	sld [smem:$0x3FB0]  }
0x2b: {  	s6 =	sld [smem:$0x3FB1]  }
0x2c: {  	s7 =	sld [smem:$0x3FB2]  }
0x2d: {  	s3 =	simm.s32 $0x108;
	s8 =	sld [smem:$0x3FB3]  }
0x2e: {  	s3 =	simm.s32 @!p0 $0x1082;
	s9 =	sld [smem:$0x3FB4]  }
0x2f: {  	lr =	sadd.s32 s0, s3;
	s0 =	sld [smem:$0x3FAB]  }
0x30: {  	s3 =	sld [smem:$0x3FAE]  }
0x31: {  	[smem:$0x3FB7] =	sst s10  }
0x32: {  	s10 =	sld [smem:$0x3FB5];
	_ =	sdelay $0x3  }
0x33: {  	p0 =	seq.s32 s10, $0x1;
	s10 =	sld [smem:$0x3FB7];
	_ =	sdelay $0x3  }
0x34: {  	[smem:$0x3FB7] =	sst s10  }
0x35: {  	s10 =	sld [smem:$0x3FB6];
	_ =	sdelay $0x3  }
0x36: {  	p1 =	seq.s32 s10, $0x1;
	s10 =	sld [smem:$0x3FB7];
	_ =	sdelay $0x3  }
0x37: {  	[smem:$0x3FB7] =	sst s10  }
0x38: {  	s10 =	sld [smem:$0x3FB8]  }
0x39: {  	_ = 	snop;
	(pc) =	sbr.ind lr, $3  }
0x3a: {  	_ = 	snop  }
0x3b: {  	_ = 	snop  }
0x3c: {  	p2 =	seq.s32 s10, $0x1;
	s10 =	sld [smem:$0x3FB7]  }
0x3d: {  	_ =	shalt  }
0x3e: {  	_ =	shalt  }
0x3f: {  	_ =	shalt  }
0x40: {  	_ =	shalt  }
0x41: {  	_ =	shalt  }
0x42: {  	_ =	shalt  }
0x43: {  	_ =	shalt  }
0x44: {  	_ =	shalt  }
0x45: {  	_ =	shalt  }
0x46: {  	_ =	shalt  }
0x47: {  	_ =	shalt  }
0x48: {  	_ =	shalt  }
0x49: {  	_ =	shalt  }
0x4a: {  	_ =	shalt  }
0x4b: {  	_ =	shalt  }
0x4c: {  	_ =	shalt  }
0x4d: {  	_ =	shalt  }
0x4e: {  	_ =	shalt  }
0x4f: {  	_ =	shalt  }
0x50: {  	_ =	shalt  }
0x51: {  	_ =	shalt  }
0x52: {  	_ =	shalt  }
0x53: {  	_ =	shalt  }
0x54: {  	_ =	shalt  }
0x55: {  	_ =	shalt  }
0x56: {  	_ =	shalt  }
0x57: {  	_ =	shalt  }
0x58: {  	_ =	shalt  }
0x59: {  	_ =	shalt  }
0x5a: {  	_ =	shalt  }
0x5b: {  	_ =	shalt  }
0x5c: {  	_ =	shalt  }
0x5d: {  	_ =	shalt  }
0x5e: {  	_ =	shalt  }
0x5f: {  	_ =	shalt  }
0x60: {  	_ =	shalt  }
0x61: {  	_ =	shalt  }
0x62: {  	_ =	shalt  }
0x63: {  	_ =	shalt  }
0x64: {  	_ =	shalt  }
0x65: {  	_ =	shalt  }
0x66: {  	_ =	shalt  }
0x67: {  	_ =	shalt  }
0x68: {  	_ =	shalt  }
0x69: {  	_ =	shalt  }
0x6a: {  	_ =	shalt  }
0x6b: {  	_ =	shalt  }
0x6c: {  	_ =	shalt  }
0x6d: {  	_ =	shalt  }
0x6e: {  	_ =	shalt  }
0x6f: {  	_ =	shalt  }
0x70: {  	_ =	shalt  }
0x71: {  	_ =	shalt  }
0x72: {  	_ =	shalt  }
0x73: {  	_ =	shalt  }
0x74: {  	_ =	shalt  }
0x75: {  	_ =	shalt  }
0x76: {  	_ =	shalt  }
0x77: {  	_ =	shalt  }
0x78: {  	_ =	shalt  }
0x79: {  	_ =	shalt  }
0x7a: {  	_ =	shalt  }
0x7b: {  	_ =	shalt  }
0x7c: {  	_ =	shalt  }
0x7d: {  	_ =	shalt  }
0x7e: {  	_ =	shalt  }
0x7f: {  	_ =	shalt  }
0x80: {  	_ =	shalt  }
0x81: {  	_ =	shalt  }
0x82: {  	_ =	shalt  }
0x83: {  	_ =	shalt  }
0x84: {  	_ =	shalt  }
0x85: {  	_ =	shalt  }
0x86: {  	_ =	shalt  }
0x87: {  	_ =	shalt  }
.Lfunc_end0:
.L_simem_size_0:
called_computation_lowered:
.L_overlay_start_0:
0x88: {  	s2 =	sld [smem:$0x3FD9]  }
0x89: {  	s3 =	sld [smem:$0x3FFE];
	_ =	sdelay $0x1  }
0x8a: {  	s1 =	srdreg.scid  }
0x8b: {  	s0 =	sand.u32 $0x1, s1  }
0x8c: {  	s17 =	sshll.u32 s0, $0xA;
	s2 =	sadd.s32 s3, s2  }
0x8d: {  	s2 =	sadd.s32 s2, s17  }
0x8e: {  	[smem:$0x3FC3] =	sst s2  }
0x8f: {  	_ = 	snop  }
0x90: {  	s2 =	sld [smem:$0x3FC9]  }
0x91: {  	s18 =	sld [smem:$0x3FC8]  }
0x92: {  	s4 =	sld [smem:$0x3FC7]  }
0x93: {  	s5 =	sld [smem:$0x3FD0];
	(tm) =	ssettm $0x1  }
0x94: {  	s6 =	sld [smem:$0x3FFB];
	_ =	sdelay $0x3  }
0x95: {  	_ =	strace s6  }
0x96: {  	s6 =	sld [smem:$0x3FFC];
	_ =	sdelay $0x3  }
0x97: {  	_ =	strace s6  }
0x98: {  	s6 =	sld [smem:$0x3FFD];
	_ =	sdelay $0x3  }
0x99: {  	_ =	strace s6  }
0x9a: {  	_ =	strace $0x8FFFFFFF  }
0x9b: {  	s19 =	sld [smem:$0x3FDB];
	_ =	sdelay $0x1  }
0x9c: {  	s7 =	simm.s32 $_scs_section_size  }
0x9d: {  	s8 =	simm.s32 $_size__tile_overlayer_lowered;
	s9 =	simm.s32 $_tile_overlayer_lowered  }
0x9e: {  	s22 =	simm.s32 $0x1BFF;
	s21 =	sshll.u32 s9, $0x1;
	s6 =	sadd.s32 s7, s19  }
0x9f: {  	s10 =	simm.s32 $0x0;
	s20 =	sshll.u32 s8, $0x1;
	s8 =	sadd.s32 s21, s6  }
0xa0: {  	[timem:s10], [sflag:s22] =	dma.local [hbm:s8], s20  }
0xa1: {  	_ =	swait.ge [sflag:s22], s20  }
0xa2: {  	s7 =	ssub.s32 $0x0, s20;
	[sflag:s22] =	ssyncset.done $0x0  }
0xa3: {  	[sflag:s22] =	ssyncadd.s32 s7;
	_ =	sdelay $0x1  }
0xa4: {  	s23 =	simm.s32 $0x1B8B  }
0xa5: {  	_ =	swait.ge [sflag:s23], $0x1  }
0xa6: {  	[sflag:s23] =	ssyncset.done $0x0  }
0xa7: {  	s25 =	simm.s32 $0x1B8E;
	s24 =	sld [smem:$0x3FFE];
	[sflag:s23] =	ssyncadd.s32 $0xFFFFFFFF  }
0xa8: {  	s26 =	simm.s32 $execute0_lowered;
	[smem:$0x3FD2] =	sst s25  }
0xa9: {  	s8 =	sshll.u32 s26, $0x1;
	_ =	strace $0x80000046;
	[dreg:$0x1] =	wrdreg $0xFFFFFFFF  }
0xaa: {  	s28 =	simm.s32 $_size_execute0_lowered;
	s6 =	sadd.s32 s6, s8;
	[dreg:$0x0] =	wrdreg $0x0  }
0xab: {  	s8 =	sshll.u32 s28, $0x1;
	[dreg:$0x2] =	wrdreg s6  }
0xac: {  	[dreg:$0x3] =	wrdreg s8  }
0xad: {  	[dreg:$0x4] =	wrdreg $0xC0  }
0xae: {  	_ =	task [dreg:s10], $0x5FFFF  }
0xaf: {  	[dreg:$0x1] =	wrdreg $0xFFFFFFFF  }
0xb0: {  	[dreg:$0x0] =	wrdreg $0x60  }
0xb1: {  	[dreg:$0x2] =	wrdreg s2  }
0xb2: {  	[dreg:$0x3] =	wrdreg s18  }
0xb3: {  	[dreg:$0x4] =	wrdreg s4  }
0xb4: {  	[dreg:$0x5] =	wrdreg s24  }
0xb5: {  	[dreg:$0x6] =	wrdreg s5  }
0xb6: {  	[dreg:$0x7] =	wrdreg $0x9  }
0xb7: {  	_ =	task.clear_ibuf [dreg:s10], $0x8FFFF;
	_ =	strace $0x90000046  }
0xb8: {  	s29 =	simm.s32 $0x9;
	_ =	strace $0x80000048  }
0xb9: {  	_ =	swait.ge [sflag:s29], $0x1  }
0xba: {  	[sflag:s29] =	ssyncadd.s32 $0xFFFFFFFF  }
0xbb: {  	_ =	strace $0x90000048  }
0xbc: {  	_ =	sfence  }
0xbd: {  	s30 =	sld [smem:$0x0];
	_ =	sdelay $0x2  }
0xbe: {  	s31 =	sshll.u32 s1, $0xD;
	s1 =	sshrl.u32 s1, $0x2  }
0xbf: {  	s3 =	sand.u32 $0x4000, s31;
	s1 =	sadd.s32 s1, s30  }
0xc0: {  	s0 =	sor.u32 s3, s0;
	s1 =	sshll.u32 s1, $0x11  }
0xc1: {  	s0 =	sor.u32 s1, s0  }
0xc2: {  	s0 =	sadd.s32 $0x8F2B, s0  }
0xc3: {  	[sflag:s0] =	ssyncadd.remote.s32 $0x1  }
0xc4: {  	_ =	sfence.sel $0xFFFF  }
0xc5: {  	[dreg:$0x0] =	wrdreg $0xFFFFFFFF;
	(pc) =	sbr.abs _section_cstart, $3  }
0xc6: {  	[dreg:$0x1] =	wrdreg $0xFFFFFFFF  }
0xc7: {  	_ =	task.clear_ibuf [dreg:s10], $0x2FFFF;
	_ =	strace $0x9FFFFFFF  }
0xc8: {  	(tm) =	ssettm $0x7FFFFFFF  }
0xc9: {  	_ =	shalt  }
tec
execute0_lowered:
.L_overlay_start_1:
0x0: {  	(tag) =	ssettag $0x1  }
0x1: {  	vm0 =	vcmask $0xB08  }
0x2: {  	vm1 =	vcmask $0x300;
	v0 =	vimm.s32 $0xEFCDAB89;
	v1 =	vimm.s32 $0x67452301  }
0x3: {  	v2 =	vimm.s32 $0xDCFE98BA;
	v3 =	vimm.s32 $0x54761032;
	vm2 =	vcmask $0x700  }
0x4: {  	v57 =	vimm.s32 $0xBA98FEDC;
	v58 =	vimm.s32 $0x32107654;
	v4 =	vimm.s32 $0xFEDCBA98  }
0x5: {  	v5 =	vimm.s32 $0x76543210;
	vm3 =	vcmask $0xF00;
	vm0 =	vmor vm1, vm0  }
0x6: {  	s0 =	rddreg [dreg:$0x0];
	vm1 =	vcmask $0x1310;
	v0 =	vunpack.c.l.s4.s8 v0;
	v1 =	vunpack.c.l.s4.s8 v1  }
0x7: {  	s2 =	rddreg [dreg:$0x1];
	v2 =	vunpack.c.l.s4.s8 v2;
	v3 =	vunpack.c.l.s4.s8 v3;
	v4 =	vunpack.c.l.s4.s8 v4  }
0x8: {  	s7 =	rddreg [dreg:$0x2];
	v5 =	vunpack.c.l.s4.s8 v5;
	vm0 =	vmor vm0, vm1;
	vm1 =	vcmask $0x1B18  }
0x9: {  	s4 =	rddreg [dreg:$0x3];
	vm0 =	vmor vm0, vm1;
	vm1 =	vcmask $0x2320;
	v0 =	vunpack.c.0.s8.s32 v0  }
0xa: {  	s8 =	rddreg [dreg:$0x4];
	s1 =	simm.s32 $0x0;
	s5 =	srdreg.scid;
	v1 =	vunpack.c.0.s8.s32 v1;
	v2 =	vunpack.c.0.s8.s32 v2;
	v3 =	vunpack.c.0.s8.s32 v3  }
0xb: {  	s9 =	stileid.u32;
	s19 =	simm.s32 $0x2;
	s11 =	simm.s32 $0x13E00;
	v4 =	vunpack.c.0.s8.s32 v4;
	vm0 =	vmor vm0, vm1;
	vm1 =	vcmask $0x2B28  }
0xc: {  	s12 =	simm.s32 $0x4200;
	s14 =	simm.s32 $0xC200;
	s15 =	simm.s32 $0x14200;
	v59 =	vunpack.c.0.s8.s32 v5;
	vm0 =	vmor vm0, vm1;
	vm1 =	vcmask $0x3330  }
0xd: {  	s16 =	simm.s32 $0x1;
	s17 =	simm.s32 $0x18600;
	s18 =	simm.s32 $0x0;
	v56 =	vcombine.low v3, v2;
	v2 =	vunpack.c.l.s4.s8 v57;
	v3 =	vunpack.c.l.s4.s8 v58  }
0xe: {  	[smem:$0x7FF] =	sst s1;
	s3 =	sadd.s32 $0x4400, s4;
	s5 =	sand.u32 $0x1, s5;
	v61 =	vand.u32 $0xF, v4;
	vm0 =	vmor vm0, vm1;
	vm1 =	vcmask $0x3B38  }
0xf: {  	s9 =	sshll.u32 s9, $0x7;
	s4 =	sadd.s32 $0x400, s4;
	s6 =	ssub.s32 $0x2, s5;
	v63 =	vcombine.low v61, v59;
	v2 =	vunpack.c.0.s8.s32 v2;
	v3 =	vunpack.c.0.s8.s32 v3  }
.Ltmp0:
0x10: {  	s5 =	sshll.u32 s5, $0x6;
	s10 =	sshrl.u32 s6, $0x1;
	vm0 =	vmor vm0, vm1;
	vm1 =	vcmask $0x1710;
	v60 =	vand.u32 $0xF, v56;
	(pc) =	sbr.rel .LBB2_1-.Ltmp0, $4  }
0x11: {  	_ =	strace $0x80000047;
	s9 =	sor.u32 s5, s9;
	s10 =	ssub.s32 s6, s10;
	vm1 =	vmor vm2, vm1;
	vm2 =	vcmask $0x2720;
	v2 =	vcombine.low v3, v2  }
0x12: {  	s5 =	sadd.s32 s0, s9;
	s6 =	sadd.s32 s2, s9;
	s7 =	sadd.s32 s7, s9;
	v0 =	vcombine.low v1, v0;
	[tilespmem:$0x1FFD0] =	vst v60;
	vm1 =	vmor vm1, vm2;
	vm2 =	vcmask $0x3730  }
0x13: {  	s8 =	sadd.s32 s8, s9;
	s0 =	simm.s32 $0xBA00;
	s2 =	simm.s32 $0x13A00;
	[tilespmem:$0x1FFF0] =	vst v63;
	vm1 =	vmor vm1, vm2;
	vm2 =	vcmask $0x2F20;
	v62 =	vand.u32 $0xF, v2  }
0x14: {  	s9 =	simm.s32 $0x3E00;
	s13 =	smax.u32 s10, $0x1;
	s10 =	simm.s32 $0xBE00;
	v49 =	vand.u32 $0xF, v0;
	vm2 =	vmor vm3, vm2;
	vm3 =	vmmov $0xff;
	[tilespmem:$0x1FFE0] =	vst v62  }
.LBB2_5:
0x15: {  	s18 =	sadd.s32 $0x1, s18  }
0x16: {  	p0 =	sne.s32 s18, s13  }
.Ltmp1:
0x17: {  	_ = 	snop;
	(pc) =	sbr.rel @!p0 .LBB2_6-.Ltmp1, $4  }
0x18: {  	[hbm4b:s8+s1] =	stream.linear.scatter [tilespmem:s17], [sflag:$0x2], $0x200, $0x38;
	[tilespmem:$0x18800] =	vst v63  }
0x19: {  	_ =	swait.ge [sflag:s19], $0x200  }
0x1a: {  	[sflag:s19] =	ssyncset.done $0x0  }
0x1b: {  	[sflag:s19] =	ssyncadd.s32 $0xFFFFFE00  }
.LBB2_1:
0x1c: {  	[tilespmem:s1], [sflag:$0x2] =	stream.linear.gather [hbm4b:s5+s1], $0x200, $0x38;
	[tilespmem:$0x18800] =	vst v63  }
0x1d: {  	_ =	swait.ge [sflag:s19], $0x200  }
0x1e: {  	[sflag:s19] =	ssyncset.done $0x0  }
0x1f: {  	s20 =	simm.s32 $0x200;
	[sflag:s19] =	ssyncadd.s32 $0xFFFFFE00  }
0x20: {  	[tilespmem:s20], [sflag:$0x2] =	stream.linear.gather [hbm4b:s6+s1], $0x200, $0x38;
	[tilespmem:$0x18800] =	vst v63  }
0x21: {  	_ =	swait.ge [sflag:s19], $0x200  }
0x22: {  	[sflag:s19] =	ssyncset.done $0x0  }
0x23: {  	s30 =	simm.s32 $0x400;
	[sflag:s19] =	ssyncadd.s32 $0xFFFFFE00  }
0x24: {  	[tilespmem:s30], [sflag:$0x2] =	stream.linear.gather [hbm4b:s7+s1], $0x200, $0x38;
	[tilespmem:$0x18800] =	vst v63  }
0x25: {  	_ =	swait.ge [sflag:s19], $0x200  }
0x26: {  	[sflag:s19] =	ssyncset.done $0x0  }
0x27: {  	[sflag:s19] =	ssyncadd.s32 $0xFFFFFE00  }
0x28: {  	v1 =	vld [tilespmem:$0x0];
	_ =	sdelay $0x3  }
0x29: {  	v2 =	vld [tilespmem:$0x200]  }
0x2a: {  	v1 =	vshrl.u32 v1, $0x3  }
0x2b: {  	v5 =	vshll.u32 v1, $0x7  }
0x2c: {  	(v2sf) =	vpush v5, $0x0;
	_ =	sdelay $0x1  }
0x2d: {  	v2 =	vshrl.u32 v2, $0x3  }
0x2e: {  	v63 =	vld [tilespmem:$0x400];
	v6 =	vshll.u32 v2, $0x7  }
0x2f: {  	(v2sf) =	vpush v6, $0x0;
	_ =	sdelay $0x3  }
0x30: {  	v1 =	vshrl.u32 v63, $0x3  }
0x31: {  	v4 =	vshll.u32 v1, $0x7  }
0x32: {  	(v2sf) =	vpush v4, $0x0  }
0x33: {  	(v2sf) =	vpush v5, $0x1;
	_ =	sdelay $0x3  }
0x34: {  	s31 =	spop (v2sf)  }
0x35: {  	s20 =	sand.u32 $0x1FFFFF80, s31  }
0x36: {  	s21 =	simm.s32 $0x600;
	(v2sf) =	vpush v6, $0x1;
	s20 =	sadd.s32 s3, s20  }
0x37: {  	[tilespmem:s21], [sflag:$0x1] =	stream.linear.gather [hbm4b:s20+s1], $0x400, $0x38;
	[tilespmem:$0x18800] =	vst v63  }
0x38: {  	s21 =	spop (v2sf);
	(v2sf) =	vpush v4, $0x1;
	_ =	sdelay $0x5  }
0x39: {  	s23 =	spop (v2sf);
	(v2sf) =	vpush v5, $0x2  }
0x3a: {  	s25 =	spop (v2sf);
	(v2sf) =	vpush v6, $0x2;
	_ =	sdelay $0x5  }
0x3b: {  	s28 =	spop (v2sf);
	(v2sf) =	vpush v4, $0x2;
	_ =	sdelay $0x1  }
0x3c: {  	s30 =	spop (v2sf);
	(v2sf) =	vpush v5, $0x3;
	_ =	sdelay $0x2  }
0x3d: {  	s20 =	sand.u32 $0x1FFFFF80, s21  }
0x3e: {  	s22 =	simm.s32 $0x8600;
	s20 =	sadd.s32 s4, s20  }
0x3f: {  	[tilespmem:s22], [sflag:$0x1] =	stream.linear.gather [hbm4b:s20+s1], $0x400, $0x38;
	[tilespmem:$0x18800] =	vst v63  }
0x40: {  	s21 =	spop (v2sf);
	(v2sf) =	vpush v6, $0x3  }
0x41: {  	s20 =	sand.u32 $0x1FFFFF80, s23;
	s23 =	spop (v2sf);
	(v2sf) =	vpush v4, $0x3;
	_ =	sdelay $0x2  }
0x42: {  	s24 =	simm.s32 $0x10600;
	s20 =	sadd.s32 s3, s20  }
0x43: {  	[tilespmem:s24], [sflag:$0x1] =	stream.linear.gather [hbm4b:s20+s1], $0x400, $0x38;
	[tilespmem:$0x18800] =	vst v63  }
0x44: {  	s20 =	sand.u32 $0x1FFFFF80, s25  }
0x45: {  	s26 =	simm.s32 $0xA00;
	s20 =	sadd.s32 s3, s20;
	s25 =	spop (v2sf);
	(v2sf) =	vpush v5, $0x4  }
0x46: {  	[tilespmem:s26], [sflag:$0x1] =	stream.linear.gather [hbm4b:s20+s1], $0x400, $0x38;
	[tilespmem:$0x18800] =	vst v63  }
0x47: {  	s20 =	sand.u32 $0x1FFFFF80, s28;
	s28 =	spop (v2sf);
	(v2sf) =	vpush v6, $0x4  }
0x48: {  	s29 =	simm.s32 $0x8A00;
	s20 =	sadd.s32 s4, s20  }
0x49: {  	[tilespmem:s29], [sflag:$0x1] =	stream.linear.gather [hbm4b:s20+s1], $0x400, $0x38;
	[tilespmem:$0x18800] =	vst v63  }
0x4a: {  	s20 =	sand.u32 $0x1FFFFF80, s30  }
0x4b: {  	s31 =	simm.s32 $0x10A00;
	s20 =	sadd.s32 s3, s20  }
0x4c: {  	[tilespmem:s31], [sflag:$0x1] =	stream.linear.gather [hbm4b:s20+s1], $0x400, $0x38;
	[tilespmem:$0x18800] =	vst v63  }
0x4d: {  	s30 =	spop (v2sf);
	(v2sf) =	vpush v4, $0x4  }
0x4e: {  	s20 =	sand.u32 $0x1FFFFF80, s21;
	s21 =	spop (v2sf);
	(v2sf) =	vpush v5, $0x5;
	_ =	sdelay $0x2  }
0x4f: {  	s22 =	simm.s32 $0xE00;
	s20 =	sadd.s32 s3, s20  }
0x50: {  	[tilespmem:s22], [sflag:$0x1] =	stream.linear.gather [hbm4b:s20+s1], $0x400, $0x38;
	[tilespmem:$0x18800] =	vst v63  }
0x51: {  	s20 =	sand.u32 $0x1FFFFF80, s23  }
0x52: {  	s24 =	simm.s32 $0x8E00;
	s20 =	sadd.s32 s4, s20;
	s23 =	spop (v2sf);
	(v2sf) =	vpush v6, $0x5  }
0x53: {  	[tilespmem:s24], [sflag:$0x1] =	stream.linear.gather [hbm4b:s20+s1], $0x400, $0x38;
	[tilespmem:$0x18800] =	vst v63  }
0x54: {  	s20 =	sand.u32 $0x1FFFFF80, s25;
	s25 =	spop (v2sf);
	(v2sf) =	vpush v4, $0x5  }
0x55: {  	s26 =	simm.s32 $0x10E00;
	s20 =	sadd.s32 s3, s20  }
0x56: {  	[tilespmem:s26], [sflag:$0x1] =	stream.linear.gather [hbm4b:s20+s1], $0x400, $0x38;
	[tilespmem:$0x18800] =	vst v63  }
0x57: {  	s20 =	sand.u32 $0x1FFFFF80, s28  }
0x58: {  	s29 =	simm.s32 $0x1200;
	s20 =	sadd.s32 s3, s20  }
0x59: {  	[tilespmem:s29], [sflag:$0x1] =	stream.linear.gather [hbm4b:s20+s1], $0x400, $0x38;
	[tilespmem:$0x18800] =	vst v63  }
0x5a: {  	s28 =	spop (v2sf);
	(v2sf) =	vpush v5, $0x6  }
0x5b: {  	s20 =	sand.u32 $0x1FFFFF80, s30;
	s30 =	spop (v2sf);
	(v2sf) =	vpush v6, $0x6;
	_ =	sdelay $0x2  }
0x5c: {  	s31 =	simm.s32 $0x9200;
	s20 =	sadd.s32 s4, s20  }
0x5d: {  	[tilespmem:s31], [sflag:$0x1] =	stream.linear.gather [hbm4b:s20+s1], $0x400, $0x38;
	[tilespmem:$0x18800] =	vst v63  }
0x5e: {  	s20 =	sand.u32 $0x1FFFFF80, s21  }
0x5f: {  	s22 =	simm.s32 $0x11200;
	s20 =	sadd.s32 s3, s20;
	s21 =	spop (v2sf);
	(v2sf) =	vpush v4, $0x6  }
0x60: {  	[tilespmem:s22], [sflag:$0x1] =	stream.linear.gather [hbm4b:s20+s1], $0x400, $0x38;
	[tilespmem:$0x18800] =	vst v63  }
0x61: {  	s20 =	sand.u32 $0x1FFFFF80, s23;
	s23 =	spop (v2sf);
	(v2sf) =	vpush v5, $0x7  }
0x62: {  	s24 =	simm.s32 $0x1600;
	s20 =	sadd.s32 s3, s20  }
0x63: {  	[tilespmem:s24], [sflag:$0x1] =	stream.linear.gather [hbm4b:s20+s1], $0x400, $0x38;
	[tilespmem:$0x18800] =	vst v63  }
0x64: {  	s20 =	sand.u32 $0x1FFFFF80, s25  }
0x65: {  	s26 =	simm.s32 $0x9600;
	s20 =	sadd.s32 s4, s20  }
0x66: {  	[tilespmem:s26], [sflag:$0x1] =	stream.linear.gather [hbm4b:s20+s1], $0x400, $0x38;
	[tilespmem:$0x18800] =	vst v63  }
0x67: {  	s25 =	spop (v2sf);
	(v2sf) =	vpush v6, $0x7  }
0x68: {  	s20 =	sand.u32 $0x1FFFFF80, s28;
	s28 =	spop (v2sf);
	(v2sf) =	vpush v4, $0x7;
	_ =	sdelay $0x2  }
0x69: {  	s29 =	simm.s32 $0x11600;
	s20 =	sadd.s32 s3, s20  }
0x6a: {  	[tilespmem:s29], [sflag:$0x1] =	stream.linear.gather [hbm4b:s20+s1], $0x400, $0x38;
	[tilespmem:$0x18800] =	vst v63  }
0x6b: {  	s20 =	sand.u32 $0x1FFFFF80, s30  }
0x6c: {  	s31 =	simm.s32 $0x1A00;
	s20 =	sadd.s32 s3, s20;
	s30 =	spop (v2sf);
	(v2sf) =	vpush v5, $0x8  }
0x6d: {  	[tilespmem:s31], [sflag:$0x1] =	stream.linear.gather [hbm4b:s20+s1], $0x400, $0x38;
	[tilespmem:$0x18800] =	vst v63  }
0x6e: {  	s20 =	sand.u32 $0x1FFFFF80, s21;
	s21 =	spop (v2sf);
	(v2sf) =	vpush v6, $0x8  }
0x6f: {  	s22 =	simm.s32 $0x9A00;
	s20 =	sadd.s32 s4, s20  }
0x70: {  	[tilespmem:s22], [sflag:$0x1] =	stream.linear.gather [hbm4b:s20+s1], $0x400, $0x38;
	[tilespmem:$0x18800] =	vst v63  }
0x71: {  	s20 =	sand.u32 $0x1FFFFF80, s23  }
0x72: {  	s24 =	simm.s32 $0x11A00;
	s20 =	sadd.s32 s3, s20  }
0x73: {  	[tilespmem:s24], [sflag:$0x1] =	stream.linear.gather [hbm4b:s20+s1], $0x400, $0x38;
	[tilespmem:$0x18800] =	vst v63  }
0x74: {  	s23 =	spop (v2sf);
	(v2sf) =	vpush v4, $0x8  }
0x75: {  	s20 =	sand.u32 $0x1FFFFF80, s25;
	s25 =	spop (v2sf);
	(v2sf) =	vpush v5, $0x9;
	_ =	sdelay $0x2  }
0x76: {  	s26 =	simm.s32 $0x1E00;
	s20 =	sadd.s32 s3, s20  }
0x77: {  	[tilespmem:s26], [sflag:$0x1] =	stream.linear.gather [hbm4b:s20+s1], $0x400, $0x38;
	[tilespmem:$0x18800] =	vst v63  }
0x78: {  	s20 =	sand.u32 $0x1FFFFF80, s28  }
0x79: {  	s29 =	simm.s32 $0x9E00;
	s20 =	sadd.s32 s4, s20;
	s28 =	spop (v2sf);
	(v2sf) =	vpush v6, $0x9  }
0x7a: {  	[tilespmem:s29], [sflag:$0x1] =	stream.linear.gather [hbm4b:s20+s1], $0x400, $0x38;
	[tilespmem:$0x18800] =	vst v63  }
0x7b: {  	s20 =	sand.u32 $0x1FFFFF80, s30;
	s30 =	spop (v2sf);
	(v2sf) =	vpush v4, $0x9  }
0x7c: {  	s31 =	simm.s32 $0x11E00;
	s20 =	sadd.s32 s3, s20  }
0x7d: {  	[tilespmem:s31], [sflag:$0x1] =	stream.linear.gather [hbm4b:s20+s1], $0x400, $0x38;
	[tilespmem:$0x18800] =	vst v63  }
0x7e: {  	s20 =	sand.u32 $0x1FFFFF80, s21  }
0x7f: {  	s22 =	simm.s32 $0x2200;
	s20 =	sadd.s32 s3, s20  }
0x80: {  	[tilespmem:s22], [sflag:$0x1] =	stream.linear.gather [hbm4b:s20+s1], $0x400, $0x38;
	[tilespmem:$0x18800] =	vst v63  }
0x81: {  	s20 =	sand.u32 $0x1FFFFF80, s23;
	s21 =	spop (v2sf);
	(v2sf) =	vpush v5, $0xA  }
0x82: {  	s24 =	simm.s32 $0xA200;
	s20 =	sadd.s32 s4, s20;
	s23 =	spop (v2sf);
	(v2sf) =	vpush v6, $0xA  }
0x83: {  	[tilespmem:s24], [sflag:$0x1] =	stream.linear.gather [hbm4b:s20+s1], $0x400, $0x38;
	[tilespmem:$0x18800] =	vst v63  }
0x84: {  	s20 =	sand.u32 $0x1FFFFF80, s25  }
0x85: {  	s26 =	simm.s32 $0x12200;
	s20 =	sadd.s32 s3, s20  }
0x86: {  	[tilespmem:s26], [sflag:$0x1] =	stream.linear.gather [hbm4b:s20+s1], $0x400, $0x38;
	[tilespmem:$0x18800] =	vst v63  }
0x87: {  	s20 =	sand.u32 $0x1FFFFF80, s28  }
0x88: {  	s29 =	simm.s32 $0x2600;
	s20 =	sadd.s32 s3, s20;
	s25 =	spop (v2sf);
	(v2sf) =	vpush v4, $0xA  }
0x89: {  	[tilespmem:s29], [sflag:$0x1] =	stream.linear.gather [hbm4b:s20+s1], $0x400, $0x38;
	[tilespmem:$0x18800] =	vst v63  }
0x8a: {  	s20 =	sand.u32 $0x1FFFFF80, s30;
	s28 =	spop (v2sf);
	(v2sf) =	vpush v5, $0xB  }
0x8b: {  	s31 =	simm.s32 $0xA600;
	s20 =	sadd.s32 s4, s20  }
0x8c: {  	[tilespmem:s31], [sflag:$0x1] =	stream.linear.gather [hbm4b:s20+s1], $0x400, $0x38;
	[tilespmem:$0x18800] =	vst v63  }
0x8d: {  	s20 =	sand.u32 $0x1FFFFF80, s21  }
0x8e: {  	s22 =	simm.s32 $0x12600;
	s20 =	sadd.s32 s3, s20  }
0x8f: {  	[tilespmem:s22], [sflag:$0x1] =	stream.linear.gather [hbm4b:s20+s1], $0x400, $0x38;
	[tilespmem:$0x18800] =	vst v63  }
0x90: {  	s20 =	sand.u32 $0x1FFFFF80, s23;
	s30 =	spop (v2sf);
	(v2sf) =	vpush v6, $0xB  }
0x91: {  	s24 =	simm.s32 $0x2A00;
	s20 =	sadd.s32 s3, s20;
	s21 =	spop (v2sf);
	(v2sf) =	vpush v4, $0xB  }
0x92: {  	[tilespmem:s24], [sflag:$0x1] =	stream.linear.gather [hbm4b:s20+s1], $0x400, $0x38;
	[tilespmem:$0x18800] =	vst v63  }
0x93: {  	s20 =	sand.u32 $0x1FFFFF80, s25  }
0x94: {  	s26 =	simm.s32 $0xAA00;
	s20 =	sadd.s32 s4, s20  }
0x95: {  	[tilespmem:s26], [sflag:$0x1] =	stream.linear.gather [hbm4b:s20+s1], $0x400, $0x38;
	[tilespmem:$0x18800] =	vst v63  }
0x96: {  	s20 =	sand.u32 $0x1FFFFF80, s28  }
0x97: {  	s29 =	simm.s32 $0x12A00;
	s20 =	sadd.s32 s3, s20;
	s23 =	spop (v2sf);
	(v2sf) =	vpush v5, $0xC  }
0x98: {  	[tilespmem:s29], [sflag:$0x1] =	stream.linear.gather [hbm4b:s20+s1], $0x400, $0x38;
	[tilespmem:$0x18800] =	vst v63  }
0x99: {  	s20 =	sand.u32 $0x1FFFFF80, s30;
	s25 =	spop (v2sf);
	(v2sf) =	vpush v6, $0xC  }
0x9a: {  	s31 =	simm.s32 $0x2E00;
	s20 =	sadd.s32 s3, s20  }
0x9b: {  	[tilespmem:s31], [sflag:$0x1] =	stream.linear.gather [hbm4b:s20+s1], $0x400, $0x38;
	[tilespmem:$0x18800] =	vst v63  }
0x9c: {  	s20 =	sand.u32 $0x1FFFFF80, s21  }
0x9d: {  	s22 =	simm.s32 $0xAE00;
	s20 =	sadd.s32 s4, s20  }
0x9e: {  	[tilespmem:s22], [sflag:$0x1] =	stream.linear.gather [hbm4b:s20+s1], $0x400, $0x38;
	[tilespmem:$0x18800] =	vst v63  }
0x9f: {  	s20 =	sand.u32 $0x1FFFFF80, s23;
	s28 =	spop (v2sf);
	(v2sf) =	vpush v4, $0xC  }
0xa0: {  	s24 =	simm.s32 $0x12E00;
	s20 =	sadd.s32 s3, s20;
	s30 =	spop (v2sf);
	(v2sf) =	vpush v5, $0xD  }
0xa1: {  	[tilespmem:s24], [sflag:$0x1] =	stream.linear.gather [hbm4b:s20+s1], $0x400, $0x38;
	[tilespmem:$0x18800] =	vst v63  }
0xa2: {  	s20 =	sand.u32 $0x1FFFFF80, s25  }
0xa3: {  	s26 =	simm.s32 $0x3200;
	s20 =	sadd.s32 s3, s20  }
0xa4: {  	[tilespmem:s26], [sflag:$0x1] =	stream.linear.gather [hbm4b:s20+s1], $0x400, $0x38;
	[tilespmem:$0x18800] =	vst v63  }
0xa5: {  	s20 =	sand.u32 $0x1FFFFF80, s28  }
0xa6: {  	s29 =	simm.s32 $0xB200;
	s20 =	sadd.s32 s4, s20;
	s21 =	spop (v2sf);
	(v2sf) =	vpush v6, $0xD  }
0xa7: {  	[tilespmem:s29], [sflag:$0x1] =	stream.linear.gather [hbm4b:s20+s1], $0x400, $0x38;
	[tilespmem:$0x18800] =	vst v63  }
0xa8: {  	s20 =	sand.u32 $0x1FFFFF80, s30;
	s23 =	spop (v2sf);
	(v2sf) =	vpush v4, $0xD  }
0xa9: {  	s31 =	simm.s32 $0x13200;
	s20 =	sadd.s32 s3, s20  }
0xaa: {  	[tilespmem:s31], [sflag:$0x1] =	stream.linear.gather [hbm4b:s20+s1], $0x400, $0x38;
	[tilespmem:$0x18800] =	vst v63  }
0xab: {  	s20 =	sand.u32 $0x1FFFFF80, s21  }
0xac: {  	s22 =	simm.s32 $0x3600;
	s20 =	sadd.s32 s3, s20;
	(v2sf) =	vpush v5, $0xE  }
0xad: {  	[tilespmem:s22], [sflag:$0x1] =	stream.linear.gather [hbm4b:s20+s1], $0x400, $0x38;
	[tilespmem:$0x18800] =	vst v63  }
0xae: {  	s20 =	sand.u32 $0x1FFFFF80, s23;
	s25 =	spop (v2sf);
	(v2sf) =	vpush v6, $0xE  }
0xaf: {  	s24 =	simm.s32 $0xB600;
	s20 =	sadd.s32 s4, s20;
	s28 =	spop (v2sf);
	(v2sf) =	vpush v4, $0xE  }
0xb0: {  	[tilespmem:s24], [sflag:$0x1] =	stream.linear.gather [hbm4b:s20+s1], $0x400, $0x38;
	[tilespmem:$0x18800] =	vst v63  }
0xb1: {  	s20 =	sand.u32 $0x1FFFFF80, s25  }
0xb2: {  	s26 =	simm.s32 $0x13600;
	s20 =	sadd.s32 s3, s20  }
0xb3: {  	[tilespmem:s26], [sflag:$0x1] =	stream.linear.gather [hbm4b:s20+s1], $0x400, $0x38;
	[tilespmem:$0x18800] =	vst v63  }
0xb4: {  	s20 =	sand.u32 $0x1FFFFF80, s28  }
0xb5: {  	s29 =	simm.s32 $0x3A00;
	s20 =	sadd.s32 s3, s20;
	s30 =	spop (v2sf);
	(v2sf) =	vpush v5, $0xF  }
0xb6: {  	[tilespmem:s29], [sflag:$0x1] =	stream.linear.gather [hbm4b:s20+s1], $0x400, $0x38;
	[tilespmem:$0x18800] =	vst v63  }
0xb7: {  	s20 =	sand.u32 $0x1FFFFF80, s30;
	s31 =	spop (v2sf);
	(v2sf) =	vpush v6, $0xF  }
0xb8: {  	s20 =	sadd.s32 s4, s20  }
0xb9: {  	[tilespmem:s0], [sflag:$0x1] =	stream.linear.gather [hbm4b:s20+s1], $0x400, $0x38;
	[tilespmem:$0x18800] =	vst v63  }
0xba: {  	s20 =	sand.u32 $0x1FFFFF80, s31  }
0xbb: {  	s21 =	spop (v2sf);
	s20 =	sadd.s32 s3, s20  }
0xbc: {  	(v2sf) =	vpush v4, $0xF;
	[tilespmem:s2], [sflag:$0x1] =	stream.linear.gather [hbm4b:s20+s1], $0x400, $0x38;
	[tilespmem:$0x18800] =	vst v63  }
0xbd: {  	s22 =	spop (v2sf);
	s20 =	sand.u32 $0x1FFFFF80, s21  }
0xbe: {  	s23 =	sand.u32 $0x1FFFFF80, s22;
	s24 =	spop (v2sf);
	s20 =	sadd.s32 s3, s20  }
0xbf: {  	[tilespmem:s9], [sflag:$0x1] =	stream.linear.gather [hbm4b:s20+s1], $0x400, $0x38;
	[tilespmem:$0x18800] =	vst v63  }
0xc0: {  	s25 =	sand.u32 $0x1FFFFF80, s24;
	s20 =	sadd.s32 s4, s23  }
0xc1: {  	[tilespmem:s10], [sflag:$0x1] =	stream.linear.gather [hbm4b:s20+s1], $0x400, $0x38;
	[tilespmem:$0x18800] =	vst v63  }
0xc2: {  	s20 =	sadd.s32 s3, s25  }
0xc3: {  	[tilespmem:s11], [sflag:$0x1] =	stream.linear.gather [hbm4b:s20+s1], $0x400, $0x38;
	[tilespmem:$0x18800] =	vst v63  }
0xc4: {  	s26 =	spop (v2sf)  }
0xc5: {  	s28 =	sand.u32 $0x1FFFFF80, s26  }
0xc6: {  	s20 =	sadd.s32 s3, s28;
	s29 =	spop (v2sf)  }
0xc7: {  	[tilespmem:s12], [sflag:$0x1] =	stream.linear.gather [hbm4b:s20+s1], $0x400, $0x38;
	[tilespmem:$0x18800] =	vst v63  }
0xc8: {  	s30 =	sand.u32 $0x1FFFFF80, s29  }
0xc9: {  	s20 =	sadd.s32 s4, s30  }
0xca: {  	[tilespmem:s14], [sflag:$0x1] =	stream.linear.gather [hbm4b:s20+s1], $0x400, $0x38;
	[tilespmem:$0x18800] =	vst v63  }
.Ltmp2:
0xcb: {  	s31 =	spop (v2sf);
	(pc) =	sbr.rel .LBB2_2-.Ltmp2, $4  }
0xcc: {  	s20 =	sand.u32 $0x1FFFFF80, s31  }
0xcd: {  	s20 =	sadd.s32 s3, s20  }
0xce: {  	[tilespmem:s15], [sflag:$0x1] =	stream.linear.gather [hbm4b:s20+s1], $0x400, $0x38;
	[tilespmem:$0x18800] =	vst v63  }
0xcf: {  	s21 =	simm.s32 $0x0;
	s20 =	simm.s32 $0x0  }
.LBB2_4:
0xd0: {  	_ =	swait.ge [sflag:s16], $0x4000  }
0xd1: {  	[sflag:s16] =	ssyncset.done $0x0  }
0xd2: {  	[sflag:s16] =	ssyncadd.s32 $0xFFFFC000  }
0xd3: {  	_ =	swait.ge [sflag:s16], $0x4000  }
0xd4: {  	[sflag:s16] =	ssyncset.done $0x0  }
0xd5: {  	[sflag:s16] =	ssyncadd.s32 $0xFFFFC000  }
0xd6: {  	_ =	swait.ge [sflag:s16], $0x4000  }
0xd7: {  	[sflag:s16] =	ssyncset.done $0x0  }
0xd8: {  	s23 =	sshra.s32 s20, $0x2;
	[sflag:s16] =	ssyncadd.s32 $0xFFFFC000  }
0xd9: {  	v1 =	vld [tilespmem:s23+$0x0];
	_ =	sdelay $0x3  }
0xda: {  	v2 =	vld [tilespmem:s23+$0x200]  }
0xdb: {  	v1 =	vand.u32 $0x7, v1  }
0xdc: {  	v6 =	vshll.u32 v1, $0x7  }
0xdd: {  	(v2sf) =	vpush v6, $0x0  }
0xde: {  	v3 =	vld [tilespmem:s23+$0x400]  }
0xdf: {  	v40 =	vand.u32 $0x7, v2  }
0xe0: {  	v5 =	vshll.u32 v40, $0x7;
	(v2sf) =	vpush v6, $0x1  }
0xe1: {  	(v2sf) =	vpush v5, $0x0;
	_ =	sdelay $0x1  }
0xe2: {  	v41 =	vand.u32 $0x7, v3  }
0xe3: {  	v4 =	vshll.u32 v41, $0x7;
	(v2sf) =	vpush v5, $0x1  }
0xe4: {  	(v2sf) =	vpush v4, $0x0;
	_ =	sdelay $0x6  }
0xe5: {  	s24 =	spop (v2sf)  }
0xe6: {  	s24 =	sadd.s32 s24, s22  }
0xe7: {  	v47 =	vld [tilespmem:s24+$0x600]  }
0xe8: {  	s25 =	spop (v2sf);
	v8 =	vld [tilespmem:s24+$0x610]  }
0xe9: {  	s26 =	spop (v2sf);
	v2 =	vld [tilespmem:s24+$0x620]  }
0xea: {  	(v2sf) =	vpush v4, $0x1;
	v40 =	vld [tilespmem:s24+$0x630];
	s26 =	sadd.s32 s26, s22  }
0xeb: {  	v50 =	vld [tilespmem:s26+$0x8600]  }
0xec: {  	s28 =	spop (v2sf);
	v3 =	vld [tilespmem:s26+$0x8610]  }
0xed: {  	s29 =	spop (v2sf);
	v1 =	vld [tilespmem:s26+$0x8620]  }
0xee: {  	(v2sf) =	vpush v6, $0x2;
	v36 =	vld [tilespmem:s26+$0x8630];
	s26 =	sor.u32 $0x400, s22;
	s29 =	sadd.s32 s29, s22  }
0xef: {  	s25 =	sadd.s32 s25, s26;
	v57 =	vld [tilespmem:s29+$0x10600]  }
0xf0: {  	s28 =	sadd.s32 s28, s26;
	v41 =	vld [tilespmem:s25+$0x600]  }
0xf1: {  	(v2sf) =	vpush v6, $0x3;
	v22 =	vld [tilespmem:s28+$0x8600]  }
0xf2: {  	(v2sf) =	vpush v5, $0x2;
	v18 =	vld [tilespmem:s25+$0x610]  }
0xf3: {  	v14 =	vld [tilespmem:s28+$0x8610]  }
0xf4: {  	v16 =	vld [tilespmem:s25+$0x620]  }
0xf5: {  	(v2sf) =	vpush v5, $0x3;
	v13 =	vld [tilespmem:s28+$0x8620]  }
0xf6: {  	(v2sf) =	vpush v4, $0x2;
	v0 =	vld [tilespmem:s25+$0x630]  }
0xf7: {  	s29 =	sadd.s32 $0x10600, s29;
	v51 =	vld [tilespmem:s28+$0x8630]  }
0xf8: {  	v10 =	vld [tilespmem:s29+$0x10]  }
0xf9: {  	v7 =	vld [tilespmem:s29+$0x20];
	s30 =	spop (v2sf)  }
0xfa: {  	v39 =	vld [tilespmem:s29+$0x30];
	s24 =	sadd.s32 s30, s26  }
0xfb: {  	v48 =	vld [tilespmem:s24+$0x10600];
	s24 =	sadd.s32 $0x10600, s24  }
0xfc: {  	v55 =	vld [tilespmem:s24+$0x10]  }
0xfd: {  	s28 =	sor.u32 $0x800, s22;
	s31 =	spop (v2sf);
	v61 =	vld [tilespmem:s24+$0x20]  }
0xfe: {  	s26 =	sadd.s32 s31, s28;
	v42 =	vld [tilespmem:s24+$0x30]  }
0xff: {  	v33 =	vld [tilespmem:s26+$0x600]  }
0x100: {  	s25 =	spop (v2sf);
	v28 =	vld [tilespmem:s26+$0x610]  }
0x101: {  	s30 =	spop (v2sf);
	v34 =	vld [tilespmem:s26+$0x620]  }
0x102: {  	(v2sf) =	vpush v4, $0x3;
	v43 =	vld [tilespmem:s26+$0x630];
	s29 =	sadd.s32 s30, s28  }
0x103: {  	v25 =	vld [tilespmem:s29+$0x8600]  }
0x104: {  	s31 =	spop (v2sf);
	v24 =	vld [tilespmem:s29+$0x8610]  }
0x105: {  	s30 =	spop (v2sf);
	v29 =	vld [tilespmem:s29+$0x8620]  }
0x106: {  	(v2sf) =	vpush v6, $0x4;
	v52 =	vld [tilespmem:s29+$0x8630];
	s29 =	sor.u32 $0xC00, s22;
	s28 =	sadd.s32 s30, s28  }
0x107: {  	s25 =	sadd.s32 s25, s29;
	v37 =	vld [tilespmem:s28+$0x10600]  }
0x108: {  	s26 =	sadd.s32 s31, s29;
	v17 =	vld [tilespmem:s25+$0x600]  }
0x109: {  	(v2sf) =	vpush v6, $0x5;
	v12 =	vld [tilespmem:s26+$0x8600]  }
0x10a: {  	(v2sf) =	vpush v5, $0x4;
	v11 =	vld [tilespmem:s25+$0x610]  }
0x10b: {  	v9 =	vld [tilespmem:s26+$0x8610]  }
0x10c: {  	v38 =	vld [tilespmem:s26+$0x8620]  }
0x10d: {  	(v2sf) =	vpush v5, $0x5;
	v53 =	vld [tilespmem:s25+$0x630]  }
0x10e: {  	(v2sf) =	vpush v4, $0x4;
	s28 =	sadd.s32 $0x10600, s28;
	v59 =	vld [tilespmem:s26+$0x8630]  }
0x10f: {  	v35 =	vld [tilespmem:s28+$0x10]  }
0x110: {  	v44 =	vld [tilespmem:s28+$0x20]  }
0x111: {  	v45 =	vld [tilespmem:s28+$0x30];
	s30 =	spop (v2sf)  }
0x112: {  	[tilespmem:$0x1FD80] =	vst v43;
	v43 =	vld [tilespmem:s25+$0x620];
	s24 =	sadd.s32 s30, s29  }
0x113: {  	v23 =	vld [tilespmem:s24+$0x10600];
	s24 =	sadd.s32 $0x10600, s24  }
0x114: {  	v19 =	vld [tilespmem:s24+$0x10]  }
0x115: {  	s26 =	sor.u32 $0x1000, s22;
	s31 =	spop (v2sf);
	v62 =	vld [tilespmem:s24+$0x20]  }
0x116: {  	v46 =	vld [tilespmem:s24+$0x30];
	s24 =	sadd.s32 s31, s26  }
0x117: {  	v26 =	vld [tilespmem:s24+$0x600]  }
0x118: {  	(v2sf) =	vpush v4, $0x5;
	s25 =	spop (v2sf);
	v20 =	vld [tilespmem:s24+$0x610]  }
0x119: {  	s30 =	spop (v2sf);
	v30 =	vld [tilespmem:s24+$0x620]  }
0x11a: {  	s29 =	sadd.s32 s30, s26;
	v54 =	vld [tilespmem:s24+$0x630]  }
0x11b: {  	v21 =	vld [tilespmem:s29+$0x8600]  }
0x11c: {  	s28 =	spop (v2sf);
	v15 =	vld [tilespmem:s29+$0x8610]  }
0x11d: {  	s31 =	spop (v2sf);
	v27 =	vld [tilespmem:s29+$0x8620]  }
0x11e: {  	v56 =	vld [tilespmem:s29+$0x8630];
	s29 =	sor.u32 $0x1400, s22;
	s26 =	sadd.s32 s31, s26  }
0x11f: {  	(v2sf) =	vpush v6, $0x6;
	s25 =	sadd.s32 s25, s29;
	v32 =	vld [tilespmem:s26+$0x10600]  }
0x120: {  	(v2sf) =	vpush v6, $0x7;
	s28 =	sadd.s32 s28, s29;
	v60 =	vld [tilespmem:s25+$0x600]  }
0x121: {  	(v2sf) =	vpush v5, $0x6;
	s26 =	sadd.s32 $0x10600, s26;
	v63 =	vld [tilespmem:s28+$0x8600]  }
0x122: {  	(v2sf) =	vpush v5, $0x7;
	v31 =	vld [tilespmem:s26+$0x10]  }
0x123: {  	[tilespmem:$0x1FD90] =	vst v45;
	(v2sf) =	vpush v4, $0x6;
	v45 =	vld [tilespmem:s26+$0x20]  }
0x124: {  	v9 =	vadd.f32 v9, v11;
	v58 =	vld [tilespmem:s26+$0x30]  }
0x125: {  	[tilespmem:$0x1FDA0] =	vst v46;
	v46 =	vld [tilespmem:s25+$0x610]  }
0x126: {  	[tilespmem:$0x1FD60] =	vst v0;
	v9 =	vsub.f32 v9, v19;
	v19 =	vld [tilespmem:$0x1FD80]  }
0x127: {  	[tilespmem:$0x1FDB0] =	vst v54;
	v54 =	vld [tilespmem:s28+$0x8610];
	s30 =	spop (v2sf)  }
0x128: {  	[tilespmem:$0x1FDE0] =	vst v60;
	v60 =	vld [tilespmem:s28+$0x8620];
	s24 =	sadd.s32 s30, s29  }
0x129: {  	[tilespmem:$0x1FD70] =	vst v42;
	v42 =	vld [tilespmem:s24+$0x10600]  }
0x12a: {  	[tilespmem:$0x1FDD0] =	vst v58;
	v58 =	vld [tilespmem:s25+$0x620]  }
0x12b: {  	[tilespmem:$0x1FE00] =	vst v46;
	v46 =	vld [tilespmem:s28+$0x8630];
	s24 =	sadd.s32 $0x10600, s24  }
0x12c: {  	[tilespmem:$0x1FDF0] =	vst v63;
	v63 =	vld [tilespmem:s24+$0x20]  }
0x12d: {  	[tilespmem:$0x1FE10] =	vst v54;
	v54 =	vld [tilespmem:s24+$0x30]  }
0x12e: {  	s26 =	spop (v2sf);
	[tilespmem:$0x1FE20] =	vst v42;
	v42 =	vld [tilespmem:s25+$0x630];
	s25 =	sor.u32 $0x1800, s22  }
0x12f: {  	[tilespmem:$0x1FDC0] =	vst v56;
	(v2sf) =	vpush v4, $0x7;
	s29 =	spop (v2sf);
	v56 =	vld [tilespmem:s24+$0x10];
	s26 =	sadd.s32 s26, s25  }
0x130: {  	(v2sf) =	vpush v6, $0x8;
	[tilespmem:$0x1FE50] =	vst v60;
	s31 =	spop (v2sf);
	v60 =	vld [tilespmem:s26+$0x600]  }
0x131: {  	[tilespmem:$0x1FE40] =	vst v58;
	s28 =	spop (v2sf);
	s24 =	sadd.s32 s31, s25;
	v58 =	vld [tilespmem:s26+$0x620]  }
0x132: {  	[tilespmem:$0x1FE60] =	vst v63;
	s31 =	spop (v2sf);
	v63 =	vld [tilespmem:s24+$0x8600]  }
0x133: {  	[tilespmem:$0x1FEA0] =	vst v54;
	s25 =	sadd.s32 s31, s25;
	v54 =	vld [tilespmem:s24+$0x8620]  }
0x134: {  	[tilespmem:$0x1FE30] =	vst v56;
	v56 =	vld [tilespmem:s25+$0x10600]  }
0x135: {  	[tilespmem:$0x1FE90] =	vst v46;
	v46 =	vld [tilespmem:s26+$0x610];
	s25 =	sadd.s32 $0x10600, s25  }
0x136: {  	v3 =	vadd.f32 v3, v8;
	[tilespmem:$0x1FEB0] =	vst v58;
	v58 =	vld [tilespmem:s25+$0x20]  }
0x137: {  	[tilespmem:$0x1FE80] =	vst v42;
	v42 =	vld [tilespmem:s24+$0x8610]  }
0x138: {  	v0 =	vadd.f32 v50, v47;
	v10 =	vsub.f32 v3, v10;
	[tilespmem:$0x1FEC0] =	vst v54;
	v54 =	vld [tilespmem:s26+$0x630];
	s26 =	sor.u32 $0x1C00, s22  }
0x139: {  	v1 =	vadd.f32 v1, v2;
	[tilespmem:$0x1FE70] =	vst v56;
	v56 =	vld [tilespmem:s25+$0x10];
	s28 =	sadd.s32 s28, s26  }
0x13a: {  	v0 =	vsub.f32 v0, v57;
	v2 =	vmul.f32 v10, v10;
	(v2sf) =	vpush v6, $0x9;
	v10 =	vld [tilespmem:s28+$0x8630]  }
0x13b: {  	(v2sf) =	vpush v5, $0x8;
	s31 =	sadd.s32 s29, s26;
	[tilespmem:$0x1FEF0] =	vst v58;
	v58 =	vld [tilespmem:s24+$0x8630]  }
0x13c: {  	v1 =	vsub.f32 v1, v7;
	v0 =	vmul.f32 v0, v0;
	v8 =	vld [tilespmem:s31+$0x630]  }
0x13d: {  	v47 =	vld [tilespmem:s31+$0x620]  }
0x13e: {  	v1 =	vmul.f32 v1, v1;
	v0 =	vadd.f32 v2, v0;
	(v2sf) =	vpush v5, $0x9;
	s30 =	spop (v2sf);
	[tilespmem:$0x1FF00] =	vst v54;
	v54 =	vld [tilespmem:s25+$0x30]  }
0x13f: {  	(v2sf) =	vpush v4, $0x8;
	v57 =	vld [tilespmem:s28+$0x8620];
	s25 =	sadd.s32 s30, s26;
	s26 =	spop (v2sf);
	s24 =	sor.u32 $0x2000, s22;
	[tilespmem:$0x1FF60] =	vst v10;
	v10 =	vadd.f32 v36, v40  }
0x140: {  	v22 =	vadd.f32 v22, v41;
	v0 =	vadd.f32 v1, v0;
	s26 =	sadd.s32 s26, s24;
	[tilespmem:$0x1FF10] =	vst v58;
	v58 =	vld [tilespmem:s31+$0x600]  }
0x141: {  	[tilespmem:$0x1FF50] =	vst v8;
	v8 =	vld [tilespmem:s26+$0x600];
	v36 =	vadd.f32 v14, v18;
	v1 =	vsub.f32 v10, v39  }
0x142: {  	v10 =	vadd.f32 v13, v16;
	v16 =	vadd.f32 v25, v33;
	v33 =	vld [tilespmem:$0x1FD60]  }
0x143: {  	v2 =	vsub.f32 v22, v48;
	v3 =	vsub.f32 v36, v55;
	[tilespmem:$0x1FF30] =	vst v54;
	v54 =	vld [tilespmem:s28+$0x8600]  }
0x144: {  	v18 =	vld [tilespmem:s26+$0x630]  }
0x145: {  	v2 =	vmul.f32 v2, v2;
	v3 =	vmul.f32 v3, v3;
	[tilespmem:$0x1FED0] =	vst v58;
	v58 =	vld [tilespmem:s25+$0x10600];
	s25 =	sadd.s32 $0x10600, s25  }
0x146: {  	v7 =	vld [tilespmem:s25+$0x20]  }
0x147: {  	v13 =	vadd.f32 v3, v2;
	v3 =	vadd.f32 v51, v33;
	v33 =	vld [tilespmem:$0x1FD90]  }
0x148: {  	[tilespmem:$0x1FEE0] =	vst v54;
	v54 =	vld [tilespmem:s31+$0x610]  }
0x149: {  	(v2sf) =	vpush v4, $0x9;
	s29 =	spop (v2sf);
	v50 =	vld [tilespmem:s25+$0x10]  }
0x14a: {  	s31 =	spop (v2sf);
	[tilespmem:$0x1FF20] =	vst v58;
	v58 =	vld [tilespmem:s28+$0x8610]  }
0x14b: {  	[tilespmem:$0x1FF40] =	vst v7;
	v7 =	vld [tilespmem:s25+$0x30];
	s25 =	sadd.s32 s31, s24  }
0x14c: {  	v40 =	vld [tilespmem:s25+$0x8600]  }
0x14d: {  	s28 =	spop (v2sf);
	v55 =	vld [tilespmem:s25+$0x8610]  }
0x14e: {  	s31 =	spop (v2sf);
	v22 =	vld [tilespmem:s25+$0x8620]  }
0x14f: {  	v25 =	vadd.f32 v24, v28;
	s24 =	sadd.s32 s31, s24;
	v28 =	vld [tilespmem:s25+$0x8630]  }
0x150: {  	v41 =	vld [tilespmem:s24+$0x10600];
	s24 =	sadd.s32 $0x10600, s24  }
0x151: {  	v48 =	vld [tilespmem:s24+$0x10]  }
0x152: {  	(v2sf) =	vpush v6, $0xA;
	v1 =	vmul.f32 v1, v1;
	v36 =	vld [tilespmem:s24+$0x20]  }
0x153: {  	v39 =	vadd.f32 v29, v34;
	v51 =	vld [tilespmem:s24+$0x30]  }
0x154: {  	v0 =	vadd.f32 v1, v0;
	[tilespmem:$0x1FF80] =	vst v7;
	v7 =	vsub.f32 v10, v61;
	v61 =	vld [tilespmem:s26+$0x620]  }
0x155: {  	v1 =	vsub.f32 v25, v35;
	v35 =	vadd.f32 v21, v26;
	[tilespmem:$0x1FF90] =	vst v41;
	v41 =	vld [tilespmem:s26+$0x610]  }
0x156: {  	v14 =	vmul.f32 v7, v7;
	s26 =	sor.u32 $0x2400, s22;
	v7 =	vsub.f32 v39, v44;
	v44 =	vld [tilespmem:$0x1FDA0]  }
0x157: {  	v39 =	vsub.f32 v35, v32;
	v35 =	vld [tilespmem:$0x1FDE0];
	s31 =	sadd.s32 s29, s26  }
0x158: {  	s30 =	spop (v2sf);
	s28 =	sadd.s32 s28, s26;
	v29 =	vld [tilespmem:s31+$0x600]  }
0x159: {  	[tilespmem:$0x1FFA0] =	vst v18;
	s24 =	sadd.s32 s30, s26;
	v18 =	vld [tilespmem:s28+$0x8600]  }
0x15a: {  	v2 =	vsub.f32 v16, v37;
	v16 =	vld [tilespmem:s24+$0x10600]  }
0x15b: {  	[tilespmem:$0x1FF70] =	vst v8;
	v8 =	vld [tilespmem:s31+$0x610]  }
0x15c: {  	v12 =	vadd.f32 v12, v17;
	[tilespmem:$0x1FFC0] =	vst v0;
	v0 =	vadd.f32 v14, v13;
	v14 =	vld [tilespmem:$0x1FD70]  }
0x15d: {  	(v2sf) =	vpush v6, $0xB;
	v2 =	vmul.f32 v2, v2;
	v1 =	vmul.f32 v1, v1;
	v24 =	vld [tilespmem:s28+$0x8610]  }
0x15e: {  	(v2sf) =	vpush v5, $0xA;
	[tilespmem:$0x1FFB0] =	vst v28;
	v28 =	vld [tilespmem:s28+$0x8620]  }
0x15f: {  	v1 =	vadd.f32 v1, v2;
	v13 =	vsub.f32 v12, v23;
	v2 =	vld [tilespmem:s31+$0x630]  }
0x160: {  	v23 =	vadd.f32 v38, v43;
	v43 =	vadd.f32 v27, v30;
	v27 =	vld [tilespmem:$0x1FDB0]  }
0x161: {  	(v2sf) =	vpush v5, $0xB;
	s25 =	sor.u32 $0x2800, s22;
	s26 =	spop (v2sf);
	s24 =	sadd.s32 $0x10600, s24;
	v30 =	vld [tilespmem:$0x1FDC0]  }
0x162: {  	(v2sf) =	vpush v4, $0xA;
	s26 =	sadd.s32 s26, s25;
	v25 =	vld [tilespmem:s24+$0x10]  }
0x163: {  	v17 =	vmul.f32 v7, v7;
	v7 =	vadd.f32 v52, v19;
	v19 =	vld [tilespmem:s26+$0x600]  }
0x164: {  	v22 =	vadd.f32 v22, v61;
	v61 =	vld [tilespmem:$0x1FFB0]  }
0x165: {  	v11 =	vadd.f32 v17, v1;
	v1 =	vld [tilespmem:s31+$0x620]  }
0x166: {  	v17 =	vld [tilespmem:s28+$0x8630]  }
0x167: {  	v12 =	vsub.f32 v7, v33;
	v7 =	vld [tilespmem:s24+$0x30]  }
0x168: {  	v33 =	vld [tilespmem:s26+$0x610]  }
0x169: {  	v38 =	vadd.f32 v59, v53;
	v21 =	vsub.f32 v43, v45;
	v45 =	vmul.f32 v39, v39;
	v39 =	vld [tilespmem:$0x1FE10]  }
0x16a: {  	v9 =	vmul.f32 v9, v9;
	v43 =	vld [tilespmem:$0x1FE20]  }
0x16b: {  	v37 =	vadd.f32 v15, v20;
	v10 =	vmul.f32 v13, v13;
	v15 =	vsub.f32 v38, v44;
	v38 =	vld [tilespmem:$0x1FE00]  }
0x16c: {  	s29 =	spop (v2sf);
	v44 =	vld [tilespmem:$0x1FE30]  }
0x16d: {  	s31 =	spop (v2sf);
	v9 =	vadd.f32 v9, v10;
	v10 =	vld [tilespmem:s24+$0x20]  }
0x16e: {  	v34 =	vsub.f32 v23, v62;
	s24 =	sadd.s32 s31, s25;
	v23 =	vmul.f32 v21, v21;
	v21 =	vld [tilespmem:s26+$0x630]  }
0x16f: {  	v26 =	vld [tilespmem:s24+$0x8600]  }
0x170: {  	v13 =	vmul.f32 v34, v34;
	s28 =	spop (v2sf);
	v34 =	vld [tilespmem:s24+$0x8610]  }
0x171: {  	v3 =	vsub.f32 v3, v14;
	v14 =	vsub.f32 v37, v31;
	v31 =	vld [tilespmem:$0x1FDD0];
	s31 =	spop (v2sf)  }
0x172: {  	v59 =	vmul.f32 v15, v15;
	v37 =	vld [tilespmem:$0x1FDF0];
	v53 =	vadd.f32 v13, v9;
	s25 =	sadd.s32 s31, s25  }
0x173: {  	(v2sf) =	vpush v4, $0xB;
	v20 =	vld [tilespmem:s25+$0x10600]  }
0x174: {  	v9 =	vadd.f32 v59, v53;
	v59 =	vadd.f32 v63, v60;
	v63 =	vld [tilespmem:$0x1FE70]  }
0x175: {  	v3 =	vmul.f32 v3, v3;
	s25 =	sadd.s32 $0x10600, s25;
	v60 =	vadd.f32 v42, v46;
	v46 =	vld [tilespmem:$0x1FE90]  }
0x176: {  	v52 =	vmul.f32 v14, v14;
	v32 =	vld [tilespmem:s25+$0x10]  }
0x177: {  	v14 =	vadd.f32 v3, v0;
	v0 =	vadd.f32 v30, v27;
	v27 =	vld [tilespmem:s26+$0x620]  }
0x178: {  	v62 =	vadd.f32 v52, v45;
	v45 =	vld [tilespmem:$0x1FE40]  }
0x179: {  	v52 =	vld [tilespmem:$0x1FE50]  }
0x17a: {  	v30 =	vld [tilespmem:s24+$0x8630]  }
0x17b: {  	(v2sf) =	vpush v6, $0xC;
	v15 =	vld [tilespmem:s25+$0x30]  }
0x17c: {  	v13 =	vadd.f32 v39, v38;
	v39 =	vsub.f32 v60, v56;
	v56 =	vld [tilespmem:$0x1FEB0]  }
0x17d: {  	(v2sf) =	vpush v6, $0xD;
	v12 =	vmul.f32 v12, v12;
	v60 =	vld [tilespmem:$0x1FED0]  }
0x17e: {  	v0 =	vsub.f32 v0, v31;
	v31 =	vld [tilespmem:s24+$0x8620]  }
0x17f: {  	v3 =	vadd.f32 v12, v11;
	s26 =	sor.u32 $0x2C00, s22;
	v11 =	vadd.f32 v23, v62;
	v23 =	vld [tilespmem:s25+$0x20]  }
0x180: {  	s31 =	sadd.s32 s29, s26;
	v62 =	vld [tilespmem:$0x1FE60]  }
0x181: {  	v12 =	vadd.f32 v37, v35;
	s28 =	sadd.s32 s28, s26;
	v37 =	vld [tilespmem:s31+$0x600]  }
0x182: {  	v13 =	vsub.f32 v13, v44;
	v44 =	vld [tilespmem:s28+$0x8610]  }
0x183: {  	v47 =	vadd.f32 v57, v47;
	s30 =	spop (v2sf);
	v57 =	vld [tilespmem:s28+$0x8630]  }
0x184: {  	s25 =	sadd.s32 s30, s26;
	v12 =	vsub.f32 v12, v43;
	v43 =	vld [tilespmem:s28+$0x8600]  }
0x185: {  	v38 =	vld [tilespmem:s25+$0x10600]  }
0x186: {  	v42 =	vsub.f32 v59, v63;
	v59 =	vld [tilespmem:$0x1FEC0]  }
0x187: {  	(v2sf) =	vpush v5, $0xC;
	v63 =	vadd.f32 v58, v54;
	v58 =	vld [tilespmem:$0x1FEF0]  }
0x188: {  	(v2sf) =	vpush v5, $0xD;
	v53 =	vadd.f32 v52, v45;
	v45 =	vld [tilespmem:$0x1FE80]  }
0x189: {  	(v2sf) =	vpush v4, $0xC;
	v52 =	vmul.f32 v42, v42;
	v42 =	vld [tilespmem:s31+$0x610]  }
0x18a: {  	(v2sf) =	vpush v4, $0xD;
	s24 =	sor.u32 $0x3000, s22;
	s26 =	spop (v2sf);
	v35 =	vsub.f32 v53, v62;
	v53 =	vld [tilespmem:$0x1FEA0]  }
0x18b: {  	(v2sf) =	vpush v6, $0xE;
	s26 =	sadd.s32 s26, s24;
	v62 =	vld [tilespmem:$0x1FEE0]  }
0x18c: {  	v39 =	vmul.f32 v39, v39;
	v0 =	vmul.f32 v0, v0;
	s29 =	spop (v2sf);
	(v2sf) =	vpush v6, $0xF;
	v6 =	vld [tilespmem:s26+$0x620]  }
0x18d: {  	v18 =	vadd.f32 v18, v29;
	v13 =	vmul.f32 v13, v13;
	s25 =	sadd.s32 $0x10600, s25;
	v12 =	vmul.f32 v12, v12;
	v29 =	vld [tilespmem:s26+$0x630]  }
0x18e: {  	v11 =	vadd.f32 v0, v11;
	v0 =	vadd.f32 v39, v52;
	v39 =	vld [tilespmem:s25+$0x10]  }
0x18f: {  	v12 =	vadd.f32 v13, v12;
	v52 =	vld [tilespmem:s31+$0x620]  }
0x190: {  	v35 =	vmul.f32 v35, v35;
	v13 =	vadd.f32 v46, v45;
	v46 =	vsub.f32 v63, v50;
	v50 =	vld [tilespmem:s25+$0x20]  }
0x191: {  	v63 =	vld [tilespmem:$0x1FF30]  }
0x192: {  	v12 =	vadd.f32 v35, v12;
	v35 =	vadd.f32 v59, v56;
	v59 =	vld [tilespmem:$0x1FF00]  }
0x193: {  	v56 =	vld [tilespmem:s28+$0x8620]  }
0x194: {  	v45 =	vadd.f32 v62, v60;
	v60 =	vld [tilespmem:$0x1FF10]  }
0x195: {  	v62 =	vld [tilespmem:$0x1FF20]  }
0x196: {  	v13 =	vsub.f32 v13, v53;
	v53 =	vsub.f32 v35, v58;
	v35 =	vld [tilespmem:s31+$0x630];
	s31 =	spop (v2sf)  }
0x197: {  	v58 =	vld [tilespmem:s25+$0x30];
	s25 =	sadd.s32 s31, s24  }
0x198: {  	v41 =	vadd.f32 v55, v41;
	v55 =	vld [tilespmem:s25+$0x8610]  }
0x199: {  	v22 =	vsub.f32 v22, v36;
	v36 =	vld [tilespmem:s25+$0x8620]  }
0x19a: {  	v8 =	vadd.f32 v24, v8;
	v54 =	vadd.f32 v60, v59;
	v60 =	vld [tilespmem:$0x1FF40]  }
0x19b: {  	v24 =	vld [tilespmem:s25+$0x8630]  }
0x19c: {  	v16 =	vsub.f32 v18, v16;
	v8 =	vsub.f32 v8, v25;
	v53 =	vmul.f32 v53, v53;
	v59 =	vld [tilespmem:$0x1FF60]  }
0x19d: {  	v45 =	vsub.f32 v45, v62;
	v54 =	vsub.f32 v54, v63;
	v63 =	vld [tilespmem:$0x1FF50]  }
0x19e: {  	v46 =	vmul.f32 v46, v46;
	v13 =	vmul.f32 v13, v13;
	v0 =	vadd.f32 v53, v0;
	v53 =	vld [tilespmem:s26+$0x600]  }
0x19f: {  	v45 =	vmul.f32 v45, v45;
	v62 =	vmul.f32 v54, v54;
	v47 =	vsub.f32 v47, v60;
	v60 =	vld [tilespmem:$0x1FF70]  }
0x1a0: {  	v1 =	vadd.f32 v28, v1;
	v12 =	vadd.f32 v13, v12;
	v54 =	vld [tilespmem:s25+$0x8600]  }
0x1a1: {  	s28 =	spop (v2sf);
	v45 =	vadd.f32 v46, v45;
	v13 =	vadd.f32 v62, v0;
	v62 =	vld [tilespmem:$0x1FF80];
	v47 =	vmul.f32 v47, v47  }
0x1a2: {  	v2 =	vadd.f32 v17, v2;
	v16 =	vmul.f32 v16, v16;
	s31 =	spop (v2sf);
	v46 =	vadd.f32 v59, v63;
	v63 =	vld [tilespmem:$0x1FF90]  }
0x1a3: {  	v8 =	vmul.f32 v8, v8;
	v1 =	vsub.f32 v1, v10;
	s24 =	sadd.s32 s31, s24;
	v45 =	vadd.f32 v47, v45;
	v47 =	vld [tilespmem:s26+$0x610]  }
0x1a4: {  	v2 =	vsub.f32 v2, v7;
	v0 =	vadd.f32 v40, v60;
	v40 =	vld [tilespmem:s24+$0x10600]  }
0x1a5: {  	v8 =	vadd.f32 v8, v16;
	v1 =	vmul.f32 v1, v1;
	(v2sf) =	vpush v5, $0xE;
	s24 =	sadd.s32 $0x10600, s24;
	v60 =	vld [tilespmem:$0x1FFA0]  }
0x1a6: {  	v41 =	vsub.f32 v41, v48;
	v19 =	vadd.f32 v26, v19;
	v59 =	vld [tilespmem:s24+$0x10]  }
0x1a7: {  	v2 =	vmul.f32 v2, v2;
	v1 =	vadd.f32 v1, v8;
	v21 =	vadd.f32 v30, v21;
	s26 =	sor.u32 $0x3400, s22;
	v48 =	vld [tilespmem:s24+$0x20]  }
0x1a8: {  	v43 =	vadd.f32 v43, v37;
	(v2sf) =	vpush v5, $0xF;
	s31 =	sadd.s32 s29, s26;
	v18 =	vld [tilespmem:s24+$0x30]  }
0x1a9: {  	v1 =	vadd.f32 v2, v1;
	(v2sf) =	vpush v4, $0xE;
	s30 =	spop (v2sf);
	s28 =	sadd.s32 s28, s26;
	v25 =	vld [tilespmem:s31+$0x600]  }
0x1aa: {  	v15 =	vsub.f32 v21, v15;
	v17 =	vsub.f32 v43, v38;
	s25 =	sadd.s32 s30, s26;
	v28 =	vld [tilespmem:s28+$0x8600]  }
0x1ab: {  	v6 =	vadd.f32 v36, v6;
	v24 =	vadd.f32 v24, v29;
	v29 =	vperm.xlane v3, v49;
	v10 =	vld [tilespmem:s25+$0x10600]  }
0x1ac: {  	v36 =	vperm.xlane v1, v49;
	v46 =	vsub.f32 v46, v62;
	v62 =	vadd.f32 v34, v33;
	v33 =	vld [tilespmem:s31+$0x610]  }
0x1ad: {  	(v2sf) =	vpush v4, $0xF;
	v3 =	vadd.f32 v29, v3;
	v16 =	vld [tilespmem:s28+$0x8610]  }
0x1ae: {  	v1 =	vadd.f32 v36, v1;
	s25 =	sadd.s32 $0x10600, s25;
	v8 =	vld [tilespmem:s31+$0x620];
	v0 =	vsub.f32 v0, v63;
	v46 =	vmul.f32 v46, v46  }
0x1af: {  	v41 =	vmul.f32 v41, v41;
	v63 =	vsub.f32 v19, v20;
	v20 =	vld [tilespmem:s25+$0x10];
	v26 =	vsub.f32 v62, v32  }
0x1b0: {  	v19 =	vld [tilespmem:s28+$0x8620];
	v0 =	vmul.f32 v0, v0;
	v5 =	vadd.f32 v46, v45;
	v45 =	vadd.f32 v44, v42  }
0x1b1: {  	v4 =	vld [tilespmem:s25+$0x20];
	v46 =	vadd.f32 v56, v52;
	v52 =	vadd.f32 v57, v35  }
0x1b2: {  	s26 =	spop (v2sf);
	v30 =	vld [tilespmem:s25+$0x30];
	v32 =	vmul.f32 v63, v63;
	v57 =	vadd.f32 v54, v53;
	v0 =	vadd.f32 v41, v0  }
0x1b3: {  	s29 =	spop (v2sf);
	v34 =	vmul.f32 v26, v26;
	v41 =	vadd.f32 v31, v27;
	v31 =	vld [tilespmem:s28+$0x8630];
	s28 =	sor.u32 $0x3800, s22;
	v25 =	vadd.f32 v28, v25  }
0x1b4: {  	v27 =	vld [tilespmem:s31+$0x630];
	s31 =	spop (v2sf);
	v16 =	vadd.f32 v16, v33;
	v6 =	vsub.f32 v6, v48;
	s25 =	sadd.s32 s26, s28  }
0x1b5: {  	v22 =	vmul.f32 v22, v22;
	v48 =	vsub.f32 v24, v18;
	v7 =	vadd.f32 v34, v32;
	s31 =	sadd.s32 s31, s28;
	v34 =	vld [tilespmem:s25+$0x600]  }
0x1b6: {  	v26 =	vsub.f32 v45, v39;
	v32 =	vsub.f32 v46, v50;
	v21 =	vld [tilespmem:s31+$0x8600]  }
0x1b7: {  	s30 =	spop (v2sf);
	v0 =	vadd.f32 v22, v0;
	v22 =	vadd.f32 v61, v60;
	v60 =	vld [tilespmem:s25+$0x620]  }
0x1b8: {  	v15 =	vmul.f32 v15, v15;
	v8 =	vadd.f32 v19, v8;
	v23 =	vsub.f32 v41, v23;
	s26 =	spop (v2sf);
	v62 =	vld [tilespmem:s31+$0x8620]  }
0x1b9: {  	v17 =	vmul.f32 v17, v17;
	v61 =	vadd.f32 v55, v47;
	v39 =	vld [tilespmem:s25+$0x630];
	v10 =	vsub.f32 v25, v10;
	s28 =	sadd.s32 s26, s28  }
0x1ba: {  	v16 =	vsub.f32 v16, v20;
	v6 =	vmul.f32 v6, v6;
	v26 =	vmul.f32 v26, v26;
	v37 =	vld [tilespmem:s28+$0x10600];
	s24 =	sadd.s32 $0x10600, s28  }
0x1bb: {  	v22 =	vsub.f32 v22, v51;
	v23 =	vmul.f32 v23, v23;
	v51 =	vmul.f32 v32, v32;
	v56 =	vld [tilespmem:s24+$0x10]  }
0x1bc: {  	v4 =	vsub.f32 v8, v4;
	v10 =	vmul.f32 v10, v10;
	v16 =	vmul.f32 v16, v16;
	v63 =	vld [tilespmem:s24+$0x20]  }
0x1bd: {  	v32 =	vperm.xlane v12, v49;
	v50 =	vadd.f32 v26, v17;
	v17 =	vsub.f32 v57, v40;
	v40 =	vld [tilespmem:s31+$0x8630]  }
0x1be: {  	s26 =	sor.u32 $0x3C00, s22;
	v35 =	vsub.f32 v61, v59;
	v4 =	vmul.f32 v4, v4;
	v57 =	vld [tilespmem:s24+$0x30];
	v7 =	vadd.f32 v23, v7  }
0x1bf: {  	v26 =	vperm.xlane v14, v49;
	v23 =	vld [tilespmem:s31+$0x8610];
	s31 =	sadd.s32 s30, s26;
	v10 =	vadd.f32 v16, v10;
	v12 =	vadd.f32 v32, v12  }
0x1c0: {  	v22 =	vmul.f32 v22, v22;
	v2 =	vadd.f32 v51, v50;
	v43 =	vld [tilespmem:s31+$0x8600];
	v51 =	vadd.f32 v31, v27  }
0x1c1: {  	v42 =	vmul.f32 v35, v35;
	v46 =	vld [tilespmem:s31+$0x8610];
	v21 =	vadd.f32 v21, v34;
	v53 =	vadd.f32 v62, v60  }
0x1c2: {  	v17 =	vmul.f32 v17, v17;
	v27 =	vld [tilespmem:$0x1FFC0];
	v14 =	vadd.f32 v26, v14;
	v0 =	vadd.f32 v22, v0  }
0x1c3: {  	v31 =	vperm.xlane v11, v49;
	v22 =	vld [tilespmem:s25+$0x610];
	v7 =	vadd.f32 v15, v7;
	v15 =	vsub.f32 v52, v58  }
0x1c4: {  	v34 =	vperm.xlane v5, v49;
	s25 =	sadd.s32 s29, s26;
	v4 =	vadd.f32 v4, v10;
	v52 =	vld [tilespmem:s31+$0x8620];
	v17 =	vadd.f32 v42, v17  }
0x1c5: {  	v41 =	vld [tilespmem:s25+$0x600];
	v18 =	vsub.f32 v51, v30;
	v21 =	vsub.f32 v21, v37;
	v30 =	vperm.xlane v9, v49  }
0x1c6: {  	v45 =	vld [tilespmem:s25+$0x610];
	v11 =	vadd.f32 v31, v11;
	v5 =	vadd.f32 v34, v5;
	v15 =	vmul.f32 v15, v15  }
0x1c7: {  	s29 =	spop (v2sf);
	v50 =	vld [tilespmem:s25+$0x620];
	v25 =	vadd.f32 v40, v39;
	v35 =	vperm.xlane v0, v49;
	v6 =	vadd.f32 v6, v17  }
0x1c8: {  	s22 =	sadd.s32 s29, s26;
	v55 =	vld [tilespmem:s25+$0x630];
	v38 =	vperm.xlane v7, v49;
	v9 =	vadd.f32 v30, v9;
	v2 =	vadd.f32 v15, v2  }
0x1c9: {  	v44 =	vld [tilespmem:s22+$0x10600];
	s22 =	sadd.s32 $0x10600, s22;
	v17 =	vmul.f32 v48, v48;
	v62 =	vsub.f32 v25, v57;
	v0 =	vadd.f32 v35, v0  }
0x1ca: {  	v47 =	vld [tilespmem:s22+$0x10];
	v18 =	vmul.f32 v18, v18;
	v7 =	vadd.f32 v38, v7;
	v22 =	vadd.f32 v23, v22  }
0x1cb: {  	v33 =	vperm.xlane v13, v49;
	v54 =	vld [tilespmem:s22+$0x20];
	v23 =	vsub.f32 v53, v63;
	v6 =	vadd.f32 v17, v6  }
0x1cc: {  	v59 =	vmul.f32 v21, v21;
	v4 =	vadd.f32 v18, v4;
	v22 =	vsub.f32 v22, v56;
	v56 =	vld [tilespmem:s31+$0x8630]  }
0x1cd: {  	v11 =	vsel vm0, v11, v12;
	v19 =	vadd.f32 v43, v41;
	v16 =	vadd.f32 v46, v45  }
0x1ce: {  	v58 =	vld [tilespmem:s22+$0x30];
	v3 =	vsel vm0, v3, v9;
	v9 =	vadd.f32 v33, v13;
	v10 =	vadd.f32 v52, v50  }
0x1cf: {  	v28 =	vperm.xlane v27, v49;
	v8 =	vsub.f32 v19, v44;
	v15 =	vsub.f32 v16, v47  }
0x1d0: {  	v25 =	vmul.f32 v62, v62;
	v10 =	vsub.f32 v10, v54;
	v60 =	vmul.f32 v22, v22  }
0x1d1: {  	v8 =	vmul.f32 v8, v8;
	v15 =	vmul.f32 v15, v15;
	v61 =	vadd.f32 v56, v55  }
0x1d2: {  	v37 =	vperm.xlane v2, v49;
	v63 =	vmul.f32 v23, v23;
	v16 =	vadd.f32 v60, v59  }
0x1d3: {  	v45 =	vld [tilespmem:$0x1FFD0];
	v10 =	vmul.f32 v10, v10;
	v8 =	vadd.f32 v15, v8;
	v24 =	vsub.f32 v61, v58  }
0x1d4: {  	v39 =	vperm.xlane v6, v49;
	v40 =	vperm.xlane v4, v49;
	v2 =	vadd.f32 v37, v2  }
0x1d5: {  	v16 =	vadd.f32 v63, v16;
	v8 =	vadd.f32 v10, v8;
	v15 =	vmul.f32 v24, v24  }
0x1d6: {  	v0 =	vsel vm0, v0, v1;
	v4 =	vadd.f32 v40, v4;
	v6 =	vadd.f32 v39, v6  }
0x1d7: {  	v5 =	vsel vm0, v9, v5;
	v10 =	vadd.f32 v25, v16;
	v8 =	vadd.f32 v15, v8  }
0x1d8: {  	v2 =	vsel vm0, v7, v2;
	v47 =	vperm.xlane v3, v45;
	v48 =	vperm.xlane v5, v45  }
0x1d9: {  	v4 =	vsel vm0, v6, v4;
	v41 =	vperm.xlane v10, v49;
	v42 =	vperm.xlane v8, v49  }
0x1da: {  	v50 =	vperm.xlane v11, v45;
	v51 =	vperm.xlane v0, v45;
	v15 =	vadd.f32 v28, v27  }
0x1db: {  	v52 =	vperm.xlane v2, v45;
	v44 =	vadd.f32 v41, v10;
	v43 =	vadd.f32 v42, v8  }
0x1dc: {  	v53 =	vperm.xlane v4, v45;
	v55 =	vld [tilespmem:$0x1FFE0];
	v3 =	vadd.f32 v47, v3;
	v14 =	vsel vm0, v15, v14  }
0x1dd: {  	v5 =	vadd.f32 v48, v5;
	v46 =	vperm.xlane v14, v45;
	v1 =	vsel vm0, v44, v43  }
0x1de: {  	v2 =	vadd.f32 v52, v2;
	v0 =	vadd.f32 v51, v0;
	v54 =	vperm.xlane v1, v45  }
0x1df: {  	v4 =	vadd.f32 v53, v4;
	v7 =	vadd.f32 v46, v14  }
0x1e0: {  	v0 =	vsel vm1, v0, v2;
	v8 =	vadd.f32 v50, v11;
	v1 =	vadd.f32 v54, v1  }
0x1e1: {  	v58 =	vperm.xlane v0, v55;
	v3 =	vsel vm1, v7, v3  }
0x1e2: {  	v5 =	vsel vm1, v8, v5;
	v56 =	vperm.xlane v3, v55;
	v1 =	vsel vm1, v4, v1  }
0x1e3: {  	v59 =	vld [tilespmem:$0x1FFF0];
	v57 =	vperm.xlane v5, v55;
	v7 =	vperm.xlane v1, v55  }
0x1e4: {  	v0 =	vadd.f32 v58, v0;
	v2 =	vadd.f32 v56, v3  }
0x1e5: {  	v4 =	vadd.f32 v57, v5;
	v1 =	vadd.f32 v7, v1;
	_ =	sdelay $0x1  }
0x1e6: {  	v2 =	vsel vm2, v2, v4;
	v0 =	vsel vm2, v0, v1  }
0x1e7: {  	v60 =	vperm.xlane v2, v59;
	v3 =	vperm.xlane v0, v59;
	_ =	sdelay $0x1  }
0x1e8: {  	v1 =	vadd.f32 v60, v2;
	v0 =	vadd.f32 v3, v0;
	_ =	sdelay $0x1  }
0x1e9: {  	v0 =	vsel vm3, v1, v0  }
0x1ea: {  	v0 =	vmax.f32 v0, $1.000000000e-30  }
0x1eb: {  	v61 =	vshrl.u32 v0, $0x1;
	v62 =	vmul.f32 $5.000000000e-01, v0  }
0x1ec: {  	v1 =	vsub.s32 $0x5F3759DF, v61  }
0x1ed: {  	v63 =	vmul.f32 v1, v62;
	_ =	sdelay $0x1  }
0x1ee: {  	v3 =	vmul.f32 v1, v63;
	_ =	sdelay $0x1  }
0x1ef: {  	v3 =	vsub.f32 $1.500000000e+00, v3;
	_ =	sdelay $0x1  }
0x1f0: {  	v1 =	vmul.f32 v1, v3;
	_ =	sdelay $0x1  }
0x1f1: {  	v3 =	vmul.f32 v1, v62;
	_ =	sdelay $0x1  }
0x1f2: {  	v3 =	vmul.f32 v3, v1;
	_ =	sdelay $0x1  }
0x1f3: {  	v3 =	vsub.f32 $1.500000000e+00, v3;
	_ =	sdelay $0x1  }
0x1f4: {  	v1 =	vmul.f32 v3, v1;
	_ =	sdelay $0x1  }
0x1f5: {  	v2 =	vmul.f32 v1, v62;
	_ =	sdelay $0x1  }
0x1f6: {  	v2 =	vmul.f32 v2, v1;
	_ =	sdelay $0x1  }
0x1f7: {  	s20 =	sadd.s32 $0x40, s20;
	v2 =	vsub.f32 $1.500000000e+00, v2  }
0x1f8: {  	p0 =	sne.s32 s20, $0x800  }
.Ltmp3:
0x1f9: {  	v1 =	vmul.f32 v2, v1;
	(pc) =	sbr.rel @!p0 .LBB2_5-.Ltmp3, $3  }
0x1fa: {  	_ = 	snop  }
0x1fb: {  	v0 =	vmul.f32 v1, v0;
	_ =	sdelay $0x1  }
0x1fc: {  	s21 =	sadd.s32 $0x4000, s21;
	[tilespmem:s23+$0x18600] =	vst v0  }
.LBB2_2:
0x1fd: {  	p0 =	seq.s32 s20, $0x7C0  }
.Ltmp4:
0x1fe: {  	_ = 	snop;
	(pc) =	sbr.rel @p0 .LBB2_4-.Ltmp4, $2  }
0x1ff: {  	_ =	sdelay $0x2  }
0x200: {  	s22 =	simm.s32 $0x4000  }
0x201: {  	s22 =	sshra.s32 s20, $0x2  }
0x202: {  	v1 =	vld [tilespmem:s22+$0x10];
	_ =	sdelay $0x1  }
0x203: {  	v2 =	vld [tilespmem:s22+$0x210];
	_ =	sdelay $0x1  }
0x204: {  	v63 =	vld [tilespmem:s22+$0x410]  }
0x205: {  	v1 =	vshrl.u32 v1, $0x3  }
0x206: {  	v6 =	vshll.u32 v1, $0x7  }
0x207: {  	v2 =	vshrl.u32 v2, $0x3;
	(v2sf) =	vpush v6, $0x0  }
0x208: {  	v5 =	vshll.u32 v2, $0x7  }
0x209: {  	v1 =	vshrl.u32 v63, $0x3;
	(v2sf) =	vpush v5, $0x0  }
0x20a: {  	v4 =	vshll.u32 v1, $0x7  }
0x20b: {  	(v2sf) =	vpush v4, $0x0;
	_ =	sdelay $0x2  }
0x20c: {  	(v2sf) =	vpush v6, $0x1;
	_ =	sdelay $0x7  }
0x20d: {  	s23 =	spop (v2sf);
	(v2sf) =	vpush v5, $0x1;
	_ =	sdelay $0x1  }
0x20e: {  	s28 =	spop (v2sf);
	(v2sf) =	vpush v4, $0x1;
	_ =	sdelay $0x1  }
0x20f: {  	s30 =	spop (v2sf);
	(v2sf) =	vpush v6, $0x2;
	_ =	sdelay $0x2  }
0x210: {  	s25 =	spop (v2sf);
	(v2sf) =	vpush v5, $0x2;
	_ =	sdelay $0x1  }
0x211: {  	s22 =	sand.u32 $0x4000, s21;
	s23 =	sand.u32 $0x1FFFFF80, s23  }
0x212: {  	s24 =	sxor.u32 $0x4600, s22;
	s23 =	sadd.s32 s3, s23  }
0x213: {  	[tilespmem:s24], [sflag:$0x1] =	stream.linear.gather [hbm4b:s23+s1], $0x400, $0x38;
	[tilespmem:$0x18800] =	vst v63  }
0x214: {  	s23 =	sand.u32 $0x1FFFFF80, s28  }
0x215: {  	s29 =	sxor.u32 $0xC600, s22;
	s23 =	sadd.s32 s4, s23  }
0x216: {  	[tilespmem:s29], [sflag:$0x1] =	stream.linear.gather [hbm4b:s23+s1], $0x400, $0x38;
	[tilespmem:$0x18800] =	vst v63  }
0x217: {  	s28 =	spop (v2sf);
	(v2sf) =	vpush v4, $0x2  }
0x218: {  	s23 =	sand.u32 $0x1FFFFF80, s30  }
0x219: {  	s31 =	sxor.u32 $0x14600, s22;
	s23 =	sadd.s32 s3, s23;
	s30 =	spop (v2sf);
	(v2sf) =	vpush v6, $0x3  }
0x21a: {  	[tilespmem:s31], [sflag:$0x1] =	stream.linear.gather [hbm4b:s23+s1], $0x400, $0x38;
	[tilespmem:$0x18800] =	vst v63  }
0x21b: {  	s23 =	sand.u32 $0x1FFFFF80, s25;
	s25 =	spop (v2sf);
	(v2sf) =	vpush v5, $0x3  }
0x21c: {  	s26 =	sxor.u32 $0x4A00, s22;
	s23 =	sadd.s32 s3, s23  }
0x21d: {  	[tilespmem:s26], [sflag:$0x1] =	stream.linear.gather [hbm4b:s23+s1], $0x400, $0x38;
	[tilespmem:$0x18800] =	vst v63  }
0x21e: {  	s23 =	sand.u32 $0x1FFFFF80, s28;
	s28 =	spop (v2sf);
	(v2sf) =	vpush v4, $0x3;
	_ =	sdelay $0x2  }
0x21f: {  	s29 =	sxor.u32 $0xCA00, s22;
	s23 =	sadd.s32 s4, s23  }
0x220: {  	[tilespmem:s29], [sflag:$0x1] =	stream.linear.gather [hbm4b:s23+s1], $0x400, $0x38;
	[tilespmem:$0x18800] =	vst v63  }
0x221: {  	s23 =	sand.u32 $0x1FFFFF80, s30  }
0x222: {  	s31 =	sxor.u32 $0x14A00, s22;
	s23 =	sadd.s32 s3, s23  }
0x223: {  	[tilespmem:s31], [sflag:$0x1] =	stream.linear.gather [hbm4b:s23+s1], $0x400, $0x38;
	[tilespmem:$0x18800] =	vst v63  }
0x224: {  	s30 =	spop (v2sf);
	(v2sf) =	vpush v6, $0x4  }
0x225: {  	s23 =	sand.u32 $0x1FFFFF80, s25  }
0x226: {  	s26 =	sxor.u32 $0x4E00, s22;
	s23 =	sadd.s32 s3, s23;
	s25 =	spop (v2sf);
	(v2sf) =	vpush v5, $0x4  }
0x227: {  	[tilespmem:s26], [sflag:$0x1] =	stream.linear.gather [hbm4b:s23+s1], $0x400, $0x38;
	[tilespmem:$0x18800] =	vst v63  }
0x228: {  	s23 =	sand.u32 $0x1FFFFF80, s28;
	s28 =	spop (v2sf);
	(v2sf) =	vpush v4, $0x4  }
0x229: {  	s29 =	sxor.u32 $0xCE00, s22;
	s23 =	sadd.s32 s4, s23  }
0x22a: {  	[tilespmem:s29], [sflag:$0x1] =	stream.linear.gather [hbm4b:s23+s1], $0x400, $0x38;
	[tilespmem:$0x18800] =	vst v63  }
0x22b: {  	s23 =	sand.u32 $0x1FFFFF80, s30;
	s30 =	spop (v2sf);
	(v2sf) =	vpush v6, $0x5;
	_ =	sdelay $0x2  }
0x22c: {  	s31 =	sxor.u32 $0x14E00, s22;
	s23 =	sadd.s32 s3, s23  }
0x22d: {  	[tilespmem:s31], [sflag:$0x1] =	stream.linear.gather [hbm4b:s23+s1], $0x400, $0x38;
	[tilespmem:$0x18800] =	vst v63  }
0x22e: {  	s23 =	sand.u32 $0x1FFFFF80, s25  }
0x22f: {  	s26 =	sxor.u32 $0x5200, s22;
	s23 =	sadd.s32 s3, s23  }
0x230: {  	[tilespmem:s26], [sflag:$0x1] =	stream.linear.gather [hbm4b:s23+s1], $0x400, $0x38;
	[tilespmem:$0x18800] =	vst v63  }
0x231: {  	s25 =	spop (v2sf);
	(v2sf) =	vpush v5, $0x5  }
0x232: {  	s23 =	sand.u32 $0x1FFFFF80, s28  }
0x233: {  	s29 =	sxor.u32 $0xD200, s22;
	s23 =	sadd.s32 s4, s23;
	s28 =	spop (v2sf);
	(v2sf) =	vpush v4, $0x5  }
0x234: {  	[tilespmem:s29], [sflag:$0x1] =	stream.linear.gather [hbm4b:s23+s1], $0x400, $0x38;
	[tilespmem:$0x18800] =	vst v63  }
0x235: {  	s23 =	sand.u32 $0x1FFFFF80, s30;
	s30 =	spop (v2sf);
	(v2sf) =	vpush v6, $0x6  }
0x236: {  	s31 =	sxor.u32 $0x15200, s22;
	s23 =	sadd.s32 s3, s23  }
0x237: {  	[tilespmem:s31], [sflag:$0x1] =	stream.linear.gather [hbm4b:s23+s1], $0x400, $0x38;
	[tilespmem:$0x18800] =	vst v63  }
0x238: {  	s23 =	sand.u32 $0x1FFFFF80, s25;
	s25 =	spop (v2sf);
	(v2sf) =	vpush v5, $0x6;
	_ =	sdelay $0x2  }
0x239: {  	s26 =	sxor.u32 $0x5600, s22;
	s23 =	sadd.s32 s3, s23  }
0x23a: {  	[tilespmem:s26], [sflag:$0x1] =	stream.linear.gather [hbm4b:s23+s1], $0x400, $0x38;
	[tilespmem:$0x18800] =	vst v63  }
0x23b: {  	s23 =	sand.u32 $0x1FFFFF80, s28  }
0x23c: {  	s29 =	sxor.u32 $0xD600, s22;
	s23 =	sadd.s32 s4, s23  }
0x23d: {  	[tilespmem:s29], [sflag:$0x1] =	stream.linear.gather [hbm4b:s23+s1], $0x400, $0x38;
	[tilespmem:$0x18800] =	vst v63  }
0x23e: {  	s28 =	spop (v2sf);
	(v2sf) =	vpush v4, $0x6  }
0x23f: {  	s23 =	sand.u32 $0x1FFFFF80, s30  }
0x240: {  	s31 =	sxor.u32 $0x15600, s22;
	s23 =	sadd.s32 s3, s23;
	s30 =	spop (v2sf);
	(v2sf) =	vpush v6, $0x7  }
0x241: {  	[tilespmem:s31], [sflag:$0x1] =	stream.linear.gather [hbm4b:s23+s1], $0x400, $0x38;
	[tilespmem:$0x18800] =	vst v63  }
0x242: {  	s23 =	sand.u32 $0x1FFFFF80, s25;
	s25 =	spop (v2sf);
	(v2sf) =	vpush v5, $0x7  }
0x243: {  	s26 =	sxor.u32 $0x5A00, s22;
	s23 =	sadd.s32 s3, s23  }
0x244: {  	[tilespmem:s26], [sflag:$0x1] =	stream.linear.gather [hbm4b:s23+s1], $0x400, $0x38;
	[tilespmem:$0x18800] =	vst v63  }
0x245: {  	s23 =	sand.u32 $0x1FFFFF80, s28;
	s28 =	spop (v2sf);
	(v2sf) =	vpush v4, $0x7;
	_ =	sdelay $0x2  }
0x246: {  	s29 =	sxor.u32 $0xDA00, s22;
	s23 =	sadd.s32 s4, s23  }
0x247: {  	[tilespmem:s29], [sflag:$0x1] =	stream.linear.gather [hbm4b:s23+s1], $0x400, $0x38;
	[tilespmem:$0x18800] =	vst v63  }
0x248: {  	s23 =	sand.u32 $0x1FFFFF80, s30  }
0x249: {  	s31 =	sxor.u32 $0x15A00, s22;
	s23 =	sadd.s32 s3, s23  }
0x24a: {  	[tilespmem:s31], [sflag:$0x1] =	stream.linear.gather [hbm4b:s23+s1], $0x400, $0x38;
	[tilespmem:$0x18800] =	vst v63  }
0x24b: {  	s30 =	spop (v2sf);
	(v2sf) =	vpush v6, $0x8  }
0x24c: {  	s23 =	sand.u32 $0x1FFFFF80, s25  }
0x24d: {  	s26 =	sxor.u32 $0x5E00, s22;
	s23 =	sadd.s32 s3, s23;
	s25 =	spop (v2sf);
	(v2sf) =	vpush v5, $0x8  }
0x24e: {  	[tilespmem:s26], [sflag:$0x1] =	stream.linear.gather [hbm4b:s23+s1], $0x400, $0x38;
	[tilespmem:$0x18800] =	vst v63  }
0x24f: {  	s23 =	sand.u32 $0x1FFFFF80, s28;
	s28 =	spop (v2sf);
	(v2sf) =	vpush v4, $0x8  }
0x250: {  	s29 =	sxor.u32 $0xDE00, s22;
	s23 =	sadd.s32 s4, s23  }
0x251: {  	[tilespmem:s29], [sflag:$0x1] =	stream.linear.gather [hbm4b:s23+s1], $0x400, $0x38;
	[tilespmem:$0x18800] =	vst v63  }
0x252: {  	s23 =	sand.u32 $0x1FFFFF80, s30;
	s30 =	spop (v2sf);
	(v2sf) =	vpush v6, $0x9;
	_ =	sdelay $0x2  }
0x253: {  	s31 =	sxor.u32 $0x15E00, s22;
	s23 =	sadd.s32 s3, s23  }
0x254: {  	[tilespmem:s31], [sflag:$0x1] =	stream.linear.gather [hbm4b:s23+s1], $0x400, $0x38;
	[tilespmem:$0x18800] =	vst v63  }
0x255: {  	s23 =	sand.u32 $0x1FFFFF80, s25  }
0x256: {  	s26 =	sxor.u32 $0x6200, s22;
	s23 =	sadd.s32 s3, s23  }
0x257: {  	[tilespmem:s26], [sflag:$0x1] =	stream.linear.gather [hbm4b:s23+s1], $0x400, $0x38;
	[tilespmem:$0x18800] =	vst v63  }
0x258: {  	s25 =	spop (v2sf);
	(v2sf) =	vpush v5, $0x9  }
0x259: {  	s23 =	sand.u32 $0x1FFFFF80, s28  }
0x25a: {  	s29 =	sxor.u32 $0xE200, s22;
	s23 =	sadd.s32 s4, s23;
	s28 =	spop (v2sf);
	(v2sf) =	vpush v4, $0x9  }
0x25b: {  	[tilespmem:s29], [sflag:$0x1] =	stream.linear.gather [hbm4b:s23+s1], $0x400, $0x38;
	[tilespmem:$0x18800] =	vst v63  }
0x25c: {  	s23 =	sand.u32 $0x1FFFFF80, s30;
	s30 =	spop (v2sf);
	(v2sf) =	vpush v6, $0xA  }
0x25d: {  	s31 =	sxor.u32 $0x16200, s22;
	s23 =	sadd.s32 s3, s23  }
0x25e: {  	[tilespmem:s31], [sflag:$0x1] =	stream.linear.gather [hbm4b:s23+s1], $0x400, $0x38;
	[tilespmem:$0x18800] =	vst v63  }
0x25f: {  	s23 =	sand.u32 $0x1FFFFF80, s25;
	s25 =	spop (v2sf);
	(v2sf) =	vpush v5, $0xA;
	_ =	sdelay $0x2  }
0x260: {  	s26 =	sxor.u32 $0x6600, s22;
	s23 =	sadd.s32 s3, s23  }
0x261: {  	[tilespmem:s26], [sflag:$0x1] =	stream.linear.gather [hbm4b:s23+s1], $0x400, $0x38;
	[tilespmem:$0x18800] =	vst v63  }
0x262: {  	s23 =	sand.u32 $0x1FFFFF80, s28  }
0x263: {  	s29 =	sxor.u32 $0xE600, s22;
	s23 =	sadd.s32 s4, s23  }
0x264: {  	[tilespmem:s29], [sflag:$0x1] =	stream.linear.gather [hbm4b:s23+s1], $0x400, $0x38;
	[tilespmem:$0x18800] =	vst v63  }
0x265: {  	s28 =	spop (v2sf);
	(v2sf) =	vpush v4, $0xA  }
0x266: {  	s23 =	sand.u32 $0x1FFFFF80, s30  }
0x267: {  	s31 =	sxor.u32 $0x16600, s22;
	s23 =	sadd.s32 s3, s23;
	s30 =	spop (v2sf);
	(v2sf) =	vpush v6, $0xB  }
0x268: {  	[tilespmem:s31], [sflag:$0x1] =	stream.linear.gather [hbm4b:s23+s1], $0x400, $0x38;
	[tilespmem:$0x18800] =	vst v63  }
0x269: {  	s23 =	sand.u32 $0x1FFFFF80, s25;
	s25 =	spop (v2sf);
	(v2sf) =	vpush v5, $0xB  }
0x26a: {  	s26 =	sxor.u32 $0x6A00, s22;
	s23 =	sadd.s32 s3, s23  }
0x26b: {  	[tilespmem:s26], [sflag:$0x1] =	stream.linear.gather [hbm4b:s23+s1], $0x400, $0x38;
	[tilespmem:$0x18800] =	vst v63  }
0x26c: {  	s23 =	sand.u32 $0x1FFFFF80, s28;
	s28 =	spop (v2sf);
	(v2sf) =	vpush v4, $0xB;
	_ =	sdelay $0x1  }
0x26d: {  	s29 =	sxor.u32 $0xEA00, s22;
	s23 =	sadd.s32 s4, s23  }
0x26e: {  	[tilespmem:s29], [sflag:$0x1] =	stream.linear.gather [hbm4b:s23+s1], $0x400, $0x38;
	[tilespmem:$0x18800] =	vst v63  }
0x26f: {  	s23 =	sand.u32 $0x1FFFFF80, s30  }
0x270: {  	s31 =	sxor.u32 $0x16A00, s22;
	s23 =	sadd.s32 s3, s23  }
0x271: {  	[tilespmem:s31], [sflag:$0x1] =	stream.linear.gather [hbm4b:s23+s1], $0x400, $0x38;
	[tilespmem:$0x18800] =	vst v63  }
0x272: {  	s23 =	sand.u32 $0x1FFFFF80, s25  }
0x273: {  	s26 =	sxor.u32 $0x6E00, s22;
	s23 =	sadd.s32 s3, s23;
	s30 =	spop (v2sf);
	(v2sf) =	vpush v6, $0xC  }
0x274: {  	[tilespmem:s26], [sflag:$0x1] =	stream.linear.gather [hbm4b:s23+s1], $0x400, $0x38;
	[tilespmem:$0x18800] =	vst v63  }
0x275: {  	s25 =	spop (v2sf);
	(v2sf) =	vpush v5, $0xC  }
0x276: {  	s23 =	sand.u32 $0x1FFFFF80, s28  }
0x277: {  	s29 =	sxor.u32 $0xEE00, s22;
	s23 =	sadd.s32 s4, s23;
	s28 =	spop (v2sf);
	(v2sf) =	vpush v4, $0xC  }
0x278: {  	[tilespmem:s29], [sflag:$0x1] =	stream.linear.gather [hbm4b:s23+s1], $0x400, $0x38;
	[tilespmem:$0x18800] =	vst v63  }
0x279: {  	s23 =	sand.u32 $0x1FFFFF80, s30  }
0x27a: {  	s31 =	sxor.u32 $0x16E00, s22;
	s23 =	sadd.s32 s3, s23;
	s30 =	spop (v2sf);
	(v2sf) =	vpush v6, $0xD  }
0x27b: {  	[tilespmem:s31], [sflag:$0x1] =	stream.linear.gather [hbm4b:s23+s1], $0x400, $0x38;
	[tilespmem:$0x18800] =	vst v63  }
0x27c: {  	s23 =	sand.u32 $0x1FFFFF80, s25  }
0x27d: {  	s26 =	sxor.u32 $0x7200, s22;
	s23 =	sadd.s32 s3, s23  }
0x27e: {  	[tilespmem:s26], [sflag:$0x1] =	stream.linear.gather [hbm4b:s23+s1], $0x400, $0x38;
	[tilespmem:$0x18800] =	vst v63  }
0x27f: {  	s23 =	sand.u32 $0x1FFFFF80, s28  }
0x280: {  	s29 =	sxor.u32 $0xF200, s22;
	s23 =	sadd.s32 s4, s23  }
0x281: {  	[tilespmem:s29], [sflag:$0x1] =	stream.linear.gather [hbm4b:s23+s1], $0x400, $0x38;
	[tilespmem:$0x18800] =	vst v63  }
0x282: {  	s25 =	spop (v2sf);
	(v2sf) =	vpush v5, $0xD  }
0x283: {  	s23 =	sand.u32 $0x1FFFFF80, s30  }
0x284: {  	s31 =	sxor.u32 $0x17200, s22;
	s23 =	sadd.s32 s3, s23;
	s28 =	spop (v2sf);
	(v2sf) =	vpush v4, $0xD  }
0x285: {  	[tilespmem:s31], [sflag:$0x1] =	stream.linear.gather [hbm4b:s23+s1], $0x400, $0x38;
	[tilespmem:$0x18800] =	vst v63  }
0x286: {  	s23 =	sand.u32 $0x1FFFFF80, s25;
	s30 =	spop (v2sf);
	(v2sf) =	vpush v6, $0xE  }
0x287: {  	s26 =	sxor.u32 $0x7600, s22;
	s23 =	sadd.s32 s3, s23  }
0x288: {  	[tilespmem:s26], [sflag:$0x1] =	stream.linear.gather [hbm4b:s23+s1], $0x400, $0x38;
	[tilespmem:$0x18800] =	vst v63  }
0x289: {  	s25 =	spop (v2sf);
	(v2sf) =	vpush v5, $0xE  }
0x28a: {  	s23 =	sand.u32 $0x1FFFFF80, s28  }
0x28b: {  	s29 =	sxor.u32 $0xF600, s22;
	s23 =	sadd.s32 s4, s23  }
0x28c: {  	[tilespmem:s29], [sflag:$0x1] =	stream.linear.gather [hbm4b:s23+s1], $0x400, $0x38;
	[tilespmem:$0x18800] =	vst v63  }
0x28d: {  	s23 =	sand.u32 $0x1FFFFF80, s30  }
0x28e: {  	s31 =	sxor.u32 $0x17600, s22;
	s23 =	sadd.s32 s3, s23  }
0x28f: {  	[tilespmem:s31], [sflag:$0x1] =	stream.linear.gather [hbm4b:s23+s1], $0x400, $0x38;
	[tilespmem:$0x18800] =	vst v63  }
0x290: {  	s23 =	sand.u32 $0x1FFFFF80, s25  }
0x291: {  	s26 =	sxor.u32 $0x7A00, s22;
	s23 =	sadd.s32 s3, s23;
	s28 =	spop (v2sf);
	(v2sf) =	vpush v4, $0xE  }
0x292: {  	[tilespmem:s26], [sflag:$0x1] =	stream.linear.gather [hbm4b:s23+s1], $0x400, $0x38;
	[tilespmem:$0x18800] =	vst v63  }
0x293: {  	s30 =	spop (v2sf);
	(v2sf) =	vpush v6, $0xF  }
0x294: {  	s23 =	sand.u32 $0x1FFFFF80, s28  }
0x295: {  	s29 =	sxor.u32 $0xFA00, s22;
	s23 =	sadd.s32 s4, s23;
	s25 =	spop (v2sf)  }
0x296: {  	(v2sf) =	vpush v5, $0xF;
	[tilespmem:s29], [sflag:$0x1] =	stream.linear.gather [hbm4b:s23+s1], $0x400, $0x38;
	[tilespmem:$0x18800] =	vst v63  }
0x297: {  	s23 =	sand.u32 $0x1FFFFF80, s30  }
0x298: {  	s31 =	sxor.u32 $0x17A00, s22;
	s28 =	spop (v2sf);
	s23 =	sadd.s32 s3, s23  }
0x299: {  	(v2sf) =	vpush v4, $0xF;
	[tilespmem:s31], [sflag:$0x1] =	stream.linear.gather [hbm4b:s23+s1], $0x400, $0x38;
	[tilespmem:$0x18800] =	vst v63  }
0x29a: {  	s23 =	sand.u32 $0x1FFFFF80, s25  }
0x29b: {  	s26 =	sxor.u32 $0x7E00, s22;
	s23 =	sadd.s32 s3, s23  }
0x29c: {  	[tilespmem:s26], [sflag:$0x1] =	stream.linear.gather [hbm4b:s23+s1], $0x400, $0x38;
	[tilespmem:$0x18800] =	vst v63  }
0x29d: {  	s23 =	sand.u32 $0x1FFFFF80, s28  }
0x29e: {  	s29 =	sxor.u32 $0xFE00, s22;
	s23 =	sadd.s32 s4, s23  }
0x29f: {  	[tilespmem:s29], [sflag:$0x1] =	stream.linear.gather [hbm4b:s23+s1], $0x400, $0x38;
	[tilespmem:$0x18800] =	vst v63  }
0x2a0: {  	s30 =	spop (v2sf)  }
0x2a1: {  	s23 =	sand.u32 $0x1FFFFF80, s30  }
0x2a2: {  	s31 =	sxor.u32 $0x17E00, s22;
	s25 =	spop (v2sf);
	s23 =	sadd.s32 s3, s23  }
0x2a3: {  	[tilespmem:s31], [sflag:$0x1] =	stream.linear.gather [hbm4b:s23+s1], $0x400, $0x38;
	[tilespmem:$0x18800] =	vst v63  }
0x2a4: {  	s23 =	sand.u32 $0x1FFFFF80, s25  }
0x2a5: {  	s26 =	ssub.s32 $0x8200, s22;
	s28 =	spop (v2sf);
	s23 =	sadd.s32 s3, s23  }
0x2a6: {  	[tilespmem:s26], [sflag:$0x1] =	stream.linear.gather [hbm4b:s23+s1], $0x400, $0x38;
	[tilespmem:$0x18800] =	vst v63  }
0x2a7: {  	s29 =	ssub.s32 $0x10200, s22;
	s23 =	sand.u32 $0x1FFFFF80, s28  }
.Ltmp5:
0x2a8: {  	s30 =	spop (v2sf);
	s23 =	sadd.s32 s4, s23;
	(pc) =	sbr.rel .LBB2_4-.Ltmp5, $4  }
0x2a9: {  	[tilespmem:s29], [sflag:$0x1] =	stream.linear.gather [hbm4b:s23+s1], $0x400, $0x38;
	[tilespmem:$0x18800] =	vst v63  }
0x2aa: {  	s23 =	sand.u32 $0x1FFFFF80, s30  }
0x2ab: {  	s31 =	ssub.s32 $0x18200, s22;
	s23 =	sadd.s32 s3, s23  }
0x2ac: {  	[tilespmem:s31], [sflag:$0x1] =	stream.linear.gather [hbm4b:s23+s1], $0x400, $0x38;
	[tilespmem:$0x18800] =	vst v63  }
.LBB2_6:
0x2ad: {  	_ =	sfence.sel $0x180000  }
0x2ae: {  	[bflag:$0x0] =	sbarrier.arrive $0xFFFF  }
0x2af: {  	_ =	strace $0x90000047  }
0x2b0: {  	s0 =	stileid.u32;
	[bflag:$0x2] =	sbarrier.arrive $0xFFFF  }
0x2b1: {  	p0 =	sne.s32 s0, $0x0;
	s0 =	rddreg [dreg:$0x5]  }
0x2b2: {  	s0 =	sadd.s32 @!p0 $0x100000, s0  }
0x2b3: {  	[sflag:s0] =	ssyncadd.tile.s32 @!p0 $0x1;
	_ =	shalt  }
.Lfunc_end2:
_tile_overlayer_lowered:
.L_overlay_start_2:
0x2b4: {  	(tag) =	ssettag $0x2  }
0x2b5: {  	s0 =	rddreg [dreg:$0x0];
	s2 =	stileid.u32  }
0x2b6: {  	s1 =	rddreg [dreg:$0x1];
	p0 =	sne.s32 s2, $0x0  }
0x2b7: {  	s3 =	rddreg [dreg:$0x2];
	[bflag:$0x3] =	sbarrier.arrive $0xFFFF;
	s2 =	simm.s32 @!p0 $0x1C02  }
0x2b8: {  	[timem:s3], [sflag:s2] =	dma.local @!p0 [hbm:s0], s1  }
0x2b9: {  	s0 =	simm.s32 @!p0 $0x2  }
0x2ba: {  	_ =	swait.ge @!p0 [sflag:s0], s1  }
0x2bb: {  	s1 =	ssub.s32 @!p0 $0x0, s1;
	[sflag:s0] =	ssyncset.done @!p0 $0x0  }
0x2bc: {  	[sflag:s0] =	ssyncadd.s32 @!p0 s1  }
0x2bd: {  	[bflag:$0x3] =	sbarrier.arrive $0xFFFF  }
0x2be: {  	_ =	shalt  }

</sc_bundles>
